<compile_context>
chip_gen: v7x
topology: tpu7x:2x2x1
jax: 0.10.2.dev20260603
libtpu: 0.0.44.dev20260713+nightly
codegen_flags: <defaults>
</compile_context>

<pallas_src>
import functools

import jax
import jax.numpy as jnp
from jax import lax
from jax.experimental import pallas as pl
from jax.experimental.pallas import tpu as pltpu
from jax.experimental.pallas import tpu_sc as plsc

CLS_DIM = 16384
HID = 1024
M = 8
K_SPARSE = 512
GAMMA_MAX = 0.2
MODULE_OUTPUT_CLIP_VAL = 100.0
ACTION_MEAN_CLIP_VAL = 1000.0

CHUNK = 2048
N_CHUNKS = CLS_DIM // CHUNK


def _h2_body(ct_ref, w1_ref, b1_ref, w2_ref, b2_ref, out_ref):
    c = pl.program_id(1)

    @pl.when(c == 0)
    def _():
        out_ref[0] = b1_ref[0]

    out_ref[0] += jnp.dot(ct_ref[0], w1_ref[0],
                          preferred_element_type=jnp.float32)

    @pl.when(c == N_CHUNKS - 1)
    def _():
        h1 = jnp.maximum(out_ref[0], 0.0)
        h2 = jnp.dot(h1, w2_ref[0], preferred_element_type=jnp.float32)
        out_ref[0] = jnp.maximum(h2 + b2_ref[0], 0.0)


def _dw_body(h2_ref, w3_ref, b3_ref, qm_ref, ct_ref, out_ref):
    pred = jnp.dot(h2_ref[0], w3_ref[0],
                   preferred_element_type=jnp.float32) + b3_ref[0, 0]
    pred = jnp.clip(pred, -MODULE_OUTPUT_CLIP_VAL, MODULE_OUTPUT_CLIP_VAL)
    z = qm_ref[0, 0] * ct_ref[0]
    gate = 1.0 / (1.0 + jnp.exp(-z))
    aw = gate * pred
    out_ref[0, 0] = jnp.clip(aw, -ACTION_MEAN_CLIP_VAL, ACTION_MEAN_CLIP_VAL)


def _thresh_body(dw_ref, out_ref):
    mag = jnp.abs(dw_ref[...])
    bits = lax.bitcast_convert_type(mag, jnp.uint32)

    def step(i, t):
        shift = (jnp.uint32(31) - i.astype(jnp.uint32))
        cand = t + jnp.left_shift(jnp.uint32(1), shift)
        ge = bits >= cand[:, :1]
        cnt = jnp.sum(ge.astype(jnp.int32), axis=1, keepdims=True)
        return jnp.where(cnt >= K_SPARSE, cand, t)

    t = lax.fori_loop(0, 32, step, jnp.zeros((M, 128), jnp.uint32))
    out_ref[...] = lax.bitcast_convert_type(t, jnp.float32)


def _make_sc_update():
    info = plsc.get_sparse_core_info()
    nc, ns, nl = info.num_cores, info.num_subcores, info.num_lanes
    nw = nc * ns
    span = CLS_DIM // nw
    decay = 1.0 - GAMMA_MAX

    mesh = plsc.VectorSubcoreMesh(core_axis_name="c", subcore_axis_name="s")

    @functools.partial(
        pl.kernel, mesh=mesh,
        out_type=jax.ShapeDtypeStruct((CLS_DIM,), jnp.float32),
        scratch_types=[
            pltpu.VMEM((M, span), jnp.float32),
            pltpu.VMEM((M, 128), jnp.float32),
            pltpu.VMEM((span,), jnp.float32),
            pltpu.VMEM((span,), jnp.float32),
        ],
    )
    def sc_update(dw_hbm, th_hbm, ct_hbm, out_hbm, x_v, th_v, ct_v, out_v):
        wid = lax.axis_index("s") * nc + lax.axis_index("c")
        base = wid * span
        for m in range(M):
            pltpu.sync_copy(dw_hbm.at[m, pl.ds(base, span)], x_v.at[m])
        pltpu.sync_copy(th_hbm, th_v)
        pltpu.sync_copy(ct_hbm.at[pl.ds(base, span)], ct_v)

        tvecs = [th_v[m, pl.ds(0, nl)] for m in range(M)]
        for j in range(span // nl):
            sl = pl.ds(j * nl, nl)
            acc = ct_v[sl] * decay
            for m in range(M):
                x = x_v[m, sl]
                keep = jnp.abs(x) >= tvecs[m]
                acc = acc + jnp.where(keep, x, 0.0)
            out_v[sl] = acc

        pltpu.sync_copy(out_v, out_hbm.at[pl.ds(base, span)])

    return sc_update


def kernel(ct, W1, b1, W2, b2, W3, b3, qm):
    ct3 = ct.reshape(N_CHUNKS, 1, CHUNK)
    b1r = b1.reshape(M, 1, HID)
    b2r = b2.reshape(M, 1, HID)
    b3r = b3.reshape(M, N_CHUNKS, 1, CHUNK)
    qmr = qm.reshape(M, N_CHUNKS, 1, CHUNK)

    h2 = pl.pallas_call(
        _h2_body,
        grid=(M, N_CHUNKS),
        in_specs=[
            pl.BlockSpec((1, 1, CHUNK), lambda m, c: (c, 0, 0)),
            pl.BlockSpec((1, CHUNK, HID), lambda m, c: (m, c, 0)),
            pl.BlockSpec((1, 1, HID), lambda m, c: (m, 0, 0)),
            pl.BlockSpec((1, HID, HID), lambda m, c: (m, 0, 0)),
            pl.BlockSpec((1, 1, HID), lambda m, c: (m, 0, 0)),
        ],
        out_specs=pl.BlockSpec((1, 1, HID), lambda m, c: (m, 0, 0)),
        out_shape=jax.ShapeDtypeStruct((M, 1, HID), jnp.float32),
        compiler_params=pltpu.CompilerParams(
            dimension_semantics=("arbitrary", "arbitrary")),
    )(ct3, W1, b1r, W2, b2r)

    dw4 = pl.pallas_call(
        _dw_body,
        grid=(M, N_CHUNKS),
        in_specs=[
            pl.BlockSpec((1, 1, HID), lambda m, c: (m, 0, 0)),
            pl.BlockSpec((1, HID, CHUNK), lambda m, c: (m, 0, c)),
            pl.BlockSpec((1, 1, 1, CHUNK), lambda m, c: (m, c, 0, 0)),
            pl.BlockSpec((1, 1, 1, CHUNK), lambda m, c: (m, c, 0, 0)),
            pl.BlockSpec((1, 1, CHUNK), lambda m, c: (c, 0, 0)),
        ],
        out_specs=pl.BlockSpec((1, 1, 1, CHUNK), lambda m, c: (m, c, 0, 0)),
        out_shape=jax.ShapeDtypeStruct((M, N_CHUNKS, 1, CHUNK), jnp.float32),
        compiler_params=pltpu.CompilerParams(
            dimension_semantics=("arbitrary", "arbitrary")),
    )(h2, W3, b3r, qmr, ct3)

    dw = dw4.reshape(M, CLS_DIM)

    th = jnp.zeros((M, 128), jnp.float32)

    sc_update = _make_sc_update()
    return sc_update(dw, th, ct)

# --- scband reference (transcript-rebuilt; emitter-appended) ---
"""Pipeline reference for scband-dpldsystem-31421980737635 (READ-ONLY COPY).

The authoritative reference and input builder live on the scoring server;
editing this copy changes nothing except your own understanding.
"""

import jax, jax.numpy as jnp
import numpy as np

CLS_DIM = 16384
HID = 1024
M = 8
K_SPARSE = 512
GAMMA_MAX = 0.2
MODULE_OUTPUT_CLIP_VAL = 100.0
ACTION_MEAN_CLIP_VAL = 1000.0


def setup_inputs(seed: int = 0) -> dict:
    key = jax.random.key(seed)
    ks = jax.random.split(key, 8)
    ct = jax.random.normal(ks[0], (CLS_DIM,), dtype=jnp.float32)
    W1 = jax.random.normal(ks[1], (M, CLS_DIM, HID), dtype=jnp.float32) / np.sqrt(CLS_DIM)
    b1 = jnp.zeros((M, HID), dtype=jnp.float32)
    W2 = jax.random.normal(ks[2], (M, HID, HID), dtype=jnp.float32) / np.sqrt(HID)
    b2 = jnp.zeros((M, HID), dtype=jnp.float32)
    W3 = jax.random.normal(ks[3], (M, HID, CLS_DIM), dtype=jnp.float32) / np.sqrt(HID)
    b3 = jnp.zeros((M, CLS_DIM), dtype=jnp.float32)
    qm = jax.random.normal(ks[4], (M, CLS_DIM), dtype=jnp.float32) * 0.01
    return {"ct": ct, "W1": W1, "b1": b1, "W2": W2, "b2": b2, "W3": W3, "b3": b3, "qm": qm}


def reference(ct, W1, b1, W2, b2, W3, b3, qm):
    # Per-module predict: 3-layer MLP fm(ct), clamped
    h1 = jax.nn.relu(jnp.einsum('d,mdh->mh', ct, W1) + b1)          # [M, HID]
    h2 = jax.nn.relu(jnp.einsum('mh,mhk->mk', h1, W2) + b2)          # [M, HID]
    pred = jnp.einsum('mh,mhd->md', h2, W3) + b3                     # [M, CLS_DIM]
    pred = jnp.clip(pred, -MODULE_OUTPUT_CLIP_VAL, MODULE_OUTPUT_CLIP_VAL)

    # Gated write vector: gate = sigmoid(qm * ct / tau_g), tau_g = 1.0
    gate = jax.nn.sigmoid(qm * ct[None, :])                          # [M, CLS_DIM]
    # influence scalar: surprise_diff = 0 at init -> alpha = 1 + tanh(0) = 1, clamp(1,0.1,10)=1
    influence = 1.0
    action_mean = influence * gate * pred
    action_mean = jnp.clip(action_mean, -ACTION_MEAN_CLIP_VAL, ACTION_MEAN_CLIP_VAL)

    # Deterministic reference: use distribution mean (sampling std folded out)
    dense_write = action_mean                                        # [M, CLS_DIM]

    # sparsify_vector: keep top-k by magnitude per module
    _, idx = jax.lax.top_k(jnp.abs(dense_write), K_SPARSE)           # [M, K]
    vals = jnp.take_along_axis(dense_write, idx, axis=1)             # [M, K]

    # Scatter-add all module writes into the CLS update vector
    write_sum = jnp.zeros((CLS_DIM,), dtype=jnp.float32).at[idx.reshape(-1)].add(vals.reshape(-1))

    # Meta-model regulation: no LE estimate at init -> gamma_t = gamma_max
    gamma_t = GAMMA_MAX
    ct_next = (1.0 - gamma_t) * ct + write_sum
    return ct_next

if __name__ == "__main__":
    import jax
    _d = setup_inputs()
    print(jax.jit(kernel)(*tuple(_d.values())))

</pallas_src>

<mosaic_0001>
#map = affine_map<(d0, d1) -> (0, 0)>
#map1 = affine_map<(d0, d1) -> (0)>
module attributes {stable_mosaic.version = 14 : i64} {
  func.func @sc_update(%arg0: i32, %arg1: i32, %arg2: memref<8x16384xf32, #tpu.memory_space<hbm>>, %arg3: memref<8x128xf32, #tpu.memory_space<hbm>>, %arg4: memref<16384xf32, #tpu.memory_space<hbm>>, %arg5: memref<16384xf32, #tpu.memory_space<hbm>>, %arg6: memref<8x512xf32, #tpu.memory_space<vmem>>, %arg7: memref<8x128xf32, #tpu.memory_space<vmem>>, %arg8: memref<512xf32, #tpu.memory_space<vmem>>, %arg9: memref<512xf32, #tpu.memory_space<vmem>>) attributes {dimension_semantics = [#tpu.dimension_semantics<core_parallel>, #tpu.dimension_semantics<subcore_parallel>], iteration_bounds = array<i64: 2, 16>, scalar_prefetch = 0 : i64, scratch_operands = 4 : i64, tpu.core_type = #tpu.core_type<sc_vector_subcore>, window_params = [{transform_indices = #map}, {transform_indices = #map}, {transform_indices = #map1}, {transform_indices = #map1}]} {
    %mul3A = arith.constant 2 : i32
    %mul3A_0 = arith.muli %arg1, %mul3A : i32
    %add3A = arith.addi %mul3A_0, %arg0 : i32
    %mul3A_1 = arith.constant 512 : i32
    %mul3A_2 = arith.muli %add3A, %mul3A_1 : i32
    %run_scoped3A = arith.constant 0 : i32
    %run_scoped3A_3 = arith.constant 0 : i32
    "tpu.region"() ({
      %run_scoped3A_3187 = tpu.sem_alloc : memref<!tpu.dma_semaphore, #tpu.memory_space<semaphore_mem>>
      %dma_start3A = arith.constant 0 : i32
      %dma_start3A_3188 = tpu.memref_slice %arg6[%run_scoped3A_3, %dma_start3A] : memref<8x512xf32, #tpu.memory_space<vmem>> -> memref<1x512xf32, #tpu.memory_space<vmem>>
      %dma_start3A_3189 = tpu.memref_squeeze %dma_start3A_3188 : memref<1x512xf32, #tpu.memory_space<vmem>> -> memref<512xf32, #tpu.memory_space<vmem>>
      %dma_start3A_3190 = tpu.memref_slice %arg2[%run_scoped3A, %mul3A_2] : memref<8x16384xf32, #tpu.memory_space<hbm>> -> memref<1x512xf32, #tpu.memory_space<hbm>>
      %dma_start3A_3191 = tpu.memref_squeeze %dma_start3A_3190 : memref<1x512xf32, #tpu.memory_space<hbm>> -> memref<512xf32, #tpu.memory_space<hbm>>
      %dma_start3A_3192 = arith.constant 0 : i32
      %dma_start3A_3193 = tpu.memref_slice %arg6[%run_scoped3A_3, %dma_start3A_3192] : memref<8x512xf32, #tpu.memory_space<vmem>> -> memref<1x512xf32, #tpu.memory_space<vmem>>
      %dma_start3A_3194 = tpu.memref_squeeze %dma_start3A_3193 : memref<1x512xf32, #tpu.memory_space<vmem>> -> memref<512xf32, #tpu.memory_space<vmem>>
      %dma_start3A_3195 = tpu.memref_slice %arg2[%run_scoped3A, %mul3A_2] : memref<8x16384xf32, #tpu.memory_space<hbm>> -> memref<1x512xf32, #tpu.memory_space<hbm>>
      %dma_start3A_3196 = tpu.memref_squeeze %dma_start3A_3195 : memref<1x512xf32, #tpu.memory_space<hbm>> -> memref<512xf32, #tpu.memory_space<hbm>>
      tpu.enqueue_dma source(%dma_start3A_3196 : memref<512xf32, #tpu.memory_space<hbm>>) target(%dma_start3A_3194 : memref<512xf32, #tpu.memory_space<vmem>>) target_semaphore(%run_scoped3A_3187 : memref<!tpu.dma_semaphore, #tpu.memory_space<semaphore_mem>>)
      %dma_wait3A = arith.constant 0 : i32
      %dma_wait3A_3197 = tpu.memref_slice %arg6[%run_scoped3A_3, %dma_wait3A] : memref<8x512xf32, #tpu.memory_space<vmem>> -> memref<1x512xf32, #tpu.memory_space<vmem>>
      %dma_wait3A_3198 = tpu.memref_squeeze %dma_wait3A_3197 : memref<1x512xf32, #tpu.memory_space<vmem>> -> memref<512xf32, #tpu.memory_space<vmem>>
      %dma_wait3A_3199 = tpu.memref_slice %arg2[%run_scoped3A, %mul3A_2] : memref<8x16384xf32, #tpu.memory_space<hbm>> -> memref<1x512xf32, #tpu.memory_space<hbm>>
      %dma_wait3A_3200 = tpu.memref_squeeze %dma_wait3A_3199 : memref<1x512xf32, #tpu.memory_space<hbm>> -> memref<512xf32, #tpu.memory_space<hbm>>
      %dma_wait3A_3201 = arith.constant 0 : i32
      %dma_wait3A_3202 = tpu.memref_slice %arg6[%run_scoped3A_3, %dma_wait3A_3201] : memref<8x512xf32, #tpu.memory_space<vmem>> -> memref<1x512xf32, #tpu.memory_space<vmem>>
      %dma_wait3A_3203 = tpu.memref_squeeze %dma_wait3A_3202 : memref<1x512xf32, #tpu.memory_space<vmem>> -> memref<512xf32, #tpu.memory_space<vmem>>
      %dma_wait3A_3204 = tpu.memref_slice %arg2[%run_scoped3A, %mul3A_2] : memref<8x16384xf32, #tpu.memory_space<hbm>> -> memref<1x512xf32, #tpu.memory_space<hbm>>
      %dma_wait3A_3205 = tpu.memref_squeeze %dma_wait3A_3204 : memref<1x512xf32, #tpu.memory_space<hbm>> -> memref<512xf32, #tpu.memory_space<hbm>>
      tpu.wait_dma2 semaphore(%run_scoped3A_3187 : memref<!tpu.dma_semaphore, #tpu.memory_space<semaphore_mem>>) src(%dma_wait3A_3205 : memref<512xf32, #tpu.memory_space<hbm>>) dst(%dma_wait3A_3203 : memref<512xf32, #tpu.memory_space<vmem>>)
      tpu.yield
    }) : () -> ()
    %run_scoped3A_4 = arith.constant 1 : i32
    %run_scoped3A_5 = arith.constant 1 : i32
    "tpu.region"() ({
      %run_scoped3A_3187 = tpu.sem_alloc : memref<!tpu.dma_semaphore, #tpu.memory_space<semaphore_mem>>
      %dma_start3A = arith.constant 0 : i32
      %dma_start3A_3188 = tpu.memref_slice %arg6[%run_scoped3A_5, %dma_start3A] : memref<8x512xf32, #tpu.memory_space<vmem>> -> memref<1x512xf32, #tpu.memory_space<vmem>>
      %dma_start3A_3189 = tpu.memref_squeeze %dma_start3A_3188 : memref<1x512xf32, #tpu.memory_space<vmem>> -> memref<512xf32, #tpu.memory_space<vmem>>
      %dma_start3A_3190 = tpu.memref_slice %arg2[%run_scoped3A_4, %mul3A_2] : memref<8x16384xf32, #tpu.memory_space<hbm>> -> memref<1x512xf32, #tpu.memory_space<hbm>>
      %dma_start3A_3191 = tpu.memref_squeeze %dma_start3A_3190 : memref<1x512xf32, #tpu.memory_space<hbm>> -> memref<512xf32, #tpu.memory_space<hbm>>
      %dma_start3A_3192 = arith.constant 0 : i32
      %dma_start3A_3193 = tpu.memref_slice %arg6[%run_scoped3A_5, %dma_start3A_3192] : memref<8x512xf32, #tpu.memory_space<vmem>> -> memref<1x512xf32, #tpu.memory_space<vmem>>
      %dma_start3A_3194 = tpu.memref_squeeze %dma_start3A_3193 : memref<1x512xf32, #tpu.memory_space<vmem>> -> memref<512xf32, #tpu.memory_space<vmem>>
      %dma_start3A_3195 = tpu.memref_slice %arg2[%run_scoped3A_4, %mul3A_2] : memref<8x16384xf32, #tpu.memory_space<hbm>> -> memref<1x512xf32, #tpu.memory_space<hbm>>
      %dma_start3A_3196 = tpu.memref_squeeze %dma_start3A_3195 : memref<1x512xf32, #tpu.memory_space<hbm>> -> memref<512xf32, #tpu.memory_space<hbm>>
      tpu.enqueue_dma source(%dma_start3A_3196 : memref<512xf32, #tpu.memory_space<hbm>>) target(%dma_start3A_3194 : memref<512xf32, #tpu.memory_space<vmem>>) target_semaphore(%run_scoped3A_3187 : memref<!tpu.dma_semaphore, #tpu.memory_space<semaphore_mem>>)
      %dma_wait3A = arith.constant 0 : i32
      %dma_wait3A_3197 = tpu.memref_slice %arg6[%run_scoped3A_5, %dma_wait3A] : memref<8x512xf32, #tpu.memory_space<vmem>> -> memref<1x512xf32, #tpu.memory_space<vmem>>
      %dma_wait3A_3198 = tpu.memref_squeeze %dma_wait3A_3197 : memref<1x512xf32, #tpu.memory_space<vmem>> -> memref<512xf32, #tpu.memory_space<vmem>>
      %dma_wait3A_3199 = tpu.memref_slice %arg2[%run_scoped3A_4, %mul3A_2] : memref<8x16384xf32, #tpu.memory_space<hbm>> -> memref<1x512xf32, #tpu.memory_space<hbm>>
      %dma_wait3A_3200 = tpu.memref_squeeze %dma_wait3A_3199 : memref<1x512xf32, #tpu.memory_space<hbm>> -> memref<512xf32, #tpu.memory_space<hbm>>
      %dma_wait3A_3201 = arith.constant 0 : i32
      %dma_wait3A_3202 = tpu.memref_slice %arg6[%run_scoped3A_5, %dma_wait3A_3201] : memref<8x512xf32, #tpu.memory_space<vmem>> -> memref<1x512xf32, #tpu.memory_space<vmem>>
      %dma_wait3A_3203 = tpu.memref_squeeze %dma_wait3A_3202 : memref<1x512xf32, #tpu.memory_space<vmem>> -> memref<512xf32, #tpu.memory_space<vmem>>
      %dma_wait3A_3204 = tpu.memref_slice %arg2[%run_scoped3A_4, %mul3A_2] : memref<8x16384xf32, #tpu.memory_space<hbm>> -> memref<1x512xf32, #tpu.memory_space<hbm>>
      %dma_wait3A_3205 = tpu.memref_squeeze %dma_wait3A_3204 : memref<1x512xf32, #tpu.memory_space<hbm>> -> memref<512xf32, #tpu.memory_space<hbm>>
      tpu.wait_dma2 semaphore(%run_scoped3A_3187 : memref<!tpu.dma_semaphore, #tpu.memory_space<semaphore_mem>>) src(%dma_wait3A_3205 : memref<512xf32, #tpu.memory_space<hbm>>) dst(%dma_wait3A_3203 : memref<512xf32, #tpu.memory_space<vmem>>)
      tpu.yield
    }) : () -> ()
    %run_scoped3A_6 = arith.constant 2 : i32
    %run_scoped3A_7 = arith.constant 2 : i32
    "tpu.region"() ({
      %run_scoped3A_3187 = tpu.sem_alloc : memref<!tpu.dma_semaphore, #tpu.memory_space<semaphore_mem>>
      %dma_start3A = arith.constant 0 : i32
      %dma_start3A_3188 = tpu.memref_slice %arg6[%run_scoped3A_7, %dma_start3A] : memref<8x512xf32, #tpu.memory_space<vmem>> -> memref<1x512xf32, #tpu.memory_space<vmem>>
      %dma_start3A_3189 = tpu.memref_squeeze %dma_start3A_3188 : memref<1x512xf32, #tpu.memory_space<vmem>> -> memref<512xf32, #tpu.memory_space<vmem>>
      %dma_start3A_3190 = tpu.memref_slice %arg2[%run_scoped3A_6, %mul3A_2] : memref<8x16384xf32, #tpu.memory_space<hbm>> -> memref<1x512xf32, #tpu.memory_space<hbm>>
      %dma_start3A_3191 = tpu.memref_squeeze %dma_start3A_3190 : memref<1x512xf32, #tpu.memory_space<hbm>> -> memref<512xf32, #tpu.memory_space<hbm>>
      %dma_start3A_3192 = arith.constant 0 : i32
      %dma_start3A_3193 = tpu.memref_slice %arg6[%run_scoped3A_7, %dma_start3A_3192] : memref<8x512xf32, #tpu.memory_space<vmem>> -> memref<1x512xf32, #tpu.memory_space<vmem>>
      %dma_start3A_3194 = tpu.memref_squeeze %dma_start3A_3193 : memref<1x512xf32, #tpu.memory_space<vmem>> -> memref<512xf32, #tpu.memory_space<vmem>>
      %dma_start3A_3195 = tpu.memref_slice %arg2[%run_scoped3A_6, %mul3A_2] : memref<8x16384xf32, #tpu.memory_space<hbm>> -> memref<1x512xf32, #tpu.memory_space<hbm>>
      %dma_start3A_3196 = tpu.memref_squeeze %dma_start3A_3195 : memref<1x512xf32, #tpu.memory_space<hbm>> -> memref<512xf32, #tpu.memory_space<hbm>>
      tpu.enqueue_dma source(%dma_start3A_3196 : memref<512xf32, #tpu.memory_space<hbm>>) target(%dma_start3A_3194 : memref<512xf32, #tpu.memory_space<vmem>>) target_semaphore(%run_scoped3A_3187 : memref<!tpu.dma_semaphore, #tpu.memory_space<semaphore_mem>>)
      %dma_wait3A = arith.constant 0 : i32
      %dma_wait3A_3197 = tpu.memref_slice %arg6[%run_scoped3A_7, %dma_wait3A] : memref<8x512xf32, #tpu.memory_space<vmem>> -> memref<1x512xf32, #tpu.memory_space<vmem>>
      %dma_wait3A_3198 = tpu.memref_squeeze %dma_wait3A_3197 : memref<1x512xf32, #tpu.memory_space<vmem>> -> memref<512xf32, #tpu.memory_space<vmem>>
      %dma_wait3A_3199 = tpu.memref_slice %arg2[%run_scoped3A_6, %mul3A_2] : memref<8x16384xf32, #tpu.memory_space<hbm>> -> memref<1x512xf32, #tpu.memory_space<hbm>>
      %dma_wait3A_3200 = tpu.memref_squeeze %dma_wait3A_3199 : memref<1x512xf32, #tpu.memory_space<hbm>> -> memref<512xf32, #tpu.memory_space<hbm>>
      %dma_wait3A_3201 = arith.constant 0 : i32
      %dma_wait3A_3202 = tpu.memref_slice %arg6[%run_scoped3A_7, %dma_wait3A_3201] : memref<8x512xf32, #tpu.memory_space<vmem>> -> memref<1x512xf32, #tpu.memory_space<vmem>>
      %dma_wait3A_3203 = tpu.memref_squeeze %dma_wait3A_3202 : memref<1x512xf32, #tpu.memory_space<vmem>> -> memref<512xf32, #tpu.memory_space<vmem>>
      %dma_wait3A_3204 = tpu.memref_slice %arg2[%run_scoped3A_6, %mul3A_2] : memref<8x16384xf32, #tpu.memory_space<hbm>> -> memref<1x512xf32, #tpu.memory_space<hbm>>
      %dma_wait3A_3205 = tpu.memref_squeeze %dma_wait3A_3204 : memref<1x512xf32, #tpu.memory_space<hbm>> -> memref<512xf32, #tpu.memory_space<hbm>>
      tpu.wait_dma2 semaphore(%run_scoped3A_3187 : memref<!tpu.dma_semaphore, #tpu.memory_space<semaphore_mem>>) src(%dma_wait3A_3205 : memref<512xf32, #tpu.memory_space<hbm>>) dst(%dma_wait3A_3203 : memref<512xf32, #tpu.memory_space<vmem>>)
      tpu.yield
    }) : () -> ()
    %run_scoped3A_8 = arith.constant 3 : i32
    %run_scoped3A_9 = arith.constant 3 : i32
    "tpu.region"() ({
      %run_scoped3A_3187 = tpu.sem_alloc : memref<!tpu.dma_semaphore, #tpu.memory_space<semaphore_mem>>
      %dma_start3A = arith.constant 0 : i32
      %dma_start3A_3188 = tpu.memref_slice %arg6[%run_scoped3A_9, %dma_start3A] : memref<8x512xf32, #tpu.memory_space<vmem>> -> memref<1x512xf32, #tpu.memory_space<vmem>>
      %dma_start3A_3189 = tpu.memref_squeeze %dma_start3A_3188 : memref<1x512xf32, #tpu.memory_space<vmem>> -> memref<512xf32, #tpu.memory_space<vmem>>
      %dma_start3A_3190 = tpu.memref_slice %arg2[%run_scoped3A_8, %mul3A_2] : memref<8x16384xf32, #tpu.memory_space<hbm>> -> memref<1x512xf32, #tpu.memory_space<hbm>>
      %dma_start3A_3191 = tpu.memref_squeeze %dma_start3A_3190 : memref<1x512xf32, #tpu.memory_space<hbm>> -> memref<512xf32, #tpu.memory_space<hbm>>
      %dma_start3A_3192 = arith.constant 0 : i32
      %dma_start3A_3193 = tpu.memref_slice %arg6[%run_scoped3A_9, %dma_start3A_3192] : memref<8x512xf32, #tpu.memory_space<vmem>> -> memref<1x512xf32, #tpu.memory_space<vmem>>
      %dma_start3A_3194 = tpu.memref_squeeze %dma_start3A_3193 : memref<1x512xf32, #tpu.memory_space<vmem>> -> memref<512xf32, #tpu.memory_space<vmem>>
      %dma_start3A_3195 = tpu.memref_slice %arg2[%run_scoped3A_8, %mul3A_2] : memref<8x16384xf32, #tpu.memory_space<hbm>> -> memref<1x512xf32, #tpu.memory_space<hbm>>
      %dma_start3A_3196 = tpu.memref_squeeze %dma_start3A_3195 : memref<1x512xf32, #tpu.memory_space<hbm>> -> memref<512xf32, #tpu.memory_space<hbm>>
      tpu.enqueue_dma source(%dma_start3A_3196 : memref<512xf32, #tpu.memory_space<hbm>>) target(%dma_start3A_3194 : memref<512xf32, #tpu.memory_space<vmem>>) target_semaphore(%run_scoped3A_3187 : memref<!tpu.dma_semaphore, #tpu.memory_space<semaphore_mem>>)
      %dma_wait3A = arith.constant 0 : i32
      %dma_wait3A_3197 = tpu.memref_slice %arg6[%run_scoped3A_9, %dma_wait3A] : memref<8x512xf32, #tpu.memory_space<vmem>> -> memref<1x512xf32, #tpu.memory_space<vmem>>
      %dma_wait3A_3198 = tpu.memref_squeeze %dma_wait3A_3197 : memref<1x512xf32, #tpu.memory_space<vmem>> -> memref<512xf32, #tpu.memory_space<vmem>>
      %dma_wait3A_3199 = tpu.memref_slice %arg2[%run_scoped3A_8, %mul3A_2] : memref<8x16384xf32, #tpu.memory_space<hbm>> -> memref<1x512xf32, #tpu.memory_space<hbm>>
      %dma_wait3A_3200 = tpu.memref_squeeze %dma_wait3A_3199 : memref<1x512xf32, #tpu.memory_space<hbm>> -> memref<512xf32, #tpu.memory_space<hbm>>
      %dma_wait3A_3201 = arith.constant 0 : i32
      %dma_wait3A_3202 = tpu.memref_slice %arg6[%run_scoped3A_9, %dma_wait3A_3201] : memref<8x512xf32, #tpu.memory_space<vmem>> -> memref<1x512xf32, #tpu.memory_space<vmem>>
      %dma_wait3A_3203 = tpu.memref_squeeze %dma_wait3A_3202 : memref<1x512xf32, #tpu.memory_space<vmem>> -> memref<512xf32, #tpu.memory_space<vmem>>
      %dma_wait3A_3204 = tpu.memref_slice %arg2[%run_scoped3A_8, %mul3A_2] : memref<8x16384xf32, #tpu.memory_space<hbm>> -> memref<1x512xf32, #tpu.memory_space<hbm>>
      %dma_wait3A_3205 = tpu.memref_squeeze %dma_wait3A_3204 : memref<1x512xf32, #tpu.memory_space<hbm>> -> memref<512xf32, #tpu.memory_space<hbm>>
      tpu.wait_dma2 semaphore(%run_scoped3A_3187 : memref<!tpu.dma_semaphore, #tpu.memory_space<semaphore_mem>>) src(%dma_wait3A_3205 : memref<512xf32, #tpu.memory_space<hbm>>) dst(%dma_wait3A_3203 : memref<512xf32, #tpu.memory_space<vmem>>)
      tpu.yield
    }) : () -> ()
    %run_scoped3A_10 = arith.constant 4 : i32
    %run_scoped3A_11 = arith.constant 4 : i32
    "tpu.region"() ({
      %run_scoped3A_3187 = tpu.sem_alloc : memref<!tpu.dma_semaphore, #tpu.memory_space<semaphore_mem>>
      %dma_start3A = arith.constant 0 : i32
      %dma_start3A_3188 = tpu.memref_slice %arg6[%run_scoped3A_11, %dma_start3A] : memref<8x512xf32, #tpu.memory_space<vmem>> -> memref<1x512xf32, #tpu.memory_space<vmem>>
      %dma_start3A_3189 = tpu.memref_squeeze %dma_start3A_3188 : memref<1x512xf32, #tpu.memory_space<vmem>> -> memref<512xf32, #tpu.memory_space<vmem>>
      %dma_start3A_3190 = tpu.memref_slice %arg2[%run_scoped3A_10, %mul3A_2] : memref<8x16384xf32, #tpu.memory_space<hbm>> -> memref<1x512xf32, #tpu.memory_space<hbm>>
      %dma_start3A_3191 = tpu.memref_squeeze %dma_start3A_3190 : memref<1x512xf32, #tpu.memory_space<hbm>> -> memref<512xf32, #tpu.memory_space<hbm>>
      %dma_start3A_3192 = arith.constant 0 : i32
      %dma_start3A_3193 = tpu.memref_slice %arg6[%run_scoped3A_11, %dma_start3A_3192] : memref<8x512xf32, #tpu.memory_space<vmem>> -> memref<1x512xf32, #tpu.memory_space<vmem>>
      %dma_start3A_3194 = tpu.memref_squeeze %dma_start3A_3193 : memref<1x512xf32, #tpu.memory_space<vmem>> -> memref<512xf32, #tpu.memory_space<vmem>>
      %dma_start3A_3195 = tpu.memref_slice %arg2[%run_scoped3A_10, %mul3A_2] : memref<8x16384xf32, #tpu.memory_space<hbm>> -> memref<1x512xf32, #tpu.memory_space<hbm>>
      %dma_start3A_3196 = tpu.memref_squeeze %dma_start3A_3195 : memref<1x512xf32, #tpu.memory_space<hbm>> -> memref<512xf32, #tpu.memory_space<hbm>>
      tpu.enqueue_dma source(%dma_start3A_3196 : memref<512xf32, #tpu.memory_space<hbm>>) target(%dma_start3A_3194 : memref<512xf32, #tpu.memory_space<vmem>>) target_semaphore(%run_scoped3A_3187 : memref<!tpu.dma_semaphore, #tpu.memory_space<semaphore_mem>>)
      %dma_wait3A = arith.constant 0 : i32
      %dma_wait3A_3197 = tpu.memref_slice %arg6[%run_scoped3A_11, %dma_wait3A] : memref<8x512xf32, #tpu.memory_space<vmem>> -> memref<1x512xf32, #tpu.memory_space<vmem>>
      %dma_wait3A_3198 = tpu.memref_squeeze %dma_wait3A_3197 : memref<1x512xf32, #tpu.memory_space<vmem>> -> memref<512xf32, #tpu.memory_space<vmem>>
      %dma_wait3A_3199 = tpu.memref_slice %arg2[%run_scoped3A_10, %mul3A_2] : memref<8x16384xf32, #tpu.memory_space<hbm>> -> memref<1x512xf32, #tpu.memory_space<hbm>>
      %dma_wait3A_3200 = tpu.memref_squeeze %dma_wait3A_3199 : memref<1x512xf32, #tpu.memory_space<hbm>> -> memref<512xf32, #tpu.memory_space<hbm>>
      %dma_wait3A_3201 = arith.constant 0 : i32
      %dma_wait3A_3202 = tpu.memref_slice %arg6[%run_scoped3A_11, %dma_wait3A_3201] : memref<8x512xf32, #tpu.memory_space<vmem>> -> memref<1x512xf32, #tpu.memory_space<vmem>>
      %dma_wait3A_3203 = tpu.memref_squeeze %dma_wait3A_3202 : memref<1x512xf32, #tpu.memory_space<vmem>> -> memref<512xf32, #tpu.memory_space<vmem>>
      %dma_wait3A_3204 = tpu.memref_slice %arg2[%run_scoped3A_10, %mul3A_2] : memref<8x16384xf32, #tpu.memory_space<hbm>> -> memref<1x512xf32, #tpu.memory_space<hbm>>
      %dma_wait3A_3205 = tpu.memref_squeeze %dma_wait3A_3204 : memref<1x512xf32, #tpu.memory_space<hbm>> -> memref<512xf32, #tpu.memory_space<hbm>>
      tpu.wait_dma2 semaphore(%run_scoped3A_3187 : memref<!tpu.dma_semaphore, #tpu.memory_space<semaphore_mem>>) src(%dma_wait3A_3205 : memref<512xf32, #tpu.memory_space<hbm>>) dst(%dma_wait3A_3203 : memref<512xf32, #tpu.memory_space<vmem>>)
      tpu.yield
    }) : () -> ()
    %run_scoped3A_12 = arith.constant 5 : i32
    %run_scoped3A_13 = arith.constant 5 : i32
    "tpu.region"() ({
      %run_scoped3A_3187 = tpu.sem_alloc : memref<!tpu.dma_semaphore, #tpu.memory_space<semaphore_mem>>
      %dma_start3A = arith.constant 0 : i32
      %dma_start3A_3188 = tpu.memref_slice %arg6[%run_scoped3A_13, %dma_start3A] : memref<8x512xf32, #tpu.memory_space<vmem>> -> memref<1x512xf32, #tpu.memory_space<vmem>>
      %dma_start3A_3189 = tpu.memref_squeeze %dma_start3A_3188 : memref<1x512xf32, #tpu.memory_space<vmem>> -> memref<512xf32, #tpu.memory_space<vmem>>
      %dma_start3A_3190 = tpu.memref_slice %arg2[%run_scoped3A_12, %mul3A_2] : memref<8x16384xf32, #tpu.memory_space<hbm>> -> memref<1x512xf32, #tpu.memory_space<hbm>>
      %dma_start3A_3191 = tpu.memref_squeeze %dma_start3A_3190 : memref<1x512xf32, #tpu.memory_space<hbm>> -> memref<512xf32, #tpu.memory_space<hbm>>
      %dma_start3A_3192 = arith.constant 0 : i32
      %dma_start3A_3193 = tpu.memref_slice %arg6[%run_scoped3A_13, %dma_start3A_3192] : memref<8x512xf32, #tpu.memory_space<vmem>> -> memref<1x512xf32, #tpu.memory_space<vmem>>
      %dma_start3A_3194 = tpu.memref_squeeze %dma_start3A_3193 : memref<1x512xf32, #tpu.memory_space<vmem>> -> memref<512xf32, #tpu.memory_space<vmem>>
      %dma_start3A_3195 = tpu.memref_slice %arg2[%run_scoped3A_12, %mul3A_2] : memref<8x16384xf32, #tpu.memory_space<hbm>> -> memref<1x512xf32, #tpu.memory_space<hbm>>
      %dma_start3A_3196 = tpu.memref_squeeze %dma_start3A_3195 : memref<1x512xf32, #tpu.memory_space<hbm>> -> memref<512xf32, #tpu.memory_space<hbm>>
      tpu.enqueue_dma source(%dma_start3A_3196 : memref<512xf32, #tpu.memory_space<hbm>>) target(%dma_start3A_3194 : memref<512xf32, #tpu.memory_space<vmem>>) target_semaphore(%run_scoped3A_3187 : memref<!tpu.dma_semaphore, #tpu.memory_space<semaphore_mem>>)
      %dma_wait3A = arith.constant 0 : i32
      %dma_wait3A_3197 = tpu.memref_slice %arg6[%run_scoped3A_13, %dma_wait3A] : memref<8x512xf32, #tpu.memory_space<vmem>> -> memref<1x512xf32, #tpu.memory_space<vmem>>
      %dma_wait3A_3198 = tpu.memref_squeeze %dma_wait3A_3197 : memref<1x512xf32, #tpu.memory_space<vmem>> -> memref<512xf32, #tpu.memory_space<vmem>>
      %dma_wait3A_3199 = tpu.memref_slice %arg2[%run_scoped3A_12, %mul3A_2] : memref<8x16384xf32, #tpu.memory_space<hbm>> -> memref<1x512xf32, #tpu.memory_space<hbm>>
      %dma_wait3A_3200 = tpu.memref_squeeze %dma_wait3A_3199 : memref<1x512xf32, #tpu.memory_space<hbm>> -> memref<512xf32, #tpu.memory_space<hbm>>
      %dma_wait3A_3201 = arith.constant 0 : i32
      %dma_wait3A_3202 = tpu.memref_slice %arg6[%run_scoped3A_13, %dma_wait3A_3201] : memref<8x512xf32, #tpu.memory_space<vmem>> -> memref<1x512xf32, #tpu.memory_space<vmem>>
      %dma_wait3A_3203 = tpu.memref_squeeze %dma_wait3A_3202 : memref<1x512xf32, #tpu.memory_space<vmem>> -> memref<512xf32, #tpu.memory_space<vmem>>
      %dma_wait3A_3204 = tpu.memref_slice %arg2[%run_scoped3A_12, %mul3A_2] : memref<8x16384xf32, #tpu.memory_space<hbm>> -> memref<1x512xf32, #tpu.memory_space<hbm>>
      %dma_wait3A_3205 = tpu.memref_squeeze %dma_wait3A_3204 : memref<1x512xf32, #tpu.memory_space<hbm>> -> memref<512xf32, #tpu.memory_space<hbm>>
      tpu.wait_dma2 semaphore(%run_scoped3A_3187 : memref<!tpu.dma_semaphore, #tpu.memory_space<semaphore_mem>>) src(%dma_wait3A_3205 : memref<512xf32, #tpu.memory_space<hbm>>) dst(%dma_wait3A_3203 : memref<512xf32, #tpu.memory_space<vmem>>)
      tpu.yield
    }) : () -> ()
    %run_scoped3A_14 = arith.constant 6 : i32
    %run_scoped3A_15 = arith.constant 6 : i32
    "tpu.region"() ({
      %run_scoped3A_3187 = tpu.sem_alloc : memref<!tpu.dma_semaphore, #tpu.memory_space<semaphore_mem>>
      %dma_start3A = arith.constant 0 : i32
      %dma_start3A_3188 = tpu.memref_slice %arg6[%run_scoped3A_15, %dma_start3A] : memref<8x512xf32, #tpu.memory_space<vmem>> -> memref<1x512xf32, #tpu.memory_space<vmem>>
      %dma_start3A_3189 = tpu.memref_squeeze %dma_start3A_3188 : memref<1x512xf32, #tpu.memory_space<vmem>> -> memref<512xf32, #tpu.memory_space<vmem>>
      %dma_start3A_3190 = tpu.memref_slice %arg2[%run_scoped3A_14, %mul3A_2] : memref<8x16384xf32, #tpu.memory_space<hbm>> -> memref<1x512xf32, #tpu.memory_space<hbm>>
      %dma_start3A_3191 = tpu.memref_squeeze %dma_start3A_3190 : memref<1x512xf32, #tpu.memory_space<hbm>> -> memref<512xf32, #tpu.memory_space<hbm>>
      %dma_start3A_3192 = arith.constant 0 : i32
      %dma_start3A_3193 = tpu.memref_slice %arg6[%run_scoped3A_15, %dma_start3A_3192] : memref<8x512xf32, #tpu.memory_space<vmem>> -> memref<1x512xf32, #tpu.memory_space<vmem>>
      %dma_start3A_3194 = tpu.memref_squeeze %dma_start3A_3193 : memref<1x512xf32, #tpu.memory_space<vmem>> -> memref<512xf32, #tpu.memory_space<vmem>>
      %dma_start3A_3195 = tpu.memref_slice %arg2[%run_scoped3A_14, %mul3A_2] : memref<8x16384xf32, #tpu.memory_space<hbm>> -> memref<1x512xf32, #tpu.memory_space<hbm>>
      %dma_start3A_3196 = tpu.memref_squeeze %dma_start3A_3195 : memref<1x512xf32, #tpu.memory_space<hbm>> -> memref<512xf32, #tpu.memory_space<hbm>>
      tpu.enqueue_dma source(%dma_start3A_3196 : memref<512xf32, #tpu.memory_space<hbm>>) target(%dma_start3A_3194 : memref<512xf32, #tpu.memory_space<vmem>>) target_semaphore(%run_scoped3A_3187 : memref<!tpu.dma_semaphore, #tpu.memory_space<semaphore_mem>>)
      %dma_wait3A = arith.constant 0 : i32
      %dma_wait3A_3197 = tpu.memref_slice %arg6[%run_scoped3A_15, %dma_wait3A] : memref<8x512xf32, #tpu.memory_space<vmem>> -> memref<1x512xf32, #tpu.memory_space<vmem>>
      %dma_wait3A_3198 = tpu.memref_squeeze %dma_wait3A_3197 : memref<1x512xf32, #tpu.memory_space<vmem>> -> memref<512xf32, #tpu.memory_space<vmem>>
      %dma_wait3A_3199 = tpu.memref_slice %arg2[%run_scoped3A_14, %mul3A_2] : memref<8x16384xf32, #tpu.memory_space<hbm>> -> memref<1x512xf32, #tpu.memory_space<hbm>>
      %dma_wait3A_3200 = tpu.memref_squeeze %dma_wait3A_3199 : memref<1x512xf32, #tpu.memory_space<hbm>> -> memref<512xf32, #tpu.memory_space<hbm>>
      %dma_wait3A_3201 = arith.constant 0 : i32
      %dma_wait3A_3202 = tpu.memref_slice %arg6[%run_scoped3A_15, %dma_wait3A_3201] : memref<8x512xf32, #tpu.memory_space<vmem>> -> memref<1x512xf32, #tpu.memory_space<vmem>>
      %dma_wait3A_3203 = tpu.memref_squeeze %dma_wait3A_3202 : memref<1x512xf32, #tpu.memory_space<vmem>> -> memref<512xf32, #tpu.memory_space<vmem>>
      %dma_wait3A_3204 = tpu.memref_slice %arg2[%run_scoped3A_14, %mul3A_2] : memref<8x16384xf32, #tpu.memory_space<hbm>> -> memref<1x512xf32, #tpu.memory_space<hbm>>
      %dma_wait3A_3205 = tpu.memref_squeeze %dma_wait3A_3204 : memref<1x512xf32, #tpu.memory_space<hbm>> -> memref<512xf32, #tpu.memory_space<hbm>>
      tpu.wait_dma2 semaphore(%run_scoped3A_3187 : memref<!tpu.dma_semaphore, #tpu.memory_space<semaphore_mem>>) src(%dma_wait3A_3205 : memref<512xf32, #tpu.memory_space<hbm>>) dst(%dma_wait3A_3203 : memref<512xf32, #tpu.memory_space<vmem>>)
      tpu.yield
    }) : () -> ()
    %run_scoped3A_16 = arith.constant 7 : i32
    %run_scoped3A_17 = arith.constant 7 : i32
    "tpu.region"() ({
      %run_scoped3A_3187 = tpu.sem_alloc : memref<!tpu.dma_semaphore, #tpu.memory_space<semaphore_mem>>
      %dma_start3A = arith.constant 0 : i32
      %dma_start3A_3188 = tpu.memref_slice %arg6[%run_scoped3A_17, %dma_start3A] : memref<8x512xf32, #tpu.memory_space<vmem>> -> memref<1x512xf32, #tpu.memory_space<vmem>>
      %dma_start3A_3189 = tpu.memref_squeeze %dma_start3A_3188 : memref<1x512xf32, #tpu.memory_space<vmem>> -> memref<512xf32, #tpu.memory_space<vmem>>
      %dma_start3A_3190 = tpu.memref_slice %arg2[%run_scoped3A_16, %mul3A_2] : memref<8x16384xf32, #tpu.memory_space<hbm>> -> memref<1x512xf32, #tpu.memory_space<hbm>>
      %dma_start3A_3191 = tpu.memref_squeeze %dma_start3A_3190 : memref<1x512xf32, #tpu.memory_space<hbm>> -> memref<512xf32, #tpu.memory_space<hbm>>
      %dma_start3A_3192 = arith.constant 0 : i32
      %dma_start3A_3193 = tpu.memref_slice %arg6[%run_scoped3A_17, %dma_start3A_3192] : memref<8x512xf32, #tpu.memory_space<vmem>> -> memref<1x512xf32, #tpu.memory_space<vmem>>
      %dma_start3A_3194 = tpu.memref_squeeze %dma_start3A_3193 : memref<1x512xf32, #tpu.memory_space<vmem>> -> memref<512xf32, #tpu.memory_space<vmem>>
      %dma_start3A_3195 = tpu.memref_slice %arg2[%run_scoped3A_16, %mul3A_2] : memref<8x16384xf32, #tpu.memory_space<hbm>> -> memref<1x512xf32, #tpu.memory_space<hbm>>
      %dma_start3A_3196 = tpu.memref_squeeze %dma_start3A_3195 : memref<1x512xf32, #tpu.memory_space<hbm>> -> memref<512xf32, #tpu.memory_space<hbm>>
      tpu.enqueue_dma source(%dma_start3A_3196 : memref<512xf32, #tpu.memory_space<hbm>>) target(%dma_start3A_3194 : memref<512xf32, #tpu.memory_space<vmem>>) target_semaphore(%run_scoped3A_3187 : memref<!tpu.dma_semaphore, #tpu.memory_space<semaphore_mem>>)
      %dma_wait3A = arith.constant 0 : i32
      %dma_wait3A_3197 = tpu.memref_slice %arg6[%run_scoped3A_17, %dma_wait3A] : memref<8x512xf32, #tpu.memory_space<vmem>> -> memref<1x512xf32, #tpu.memory_space<vmem>>
      %dma_wait3A_3198 = tpu.memref_squeeze %dma_wait3A_3197 : memref<1x512xf32, #tpu.memory_space<vmem>> -> memref<512xf32, #tpu.memory_space<vmem>>
      %dma_wait3A_3199 = tpu.memref_slice %arg2[%run_scoped3A_16, %mul3A_2] : memref<8x16384xf32, #tpu.memory_space<hbm>> -> memref<1x512xf32, #tpu.memory_space<hbm>>
      %dma_wait3A_3200 = tpu.memref_squeeze %dma_wait3A_3199 : memref<1x512xf32, #tpu.memory_space<hbm>> -> memref<512xf32, #tpu.memory_space<hbm>>
      %dma_wait3A_3201 = arith.constant 0 : i32
      %dma_wait3A_3202 = tpu.memref_slice %arg6[%run_scoped3A_17, %dma_wait3A_3201] : memref<8x512xf32, #tpu.memory_space<vmem>> -> memref<1x512xf32, #tpu.memory_space<vmem>>
      %dma_wait3A_3203 = tpu.memref_squeeze %dma_wait3A_3202 : memref<1x512xf32, #tpu.memory_space<vmem>> -> memref<512xf32, #tpu.memory_space<vmem>>
      %dma_wait3A_3204 = tpu.memref_slice %arg2[%run_scoped3A_16, %mul3A_2] : memref<8x16384xf32, #tpu.memory_space<hbm>> -> memref<1x512xf32, #tpu.memory_space<hbm>>
      %dma_wait3A_3205 = tpu.memref_squeeze %dma_wait3A_3204 : memref<1x512xf32, #tpu.memory_space<hbm>> -> memref<512xf32, #tpu.memory_space<hbm>>
      tpu.wait_dma2 semaphore(%run_scoped3A_3187 : memref<!tpu.dma_semaphore, #tpu.memory_space<semaphore_mem>>) src(%dma_wait3A_3205 : memref<512xf32, #tpu.memory_space<hbm>>) dst(%dma_wait3A_3203 : memref<512xf32, #tpu.memory_space<vmem>>)
      tpu.yield
    }) : () -> ()
    "tpu.region"() ({
      %run_scoped3A_3187 = tpu.sem_alloc : memref<!tpu.dma_semaphore, #tpu.memory_space<semaphore_mem>>
      tpu.enqueue_dma source(%arg3 : memref<8x128xf32, #tpu.memory_space<hbm>>) target(%arg7 : memref<8x128xf32, #tpu.memory_space<vmem>>) target_semaphore(%run_scoped3A_3187 : memref<!tpu.dma_semaphore, #tpu.memory_space<semaphore_mem>>)
      tpu.wait_dma2 semaphore(%run_scoped3A_3187 : memref<!tpu.dma_semaphore, #tpu.memory_space<semaphore_mem>>) src(%arg3 : memref<8x128xf32, #tpu.memory_space<hbm>>) dst(%arg7 : memref<8x128xf32, #tpu.memory_space<vmem>>)
      tpu.yield
    }) : () -> ()
    "tpu.region"() ({
      %run_scoped3A_3187 = tpu.sem_alloc : memref<!tpu.dma_semaphore, #tpu.memory_space<semaphore_mem>>
      %dma_start3A = tpu.memref_slice %arg4[%mul3A_2] : memref<16384xf32, #tpu.memory_space<hbm>> -> memref<512xf32, #tpu.memory_space<hbm>>
      %dma_start3A_3188 = tpu.memref_slice %arg4[%mul3A_2] : memref<16384xf32, #tpu.memory_space<hbm>> -> memref<512xf32, #tpu.memory_space<hbm>>
      tpu.enqueue_dma source(%dma_start3A_3188 : memref<512xf32, #tpu.memory_space<hbm>>) target(%arg8 : memref<512xf32, #tpu.memory_space<vmem>>) target_semaphore(%run_scoped3A_3187 : memref<!tpu.dma_semaphore, #tpu.memory_space<semaphore_mem>>)
      %dma_wait3A = tpu.memref_slice %arg4[%mul3A_2] : memref<16384xf32, #tpu.memory_space<hbm>> -> memref<512xf32, #tpu.memory_space<hbm>>
      %dma_wait3A_3189 = tpu.memref_slice %arg4[%mul3A_2] : memref<16384xf32, #tpu.memory_space<hbm>> -> memref<512xf32, #tpu.memory_space<hbm>>
      tpu.wait_dma2 semaphore(%run_scoped3A_3187 : memref<!tpu.dma_semaphore, #tpu.memory_space<semaphore_mem>>) src(%dma_wait3A_3189 : memref<512xf32, #tpu.memory_space<hbm>>) dst(%arg8 : memref<512xf32, #tpu.memory_space<vmem>>)
      tpu.yield
    }) : () -> ()
    %get3A = arith.constant 0 : i32
    %get3A_18 = arith.index_cast %get3A : i32 to index
    %get3A_19 = arith.constant 0 : index
    %get3A_20 = tpu.vector_load %arg7[%get3A_18, %get3A_19] {strides = array<i32>} : memref<8x128xf32, #tpu.memory_space<vmem>>, vector<1x16xf32>,
    %get3A_21 = vector.shape_cast %get3A_20 : vector<1x16xf32> to vector<16xf32>
    %get3A_22 = arith.constant 1 : i32
    %get3A_23 = arith.index_cast %get3A_22 : i32 to index
    %get3A_24 = arith.constant 0 : index
    %get3A_25 = tpu.vector_load %arg7[%get3A_23, %get3A_24] {strides = array<i32>} : memref<8x128xf32, #tpu.memory_space<vmem>>, vector<1x16xf32>,
    %get3A_26 = vector.shape_cast %get3A_25 : vector<1x16xf32> to vector<16xf32>
    %get3A_27 = arith.constant 2 : i32
    %get3A_28 = arith.index_cast %get3A_27 : i32 to index
    %get3A_29 = arith.constant 0 : index
    %get3A_30 = tpu.vector_load %arg7[%get3A_28, %get3A_29] {strides = array<i32>} : memref<8x128xf32, #tpu.memory_space<vmem>>, vector<1x16xf32>,
    %get3A_31 = vector.shape_cast %get3A_30 : vector<1x16xf32> to vector<16xf32>
    %get3A_32 = arith.constant 3 : i32
    %get3A_33 = arith.index_cast %get3A_32 : i32 to index
    %get3A_34 = arith.constant 0 : index
    %get3A_35 = tpu.vector_load %arg7[%get3A_33, %get3A_34] {strides = array<i32>} : memref<8x128xf32, #tpu.memory_space<vmem>>, vector<1x16xf32>,
    %get3A_36 = vector.shape_cast %get3A_35 : vector<1x16xf32> to vector<16xf32>
    %get3A_37 = arith.constant 4 : i32
    %get3A_38 = arith.index_cast %get3A_37 : i32 to index
    %get3A_39 = arith.constant 0 : index
    %get3A_40 = tpu.vector_load %arg7[%get3A_38, %get3A_39] {strides = array<i32>} : memref<8x128xf32, #tpu.memory_space<vmem>>, vector<1x16xf32>,
    %get3A_41 = vector.shape_cast %get3A_40 : vector<1x16xf32> to vector<16xf32>
    %get3A_42 = arith.constant 5 : i32
    %get3A_43 = arith.index_cast %get3A_42 : i32 to index
    %get3A_44 = arith.constant 0 : index
    %get3A_45 = tpu.vector_load %arg7[%get3A_43, %get3A_44] {strides = array<i32>} : memref<8x128xf32, #tpu.memory_space<vmem>>, vector<1x16xf32>,
    %get3A_46 = vector.shape_cast %get3A_45 : vector<1x16xf32> to vector<16xf32>
    %get3A_47 = arith.constant 6 : i32
    %get3A_48 = arith.index_cast %get3A_47 : i32 to index
    %get3A_49 = arith.constant 0 : index
    %get3A_50 = tpu.vector_load %arg7[%get3A_48, %get3A_49] {strides = array<i32>} : memref<8x128xf32, #tpu.memory_space<vmem>>, vector<1x16xf32>,
    %get3A_51 = vector.shape_cast %get3A_50 : vector<1x16xf32> to vector<16xf32>
    %get3A_52 = arith.constant 7 : i32
    %get3A_53 = arith.index_cast %get3A_52 : i32 to index
    %get3A_54 = arith.constant 0 : index
    %get3A_55 = tpu.vector_load %arg7[%get3A_53, %get3A_54] {strides = array<i32>} : memref<8x128xf32, #tpu.memory_space<vmem>>, vector<1x16xf32>,
    %get3A_56 = vector.shape_cast %get3A_55 : vector<1x16xf32> to vector<16xf32>
    %get3A_57 = arith.constant 0 : index
    %get3A_58 = tpu.vector_load %arg8[%get3A_57] {strides = array<i32>} : memref<512xf32, #tpu.memory_space<vmem>>, vector<16xf32>,
    %get3A_59 = vector.shape_cast %get3A_58 : vector<16xf32> to vector<16xf32>
    %mul3A_60 = arith.constant 8.000000e-01 : f32
    %mul3A_61 = vector.broadcast %mul3A_60 : f32 to vector<16xf32>
    %mul3A_62 = arith.mulf %get3A_59, %mul3A_61 : vector<16xf32>
    %get3A_63 = arith.constant 0 : i32
    %get3A_64 = arith.index_cast %get3A_63 : i32 to index
    %get3A_65 = arith.constant 0 : index
    %get3A_66 = tpu.vector_load %arg6[%get3A_64, %get3A_65] {strides = array<i32>} : memref<8x512xf32, #tpu.memory_space<vmem>>, vector<1x16xf32>,
    %get3A_67 = vector.shape_cast %get3A_66 : vector<1x16xf32> to vector<16xf32>
    %abs3A = math.absf %get3A_67 : vector<16xf32>
    %ge3A = arith.cmpf oge, %abs3A, %get3A_21 : vector<16xf32>
    %jit3A = arith.constant 0.000000e+00 : f32
    %broadcast_in_dim3A = vector.broadcast %jit3A : f32 to vector<16xf32>
    %select_n3A = arith.select %ge3A, %get3A_67, %broadcast_in_dim3A : vector<16xi1>, vector<16xf32>
    %add3A_68 = arith.addf %mul3A_62, %select_n3A : vector<16xf32>
    %get3A_69 = arith.constant 1 : i32
    %get3A_70 = arith.index_cast %get3A_69 : i32 to index
    %get3A_71 = arith.constant 0 : index
    %get3A_72 = tpu.vector_load %arg6[%get3A_70, %get3A_71] {strides = array<i32>} : memref<8x512xf32, #tpu.memory_space<vmem>>, vector<1x16xf32>,
    %get3A_73 = vector.shape_cast %get3A_72 : vector<1x16xf32> to vector<16xf32>
    %abs3A_74 = math.absf %get3A_73 : vector<16xf32>
    %ge3A_75 = arith.cmpf oge, %abs3A_74, %get3A_26 : vector<16xf32>
    %jit3A_76 = arith.constant 0.000000e+00 : f32
    %broadcast_in_dim3A_77 = vector.broadcast %jit3A_76 : f32 to vector<16xf32>
    %select_n3A_78 = arith.select %ge3A_75, %get3A_73, %broadcast_in_dim3A_77 : vector<16xi1>, vector<16xf32>
    %add3A_79 = arith.addf %add3A_68, %select_n3A_78 : vector<16xf32>
    %get3A_80 = arith.constant 2 : i32
    %get3A_81 = arith.index_cast %get3A_80 : i32 to index
    %get3A_82 = arith.constant 0 : index
    %get3A_83 = tpu.vector_load %arg6[%get3A_81, %get3A_82] {strides = array<i32>} : memref<8x512xf32, #tpu.memory_space<vmem>>, vector<1x16xf32>,
    %get3A_84 = vector.shape_cast %get3A_83 : vector<1x16xf32> to vector<16xf32>
    %abs3A_85 = math.absf %get3A_84 : vector<16xf32>
    %ge3A_86 = arith.cmpf oge, %abs3A_85, %get3A_31 : vector<16xf32>
    %jit3A_87 = arith.constant 0.000000e+00 : f32
    %broadcast_in_dim3A_88 = vector.broadcast %jit3A_87 : f32 to vector<16xf32>
    %select_n3A_89 = arith.select %ge3A_86, %get3A_84, %broadcast_in_dim3A_88 : vector<16xi1>, vector<16xf32>
    %add3A_90 = arith.addf %add3A_79, %select_n3A_89 : vector<16xf32>
    %get3A_91 = arith.constant 3 : i32
    %get3A_92 = arith.index_cast %get3A_91 : i32 to index
    %get3A_93 = arith.constant 0 : index
    %get3A_94 = tpu.vector_load %arg6[%get3A_92, %get3A_93] {strides = array<i32>} : memref<8x512xf32, #tpu.memory_space<vmem>>, vector<1x16xf32>,
    %get3A_95 = vector.shape_cast %get3A_94 : vector<1x16xf32> to vector<16xf32>
    %abs3A_96 = math.absf %get3A_95 : vector<16xf32>
    %ge3A_97 = arith.cmpf oge, %abs3A_96, %get3A_36 : vector<16xf32>
    %jit3A_98 = arith.constant 0.000000e+00 : f32
    %broadcast_in_dim3A_99 = vector.broadcast %jit3A_98 : f32 to vector<16xf32>
    %select_n3A_100 = arith.select %ge3A_97, %get3A_95, %broadcast_in_dim3A_99 : vector<16xi1>, vector<16xf32>
    %add3A_101 = arith.addf %add3A_90, %select_n3A_100 : vector<16xf32>
    %get3A_102 = arith.constant 4 : i32
    %get3A_103 = arith.index_cast %get3A_102 : i32 to index
    %get3A_104 = arith.constant 0 : index
    %get3A_105 = tpu.vector_load %arg6[%get3A_103, %get3A_104] {strides = array<i32>} : memref<8x512xf32, #tpu.memory_space<vmem>>, vector<1x16xf32>,
    %get3A_106 = vector.shape_cast %get3A_105 : vector<1x16xf32> to vector<16xf32>
    %abs3A_107 = math.absf %get3A_106 : vector<16xf32>
    %ge3A_108 = arith.cmpf oge, %abs3A_107, %get3A_41 : vector<16xf32>
    %jit3A_109 = arith.constant 0.000000e+00 : f32
    %broadcast_in_dim3A_110 = vector.broadcast %jit3A_109 : f32 to vector<16xf32>
    %select_n3A_111 = arith.select %ge3A_108, %get3A_106, %broadcast_in_dim3A_110 : vector<16xi1>, vector<16xf32>
    %add3A_112 = arith.addf %add3A_101, %select_n3A_111 : vector<16xf32>
    %get3A_113 = arith.constant 5 : i32
    %get3A_114 = arith.index_cast %get3A_113 : i32 to index
    %get3A_115 = arith.constant 0 : index
    %get3A_116 = tpu.vector_load %arg6[%get3A_114, %get3A_115] {strides = array<i32>} : memref<8x512xf32, #tpu.memory_space<vmem>>, vector<1x16xf32>,
    %get3A_117 = vector.shape_cast %get3A_116 : vector<1x16xf32> to vector<16xf32>
    %abs3A_118 = math.absf %get3A_117 : vector<16xf32>
    %ge3A_119 = arith.cmpf oge, %abs3A_118, %get3A_46 : vector<16xf32>
    %jit3A_120 = arith.constant 0.000000e+00 : f32
    %broadcast_in_dim3A_121 = vector.broadcast %jit3A_120 : f32 to vector<16xf32>
    %select_n3A_122 = arith.select %ge3A_119, %get3A_117, %broadcast_in_dim3A_121 : vector<16xi1>, vector<16xf32>
    %add3A_123 = arith.addf %add3A_112, %select_n3A_122 : vector<16xf32>
    %get3A_124 = arith.constant 6 : i32
    %get3A_125 = arith.index_cast %get3A_124 : i32 to index
    %get3A_126 = arith.constant 0 : index
    %get3A_127 = tpu.vector_load %arg6[%get3A_125, %get3A_126] {strides = array<i32>} : memref<8x512xf32, #tpu.memory_space<vmem>>, vector<1x16xf32>,
    %get3A_128 = vector.shape_cast %get3A_127 : vector<1x16xf32> to vector<16xf32>
    %abs3A_129 = math.absf %get3A_128 : vector<16xf32>
    %ge3A_130 = arith.cmpf oge, %abs3A_129, %get3A_51 : vector<16xf32>
    %jit3A_131 = arith.constant 0.000000e+00 : f32
    %broadcast_in_dim3A_132 = vector.broadcast %jit3A_131 : f32 to vector<16xf32>
    %select_n3A_133 = arith.select %ge3A_130, %get3A_128, %broadcast_in_dim3A_132 : vector<16xi1>, vector<16xf32>
    %add3A_134 = arith.addf %add3A_123, %select_n3A_133 : vector<16xf32>
    %get3A_135 = arith.constant 7 : i32
    %get3A_136 = arith.index_cast %get3A_135 : i32 to index
    %get3A_137 = arith.constant 0 : index
    %get3A_138 = tpu.vector_load %arg6[%get3A_136, %get3A_137] {strides = array<i32>} : memref<8x512xf32, #tpu.memory_space<vmem>>, vector<1x16xf32>,
    %get3A_139 = vector.shape_cast %get3A_138 : vector<1x16xf32> to vector<16xf32>
    %abs3A_140 = math.absf %get3A_139 : vector<16xf32>
    %ge3A_141 = arith.cmpf oge, %abs3A_140, %get3A_56 : vector<16xf32>
    %jit3A_142 = arith.constant 0.000000e+00 : f32
    %broadcast_in_dim3A_143 = vector.broadcast %jit3A_142 : f32 to vector<16xf32>
    %select_n3A_144 = arith.select %ge3A_141, %get3A_139, %broadcast_in_dim3A_143 : vector<16xi1>, vector<16xf32>
    %add3A_145 = arith.addf %add3A_134, %select_n3A_144 : vector<16xf32>
    %swap3A = arith.constant 0 : index
    %swap3A_146 = tpu.vector_load %arg9[%swap3A] {strides = array<i32>} : memref<512xf32, #tpu.memory_space<vmem>>, vector<16xf32>,
    %swap3A_147 = vector.shape_cast %swap3A_146 : vector<16xf32> to vector<16xf32>
    %swap3A_148 = vector.shape_cast %add3A_145 : vector<16xf32> to vector<16xf32>
    tpu.vector_store %arg9[%swap3A], %swap3A_148 {strides = array<i32>} : memref<512xf32, #tpu.memory_space<vmem>>, vector<16xf32>,
    %get3A_149 = arith.constant 16 : index
    %get3A_150 = tpu.vector_load %arg8[%get3A_149] {strides = array<i32>} : memref<512xf32, #tpu.memory_space<vmem>>, vector<16xf32>,
    %get3A_151 = vector.shape_cast %get3A_150 : vector<16xf32> to vector<16xf32>
    %mul3A_152 = arith.constant 8.000000e-01 : f32
    %mul3A_153 = vector.broadcast %mul3A_152 : f32 to vector<16xf32>
    %mul3A_154 = arith.mulf %get3A_151, %mul3A_153 : vector<16xf32>
    %get3A_155 = arith.constant 0 : i32
    %get3A_156 = arith.index_cast %get3A_155 : i32 to index
    %get3A_157 = arith.constant 16 : index
    %get3A_158 = tpu.vector_load %arg6[%get3A_156, %get3A_157] {strides = array<i32>} : memref<8x512xf32, #tpu.memory_space<vmem>>, vector<1x16xf32>,
    %get3A_159 = vector.shape_cast %get3A_158 : vector<1x16xf32> to vector<16xf32>
    %abs3A_160 = math.absf %get3A_159 : vector<16xf32>
    %ge3A_161 = arith.cmpf oge, %abs3A_160, %get3A_21 : vector<16xf32>
    %jit3A_162 = arith.constant 0.000000e+00 : f32
    %broadcast_in_dim3A_163 = vector.broadcast %jit3A_162 : f32 to vector<16xf32>
    %select_n3A_164 = arith.select %ge3A_161, %get3A_159, %broadcast_in_dim3A_163 : vector<16xi1>, vector<16xf32>
    %add3A_165 = arith.addf %mul3A_154, %select_n3A_164 : vector<16xf32>
    %get3A_166 = arith.constant 1 : i32
    %get3A_167 = arith.index_cast %get3A_166 : i32 to index
    %get3A_168 = arith.constant 16 : index
    %get3A_169 = tpu.vector_load %arg6[%get3A_167, %get3A_168] {strides = array<i32>} : memref<8x512xf32, #tpu.memory_space<vmem>>, vector<1x16xf32>,
    %get3A_170 = vector.shape_cast %get3A_169 : vector<1x16xf32> to vector<16xf32>
    %abs3A_171 = math.absf %get3A_170 : vector<16xf32>
    %ge3A_172 = arith.cmpf oge, %abs3A_171, %get3A_26 : vector<16xf32>
    %jit3A_173 = arith.constant 0.000000e+00 : f32
    %broadcast_in_dim3A_174 = vector.broadcast %jit3A_173 : f32 to vector<16xf32>
    %select_n3A_175 = arith.select %ge3A_172, %get3A_170, %broadcast_in_dim3A_174 : vector<16xi1>, vector<16xf32>
    %add3A_176 = arith.addf %add3A_165, %select_n3A_175 : vector<16xf32>
    %get3A_177 = arith.constant 2 : i32
    %get3A_178 = arith.index_cast %get3A_177 : i32 to index
    %get3A_179 = arith.constant 16 : index
    %get3A_180 = tpu.vector_load %arg6[%get3A_178, %get3A_179] {strides = array<i32>} : memref<8x512xf32, #tpu.memory_space<vmem>>, vector<1x16xf32>,
    %get3A_181 = vector.shape_cast %get3A_180 : vector<1x16xf32> to vector<16xf32>
    %abs3A_182 = math.absf %get3A_181 : vector<16xf32>
    %ge3A_183 = arith.cmpf oge, %abs3A_182, %get3A_31 : vector<16xf32>
    %jit3A_184 = arith.constant 0.000000e+00 : f32
    %broadcast_in_dim3A_185 = vector.broadcast %jit3A_184 : f32 to vector<16xf32>
    %select_n3A_186 = arith.select %ge3A_183, %get3A_181, %broadcast_in_dim3A_185 : vector<16xi1>, vector<16xf32>
    %add3A_187 = arith.addf %add3A_176, %select_n3A_186 : vector<16xf32>
    %get3A_188 = arith.constant 3 : i32
    %get3A_189 = arith.index_cast %get3A_188 : i32 to index
    %get3A_190 = arith.constant 16 : index
    %get3A_191 = tpu.vector_load %arg6[%get3A_189, %get3A_190] {strides = array<i32>} : memref<8x512xf32, #tpu.memory_space<vmem>>, vector<1x16xf32>,
    %get3A_192 = vector.shape_cast %get3A_191 : vector<1x16xf32> to vector<16xf32>
    %abs3A_193 = math.absf %get3A_192 : vector<16xf32>
    %ge3A_194 = arith.cmpf oge, %abs3A_193, %get3A_36 : vector<16xf32>
    %jit3A_195 = arith.constant 0.000000e+00 : f32
    %broadcast_in_dim3A_196 = vector.broadcast %jit3A_195 : f32 to vector<16xf32>
    %select_n3A_197 = arith.select %ge3A_194, %get3A_192, %broadcast_in_dim3A_196 : vector<16xi1>, vector<16xf32>
    %add3A_198 = arith.addf %add3A_187, %select_n3A_197 : vector<16xf32>
    %get3A_199 = arith.constant 4 : i32
    %get3A_200 = arith.index_cast %get3A_199 : i32 to index
    %get3A_201 = arith.constant 16 : index
    %get3A_202 = tpu.vector_load %arg6[%get3A_200, %get3A_201] {strides = array<i32>} : memref<8x512xf32, #tpu.memory_space<vmem>>, vector<1x16xf32>,
    %get3A_203 = vector.shape_cast %get3A_202 : vector<1x16xf32> to vector<16xf32>
    %abs3A_204 = math.absf %get3A_203 : vector<16xf32>
    %ge3A_205 = arith.cmpf oge, %abs3A_204, %get3A_41 : vector<16xf32>
    %jit3A_206 = arith.constant 0.000000e+00 : f32
    %broadcast_in_dim3A_207 = vector.broadcast %jit3A_206 : f32 to vector<16xf32>
    %select_n3A_208 = arith.select %ge3A_205, %get3A_203, %broadcast_in_dim3A_207 : vector<16xi1>, vector<16xf32>
    %add3A_209 = arith.addf %add3A_198, %select_n3A_208 : vector<16xf32>
    %get3A_210 = arith.constant 5 : i32
    %get3A_211 = arith.index_cast %get3A_210 : i32 to index
    %get3A_212 = arith.constant 16 : index
    %get3A_213 = tpu.vector_load %arg6[%get3A_211, %get3A_212] {strides = array<i32>} : memref<8x512xf32, #tpu.memory_space<vmem>>, vector<1x16xf32>,
    %get3A_214 = vector.shape_cast %get3A_213 : vector<1x16xf32> to vector<16xf32>
    %abs3A_215 = math.absf %get3A_214 : vector<16xf32>
    %ge3A_216 = arith.cmpf oge, %abs3A_215, %get3A_46 : vector<16xf32>
    %jit3A_217 = arith.constant 0.000000e+00 : f32
    %broadcast_in_dim3A_218 = vector.broadcast %jit3A_217 : f32 to vector<16xf32>
    %select_n3A_219 = arith.select %ge3A_216, %get3A_214, %broadcast_in_dim3A_218 : vector<16xi1>, vector<16xf32>
    %add3A_220 = arith.addf %add3A_209, %select_n3A_219 : vector<16xf32>
    %get3A_221 = arith.constant 6 : i32
    %get3A_222 = arith.index_cast %get3A_221 : i32 to index
    %get3A_223 = arith.constant 16 : index
    %get3A_224 = tpu.vector_load %arg6[%get3A_222, %get3A_223] {strides = array<i32>} : memref<8x512xf32, #tpu.memory_space<vmem>>, vector<1x16xf32>,
    %get3A_225 = vector.shape_cast %get3A_224 : vector<1x16xf32> to vector<16xf32>
    %abs3A_226 = math.absf %get3A_225 : vector<16xf32>
    %ge3A_227 = arith.cmpf oge, %abs3A_226, %get3A_51 : vector<16xf32>
    %jit3A_228 = arith.constant 0.000000e+00 : f32
    %broadcast_in_dim3A_229 = vector.broadcast %jit3A_228 : f32 to vector<16xf32>
    %select_n3A_230 = arith.select %ge3A_227, %get3A_225, %broadcast_in_dim3A_229 : vector<16xi1>, vector<16xf32>
    %add3A_231 = arith.addf %add3A_220, %select_n3A_230 : vector<16xf32>
    %get3A_232 = arith.constant 7 : i32
    %get3A_233 = arith.index_cast %get3A_232 : i32 to index
    %get3A_234 = arith.constant 16 : index
    %get3A_235 = tpu.vector_load %arg6[%get3A_233, %get3A_234] {strides = array<i32>} : memref<8x512xf32, #tpu.memory_space<vmem>>, vector<1x16xf32>,
    %get3A_236 = vector.shape_cast %get3A_235 : vector<1x16xf32> to vector<16xf32>
    %abs3A_237 = math.absf %get3A_236 : vector<16xf32>
    %ge3A_238 = arith.cmpf oge, %abs3A_237, %get3A_56 : vector<16xf32>
    %jit3A_239 = arith.constant 0.000000e+00 : f32
    %broadcast_in_dim3A_240 = vector.broadcast %jit3A_239 : f32 to vector<16xf32>
    %select_n3A_241 = arith.select %ge3A_238, %get3A_236, %broadcast_in_dim3A_240 : vector<16xi1>, vector<16xf32>
    %add3A_242 = arith.addf %add3A_231, %select_n3A_241 : vector<16xf32>
    %swap3A_243 = arith.constant 16 : index
    %swap3A_244 = tpu.vector_load %arg9[%swap3A_243] {strides = array<i32>} : memref<512xf32, #tpu.memory_space<vmem>>, vector<16xf32>,
    %swap3A_245 = vector.shape_cast %swap3A_244 : vector<16xf32> to vector<16xf32>
    %swap3A_246 = vector.shape_cast %add3A_242 : vector<16xf32> to vector<16xf32>
    tpu.vector_store %arg9[%swap3A_243], %swap3A_246 {strides = array<i32>} : memref<512xf32, #tpu.memory_space<vmem>>, vector<16xf32>,
    %get3A_247 = arith.constant 32 : index
    %get3A_248 = tpu.vector_load %arg8[%get3A_247] {strides = array<i32>} : memref<512xf32, #tpu.memory_space<vmem>>, vector<16xf32>,
    %get3A_249 = vector.shape_cast %get3A_248 : vector<16xf32> to vector<16xf32>
    %mul3A_250 = arith.constant 8.000000e-01 : f32
    %mul3A_251 = vector.broadcast %mul3A_250 : f32 to vector<16xf32>
    %mul3A_252 = arith.mulf %get3A_249, %mul3A_251 : vector<16xf32>
    %get3A_253 = arith.constant 0 : i32
    %get3A_254 = arith.index_cast %get3A_253 : i32 to index
    %get3A_255 = arith.constant 32 : index
    %get3A_256 = tpu.vector_load %arg6[%get3A_254, %get3A_255] {strides = array<i32>} : memref<8x512xf32, #tpu.memory_space<vmem>>, vector<1x16xf32>,
    %get3A_257 = vector.shape_cast %get3A_256 : vector<1x16xf32> to vector<16xf32>
    %abs3A_258 = math.absf %get3A_257 : vector<16xf32>
    %ge3A_259 = arith.cmpf oge, %abs3A_258, %get3A_21 : vector<16xf32>
    %jit3A_260 = arith.constant 0.000000e+00 : f32
    %broadcast_in_dim3A_261 = vector.broadcast %jit3A_260 : f32 to vector<16xf32>
    %select_n3A_262 = arith.select %ge3A_259, %get3A_257, %broadcast_in_dim3A_261 : vector<16xi1>, vector<16xf32>
    %add3A_263 = arith.addf %mul3A_252, %select_n3A_262 : vector<16xf32>
    %get3A_264 = arith.constant 1 : i32
    %get3A_265 = arith.index_cast %get3A_264 : i32 to index
    %get3A_266 = arith.constant 32 : index
    %get3A_267 = tpu.vector_load %arg6[%get3A_265, %get3A_266] {strides = array<i32>} : memref<8x512xf32, #tpu.memory_space<vmem>>, vector<1x16xf32>,
    %get3A_268 = vector.shape_cast %get3A_267 : vector<1x16xf32> to vector<16xf32>
    %abs3A_269 = math.absf %get3A_268 : vector<16xf32>
    %ge3A_270 = arith.cmpf oge, %abs3A_269, %get3A_26 : vector<16xf32>
    %jit3A_271 = arith.constant 0.000000e+00 : f32
    %broadcast_in_dim3A_272 = vector.broadcast %jit3A_271 : f32 to vector<16xf32>
    %select_n3A_273 = arith.select %ge3A_270, %get3A_268, %broadcast_in_dim3A_272 : vector<16xi1>, vector<16xf32>
    %add3A_274 = arith.addf %add3A_263, %select_n3A_273 : vector<16xf32>
    %get3A_275 = arith.constant 2 : i32
    %get3A_276 = arith.index_cast %get3A_275 : i32 to index
    %get3A_277 = arith.constant 32 : index
    %get3A_278 = tpu.vector_load %arg6[%get3A_276, %get3A_277] {strides = array<i32>} : memref<8x512xf32, #tpu.memory_space<vmem>>, vector<1x16xf32>,
    %get3A_279 = vector.shape_cast %get3A_278 : vector<1x16xf32> to vector<16xf32>
    %abs3A_280 = math.absf %get3A_279 : vector<16xf32>
    %ge3A_281 = arith.cmpf oge, %abs3A_280, %get3A_31 : vector<16xf32>
    %jit3A_282 = arith.constant 0.000000e+00 : f32
    %broadcast_in_dim3A_283 = vector.broadcast %jit3A_282 : f32 to vector<16xf32>
    %select_n3A_284 = arith.select %ge3A_281, %get3A_279, %broadcast_in_dim3A_283 : vector<16xi1>, vector<16xf32>
    %add3A_285 = arith.addf %add3A_274, %select_n3A_284 : vector<16xf32>
    %get3A_286 = arith.constant 3 : i32
    %get3A_287 = arith.index_cast %get3A_286 : i32 to index
    %get3A_288 = arith.constant 32 : index
    %get3A_289 = tpu.vector_load %arg6[%get3A_287, %get3A_288] {strides = array<i32>} : memref<8x512xf32, #tpu.memory_space<vmem>>, vector<1x16xf32>,
    %get3A_290 = vector.shape_cast %get3A_289 : vector<1x16xf32> to vector<16xf32>
    %abs3A_291 = math.absf %get3A_290 : vector<16xf32>
    %ge3A_292 = arith.cmpf oge, %abs3A_291, %get3A_36 : vector<16xf32>
    %jit3A_293 = arith.constant 0.000000e+00 : f32
    %broadcast_in_dim3A_294 = vector.broadcast %jit3A_293 : f32 to vector<16xf32>
    %select_n3A_295 = arith.select %ge3A_292, %get3A_290, %broadcast_in_dim3A_294 : vector<16xi1>, vector<16xf32>
    %add3A_296 = arith.addf %add3A_285, %select_n3A_295 : vector<16xf32>
    %get3A_297 = arith.constant 4 : i32
    %get3A_298 = arith.index_cast %get3A_297 : i32 to index
    %get3A_299 = arith.constant 32 : index
    %get3A_300 = tpu.vector_load %arg6[%get3A_298, %get3A_299] {strides = array<i32>} : memref<8x512xf32, #tpu.memory_space<vmem>>, vector<1x16xf32>,
    %get3A_301 = vector.shape_cast %get3A_300 : vector<1x16xf32> to vector<16xf32>
    %abs3A_302 = math.absf %get3A_301 : vector<16xf32>
    %ge3A_303 = arith.cmpf oge, %abs3A_302, %get3A_41 : vector<16xf32>
    %jit3A_304 = arith.constant 0.000000e+00 : f32
    %broadcast_in_dim3A_305 = vector.broadcast %jit3A_304 : f32 to vector<16xf32>
    %select_n3A_306 = arith.select %ge3A_303, %get3A_301, %broadcast_in_dim3A_305 : vector<16xi1>, vector<16xf32>
    %add3A_307 = arith.addf %add3A_296, %select_n3A_306 : vector<16xf32>
    %get3A_308 = arith.constant 5 : i32
    %get3A_309 = arith.index_cast %get3A_308 : i32 to index
    %get3A_310 = arith.constant 32 : index
    %get3A_311 = tpu.vector_load %arg6[%get3A_309, %get3A_310] {strides = array<i32>} : memref<8x512xf32, #tpu.memory_space<vmem>>, vector<1x16xf32>,
    %get3A_312 = vector.shape_cast %get3A_311 : vector<1x16xf32> to vector<16xf32>
    %abs3A_313 = math.absf %get3A_312 : vector<16xf32>
    %ge3A_314 = arith.cmpf oge, %abs3A_313, %get3A_46 : vector<16xf32>
    %jit3A_315 = arith.constant 0.000000e+00 : f32
    %broadcast_in_dim3A_316 = vector.broadcast %jit3A_315 : f32 to vector<16xf32>
    %select_n3A_317 = arith.select %ge3A_314, %get3A_312, %broadcast_in_dim3A_316 : vector<16xi1>, vector<16xf32>
    %add3A_318 = arith.addf %add3A_307, %select_n3A_317 : vector<16xf32>
    %get3A_319 = arith.constant 6 : i32
    %get3A_320 = arith.index_cast %get3A_319 : i32 to index
    %get3A_321 = arith.constant 32 : index
    %get3A_322 = tpu.vector_load %arg6[%get3A_320, %get3A_321] {strides = array<i32>} : memref<8x512xf32, #tpu.memory_space<vmem>>, vector<1x16xf32>,
    %get3A_323 = vector.shape_cast %get3A_322 : vector<1x16xf32> to vector<16xf32>
    %abs3A_324 = math.absf %get3A_323 : vector<16xf32>
    %ge3A_325 = arith.cmpf oge, %abs3A_324, %get3A_51 : vector<16xf32>
    %jit3A_326 = arith.constant 0.000000e+00 : f32
    %broadcast_in_dim3A_327 = vector.broadcast %jit3A_326 : f32 to vector<16xf32>
    %select_n3A_328 = arith.select %ge3A_325, %get3A_323, %broadcast_in_dim3A_327 : vector<16xi1>, vector<16xf32>
    %add3A_329 = arith.addf %add3A_318, %select_n3A_328 : vector<16xf32>
    %get3A_330 = arith.constant 7 : i32
    %get3A_331 = arith.index_cast %get3A_330 : i32 to index
    %get3A_332 = arith.constant 32 : index
    %get3A_333 = tpu.vector_load %arg6[%get3A_331, %get3A_332] {strides = array<i32>} : memref<8x512xf32, #tpu.memory_space<vmem>>, vector<1x16xf32>,
    %get3A_334 = vector.shape_cast %get3A_333 : vector<1x16xf32> to vector<16xf32>
    %abs3A_335 = math.absf %get3A_334 : vector<16xf32>
    %ge3A_336 = arith.cmpf oge, %abs3A_335, %get3A_56 : vector<16xf32>
    %jit3A_337 = arith.constant 0.000000e+00 : f32
    %broadcast_in_dim3A_338 = vector.broadcast %jit3A_337 : f32 to vector<16xf32>
    %select_n3A_339 = arith.select %ge3A_336, %get3A_334, %broadcast_in_dim3A_338 : vector<16xi1>, vector<16xf32>
    %add3A_340 = arith.addf %add3A_329, %select_n3A_339 : vector<16xf32>
    %swap3A_341 = arith.constant 32 : index
    %swap3A_342 = tpu.vector_load %arg9[%swap3A_341] {strides = array<i32>} : memref<512xf32, #tpu.memory_space<vmem>>, vector<16xf32>,
    %swap3A_343 = vector.shape_cast %swap3A_342 : vector<16xf32> to vector<16xf32>
    %swap3A_344 = vector.shape_cast %add3A_340 : vector<16xf32> to vector<16xf32>
    tpu.vector_store %arg9[%swap3A_341], %swap3A_344 {strides = array<i32>} : memref<512xf32, #tpu.memory_space<vmem>>, vector<16xf32>,
    %get3A_345 = arith.constant 48 : index
    %get3A_346 = tpu.vector_load %arg8[%get3A_345] {strides = array<i32>} : memref<512xf32, #tpu.memory_space<vmem>>, vector<16xf32>,
    %get3A_347 = vector.shape_cast %get3A_346 : vector<16xf32> to vector<16xf32>
    %mul3A_348 = arith.constant 8.000000e-01 : f32
    %mul3A_349 = vector.broadcast %mul3A_348 : f32 to vector<16xf32>
    %mul3A_350 = arith.mulf %get3A_347, %mul3A_349 : vector<16xf32>
    %get3A_351 = arith.constant 0 : i32
    %get3A_352 = arith.index_cast %get3A_351 : i32 to index
    %get3A_353 = arith.constant 48 : index
    %get3A_354 = tpu.vector_load %arg6[%get3A_352, %get3A_353] {strides = array<i32>} : memref<8x512xf32, #tpu.memory_space<vmem>>, vector<1x16xf32>,
    %get3A_355 = vector.shape_cast %get3A_354 : vector<1x16xf32> to vector<16xf32>
    %abs3A_356 = math.absf %get3A_355 : vector<16xf32>
    %ge3A_357 = arith.cmpf oge, %abs3A_356, %get3A_21 : vector<16xf32>
    %jit3A_358 = arith.constant 0.000000e+00 : f32
    %broadcast_in_dim3A_359 = vector.broadcast %jit3A_358 : f32 to vector<16xf32>
    %select_n3A_360 = arith.select %ge3A_357, %get3A_355, %broadcast_in_dim3A_359 : vector<16xi1>, vector<16xf32>
    %add3A_361 = arith.addf %mul3A_350, %select_n3A_360 : vector<16xf32>
    %get3A_362 = arith.constant 1 : i32
    %get3A_363 = arith.index_cast %get3A_362 : i32 to index
    %get3A_364 = arith.constant 48 : index
    %get3A_365 = tpu.vector_load %arg6[%get3A_363, %get3A_364] {strides = array<i32>} : memref<8x512xf32, #tpu.memory_space<vmem>>, vector<1x16xf32>,
    %get3A_366 = vector.shape_cast %get3A_365 : vector<1x16xf32> to vector<16xf32>
    %abs3A_367 = math.absf %get3A_366 : vector<16xf32>
    %ge3A_368 = arith.cmpf oge, %abs3A_367, %get3A_26 : vector<16xf32>
    %jit3A_369 = arith.constant 0.000000e+00 : f32
    %broadcast_in_dim3A_370 = vector.broadcast %jit3A_369 : f32 to vector<16xf32>
    %select_n3A_371 = arith.select %ge3A_368, %get3A_366, %broadcast_in_dim3A_370 : vector<16xi1>, vector<16xf32>
    %add3A_372 = arith.addf %add3A_361, %select_n3A_371 : vector<16xf32>
    %get3A_373 = arith.constant 2 : i32
    %get3A_374 = arith.index_cast %get3A_373 : i32 to index
    %get3A_375 = arith.constant 48 : index
    %get3A_376 = tpu.vector_load %arg6[%get3A_374, %get3A_375] {strides = array<i32>} : memref<8x512xf32, #tpu.memory_space<vmem>>, vector<1x16xf32>,
    %get3A_377 = vector.shape_cast %get3A_376 : vector<1x16xf32> to vector<16xf32>
    %abs3A_378 = math.absf %get3A_377 : vector<16xf32>
    %ge3A_379 = arith.cmpf oge, %abs3A_378, %get3A_31 : vector<16xf32>
    %jit3A_380 = arith.constant 0.000000e+00 : f32
    %broadcast_in_dim3A_381 = vector.broadcast %jit3A_380 : f32 to vector<16xf32>
    %select_n3A_382 = arith.select %ge3A_379, %get3A_377, %broadcast_in_dim3A_381 : vector<16xi1>, vector<16xf32>
    %add3A_383 = arith.addf %add3A_372, %select_n3A_382 : vector<16xf32>
    %get3A_384 = arith.constant 3 : i32
    %get3A_385 = arith.index_cast %get3A_384 : i32 to index
    %get3A_386 = arith.constant 48 : index
    %get3A_387 = tpu.vector_load %arg6[%get3A_385, %get3A_386] {strides = array<i32>} : memref<8x512xf32, #tpu.memory_space<vmem>>, vector<1x16xf32>,
    %get3A_388 = vector.shape_cast %get3A_387 : vector<1x16xf32> to vector<16xf32>
    %abs3A_389 = math.absf %get3A_388 : vector<16xf32>
    %ge3A_390 = arith.cmpf oge, %abs3A_389, %get3A_36 : vector<16xf32>
    %jit3A_391 = arith.constant 0.000000e+00 : f32
    %broadcast_in_dim3A_392 = vector.broadcast %jit3A_391 : f32 to vector<16xf32>
    %select_n3A_393 = arith.select %ge3A_390, %get3A_388, %broadcast_in_dim3A_392 : vector<16xi1>, vector<16xf32>
    %add3A_394 = arith.addf %add3A_383, %select_n3A_393 : vector<16xf32>
    %get3A_395 = arith.constant 4 : i32
    %get3A_396 = arith.index_cast %get3A_395 : i32 to index
    %get3A_397 = arith.constant 48 : index
    %get3A_398 = tpu.vector_load %arg6[%get3A_396, %get3A_397] {strides = array<i32>} : memref<8x512xf32, #tpu.memory_space<vmem>>, vector<1x16xf32>,
    %get3A_399 = vector.shape_cast %get3A_398 : vector<1x16xf32> to vector<16xf32>
    %abs3A_400 = math.absf %get3A_399 : vector<16xf32>
    %ge3A_401 = arith.cmpf oge, %abs3A_400, %get3A_41 : vector<16xf32>
    %jit3A_402 = arith.constant 0.000000e+00 : f32
    %broadcast_in_dim3A_403 = vector.broadcast %jit3A_402 : f32 to vector<16xf32>
    %select_n3A_404 = arith.select %ge3A_401, %get3A_399, %broadcast_in_dim3A_403 : vector<16xi1>, vector<16xf32>
    %add3A_405 = arith.addf %add3A_394, %select_n3A_404 : vector<16xf32>
    %get3A_406 = arith.constant 5 : i32
    %get3A_407 = arith.index_cast %get3A_406 : i32 to index
    %get3A_408 = arith.constant 48 : index
    %get3A_409 = tpu.vector_load %arg6[%get3A_407, %get3A_408] {strides = array<i32>} : memref<8x512xf32, #tpu.memory_space<vmem>>, vector<1x16xf32>,
    %get3A_410 = vector.shape_cast %get3A_409 : vector<1x16xf32> to vector<16xf32>
    %abs3A_411 = math.absf %get3A_410 : vector<16xf32>
    %ge3A_412 = arith.cmpf oge, %abs3A_411, %get3A_46 : vector<16xf32>
    %jit3A_413 = arith.constant 0.000000e+00 : f32
    %broadcast_in_dim3A_414 = vector.broadcast %jit3A_413 : f32 to vector<16xf32>
    %select_n3A_415 = arith.select %ge3A_412, %get3A_410, %broadcast_in_dim3A_414 : vector<16xi1>, vector<16xf32>
    %add3A_416 = arith.addf %add3A_405, %select_n3A_415 : vector<16xf32>
    %get3A_417 = arith.constant 6 : i32
    %get3A_418 = arith.index_cast %get3A_417 : i32 to index
    %get3A_419 = arith.constant 48 : index
    %get3A_420 = tpu.vector_load %arg6[%get3A_418, %get3A_419] {strides = array<i32>} : memref<8x512xf32, #tpu.memory_space<vmem>>, vector<1x16xf32>,
    %get3A_421 = vector.shape_cast %get3A_420 : vector<1x16xf32> to vector<16xf32>
    %abs3A_422 = math.absf %get3A_421 : vector<16xf32>
    %ge3A_423 = arith.cmpf oge, %abs3A_422, %get3A_51 : vector<16xf32>
    %jit3A_424 = arith.constant 0.000000e+00 : f32
    %broadcast_in_dim3A_425 = vector.broadcast %jit3A_424 : f32 to vector<16xf32>
    %select_n3A_426 = arith.select %ge3A_423, %get3A_421, %broadcast_in_dim3A_425 : vector<16xi1>, vector<16xf32>
    %add3A_427 = arith.addf %add3A_416, %select_n3A_426 : vector<16xf32>
    %get3A_428 = arith.constant 7 : i32
    %get3A_429 = arith.index_cast %get3A_428 : i32 to index
    %get3A_430 = arith.constant 48 : index
    %get3A_431 = tpu.vector_load %arg6[%get3A_429, %get3A_430] {strides = array<i32>} : memref<8x512xf32, #tpu.memory_space<vmem>>, vector<1x16xf32>,
    %get3A_432 = vector.shape_cast %get3A_431 : vector<1x16xf32> to vector<16xf32>
    %abs3A_433 = math.absf %get3A_432 : vector<16xf32>
    %ge3A_434 = arith.cmpf oge, %abs3A_433, %get3A_56 : vector<16xf32>
    %jit3A_435 = arith.constant 0.000000e+00 : f32
    %broadcast_in_dim3A_436 = vector.broadcast %jit3A_435 : f32 to vector<16xf32>
    %select_n3A_437 = arith.select %ge3A_434, %get3A_432, %broadcast_in_dim3A_436 : vector<16xi1>, vector<16xf32>
    %add3A_438 = arith.addf %add3A_427, %select_n3A_437 : vector<16xf32>
    %swap3A_439 = arith.constant 48 : index
    %swap3A_440 = tpu.vector_load %arg9[%swap3A_439] {strides = array<i32>} : memref<512xf32, #tpu.memory_space<vmem>>, vector<16xf32>,
    %swap3A_441 = vector.shape_cast %swap3A_440 : vector<16xf32> to vector<16xf32>
    %swap3A_442 = vector.shape_cast %add3A_438 : vector<16xf32> to vector<16xf32>
    tpu.vector_store %arg9[%swap3A_439], %swap3A_442 {strides = array<i32>} : memref<512xf32, #tpu.memory_space<vmem>>, vector<16xf32>,
    %get3A_443 = arith.constant 64 : index
    %get3A_444 = tpu.vector_load %arg8[%get3A_443] {strides = array<i32>} : memref<512xf32, #tpu.memory_space<vmem>>, vector<16xf32>,
    %get3A_445 = vector.shape_cast %get3A_444 : vector<16xf32> to vector<16xf32>
    %mul3A_446 = arith.constant 8.000000e-01 : f32
    %mul3A_447 = vector.broadcast %mul3A_446 : f32 to vector<16xf32>
    %mul3A_448 = arith.mulf %get3A_445, %mul3A_447 : vector<16xf32>
    %get3A_449 = arith.constant 0 : i32
    %get3A_450 = arith.index_cast %get3A_449 : i32 to index
    %get3A_451 = arith.constant 64 : index
    %get3A_452 = tpu.vector_load %arg6[%get3A_450, %get3A_451] {strides = array<i32>} : memref<8x512xf32, #tpu.memory_space<vmem>>, vector<1x16xf32>,
    %get3A_453 = vector.shape_cast %get3A_452 : vector<1x16xf32> to vector<16xf32>
    %abs3A_454 = math.absf %get3A_453 : vector<16xf32>
    %ge3A_455 = arith.cmpf oge, %abs3A_454, %get3A_21 : vector<16xf32>
    %jit3A_456 = arith.constant 0.000000e+00 : f32
    %broadcast_in_dim3A_457 = vector.broadcast %jit3A_456 : f32 to vector<16xf32>
    %select_n3A_458 = arith.select %ge3A_455, %get3A_453, %broadcast_in_dim3A_457 : vector<16xi1>, vector<16xf32>
    %add3A_459 = arith.addf %mul3A_448, %select_n3A_458 : vector<16xf32>
    %get3A_460 = arith.constant 1 : i32
    %get3A_461 = arith.index_cast %get3A_460 : i32 to index
    %get3A_462 = arith.constant 64 : index
    %get3A_463 = tpu.vector_load %arg6[%get3A_461, %get3A_462] {strides = array<i32>} : memref<8x512xf32, #tpu.memory_space<vmem>>, vector<1x16xf32>,
    %get3A_464 = vector.shape_cast %get3A_463 : vector<1x16xf32> to vector<16xf32>
    %abs3A_465 = math.absf %get3A_464 : vector<16xf32>
    %ge3A_466 = arith.cmpf oge, %abs3A_465, %get3A_26 : vector<16xf32>
    %jit3A_467 = arith.constant 0.000000e+00 : f32
    %broadcast_in_dim3A_468 = vector.broadcast %jit3A_467 : f32 to vector<16xf32>
    %select_n3A_469 = arith.select %ge3A_466, %get3A_464, %broadcast_in_dim3A_468 : vector<16xi1>, vector<16xf32>
    %add3A_470 = arith.addf %add3A_459, %select_n3A_469 : vector<16xf32>
    %get3A_471 = arith.constant 2 : i32
    %get3A_472 = arith.index_cast %get3A_471 : i32 to index
    %get3A_473 = arith.constant 64 : index
    %get3A_474 = tpu.vector_load %arg6[%get3A_472, %get3A_473] {strides = array<i32>} : memref<8x512xf32, #tpu.memory_space<vmem>>, vector<1x16xf32>,
    %get3A_475 = vector.shape_cast %get3A_474 : vector<1x16xf32> to vector<16xf32>
    %abs3A_476 = math.absf %get3A_475 : vector<16xf32>
    %ge3A_477 = arith.cmpf oge, %abs3A_476, %get3A_31 : vector<16xf32>
    %jit3A_478 = arith.constant 0.000000e+00 : f32
    %broadcast_in_dim3A_479 = vector.broadcast %jit3A_478 : f32 to vector<16xf32>
    %select_n3A_480 = arith.select %ge3A_477, %get3A_475, %broadcast_in_dim3A_479 : vector<16xi1>, vector<16xf32>
    %add3A_481 = arith.addf %add3A_470, %select_n3A_480 : vector<16xf32>
    %get3A_482 = arith.constant 3 : i32
    %get3A_483 = arith.index_cast %get3A_482 : i32 to index
    %get3A_484 = arith.constant 64 : index
    %get3A_485 = tpu.vector_load %arg6[%get3A_483, %get3A_484] {strides = array<i32>} : memref<8x512xf32, #tpu.memory_space<vmem>>, vector<1x16xf32>,
    %get3A_486 = vector.shape_cast %get3A_485 : vector<1x16xf32> to vector<16xf32>
    %abs3A_487 = math.absf %get3A_486 : vector<16xf32>
    %ge3A_488 = arith.cmpf oge, %abs3A_487, %get3A_36 : vector<16xf32>
    %jit3A_489 = arith.constant 0.000000e+00 : f32
    %broadcast_in_dim3A_490 = vector.broadcast %jit3A_489 : f32 to vector<16xf32>
    %select_n3A_491 = arith.select %ge3A_488, %get3A_486, %broadcast_in_dim3A_490 : vector<16xi1>, vector<16xf32>
    %add3A_492 = arith.addf %add3A_481, %select_n3A_491 : vector<16xf32>
    %get3A_493 = arith.constant 4 : i32
    %get3A_494 = arith.index_cast %get3A_493 : i32 to index
    %get3A_495 = arith.constant 64 : index
    %get3A_496 = tpu.vector_load %arg6[%get3A_494, %get3A_495] {strides = array<i32>} : memref<8x512xf32, #tpu.memory_space<vmem>>, vector<1x16xf32>,
    %get3A_497 = vector.shape_cast %get3A_496 : vector<1x16xf32> to vector<16xf32>
    %abs3A_498 = math.absf %get3A_497 : vector<16xf32>
    %ge3A_499 = arith.cmpf oge, %abs3A_498, %get3A_41 : vector<16xf32>
    %jit3A_500 = arith.constant 0.000000e+00 : f32
    %broadcast_in_dim3A_501 = vector.broadcast %jit3A_500 : f32 to vector<16xf32>
    %select_n3A_502 = arith.select %ge3A_499, %get3A_497, %broadcast_in_dim3A_501 : vector<16xi1>, vector<16xf32>
    %add3A_503 = arith.addf %add3A_492, %select_n3A_502 : vector<16xf32>
    %get3A_504 = arith.constant 5 : i32
    %get3A_505 = arith.index_cast %get3A_504 : i32 to index
    %get3A_506 = arith.constant 64 : index
    %get3A_507 = tpu.vector_load %arg6[%get3A_505, %get3A_506] {strides = array<i32>} : memref<8x512xf32, #tpu.memory_space<vmem>>, vector<1x16xf32>,
    %get3A_508 = vector.shape_cast %get3A_507 : vector<1x16xf32> to vector<16xf32>
    %abs3A_509 = math.absf %get3A_508 : vector<16xf32>
    %ge3A_510 = arith.cmpf oge, %abs3A_509, %get3A_46 : vector<16xf32>
    %jit3A_511 = arith.constant 0.000000e+00 : f32
    %broadcast_in_dim3A_512 = vector.broadcast %jit3A_511 : f32 to vector<16xf32>
    %select_n3A_513 = arith.select %ge3A_510, %get3A_508, %broadcast_in_dim3A_512 : vector<16xi1>, vector<16xf32>
    %add3A_514 = arith.addf %add3A_503, %select_n3A_513 : vector<16xf32>
    %get3A_515 = arith.constant 6 : i32
    %get3A_516 = arith.index_cast %get3A_515 : i32 to index
    %get3A_517 = arith.constant 64 : index
    %get3A_518 = tpu.vector_load %arg6[%get3A_516, %get3A_517] {strides = array<i32>} : memref<8x512xf32, #tpu.memory_space<vmem>>, vector<1x16xf32>,
    %get3A_519 = vector.shape_cast %get3A_518 : vector<1x16xf32> to vector<16xf32>
    %abs3A_520 = math.absf %get3A_519 : vector<16xf32>
    %ge3A_521 = arith.cmpf oge, %abs3A_520, %get3A_51 : vector<16xf32>
    %jit3A_522 = arith.constant 0.000000e+00 : f32
    %broadcast_in_dim3A_523 = vector.broadcast %jit3A_522 : f32 to vector<16xf32>
    %select_n3A_524 = arith.select %ge3A_521, %get3A_519, %broadcast_in_dim3A_523 : vector<16xi1>, vector<16xf32>
    %add3A_525 = arith.addf %add3A_514, %select_n3A_524 : vector<16xf32>
    %get3A_526 = arith.constant 7 : i32
    %get3A_527 = arith.index_cast %get3A_526 : i32 to index
    %get3A_528 = arith.constant 64 : index
    %get3A_529 = tpu.vector_load %arg6[%get3A_527, %get3A_528] {strides = array<i32>} : memref<8x512xf32, #tpu.memory_space<vmem>>, vector<1x16xf32>,
    %get3A_530 = vector.shape_cast %get3A_529 : vector<1x16xf32> to vector<16xf32>
    %abs3A_531 = math.absf %get3A_530 : vector<16xf32>
    %ge3A_532 = arith.cmpf oge, %abs3A_531, %get3A_56 : vector<16xf32>
    %jit3A_533 = arith.constant 0.000000e+00 : f32
    %broadcast_in_dim3A_534 = vector.broadcast %jit3A_533 : f32 to vector<16xf32>
    %select_n3A_535 = arith.select %ge3A_532, %get3A_530, %broadcast_in_dim3A_534 : vector<16xi1>, vector<16xf32>
    %add3A_536 = arith.addf %add3A_525, %select_n3A_535 : vector<16xf32>
    %swap3A_537 = arith.constant 64 : index
    %swap3A_538 = tpu.vector_load %arg9[%swap3A_537] {strides = array<i32>} : memref<512xf32, #tpu.memory_space<vmem>>, vector<16xf32>,
    %swap3A_539 = vector.shape_cast %swap3A_538 : vector<16xf32> to vector<16xf32>
    %swap3A_540 = vector.shape_cast %add3A_536 : vector<16xf32> to vector<16xf32>
    tpu.vector_store %arg9[%swap3A_537], %swap3A_540 {strides = array<i32>} : memref<512xf32, #tpu.memory_space<vmem>>, vector<16xf32>,
    %get3A_541 = arith.constant 80 : index
    %get3A_542 = tpu.vector_load %arg8[%get3A_541] {strides = array<i32>} : memref<512xf32, #tpu.memory_space<vmem>>, vector<16xf32>,
    %get3A_543 = vector.shape_cast %get3A_542 : vector<16xf32> to vector<16xf32>
    %mul3A_544 = arith.constant 8.000000e-01 : f32
    %mul3A_545 = vector.broadcast %mul3A_544 : f32 to vector<16xf32>
    %mul3A_546 = arith.mulf %get3A_543, %mul3A_545 : vector<16xf32>
    %get3A_547 = arith.constant 0 : i32
    %get3A_548 = arith.index_cast %get3A_547 : i32 to index
    %get3A_549 = arith.constant 80 : index
    %get3A_550 = tpu.vector_load %arg6[%get3A_548, %get3A_549] {strides = array<i32>} : memref<8x512xf32, #tpu.memory_space<vmem>>, vector<1x16xf32>,
    %get3A_551 = vector.shape_cast %get3A_550 : vector<1x16xf32> to vector<16xf32>
    %abs3A_552 = math.absf %get3A_551 : vector<16xf32>
    %ge3A_553 = arith.cmpf oge, %abs3A_552, %get3A_21 : vector<16xf32>
    %jit3A_554 = arith.constant 0.000000e+00 : f32
    %broadcast_in_dim3A_555 = vector.broadcast %jit3A_554 : f32 to vector<16xf32>
    %select_n3A_556 = arith.select %ge3A_553, %get3A_551, %broadcast_in_dim3A_555 : vector<16xi1>, vector<16xf32>
    %add3A_557 = arith.addf %mul3A_546, %select_n3A_556 : vector<16xf32>
    %get3A_558 = arith.constant 1 : i32
    %get3A_559 = arith.index_cast %get3A_558 : i32 to index
    %get3A_560 = arith.constant 80 : index
    %get3A_561 = tpu.vector_load %arg6[%get3A_559, %get3A_560] {strides = array<i32>} : memref<8x512xf32, #tpu.memory_space<vmem>>, vector<1x16xf32>,
    %get3A_562 = vector.shape_cast %get3A_561 : vector<1x16xf32> to vector<16xf32>
    %abs3A_563 = math.absf %get3A_562 : vector<16xf32>
    %ge3A_564 = arith.cmpf oge, %abs3A_563, %get3A_26 : vector<16xf32>
    %jit3A_565 = arith.constant 0.000000e+00 : f32
    %broadcast_in_dim3A_566 = vector.broadcast %jit3A_565 : f32 to vector<16xf32>
    %select_n3A_567 = arith.select %ge3A_564, %get3A_562, %broadcast_in_dim3A_566 : vector<16xi1>, vector<16xf32>
    %add3A_568 = arith.addf %add3A_557, %select_n3A_567 : vector<16xf32>
    %get3A_569 = arith.constant 2 : i32
    %get3A_570 = arith.index_cast %get3A_569 : i32 to index
    %get3A_571 = arith.constant 80 : index
    %get3A_572 = tpu.vector_load %arg6[%get3A_570, %get3A_571] {strides = array<i32>} : memref<8x512xf32, #tpu.memory_space<vmem>>, vector<1x16xf32>,
    %get3A_573 = vector.shape_cast %get3A_572 : vector<1x16xf32> to vector<16xf32>
    %abs3A_574 = math.absf %get3A_573 : vector<16xf32>
    %ge3A_575 = arith.cmpf oge, %abs3A_574, %get3A_31 : vector<16xf32>
    %jit3A_576 = arith.constant 0.000000e+00 : f32
    %broadcast_in_dim3A_577 = vector.broadcast %jit3A_576 : f32 to vector<16xf32>
    %select_n3A_578 = arith.select %ge3A_575, %get3A_573, %broadcast_in_dim3A_577 : vector<16xi1>, vector<16xf32>
    %add3A_579 = arith.addf %add3A_568, %select_n3A_578 : vector<16xf32>
    %get3A_580 = arith.constant 3 : i32
    %get3A_581 = arith.index_cast %get3A_580 : i32 to index
    %get3A_582 = arith.constant 80 : index
    %get3A_583 = tpu.vector_load %arg6[%get3A_581, %get3A_582] {strides = array<i32>} : memref<8x512xf32, #tpu.memory_space<vmem>>, vector<1x16xf32>,
    %get3A_584 = vector.shape_cast %get3A_583 : vector<1x16xf32> to vector<16xf32>
    %abs3A_585 = math.absf %get3A_584 : vector<16xf32>
    %ge3A_586 = arith.cmpf oge, %abs3A_585, %get3A_36 : vector<16xf32>
    %jit3A_587 = arith.constant 0.000000e+00 : f32
    %broadcast_in_dim3A_588 = vector.broadcast %jit3A_587 : f32 to vector<16xf32>
    %select_n3A_589 = arith.select %ge3A_586, %get3A_584, %broadcast_in_dim3A_588 : vector<16xi1>, vector<16xf32>
    %add3A_590 = arith.addf %add3A_579, %select_n3A_589 : vector<16xf32>
    %get3A_591 = arith.constant 4 : i32
    %get3A_592 = arith.index_cast %get3A_591 : i32 to index
    %get3A_593 = arith.constant 80 : index
    %get3A_594 = tpu.vector_load %arg6[%get3A_592, %get3A_593] {strides = array<i32>} : memref<8x512xf32, #tpu.memory_space<vmem>>, vector<1x16xf32>,
    %get3A_595 = vector.shape_cast %get3A_594 : vector<1x16xf32> to vector<16xf32>
    %abs3A_596 = math.absf %get3A_595 : vector<16xf32>
    %ge3A_597 = arith.cmpf oge, %abs3A_596, %get3A_41 : vector<16xf32>
    %jit3A_598 = arith.constant 0.000000e+00 : f32
    %broadcast_in_dim3A_599 = vector.broadcast %jit3A_598 : f32 to vector<16xf32>
    %select_n3A_600 = arith.select %ge3A_597, %get3A_595, %broadcast_in_dim3A_599 : vector<16xi1>, vector<16xf32>
    %add3A_601 = arith.addf %add3A_590, %select_n3A_600 : vector<16xf32>
    %get3A_602 = arith.constant 5 : i32
    %get3A_603 = arith.index_cast %get3A_602 : i32 to index
    %get3A_604 = arith.constant 80 : index
    %get3A_605 = tpu.vector_load %arg6[%get3A_603, %get3A_604] {strides = array<i32>} : memref<8x512xf32, #tpu.memory_space<vmem>>, vector<1x16xf32>,
    %get3A_606 = vector.shape_cast %get3A_605 : vector<1x16xf32> to vector<16xf32>
    %abs3A_607 = math.absf %get3A_606 : vector<16xf32>
    %ge3A_608 = arith.cmpf oge, %abs3A_607, %get3A_46 : vector<16xf32>
    %jit3A_609 = arith.constant 0.000000e+00 : f32
    %broadcast_in_dim3A_610 = vector.broadcast %jit3A_609 : f32 to vector<16xf32>
    %select_n3A_611 = arith.select %ge3A_608, %get3A_606, %broadcast_in_dim3A_610 : vector<16xi1>, vector<16xf32>
    %add3A_612 = arith.addf %add3A_601, %select_n3A_611 : vector<16xf32>
    %get3A_613 = arith.constant 6 : i32
    %get3A_614 = arith.index_cast %get3A_613 : i32 to index
    %get3A_615 = arith.constant 80 : index
    %get3A_616 = tpu.vector_load %arg6[%get3A_614, %get3A_615] {strides = array<i32>} : memref<8x512xf32, #tpu.memory_space<vmem>>, vector<1x16xf32>,
    %get3A_617 = vector.shape_cast %get3A_616 : vector<1x16xf32> to vector<16xf32>
    %abs3A_618 = math.absf %get3A_617 : vector<16xf32>
    %ge3A_619 = arith.cmpf oge, %abs3A_618, %get3A_51 : vector<16xf32>
    %jit3A_620 = arith.constant 0.000000e+00 : f32
    %broadcast_in_dim3A_621 = vector.broadcast %jit3A_620 : f32 to vector<16xf32>
    %select_n3A_622 = arith.select %ge3A_619, %get3A_617, %broadcast_in_dim3A_621 : vector<16xi1>, vector<16xf32>
    %add3A_623 = arith.addf %add3A_612, %select_n3A_622 : vector<16xf32>
    %get3A_624 = arith.constant 7 : i32
    %get3A_625 = arith.index_cast %get3A_624 : i32 to index
    %get3A_626 = arith.constant 80 : index
    %get3A_627 = tpu.vector_load %arg6[%get3A_625, %get3A_626] {strides = array<i32>} : memref<8x512xf32, #tpu.memory_space<vmem>>, vector<1x16xf32>,
    %get3A_628 = vector.shape_cast %get3A_627 : vector<1x16xf32> to vector<16xf32>
    %abs3A_629 = math.absf %get3A_628 : vector<16xf32>
    %ge3A_630 = arith.cmpf oge, %abs3A_629, %get3A_56 : vector<16xf32>
    %jit3A_631 = arith.constant 0.000000e+00 : f32
    %broadcast_in_dim3A_632 = vector.broadcast %jit3A_631 : f32 to vector<16xf32>
    %select_n3A_633 = arith.select %ge3A_630, %get3A_628, %broadcast_in_dim3A_632 : vector<16xi1>, vector<16xf32>
    %add3A_634 = arith.addf %add3A_623, %select_n3A_633 : vector<16xf32>
    %swap3A_635 = arith.constant 80 : index
    %swap3A_636 = tpu.vector_load %arg9[%swap3A_635] {strides = array<i32>} : memref<512xf32, #tpu.memory_space<vmem>>, vector<16xf32>,
    %swap3A_637 = vector.shape_cast %swap3A_636 : vector<16xf32> to vector<16xf32>
    %swap3A_638 = vector.shape_cast %add3A_634 : vector<16xf32> to vector<16xf32>
    tpu.vector_store %arg9[%swap3A_635], %swap3A_638 {strides = array<i32>} : memref<512xf32, #tpu.memory_space<vmem>>, vector<16xf32>,
    %get3A_639 = arith.constant 96 : index
    %get3A_640 = tpu.vector_load %arg8[%get3A_639] {strides = array<i32>} : memref<512xf32, #tpu.memory_space<vmem>>, vector<16xf32>,
    %get3A_641 = vector.shape_cast %get3A_640 : vector<16xf32> to vector<16xf32>
    %mul3A_642 = arith.constant 8.000000e-01 : f32
    %mul3A_643 = vector.broadcast %mul3A_642 : f32 to vector<16xf32>
    %mul3A_644 = arith.mulf %get3A_641, %mul3A_643 : vector<16xf32>
    %get3A_645 = arith.constant 0 : i32
    %get3A_646 = arith.index_cast %get3A_645 : i32 to index
    %get3A_647 = arith.constant 96 : index
    %get3A_648 = tpu.vector_load %arg6[%get3A_646, %get3A_647] {strides = array<i32>} : memref<8x512xf32, #tpu.memory_space<vmem>>, vector<1x16xf32>,
    %get3A_649 = vector.shape_cast %get3A_648 : vector<1x16xf32> to vector<16xf32>
    %abs3A_650 = math.absf %get3A_649 : vector<16xf32>
    %ge3A_651 = arith.cmpf oge, %abs3A_650, %get3A_21 : vector<16xf32>
    %jit3A_652 = arith.constant 0.000000e+00 : f32
    %broadcast_in_dim3A_653 = vector.broadcast %jit3A_652 : f32 to vector<16xf32>
    %select_n3A_654 = arith.select %ge3A_651, %get3A_649, %broadcast_in_dim3A_653 : vector<16xi1>, vector<16xf32>
    %add3A_655 = arith.addf %mul3A_644, %select_n3A_654 : vector<16xf32>
    %get3A_656 = arith.constant 1 : i32
    %get3A_657 = arith.index_cast %get3A_656 : i32 to index
    %get3A_658 = arith.constant 96 : index
    %get3A_659 = tpu.vector_load %arg6[%get3A_657, %get3A_658] {strides = array<i32>} : memref<8x512xf32, #tpu.memory_space<vmem>>, vector<1x16xf32>,
    %get3A_660 = vector.shape_cast %get3A_659 : vector<1x16xf32> to vector<16xf32>
    %abs3A_661 = math.absf %get3A_660 : vector<16xf32>
    %ge3A_662 = arith.cmpf oge, %abs3A_661, %get3A_26 : vector<16xf32>
    %jit3A_663 = arith.constant 0.000000e+00 : f32
    %broadcast_in_dim3A_664 = vector.broadcast %jit3A_663 : f32 to vector<16xf32>
    %select_n3A_665 = arith.select %ge3A_662, %get3A_660, %broadcast_in_dim3A_664 : vector<16xi1>, vector<16xf32>
    %add3A_666 = arith.addf %add3A_655, %select_n3A_665 : vector<16xf32>
    %get3A_667 = arith.constant 2 : i32
    %get3A_668 = arith.index_cast %get3A_667 : i32 to index
    %get3A_669 = arith.constant 96 : index
    %get3A_670 = tpu.vector_load %arg6[%get3A_668, %get3A_669] {strides = array<i32>} : memref<8x512xf32, #tpu.memory_space<vmem>>, vector<1x16xf32>,
    %get3A_671 = vector.shape_cast %get3A_670 : vector<1x16xf32> to vector<16xf32>
    %abs3A_672 = math.absf %get3A_671 : vector<16xf32>
    %ge3A_673 = arith.cmpf oge, %abs3A_672, %get3A_31 : vector<16xf32>
    %jit3A_674 = arith.constant 0.000000e+00 : f32
    %broadcast_in_dim3A_675 = vector.broadcast %jit3A_674 : f32 to vector<16xf32>
    %select_n3A_676 = arith.select %ge3A_673, %get3A_671, %broadcast_in_dim3A_675 : vector<16xi1>, vector<16xf32>
    %add3A_677 = arith.addf %add3A_666, %select_n3A_676 : vector<16xf32>
    %get3A_678 = arith.constant 3 : i32
    %get3A_679 = arith.index_cast %get3A_678 : i32 to index
    %get3A_680 = arith.constant 96 : index
    %get3A_681 = tpu.vector_load %arg6[%get3A_679, %get3A_680] {strides = array<i32>} : memref<8x512xf32, #tpu.memory_space<vmem>>, vector<1x16xf32>,
    %get3A_682 = vector.shape_cast %get3A_681 : vector<1x16xf32> to vector<16xf32>
    %abs3A_683 = math.absf %get3A_682 : vector<16xf32>
    %ge3A_684 = arith.cmpf oge, %abs3A_683, %get3A_36 : vector<16xf32>
    %jit3A_685 = arith.constant 0.000000e+00 : f32
    %broadcast_in_dim3A_686 = vector.broadcast %jit3A_685 : f32 to vector<16xf32>
    %select_n3A_687 = arith.select %ge3A_684, %get3A_682, %broadcast_in_dim3A_686 : vector<16xi1>, vector<16xf32>
    %add3A_688 = arith.addf %add3A_677, %select_n3A_687 : vector<16xf32>
    %get3A_689 = arith.constant 4 : i32
    %get3A_690 = arith.index_cast %get3A_689 : i32 to index
    %get3A_691 = arith.constant 96 : index
    %get3A_692 = tpu.vector_load %arg6[%get3A_690, %get3A_691] {strides = array<i32>} : memref<8x512xf32, #tpu.memory_space<vmem>>, vector<1x16xf32>,
    %get3A_693 = vector.shape_cast %get3A_692 : vector<1x16xf32> to vector<16xf32>
    %abs3A_694 = math.absf %get3A_693 : vector<16xf32>
    %ge3A_695 = arith.cmpf oge, %abs3A_694, %get3A_41 : vector<16xf32>
    %jit3A_696 = arith.constant 0.000000e+00 : f32
    %broadcast_in_dim3A_697 = vector.broadcast %jit3A_696 : f32 to vector<16xf32>
    %select_n3A_698 = arith.select %ge3A_695, %get3A_693, %broadcast_in_dim3A_697 : vector<16xi1>, vector<16xf32>
    %add3A_699 = arith.addf %add3A_688, %select_n3A_698 : vector<16xf32>
    %get3A_700 = arith.constant 5 : i32
    %get3A_701 = arith.index_cast %get3A_700 : i32 to index
    %get3A_702 = arith.constant 96 : index
    %get3A_703 = tpu.vector_load %arg6[%get3A_701, %get3A_702] {strides = array<i32>} : memref<8x512xf32, #tpu.memory_space<vmem>>, vector<1x16xf32>,
    %get3A_704 = vector.shape_cast %get3A_703 : vector<1x16xf32> to vector<16xf32>
    %abs3A_705 = math.absf %get3A_704 : vector<16xf32>
    %ge3A_706 = arith.cmpf oge, %abs3A_705, %get3A_46 : vector<16xf32>
    %jit3A_707 = arith.constant 0.000000e+00 : f32
    %broadcast_in_dim3A_708 = vector.broadcast %jit3A_707 : f32 to vector<16xf32>
    %select_n3A_709 = arith.select %ge3A_706, %get3A_704, %broadcast_in_dim3A_708 : vector<16xi1>, vector<16xf32>
    %add3A_710 = arith.addf %add3A_699, %select_n3A_709 : vector<16xf32>
    %get3A_711 = arith.constant 6 : i32
    %get3A_712 = arith.index_cast %get3A_711 : i32 to index
    %get3A_713 = arith.constant 96 : index
    %get3A_714 = tpu.vector_load %arg6[%get3A_712, %get3A_713] {strides = array<i32>} : memref<8x512xf32, #tpu.memory_space<vmem>>, vector<1x16xf32>,
    %get3A_715 = vector.shape_cast %get3A_714 : vector<1x16xf32> to vector<16xf32>
    %abs3A_716 = math.absf %get3A_715 : vector<16xf32>
    %ge3A_717 = arith.cmpf oge, %abs3A_716, %get3A_51 : vector<16xf32>
    %jit3A_718 = arith.constant 0.000000e+00 : f32
    %broadcast_in_dim3A_719 = vector.broadcast %jit3A_718 : f32 to vector<16xf32>
    %select_n3A_720 = arith.select %ge3A_717, %get3A_715, %broadcast_in_dim3A_719 : vector<16xi1>, vector<16xf32>
    %add3A_721 = arith.addf %add3A_710, %select_n3A_720 : vector<16xf32>
    %get3A_722 = arith.constant 7 : i32
    %get3A_723 = arith.index_cast %get3A_722 : i32 to index
    %get3A_724 = arith.constant 96 : index
    %get3A_725 = tpu.vector_load %arg6[%get3A_723, %get3A_724] {strides = array<i32>} : memref<8x512xf32, #tpu.memory_space<vmem>>, vector<1x16xf32>,
    %get3A_726 = vector.shape_cast %get3A_725 : vector<1x16xf32> to vector<16xf32>
    %abs3A_727 = math.absf %get3A_726 : vector<16xf32>
    %ge3A_728 = arith.cmpf oge, %abs3A_727, %get3A_56 : vector<16xf32>
    %jit3A_729 = arith.constant 0.000000e+00 : f32
    %broadcast_in_dim3A_730 = vector.broadcast %jit3A_729 : f32 to vector<16xf32>
    %select_n3A_731 = arith.select %ge3A_728, %get3A_726, %broadcast_in_dim3A_730 : vector<16xi1>, vector<16xf32>
    %add3A_732 = arith.addf %add3A_721, %select_n3A_731 : vector<16xf32>
    %swap3A_733 = arith.constant 96 : index
    %swap3A_734 = tpu.vector_load %arg9[%swap3A_733] {strides = array<i32>} : memref<512xf32, #tpu.memory_space<vmem>>, vector<16xf32>,
    %swap3A_735 = vector.shape_cast %swap3A_734 : vector<16xf32> to vector<16xf32>
    %swap3A_736 = vector.shape_cast %add3A_732 : vector<16xf32> to vector<16xf32>
    tpu.vector_store %arg9[%swap3A_733], %swap3A_736 {strides = array<i32>} : memref<512xf32, #tpu.memory_space<vmem>>, vector<16xf32>,
    %get3A_737 = arith.constant 112 : index
    %get3A_738 = tpu.vector_load %arg8[%get3A_737] {strides = array<i32>} : memref<512xf32, #tpu.memory_space<vmem>>, vector<16xf32>,
    %get3A_739 = vector.shape_cast %get3A_738 : vector<16xf32> to vector<16xf32>
    %mul3A_740 = arith.constant 8.000000e-01 : f32
    %mul3A_741 = vector.broadcast %mul3A_740 : f32 to vector<16xf32>
    %mul3A_742 = arith.mulf %get3A_739, %mul3A_741 : vector<16xf32>
    %get3A_743 = arith.constant 0 : i32
    %get3A_744 = arith.index_cast %get3A_743 : i32 to index
    %get3A_745 = arith.constant 112 : index
    %get3A_746 = tpu.vector_load %arg6[%get3A_744, %get3A_745] {strides = array<i32>} : memref<8x512xf32, #tpu.memory_space<vmem>>, vector<1x16xf32>,
    %get3A_747 = vector.shape_cast %get3A_746 : vector<1x16xf32> to vector<16xf32>
    %abs3A_748 = math.absf %get3A_747 : vector<16xf32>
    %ge3A_749 = arith.cmpf oge, %abs3A_748, %get3A_21 : vector<16xf32>
    %jit3A_750 = arith.constant 0.000000e+00 : f32
    %broadcast_in_dim3A_751 = vector.broadcast %jit3A_750 : f32 to vector<16xf32>
    %select_n3A_752 = arith.select %ge3A_749, %get3A_747, %broadcast_in_dim3A_751 : vector<16xi1>, vector<16xf32>
    %add3A_753 = arith.addf %mul3A_742, %select_n3A_752 : vector<16xf32>
    %get3A_754 = arith.constant 1 : i32
    %get3A_755 = arith.index_cast %get3A_754 : i32 to index
    %get3A_756 = arith.constant 112 : index
    %get3A_757 = tpu.vector_load %arg6[%get3A_755, %get3A_756] {strides = array<i32>} : memref<8x512xf32, #tpu.memory_space<vmem>>, vector<1x16xf32>,
    %get3A_758 = vector.shape_cast %get3A_757 : vector<1x16xf32> to vector<16xf32>
    %abs3A_759 = math.absf %get3A_758 : vector<16xf32>
    %ge3A_760 = arith.cmpf oge, %abs3A_759, %get3A_26 : vector<16xf32>
    %jit3A_761 = arith.constant 0.000000e+00 : f32
    %broadcast_in_dim3A_762 = vector.broadcast %jit3A_761 : f32 to vector<16xf32>
    %select_n3A_763 = arith.select %ge3A_760, %get3A_758, %broadcast_in_dim3A_762 : vector<16xi1>, vector<16xf32>
    %add3A_764 = arith.addf %add3A_753, %select_n3A_763 : vector<16xf32>
    %get3A_765 = arith.constant 2 : i32
    %get3A_766 = arith.index_cast %get3A_765 : i32 to index
    %get3A_767 = arith.constant 112 : index
    %get3A_768 = tpu.vector_load %arg6[%get3A_766, %get3A_767] {strides = array<i32>} : memref<8x512xf32, #tpu.memory_space<vmem>>, vector<1x16xf32>,
    %get3A_769 = vector.shape_cast %get3A_768 : vector<1x16xf32> to vector<16xf32>
    %abs3A_770 = math.absf %get3A_769 : vector<16xf32>
    %ge3A_771 = arith.cmpf oge, %abs3A_770, %get3A_31 : vector<16xf32>
    %jit3A_772 = arith.constant 0.000000e+00 : f32
    %broadcast_in_dim3A_773 = vector.broadcast %jit3A_772 : f32 to vector<16xf32>
    %select_n3A_774 = arith.select %ge3A_771, %get3A_769, %broadcast_in_dim3A_773 : vector<16xi1>, vector<16xf32>
    %add3A_775 = arith.addf %add3A_764, %select_n3A_774 : vector<16xf32>
    %get3A_776 = arith.constant 3 : i32
    %get3A_777 = arith.index_cast %get3A_776 : i32 to index
    %get3A_778 = arith.constant 112 : index
    %get3A_779 = tpu.vector_load %arg6[%get3A_777, %get3A_778] {strides = array<i32>} : memref<8x512xf32, #tpu.memory_space<vmem>>, vector<1x16xf32>,
    %get3A_780 = vector.shape_cast %get3A_779 : vector<1x16xf32> to vector<16xf32>
    %abs3A_781 = math.absf %get3A_780 : vector<16xf32>
    %ge3A_782 = arith.cmpf oge, %abs3A_781, %get3A_36 : vector<16xf32>
    %jit3A_783 = arith.constant 0.000000e+00 : f32
    %broadcast_in_dim3A_784 = vector.broadcast %jit3A_783 : f32 to vector<16xf32>
    %select_n3A_785 = arith.select %ge3A_782, %get3A_780, %broadcast_in_dim3A_784 : vector<16xi1>, vector<16xf32>
    %add3A_786 = arith.addf %add3A_775, %select_n3A_785 : vector<16xf32>
    %get3A_787 = arith.constant 4 : i32
    %get3A_788 = arith.index_cast %get3A_787 : i32 to index
    %get3A_789 = arith.constant 112 : index
    %get3A_790 = tpu.vector_load %arg6[%get3A_788, %get3A_789] {strides = array<i32>} : memref<8x512xf32, #tpu.memory_space<vmem>>, vector<1x16xf32>,
    %get3A_791 = vector.shape_cast %get3A_790 : vector<1x16xf32> to vector<16xf32>
    %abs3A_792 = math.absf %get3A_791 : vector<16xf32>
    %ge3A_793 = arith.cmpf oge, %abs3A_792, %get3A_41 : vector<16xf32>
    %jit3A_794 = arith.constant 0.000000e+00 : f32
    %broadcast_in_dim3A_795 = vector.broadcast %jit3A_794 : f32 to vector<16xf32>
    %select_n3A_796 = arith.select %ge3A_793, %get3A_791, %broadcast_in_dim3A_795 : vector<16xi1>, vector<16xf32>
    %add3A_797 = arith.addf %add3A_786, %select_n3A_796 : vector<16xf32>
    %get3A_798 = arith.constant 5 : i32
    %get3A_799 = arith.index_cast %get3A_798 : i32 to index
    %get3A_800 = arith.constant 112 : index
    %get3A_801 = tpu.vector_load %arg6[%get3A_799, %get3A_800] {strides = array<i32>} : memref<8x512xf32, #tpu.memory_space<vmem>>, vector<1x16xf32>,
    %get3A_802 = vector.shape_cast %get3A_801 : vector<1x16xf32> to vector<16xf32>
    %abs3A_803 = math.absf %get3A_802 : vector<16xf32>
    %ge3A_804 = arith.cmpf oge, %abs3A_803, %get3A_46 : vector<16xf32>
    %jit3A_805 = arith.constant 0.000000e+00 : f32
    %broadcast_in_dim3A_806 = vector.broadcast %jit3A_805 : f32 to vector<16xf32>
    %select_n3A_807 = arith.select %ge3A_804, %get3A_802, %broadcast_in_dim3A_806 : vector<16xi1>, vector<16xf32>
    %add3A_808 = arith.addf %add3A_797, %select_n3A_807 : vector<16xf32>
    %get3A_809 = arith.constant 6 : i32
    %get3A_810 = arith.index_cast %get3A_809 : i32 to index
    %get3A_811 = arith.constant 112 : index
    %get3A_812 = tpu.vector_load %arg6[%get3A_810, %get3A_811] {strides = array<i32>} : memref<8x512xf32, #tpu.memory_space<vmem>>, vector<1x16xf32>,
    %get3A_813 = vector.shape_cast %get3A_812 : vector<1x16xf32> to vector<16xf32>
    %abs3A_814 = math.absf %get3A_813 : vector<16xf32>
    %ge3A_815 = arith.cmpf oge, %abs3A_814, %get3A_51 : vector<16xf32>
    %jit3A_816 = arith.constant 0.000000e+00 : f32
    %broadcast_in_dim3A_817 = vector.broadcast %jit3A_816 : f32 to vector<16xf32>
    %select_n3A_818 = arith.select %ge3A_815, %get3A_813, %broadcast_in_dim3A_817 : vector<16xi1>, vector<16xf32>
    %add3A_819 = arith.addf %add3A_808, %select_n3A_818 : vector<16xf32>
    %get3A_820 = arith.constant 7 : i32
    %get3A_821 = arith.index_cast %get3A_820 : i32 to index
    %get3A_822 = arith.constant 112 : index
    %get3A_823 = tpu.vector_load %arg6[%get3A_821, %get3A_822] {strides = array<i32>} : memref<8x512xf32, #tpu.memory_space<vmem>>, vector<1x16xf32>,
    %get3A_824 = vector.shape_cast %get3A_823 : vector<1x16xf32> to vector<16xf32>
    %abs3A_825 = math.absf %get3A_824 : vector<16xf32>
    %ge3A_826 = arith.cmpf oge, %abs3A_825, %get3A_56 : vector<16xf32>
    %jit3A_827 = arith.constant 0.000000e+00 : f32
    %broadcast_in_dim3A_828 = vector.broadcast %jit3A_827 : f32 to vector<16xf32>
    %select_n3A_829 = arith.select %ge3A_826, %get3A_824, %broadcast_in_dim3A_828 : vector<16xi1>, vector<16xf32>
    %add3A_830 = arith.addf %add3A_819, %select_n3A_829 : vector<16xf32>
    %swap3A_831 = arith.constant 112 : index
    %swap3A_832 = tpu.vector_load %arg9[%swap3A_831] {strides = array<i32>} : memref<512xf32, #tpu.memory_space<vmem>>, vector<16xf32>,
    %swap3A_833 = vector.shape_cast %swap3A_832 : vector<16xf32> to vector<16xf32>
    %swap3A_834 = vector.shape_cast %add3A_830 : vector<16xf32> to vector<16xf32>
    tpu.vector_store %arg9[%swap3A_831], %swap3A_834 {strides = array<i32>} : memref<512xf32, #tpu.memory_space<vmem>>, vector<16xf32>,
    %get3A_835 = arith.constant 128 : index
    %get3A_836 = tpu.vector_load %arg8[%get3A_835] {strides = array<i32>} : memref<512xf32, #tpu.memory_space<vmem>>, vector<16xf32>,
    %get3A_837 = vector.shape_cast %get3A_836 : vector<16xf32> to vector<16xf32>
    %mul3A_838 = arith.constant 8.000000e-01 : f32
    %mul3A_839 = vector.broadcast %mul3A_838 : f32 to vector<16xf32>
    %mul3A_840 = arith.mulf %get3A_837, %mul3A_839 : vector<16xf32>
    %get3A_841 = arith.constant 0 : i32
    %get3A_842 = arith.index_cast %get3A_841 : i32 to index
    %get3A_843 = arith.constant 128 : index
    %get3A_844 = tpu.vector_load %arg6[%get3A_842, %get3A_843] {strides = array<i32>} : memref<8x512xf32, #tpu.memory_space<vmem>>, vector<1x16xf32>,
    %get3A_845 = vector.shape_cast %get3A_844 : vector<1x16xf32> to vector<16xf32>
    %abs3A_846 = math.absf %get3A_845 : vector<16xf32>
    %ge3A_847 = arith.cmpf oge, %abs3A_846, %get3A_21 : vector<16xf32>
    %jit3A_848 = arith.constant 0.000000e+00 : f32
    %broadcast_in_dim3A_849 = vector.broadcast %jit3A_848 : f32 to vector<16xf32>
    %select_n3A_850 = arith.select %ge3A_847, %get3A_845, %broadcast_in_dim3A_849 : vector<16xi1>, vector<16xf32>
    %add3A_851 = arith.addf %mul3A_840, %select_n3A_850 : vector<16xf32>
    %get3A_852 = arith.constant 1 : i32
    %get3A_853 = arith.index_cast %get3A_852 : i32 to index
    %get3A_854 = arith.constant 128 : index
    %get3A_855 = tpu.vector_load %arg6[%get3A_853, %get3A_854] {strides = array<i32>} : memref<8x512xf32, #tpu.memory_space<vmem>>, vector<1x16xf32>,
    %get3A_856 = vector.shape_cast %get3A_855 : vector<1x16xf32> to vector<16xf32>
    %abs3A_857 = math.absf %get3A_856 : vector<16xf32>
    %ge3A_858 = arith.cmpf oge, %abs3A_857, %get3A_26 : vector<16xf32>
    %jit3A_859 = arith.constant 0.000000e+00 : f32
    %broadcast_in_dim3A_860 = vector.broadcast %jit3A_859 : f32 to vector<16xf32>
    %select_n3A_861 = arith.select %ge3A_858, %get3A_856, %broadcast_in_dim3A_860 : vector<16xi1>, vector<16xf32>
    %add3A_862 = arith.addf %add3A_851, %select_n3A_861 : vector<16xf32>
    %get3A_863 = arith.constant 2 : i32
    %get3A_864 = arith.index_cast %get3A_863 : i32 to index
    %get3A_865 = arith.constant 128 : index
    %get3A_866 = tpu.vector_load %arg6[%get3A_864, %get3A_865] {strides = array<i32>} : memref<8x512xf32, #tpu.memory_space<vmem>>, vector<1x16xf32>,
    %get3A_867 = vector.shape_cast %get3A_866 : vector<1x16xf32> to vector<16xf32>
    %abs3A_868 = math.absf %get3A_867 : vector<16xf32>
    %ge3A_869 = arith.cmpf oge, %abs3A_868, %get3A_31 : vector<16xf32>
    %jit3A_870 = arith.constant 0.000000e+00 : f32
    %broadcast_in_dim3A_871 = vector.broadcast %jit3A_870 : f32 to vector<16xf32>
    %select_n3A_872 = arith.select %ge3A_869, %get3A_867, %broadcast_in_dim3A_871 : vector<16xi1>, vector<16xf32>
    %add3A_873 = arith.addf %add3A_862, %select_n3A_872 : vector<16xf32>
    %get3A_874 = arith.constant 3 : i32
    %get3A_875 = arith.index_cast %get3A_874 : i32 to index
    %get3A_876 = arith.constant 128 : index
    %get3A_877 = tpu.vector_load %arg6[%get3A_875, %get3A_876] {strides = array<i32>} : memref<8x512xf32, #tpu.memory_space<vmem>>, vector<1x16xf32>,
    %get3A_878 = vector.shape_cast %get3A_877 : vector<1x16xf32> to vector<16xf32>
    %abs3A_879 = math.absf %get3A_878 : vector<16xf32>
    %ge3A_880 = arith.cmpf oge, %abs3A_879, %get3A_36 : vector<16xf32>
    %jit3A_881 = arith.constant 0.000000e+00 : f32
    %broadcast_in_dim3A_882 = vector.broadcast %jit3A_881 : f32 to vector<16xf32>
    %select_n3A_883 = arith.select %ge3A_880, %get3A_878, %broadcast_in_dim3A_882 : vector<16xi1>, vector<16xf32>
    %add3A_884 = arith.addf %add3A_873, %select_n3A_883 : vector<16xf32>
    %get3A_885 = arith.constant 4 : i32
    %get3A_886 = arith.index_cast %get3A_885 : i32 to index
    %get3A_887 = arith.constant 128 : index
    %get3A_888 = tpu.vector_load %arg6[%get3A_886, %get3A_887] {strides = array<i32>} : memref<8x512xf32, #tpu.memory_space<vmem>>, vector<1x16xf32>,
    %get3A_889 = vector.shape_cast %get3A_888 : vector<1x16xf32> to vector<16xf32>
    %abs3A_890 = math.absf %get3A_889 : vector<16xf32>
    %ge3A_891 = arith.cmpf oge, %abs3A_890, %get3A_41 : vector<16xf32>
    %jit3A_892 = arith.constant 0.000000e+00 : f32
    %broadcast_in_dim3A_893 = vector.broadcast %jit3A_892 : f32 to vector<16xf32>
    %select_n3A_894 = arith.select %ge3A_891, %get3A_889, %broadcast_in_dim3A_893 : vector<16xi1>, vector<16xf32>
    %add3A_895 = arith.addf %add3A_884, %select_n3A_894 : vector<16xf32>
    %get3A_896 = arith.constant 5 : i32
    %get3A_897 = arith.index_cast %get3A_896 : i32 to index
    %get3A_898 = arith.constant 128 : index
    %get3A_899 = tpu.vector_load %arg6[%get3A_897, %get3A_898] {strides = array<i32>} : memref<8x512xf32, #tpu.memory_space<vmem>>, vector<1x16xf32>,
    %get3A_900 = vector.shape_cast %get3A_899 : vector<1x16xf32> to vector<16xf32>
    %abs3A_901 = math.absf %get3A_900 : vector<16xf32>
    %ge3A_902 = arith.cmpf oge, %abs3A_901, %get3A_46 : vector<16xf32>
    %jit3A_903 = arith.constant 0.000000e+00 : f32
    %broadcast_in_dim3A_904 = vector.broadcast %jit3A_903 : f32 to vector<16xf32>
    %select_n3A_905 = arith.select %ge3A_902, %get3A_900, %broadcast_in_dim3A_904 : vector<16xi1>, vector<16xf32>
    %add3A_906 = arith.addf %add3A_895, %select_n3A_905 : vector<16xf32>
    %get3A_907 = arith.constant 6 : i32
    %get3A_908 = arith.index_cast %get3A_907 : i32 to index
    %get3A_909 = arith.constant 128 : index
    %get3A_910 = tpu.vector_load %arg6[%get3A_908, %get3A_909] {strides = array<i32>} : memref<8x512xf32, #tpu.memory_space<vmem>>, vector<1x16xf32>,
    %get3A_911 = vector.shape_cast %get3A_910 : vector<1x16xf32> to vector<16xf32>
    %abs3A_912 = math.absf %get3A_911 : vector<16xf32>
    %ge3A_913 = arith.cmpf oge, %abs3A_912, %get3A_51 : vector<16xf32>
    %jit3A_914 = arith.constant 0.000000e+00 : f32
    %broadcast_in_dim3A_915 = vector.broadcast %jit3A_914 : f32 to vector<16xf32>
    %select_n3A_916 = arith.select %ge3A_913, %get3A_911, %broadcast_in_dim3A_915 : vector<16xi1>, vector<16xf32>
    %add3A_917 = arith.addf %add3A_906, %select_n3A_916 : vector<16xf32>
    %get3A_918 = arith.constant 7 : i32
    %get3A_919 = arith.index_cast %get3A_918 : i32 to index
    %get3A_920 = arith.constant 128 : index
    %get3A_921 = tpu.vector_load %arg6[%get3A_919, %get3A_920] {strides = array<i32>} : memref<8x512xf32, #tpu.memory_space<vmem>>, vector<1x16xf32>,
    %get3A_922 = vector.shape_cast %get3A_921 : vector<1x16xf32> to vector<16xf32>
    %abs3A_923 = math.absf %get3A_922 : vector<16xf32>
    %ge3A_924 = arith.cmpf oge, %abs3A_923, %get3A_56 : vector<16xf32>
    %jit3A_925 = arith.constant 0.000000e+00 : f32
    %broadcast_in_dim3A_926 = vector.broadcast %jit3A_925 : f32 to vector<16xf32>
    %select_n3A_927 = arith.select %ge3A_924, %get3A_922, %broadcast_in_dim3A_926 : vector<16xi1>, vector<16xf32>
    %add3A_928 = arith.addf %add3A_917, %select_n3A_927 : vector<16xf32>
    %swap3A_929 = arith.constant 128 : index
    %swap3A_930 = tpu.vector_load %arg9[%swap3A_929] {strides = array<i32>} : memref<512xf32, #tpu.memory_space<vmem>>, vector<16xf32>,
    %swap3A_931 = vector.shape_cast %swap3A_930 : vector<16xf32> to vector<16xf32>
    %swap3A_932 = vector.shape_cast %add3A_928 : vector<16xf32> to vector<16xf32>
    tpu.vector_store %arg9[%swap3A_929], %swap3A_932 {strides = array<i32>} : memref<512xf32, #tpu.memory_space<vmem>>, vector<16xf32>,
    %get3A_933 = arith.constant 144 : index
    %get3A_934 = tpu.vector_load %arg8[%get3A_933] {strides = array<i32>} : memref<512xf32, #tpu.memory_space<vmem>>, vector<16xf32>,
    %get3A_935 = vector.shape_cast %get3A_934 : vector<16xf32> to vector<16xf32>
    %mul3A_936 = arith.constant 8.000000e-01 : f32
    %mul3A_937 = vector.broadcast %mul3A_936 : f32 to vector<16xf32>
    %mul3A_938 = arith.mulf %get3A_935, %mul3A_937 : vector<16xf32>
    %get3A_939 = arith.constant 0 : i32
    %get3A_940 = arith.index_cast %get3A_939 : i32 to index
    %get3A_941 = arith.constant 144 : index
    %get3A_942 = tpu.vector_load %arg6[%get3A_940, %get3A_941] {strides = array<i32>} : memref<8x512xf32, #tpu.memory_space<vmem>>, vector<1x16xf32>,
    %get3A_943 = vector.shape_cast %get3A_942 : vector<1x16xf32> to vector<16xf32>
    %abs3A_944 = math.absf %get3A_943 : vector<16xf32>
    %ge3A_945 = arith.cmpf oge, %abs3A_944, %get3A_21 : vector<16xf32>
    %jit3A_946 = arith.constant 0.000000e+00 : f32
    %broadcast_in_dim3A_947 = vector.broadcast %jit3A_946 : f32 to vector<16xf32>
    %select_n3A_948 = arith.select %ge3A_945, %get3A_943, %broadcast_in_dim3A_947 : vector<16xi1>, vector<16xf32>
    %add3A_949 = arith.addf %mul3A_938, %select_n3A_948 : vector<16xf32>
    %get3A_950 = arith.constant 1 : i32
    %get3A_951 = arith.index_cast %get3A_950 : i32 to index
    %get3A_952 = arith.constant 144 : index
    %get3A_953 = tpu.vector_load %arg6[%get3A_951, %get3A_952] {strides = array<i32>} : memref<8x512xf32, #tpu.memory_space<vmem>>, vector<1x16xf32>,
    %get3A_954 = vector.shape_cast %get3A_953 : vector<1x16xf32> to vector<16xf32>
    %abs3A_955 = math.absf %get3A_954 : vector<16xf32>
    %ge3A_956 = arith.cmpf oge, %abs3A_955, %get3A_26 : vector<16xf32>
    %jit3A_957 = arith.constant 0.000000e+00 : f32
    %broadcast_in_dim3A_958 = vector.broadcast %jit3A_957 : f32 to vector<16xf32>
    %select_n3A_959 = arith.select %ge3A_956, %get3A_954, %broadcast_in_dim3A_958 : vector<16xi1>, vector<16xf32>
    %add3A_960 = arith.addf %add3A_949, %select_n3A_959 : vector<16xf32>
    %get3A_961 = arith.constant 2 : i32
    %get3A_962 = arith.index_cast %get3A_961 : i32 to index
    %get3A_963 = arith.constant 144 : index
    %get3A_964 = tpu.vector_load %arg6[%get3A_962, %get3A_963] {strides = array<i32>} : memref<8x512xf32, #tpu.memory_space<vmem>>, vector<1x16xf32>,
    %get3A_965 = vector.shape_cast %get3A_964 : vector<1x16xf32> to vector<16xf32>
    %abs3A_966 = math.absf %get3A_965 : vector<16xf32>
    %ge3A_967 = arith.cmpf oge, %abs3A_966, %get3A_31 : vector<16xf32>
    %jit3A_968 = arith.constant 0.000000e+00 : f32
    %broadcast_in_dim3A_969 = vector.broadcast %jit3A_968 : f32 to vector<16xf32>
    %select_n3A_970 = arith.select %ge3A_967, %get3A_965, %broadcast_in_dim3A_969 : vector<16xi1>, vector<16xf32>
    %add3A_971 = arith.addf %add3A_960, %select_n3A_970 : vector<16xf32>
    %get3A_972 = arith.constant 3 : i32
    %get3A_973 = arith.index_cast %get3A_972 : i32 to index
    %get3A_974 = arith.constant 144 : index
    %get3A_975 = tpu.vector_load %arg6[%get3A_973, %get3A_974] {strides = array<i32>} : memref<8x512xf32, #tpu.memory_space<vmem>>, vector<1x16xf32>,
    %get3A_976 = vector.shape_cast %get3A_975 : vector<1x16xf32> to vector<16xf32>
    %abs3A_977 = math.absf %get3A_976 : vector<16xf32>
    %ge3A_978 = arith.cmpf oge, %abs3A_977, %get3A_36 : vector<16xf32>
    %jit3A_979 = arith.constant 0.000000e+00 : f32
    %broadcast_in_dim3A_980 = vector.broadcast %jit3A_979 : f32 to vector<16xf32>
    %select_n3A_981 = arith.select %ge3A_978, %get3A_976, %broadcast_in_dim3A_980 : vector<16xi1>, vector<16xf32>
    %add3A_982 = arith.addf %add3A_971, %select_n3A_981 : vector<16xf32>
    %get3A_983 = arith.constant 4 : i32
    %get3A_984 = arith.index_cast %get3A_983 : i32 to index
    %get3A_985 = arith.constant 144 : index
    %get3A_986 = tpu.vector_load %arg6[%get3A_984, %get3A_985] {strides = array<i32>} : memref<8x512xf32, #tpu.memory_space<vmem>>, vector<1x16xf32>,
    %get3A_987 = vector.shape_cast %get3A_986 : vector<1x16xf32> to vector<16xf32>
    %abs3A_988 = math.absf %get3A_987 : vector<16xf32>
    %ge3A_989 = arith.cmpf oge, %abs3A_988, %get3A_41 : vector<16xf32>
    %jit3A_990 = arith.constant 0.000000e+00 : f32
    %broadcast_in_dim3A_991 = vector.broadcast %jit3A_990 : f32 to vector<16xf32>
    %select_n3A_992 = arith.select %ge3A_989, %get3A_987, %broadcast_in_dim3A_991 : vector<16xi1>, vector<16xf32>
    %add3A_993 = arith.addf %add3A_982, %select_n3A_992 : vector<16xf32>
    %get3A_994 = arith.constant 5 : i32
    %get3A_995 = arith.index_cast %get3A_994 : i32 to index
    %get3A_996 = arith.constant 144 : index
    %get3A_997 = tpu.vector_load %arg6[%get3A_995, %get3A_996] {strides = array<i32>} : memref<8x512xf32, #tpu.memory_space<vmem>>, vector<1x16xf32>,
    %get3A_998 = vector.shape_cast %get3A_997 : vector<1x16xf32> to vector<16xf32>
    %abs3A_999 = math.absf %get3A_998 : vector<16xf32>
    %ge3A_1000 = arith.cmpf oge, %abs3A_999, %get3A_46 : vector<16xf32>
    %jit3A_1001 = arith.constant 0.000000e+00 : f32
    %broadcast_in_dim3A_1002 = vector.broadcast %jit3A_1001 : f32 to vector<16xf32>
    %select_n3A_1003 = arith.select %ge3A_1000, %get3A_998, %broadcast_in_dim3A_1002 : vector<16xi1>, vector<16xf32>
    %add3A_1004 = arith.addf %add3A_993, %select_n3A_1003 : vector<16xf32>
    %get3A_1005 = arith.constant 6 : i32
    %get3A_1006 = arith.index_cast %get3A_1005 : i32 to index
    %get3A_1007 = arith.constant 144 : index
    %get3A_1008 = tpu.vector_load %arg6[%get3A_1006, %get3A_1007] {strides = array<i32>} : memref<8x512xf32, #tpu.memory_space<vmem>>, vector<1x16xf32>,
    %get3A_1009 = vector.shape_cast %get3A_1008 : vector<1x16xf32> to vector<16xf32>
    %abs3A_1010 = math.absf %get3A_1009 : vector<16xf32>
    %ge3A_1011 = arith.cmpf oge, %abs3A_1010, %get3A_51 : vector<16xf32>
    %jit3A_1012 = arith.constant 0.000000e+00 : f32
    %broadcast_in_dim3A_1013 = vector.broadcast %jit3A_1012 : f32 to vector<16xf32>
    %select_n3A_1014 = arith.select %ge3A_1011, %get3A_1009, %broadcast_in_dim3A_1013 : vector<16xi1>, vector<16xf32>
    %add3A_1015 = arith.addf %add3A_1004, %select_n3A_1014 : vector<16xf32>
    %get3A_1016 = arith.constant 7 : i32
    %get3A_1017 = arith.index_cast %get3A_1016 : i32 to index
    %get3A_1018 = arith.constant 144 : index
    %get3A_1019 = tpu.vector_load %arg6[%get3A_1017, %get3A_1018] {strides = array<i32>} : memref<8x512xf32, #tpu.memory_space<vmem>>, vector<1x16xf32>,
    %get3A_1020 = vector.shape_cast %get3A_1019 : vector<1x16xf32> to vector<16xf32>
    %abs3A_1021 = math.absf %get3A_1020 : vector<16xf32>
    %ge3A_1022 = arith.cmpf oge, %abs3A_1021, %get3A_56 : vector<16xf32>
    %jit3A_1023 = arith.constant 0.000000e+00 : f32
    %broadcast_in_dim3A_1024 = vector.broadcast %jit3A_1023 : f32 to vector<16xf32>
    %select_n3A_1025 = arith.select %ge3A_1022, %get3A_1020, %broadcast_in_dim3A_1024 : vector<16xi1>, vector<16xf32>
    %add3A_1026 = arith.addf %add3A_1015, %select_n3A_1025 : vector<16xf32>
    %swap3A_1027 = arith.constant 144 : index
    %swap3A_1028 = tpu.vector_load %arg9[%swap3A_1027] {strides = array<i32>} : memref<512xf32, #tpu.memory_space<vmem>>, vector<16xf32>,
    %swap3A_1029 = vector.shape_cast %swap3A_1028 : vector<16xf32> to vector<16xf32>
    %swap3A_1030 = vector.shape_cast %add3A_1026 : vector<16xf32> to vector<16xf32>
    tpu.vector_store %arg9[%swap3A_1027], %swap3A_1030 {strides = array<i32>} : memref<512xf32, #tpu.memory_space<vmem>>, vector<16xf32>,
    %get3A_1031 = arith.constant 160 : index
    %get3A_1032 = tpu.vector_load %arg8[%get3A_1031] {strides = array<i32>} : memref<512xf32, #tpu.memory_space<vmem>>, vector<16xf32>,
    %get3A_1033 = vector.shape_cast %get3A_1032 : vector<16xf32> to vector<16xf32>
    %mul3A_1034 = arith.constant 8.000000e-01 : f32
    %mul3A_1035 = vector.broadcast %mul3A_1034 : f32 to vector<16xf32>
    %mul3A_1036 = arith.mulf %get3A_1033, %mul3A_1035 : vector<16xf32>
    %get3A_1037 = arith.constant 0 : i32
    %get3A_1038 = arith.index_cast %get3A_1037 : i32 to index
    %get3A_1039 = arith.constant 160 : index
    %get3A_1040 = tpu.vector_load %arg6[%get3A_1038, %get3A_1039] {strides = array<i32>} : memref<8x512xf32, #tpu.memory_space<vmem>>, vector<1x16xf32>,
    %get3A_1041 = vector.shape_cast %get3A_1040 : vector<1x16xf32> to vector<16xf32>
    %abs3A_1042 = math.absf %get3A_1041 : vector<16xf32>
    %ge3A_1043 = arith.cmpf oge, %abs3A_1042, %get3A_21 : vector<16xf32>
    %jit3A_1044 = arith.constant 0.000000e+00 : f32
    %broadcast_in_dim3A_1045 = vector.broadcast %jit3A_1044 : f32 to vector<16xf32>
    %select_n3A_1046 = arith.select %ge3A_1043, %get3A_1041, %broadcast_in_dim3A_1045 : vector<16xi1>, vector<16xf32>
    %add3A_1047 = arith.addf %mul3A_1036, %select_n3A_1046 : vector<16xf32>
    %get3A_1048 = arith.constant 1 : i32
    %get3A_1049 = arith.index_cast %get3A_1048 : i32 to index
    %get3A_1050 = arith.constant 160 : index
    %get3A_1051 = tpu.vector_load %arg6[%get3A_1049, %get3A_1050] {strides = array<i32>} : memref<8x512xf32, #tpu.memory_space<vmem>>, vector<1x16xf32>,
    %get3A_1052 = vector.shape_cast %get3A_1051 : vector<1x16xf32> to vector<16xf32>
    %abs3A_1053 = math.absf %get3A_1052 : vector<16xf32>
    %ge3A_1054 = arith.cmpf oge, %abs3A_1053, %get3A_26 : vector<16xf32>
    %jit3A_1055 = arith.constant 0.000000e+00 : f32
    %broadcast_in_dim3A_1056 = vector.broadcast %jit3A_1055 : f32 to vector<16xf32>
    %select_n3A_1057 = arith.select %ge3A_1054, %get3A_1052, %broadcast_in_dim3A_1056 : vector<16xi1>, vector<16xf32>
    %add3A_1058 = arith.addf %add3A_1047, %select_n3A_1057 : vector<16xf32>
    %get3A_1059 = arith.constant 2 : i32
    %get3A_1060 = arith.index_cast %get3A_1059 : i32 to index
    %get3A_1061 = arith.constant 160 : index
    %get3A_1062 = tpu.vector_load %arg6[%get3A_1060, %get3A_1061] {strides = array<i32>} : memref<8x512xf32, #tpu.memory_space<vmem>>, vector<1x16xf32>,
    %get3A_1063 = vector.shape_cast %get3A_1062 : vector<1x16xf32> to vector<16xf32>
    %abs3A_1064 = math.absf %get3A_1063 : vector<16xf32>
    %ge3A_1065 = arith.cmpf oge, %abs3A_1064, %get3A_31 : vector<16xf32>
    %jit3A_1066 = arith.constant 0.000000e+00 : f32
    %broadcast_in_dim3A_1067 = vector.broadcast %jit3A_1066 : f32 to vector<16xf32>
    %select_n3A_1068 = arith.select %ge3A_1065, %get3A_1063, %broadcast_in_dim3A_1067 : vector<16xi1>, vector<16xf32>
    %add3A_1069 = arith.addf %add3A_1058, %select_n3A_1068 : vector<16xf32>
    %get3A_1070 = arith.constant 3 : i32
    %get3A_1071 = arith.index_cast %get3A_1070 : i32 to index
    %get3A_1072 = arith.constant 160 : index
    %get3A_1073 = tpu.vector_load %arg6[%get3A_1071, %get3A_1072] {strides = array<i32>} : memref<8x512xf32, #tpu.memory_space<vmem>>, vector<1x16xf32>,
    %get3A_1074 = vector.shape_cast %get3A_1073 : vector<1x16xf32> to vector<16xf32>
    %abs3A_1075 = math.absf %get3A_1074 : vector<16xf32>
    %ge3A_1076 = arith.cmpf oge, %abs3A_1075, %get3A_36 : vector<16xf32>
    %jit3A_1077 = arith.constant 0.000000e+00 : f32
    %broadcast_in_dim3A_1078 = vector.broadcast %jit3A_1077 : f32 to vector<16xf32>
    %select_n3A_1079 = arith.select %ge3A_1076, %get3A_1074, %broadcast_in_dim3A_1078 : vector<16xi1>, vector<16xf32>
    %add3A_1080 = arith.addf %add3A_1069, %select_n3A_1079 : vector<16xf32>
    %get3A_1081 = arith.constant 4 : i32
    %get3A_1082 = arith.index_cast %get3A_1081 : i32 to index
    %get3A_1083 = arith.constant 160 : index
    %get3A_1084 = tpu.vector_load %arg6[%get3A_1082, %get3A_1083] {strides = array<i32>} : memref<8x512xf32, #tpu.memory_space<vmem>>, vector<1x16xf32>,
    %get3A_1085 = vector.shape_cast %get3A_1084 : vector<1x16xf32> to vector<16xf32>
    %abs3A_1086 = math.absf %get3A_1085 : vector<16xf32>
    %ge3A_1087 = arith.cmpf oge, %abs3A_1086, %get3A_41 : vector<16xf32>
    %jit3A_1088 = arith.constant 0.000000e+00 : f32
    %broadcast_in_dim3A_1089 = vector.broadcast %jit3A_1088 : f32 to vector<16xf32>
    %select_n3A_1090 = arith.select %ge3A_1087, %get3A_1085, %broadcast_in_dim3A_1089 : vector<16xi1>, vector<16xf32>
    %add3A_1091 = arith.addf %add3A_1080, %select_n3A_1090 : vector<16xf32>
    %get3A_1092 = arith.constant 5 : i32
    %get3A_1093 = arith.index_cast %get3A_1092 : i32 to index
    %get3A_1094 = arith.constant 160 : index
    %get3A_1095 = tpu.vector_load %arg6[%get3A_1093, %get3A_1094] {strides = array<i32>} : memref<8x512xf32, #tpu.memory_space<vmem>>, vector<1x16xf32>,
    %get3A_1096 = vector.shape_cast %get3A_1095 : vector<1x16xf32> to vector<16xf32>
    %abs3A_1097 = math.absf %get3A_1096 : vector<16xf32>
    %ge3A_1098 = arith.cmpf oge, %abs3A_1097, %get3A_46 : vector<16xf32>
    %jit3A_1099 = arith.constant 0.000000e+00 : f32
    %broadcast_in_dim3A_1100 = vector.broadcast %jit3A_1099 : f32 to vector<16xf32>
    %select_n3A_1101 = arith.select %ge3A_1098, %get3A_1096, %broadcast_in_dim3A_1100 : vector<16xi1>, vector<16xf32>
    %add3A_1102 = arith.addf %add3A_1091, %select_n3A_1101 : vector<16xf32>
    %get3A_1103 = arith.constant 6 : i32
    %get3A_1104 = arith.index_cast %get3A_1103 : i32 to index
    %get3A_1105 = arith.constant 160 : index
    %get3A_1106 = tpu.vector_load %arg6[%get3A_1104, %get3A_1105] {strides = array<i32>} : memref<8x512xf32, #tpu.memory_space<vmem>>, vector<1x16xf32>,
    %get3A_1107 = vector.shape_cast %get3A_1106 : vector<1x16xf32> to vector<16xf32>
    %abs3A_1108 = math.absf %get3A_1107 : vector<16xf32>
    %ge3A_1109 = arith.cmpf oge, %abs3A_1108, %get3A_51 : vector<16xf32>
    %jit3A_1110 = arith.constant 0.000000e+00 : f32
    %broadcast_in_dim3A_1111 = vector.broadcast %jit3A_1110 : f32 to vector<16xf32>
    %select_n3A_1112 = arith.select %ge3A_1109, %get3A_1107, %broadcast_in_dim3A_1111 : vector<16xi1>, vector<16xf32>
    %add3A_1113 = arith.addf %add3A_1102, %select_n3A_1112 : vector<16xf32>
    %get3A_1114 = arith.constant 7 : i32
    %get3A_1115 = arith.index_cast %get3A_1114 : i32 to index
    %get3A_1116 = arith.constant 160 : index
    %get3A_1117 = tpu.vector_load %arg6[%get3A_1115, %get3A_1116] {strides = array<i32>} : memref<8x512xf32, #tpu.memory_space<vmem>>, vector<1x16xf32>,
    %get3A_1118 = vector.shape_cast %get3A_1117 : vector<1x16xf32> to vector<16xf32>
    %abs3A_1119 = math.absf %get3A_1118 : vector<16xf32>
    %ge3A_1120 = arith.cmpf oge, %abs3A_1119, %get3A_56 : vector<16xf32>
    %jit3A_1121 = arith.constant 0.000000e+00 : f32
    %broadcast_in_dim3A_1122 = vector.broadcast %jit3A_1121 : f32 to vector<16xf32>
    %select_n3A_1123 = arith.select %ge3A_1120, %get3A_1118, %broadcast_in_dim3A_1122 : vector<16xi1>, vector<16xf32>
    %add3A_1124 = arith.addf %add3A_1113, %select_n3A_1123 : vector<16xf32>
    %swap3A_1125 = arith.constant 160 : index
    %swap3A_1126 = tpu.vector_load %arg9[%swap3A_1125] {strides = array<i32>} : memref<512xf32, #tpu.memory_space<vmem>>, vector<16xf32>,
    %swap3A_1127 = vector.shape_cast %swap3A_1126 : vector<16xf32> to vector<16xf32>
    %swap3A_1128 = vector.shape_cast %add3A_1124 : vector<16xf32> to vector<16xf32>
    tpu.vector_store %arg9[%swap3A_1125], %swap3A_1128 {strides = array<i32>} : memref<512xf32, #tpu.memory_space<vmem>>, vector<16xf32>,
    %get3A_1129 = arith.constant 176 : index
    %get3A_1130 = tpu.vector_load %arg8[%get3A_1129] {strides = array<i32>} : memref<512xf32, #tpu.memory_space<vmem>>, vector<16xf32>,
    %get3A_1131 = vector.shape_cast %get3A_1130 : vector<16xf32> to vector<16xf32>
    %mul3A_1132 = arith.constant 8.000000e-01 : f32
    %mul3A_1133 = vector.broadcast %mul3A_1132 : f32 to vector<16xf32>
    %mul3A_1134 = arith.mulf %get3A_1131, %mul3A_1133 : vector<16xf32>
    %get3A_1135 = arith.constant 0 : i32
    %get3A_1136 = arith.index_cast %get3A_1135 : i32 to index
    %get3A_1137 = arith.constant 176 : index
    %get3A_1138 = tpu.vector_load %arg6[%get3A_1136, %get3A_1137] {strides = array<i32>} : memref<8x512xf32, #tpu.memory_space<vmem>>, vector<1x16xf32>,
    %get3A_1139 = vector.shape_cast %get3A_1138 : vector<1x16xf32> to vector<16xf32>
    %abs3A_1140 = math.absf %get3A_1139 : vector<16xf32>
    %ge3A_1141 = arith.cmpf oge, %abs3A_1140, %get3A_21 : vector<16xf32>
    %jit3A_1142 = arith.constant 0.000000e+00 : f32
    %broadcast_in_dim3A_1143 = vector.broadcast %jit3A_1142 : f32 to vector<16xf32>
    %select_n3A_1144 = arith.select %ge3A_1141, %get3A_1139, %broadcast_in_dim3A_1143 : vector<16xi1>, vector<16xf32>
    %add3A_1145 = arith.addf %mul3A_1134, %select_n3A_1144 : vector<16xf32>
    %get3A_1146 = arith.constant 1 : i32
    %get3A_1147 = arith.index_cast %get3A_1146 : i32 to index
    %get3A_1148 = arith.constant 176 : index
    %get3A_1149 = tpu.vector_load %arg6[%get3A_1147, %get3A_1148] {strides = array<i32>} : memref<8x512xf32, #tpu.memory_space<vmem>>, vector<1x16xf32>,
    %get3A_1150 = vector.shape_cast %get3A_1149 : vector<1x16xf32> to vector<16xf32>
    %abs3A_1151 = math.absf %get3A_1150 : vector<16xf32>
    %ge3A_1152 = arith.cmpf oge, %abs3A_1151, %get3A_26 : vector<16xf32>
    %jit3A_1153 = arith.constant 0.000000e+00 : f32
    %broadcast_in_dim3A_1154 = vector.broadcast %jit3A_1153 : f32 to vector<16xf32>
    %select_n3A_1155 = arith.select %ge3A_1152, %get3A_1150, %broadcast_in_dim3A_1154 : vector<16xi1>, vector<16xf32>
    %add3A_1156 = arith.addf %add3A_1145, %select_n3A_1155 : vector<16xf32>
    %get3A_1157 = arith.constant 2 : i32
    %get3A_1158 = arith.index_cast %get3A_1157 : i32 to index
    %get3A_1159 = arith.constant 176 : index
    %get3A_1160 = tpu.vector_load %arg6[%get3A_1158, %get3A_1159] {strides = array<i32>} : memref<8x512xf32, #tpu.memory_space<vmem>>, vector<1x16xf32>,
    %get3A_1161 = vector.shape_cast %get3A_1160 : vector<1x16xf32> to vector<16xf32>
    %abs3A_1162 = math.absf %get3A_1161 : vector<16xf32>
    %ge3A_1163 = arith.cmpf oge, %abs3A_1162, %get3A_31 : vector<16xf32>
    %jit3A_1164 = arith.constant 0.000000e+00 : f32
    %broadcast_in_dim3A_1165 = vector.broadcast %jit3A_1164 : f32 to vector<16xf32>
    %select_n3A_1166 = arith.select %ge3A_1163, %get3A_1161, %broadcast_in_dim3A_1165 : vector<16xi1>, vector<16xf32>
    %add3A_1167 = arith.addf %add3A_1156, %select_n3A_1166 : vector<16xf32>
    %get3A_1168 = arith.constant 3 : i32
    %get3A_1169 = arith.index_cast %get3A_1168 : i32 to index
    %get3A_1170 = arith.constant 176 : index
    %get3A_1171 = tpu.vector_load %arg6[%get3A_1169, %get3A_1170] {strides = array<i32>} : memref<8x512xf32, #tpu.memory_space<vmem>>, vector<1x16xf32>,
    %get3A_1172 = vector.shape_cast %get3A_1171 : vector<1x16xf32> to vector<16xf32>
    %abs3A_1173 = math.absf %get3A_1172 : vector<16xf32>
    %ge3A_1174 = arith.cmpf oge, %abs3A_1173, %get3A_36 : vector<16xf32>
    %jit3A_1175 = arith.constant 0.000000e+00 : f32
    %broadcast_in_dim3A_1176 = vector.broadcast %jit3A_1175 : f32 to vector<16xf32>
    %select_n3A_1177 = arith.select %ge3A_1174, %get3A_1172, %broadcast_in_dim3A_1176 : vector<16xi1>, vector<16xf32>
    %add3A_1178 = arith.addf %add3A_1167, %select_n3A_1177 : vector<16xf32>
    %get3A_1179 = arith.constant 4 : i32
    %get3A_1180 = arith.index_cast %get3A_1179 : i32 to index
    %get3A_1181 = arith.constant 176 : index
    %get3A_1182 = tpu.vector_load %arg6[%get3A_1180, %get3A_1181] {strides = array<i32>} : memref<8x512xf32, #tpu.memory_space<vmem>>, vector<1x16xf32>,
    %get3A_1183 = vector.shape_cast %get3A_1182 : vector<1x16xf32> to vector<16xf32>
    %abs3A_1184 = math.absf %get3A_1183 : vector<16xf32>
    %ge3A_1185 = arith.cmpf oge, %abs3A_1184, %get3A_41 : vector<16xf32>
    %jit3A_1186 = arith.constant 0.000000e+00 : f32
    %broadcast_in_dim3A_1187 = vector.broadcast %jit3A_1186 : f32 to vector<16xf32>
    %select_n3A_1188 = arith.select %ge3A_1185, %get3A_1183, %broadcast_in_dim3A_1187 : vector<16xi1>, vector<16xf32>
    %add3A_1189 = arith.addf %add3A_1178, %select_n3A_1188 : vector<16xf32>
    %get3A_1190 = arith.constant 5 : i32
    %get3A_1191 = arith.index_cast %get3A_1190 : i32 to index
    %get3A_1192 = arith.constant 176 : index
    %get3A_1193 = tpu.vector_load %arg6[%get3A_1191, %get3A_1192] {strides = array<i32>} : memref<8x512xf32, #tpu.memory_space<vmem>>, vector<1x16xf32>,
    %get3A_1194 = vector.shape_cast %get3A_1193 : vector<1x16xf32> to vector<16xf32>
    %abs3A_1195 = math.absf %get3A_1194 : vector<16xf32>
    %ge3A_1196 = arith.cmpf oge, %abs3A_1195, %get3A_46 : vector<16xf32>
    %jit3A_1197 = arith.constant 0.000000e+00 : f32
    %broadcast_in_dim3A_1198 = vector.broadcast %jit3A_1197 : f32 to vector<16xf32>
    %select_n3A_1199 = arith.select %ge3A_1196, %get3A_1194, %broadcast_in_dim3A_1198 : vector<16xi1>, vector<16xf32>
    %add3A_1200 = arith.addf %add3A_1189, %select_n3A_1199 : vector<16xf32>
    %get3A_1201 = arith.constant 6 : i32
    %get3A_1202 = arith.index_cast %get3A_1201 : i32 to index
    %get3A_1203 = arith.constant 176 : index
    %get3A_1204 = tpu.vector_load %arg6[%get3A_1202, %get3A_1203] {strides = array<i32>} : memref<8x512xf32, #tpu.memory_space<vmem>>, vector<1x16xf32>,
    %get3A_1205 = vector.shape_cast %get3A_1204 : vector<1x16xf32> to vector<16xf32>
    %abs3A_1206 = math.absf %get3A_1205 : vector<16xf32>
    %ge3A_1207 = arith.cmpf oge, %abs3A_1206, %get3A_51 : vector<16xf32>
    %jit3A_1208 = arith.constant 0.000000e+00 : f32
    %broadcast_in_dim3A_1209 = vector.broadcast %jit3A_1208 : f32 to vector<16xf32>
    %select_n3A_1210 = arith.select %ge3A_1207, %get3A_1205, %broadcast_in_dim3A_1209 : vector<16xi1>, vector<16xf32>
    %add3A_1211 = arith.addf %add3A_1200, %select_n3A_1210 : vector<16xf32>
    %get3A_1212 = arith.constant 7 : i32
    %get3A_1213 = arith.index_cast %get3A_1212 : i32 to index
    %get3A_1214 = arith.constant 176 : index
    %get3A_1215 = tpu.vector_load %arg6[%get3A_1213, %get3A_1214] {strides = array<i32>} : memref<8x512xf32, #tpu.memory_space<vmem>>, vector<1x16xf32>,
    %get3A_1216 = vector.shape_cast %get3A_1215 : vector<1x16xf32> to vector<16xf32>
    %abs3A_1217 = math.absf %get3A_1216 : vector<16xf32>
    %ge3A_1218 = arith.cmpf oge, %abs3A_1217, %get3A_56 : vector<16xf32>
    %jit3A_1219 = arith.constant 0.000000e+00 : f32
    %broadcast_in_dim3A_1220 = vector.broadcast %jit3A_1219 : f32 to vector<16xf32>
    %select_n3A_1221 = arith.select %ge3A_1218, %get3A_1216, %broadcast_in_dim3A_1220 : vector<16xi1>, vector<16xf32>
    %add3A_1222 = arith.addf %add3A_1211, %select_n3A_1221 : vector<16xf32>
    %swap3A_1223 = arith.constant 176 : index
    %swap3A_1224 = tpu.vector_load %arg9[%swap3A_1223] {strides = array<i32>} : memref<512xf32, #tpu.memory_space<vmem>>, vector<16xf32>,
    %swap3A_1225 = vector.shape_cast %swap3A_1224 : vector<16xf32> to vector<16xf32>
    %swap3A_1226 = vector.shape_cast %add3A_1222 : vector<16xf32> to vector<16xf32>
    tpu.vector_store %arg9[%swap3A_1223], %swap3A_1226 {strides = array<i32>} : memref<512xf32, #tpu.memory_space<vmem>>, vector<16xf32>,
    %get3A_1227 = arith.constant 192 : index
    %get3A_1228 = tpu.vector_load %arg8[%get3A_1227] {strides = array<i32>} : memref<512xf32, #tpu.memory_space<vmem>>, vector<16xf32>,
    %get3A_1229 = vector.shape_cast %get3A_1228 : vector<16xf32> to vector<16xf32>
    %mul3A_1230 = arith.constant 8.000000e-01 : f32
    %mul3A_1231 = vector.broadcast %mul3A_1230 : f32 to vector<16xf32>
    %mul3A_1232 = arith.mulf %get3A_1229, %mul3A_1231 : vector<16xf32>
    %get3A_1233 = arith.constant 0 : i32
    %get3A_1234 = arith.index_cast %get3A_1233 : i32 to index
    %get3A_1235 = arith.constant 192 : index
    %get3A_1236 = tpu.vector_load %arg6[%get3A_1234, %get3A_1235] {strides = array<i32>} : memref<8x512xf32, #tpu.memory_space<vmem>>, vector<1x16xf32>,
    %get3A_1237 = vector.shape_cast %get3A_1236 : vector<1x16xf32> to vector<16xf32>
    %abs3A_1238 = math.absf %get3A_1237 : vector<16xf32>
    %ge3A_1239 = arith.cmpf oge, %abs3A_1238, %get3A_21 : vector<16xf32>
    %jit3A_1240 = arith.constant 0.000000e+00 : f32
    %broadcast_in_dim3A_1241 = vector.broadcast %jit3A_1240 : f32 to vector<16xf32>
    %select_n3A_1242 = arith.select %ge3A_1239, %get3A_1237, %broadcast_in_dim3A_1241 : vector<16xi1>, vector<16xf32>
    %add3A_1243 = arith.addf %mul3A_1232, %select_n3A_1242 : vector<16xf32>
    %get3A_1244 = arith.constant 1 : i32
    %get3A_1245 = arith.index_cast %get3A_1244 : i32 to index
    %get3A_1246 = arith.constant 192 : index
    %get3A_1247 = tpu.vector_load %arg6[%get3A_1245, %get3A_1246] {strides = array<i32>} : memref<8x512xf32, #tpu.memory_space<vmem>>, vector<1x16xf32>,
    %get3A_1248 = vector.shape_cast %get3A_1247 : vector<1x16xf32> to vector<16xf32>
    %abs3A_1249 = math.absf %get3A_1248 : vector<16xf32>
    %ge3A_1250 = arith.cmpf oge, %abs3A_1249, %get3A_26 : vector<16xf32>
    %jit3A_1251 = arith.constant 0.000000e+00 : f32
    %broadcast_in_dim3A_1252 = vector.broadcast %jit3A_1251 : f32 to vector<16xf32>
    %select_n3A_1253 = arith.select %ge3A_1250, %get3A_1248, %broadcast_in_dim3A_1252 : vector<16xi1>, vector<16xf32>
    %add3A_1254 = arith.addf %add3A_1243, %select_n3A_1253 : vector<16xf32>
    %get3A_1255 = arith.constant 2 : i32
    %get3A_1256 = arith.index_cast %get3A_1255 : i32 to index
    %get3A_1257 = arith.constant 192 : index
    %get3A_1258 = tpu.vector_load %arg6[%get3A_1256, %get3A_1257] {strides = array<i32>} : memref<8x512xf32, #tpu.memory_space<vmem>>, vector<1x16xf32>,
    %get3A_1259 = vector.shape_cast %get3A_1258 : vector<1x16xf32> to vector<16xf32>
    %abs3A_1260 = math.absf %get3A_1259 : vector<16xf32>
    %ge3A_1261 = arith.cmpf oge, %abs3A_1260, %get3A_31 : vector<16xf32>
    %jit3A_1262 = arith.constant 0.000000e+00 : f32
    %broadcast_in_dim3A_1263 = vector.broadcast %jit3A_1262 : f32 to vector<16xf32>
    %select_n3A_1264 = arith.select %ge3A_1261, %get3A_1259, %broadcast_in_dim3A_1263 : vector<16xi1>, vector<16xf32>
    %add3A_1265 = arith.addf %add3A_1254, %select_n3A_1264 : vector<16xf32>
    %get3A_1266 = arith.constant 3 : i32
    %get3A_1267 = arith.index_cast %get3A_1266 : i32 to index
    %get3A_1268 = arith.constant 192 : index
    %get3A_1269 = tpu.vector_load %arg6[%get3A_1267, %get3A_1268] {strides = array<i32>} : memref<8x512xf32, #tpu.memory_space<vmem>>, vector<1x16xf32>,
    %get3A_1270 = vector.shape_cast %get3A_1269 : vector<1x16xf32> to vector<16xf32>
    %abs3A_1271 = math.absf %get3A_1270 : vector<16xf32>
    %ge3A_1272 = arith.cmpf oge, %abs3A_1271, %get3A_36 : vector<16xf32>
    %jit3A_1273 = arith.constant 0.000000e+00 : f32
    %broadcast_in_dim3A_1274 = vector.broadcast %jit3A_1273 : f32 to vector<16xf32>
    %select_n3A_1275 = arith.select %ge3A_1272, %get3A_1270, %broadcast_in_dim3A_1274 : vector<16xi1>, vector<16xf32>
    %add3A_1276 = arith.addf %add3A_1265, %select_n3A_1275 : vector<16xf32>
    %get3A_1277 = arith.constant 4 : i32
    %get3A_1278 = arith.index_cast %get3A_1277 : i32 to index
    %get3A_1279 = arith.constant 192 : index
    %get3A_1280 = tpu.vector_load %arg6[%get3A_1278, %get3A_1279] {strides = array<i32>} : memref<8x512xf32, #tpu.memory_space<vmem>>, vector<1x16xf32>,
    %get3A_1281 = vector.shape_cast %get3A_1280 : vector<1x16xf32> to vector<16xf32>
    %abs3A_1282 = math.absf %get3A_1281 : vector<16xf32>
    %ge3A_1283 = arith.cmpf oge, %abs3A_1282, %get3A_41 : vector<16xf32>
    %jit3A_1284 = arith.constant 0.000000e+00 : f32
    %broadcast_in_dim3A_1285 = vector.broadcast %jit3A_1284 : f32 to vector<16xf32>
    %select_n3A_1286 = arith.select %ge3A_1283, %get3A_1281, %broadcast_in_dim3A_1285 : vector<16xi1>, vector<16xf32>
    %add3A_1287 = arith.addf %add3A_1276, %select_n3A_1286 : vector<16xf32>
    %get3A_1288 = arith.constant 5 : i32
    %get3A_1289 = arith.index_cast %get3A_1288 : i32 to index
    %get3A_1290 = arith.constant 192 : index
    %get3A_1291 = tpu.vector_load %arg6[%get3A_1289, %get3A_1290] {strides = array<i32>} : memref<8x512xf32, #tpu.memory_space<vmem>>, vector<1x16xf32>,
    %get3A_1292 = vector.shape_cast %get3A_1291 : vector<1x16xf32> to vector<16xf32>
    %abs3A_1293 = math.absf %get3A_1292 : vector<16xf32>
    %ge3A_1294 = arith.cmpf oge, %abs3A_1293, %get3A_46 : vector<16xf32>
    %jit3A_1295 = arith.constant 0.000000e+00 : f32
    %broadcast_in_dim3A_1296 = vector.broadcast %jit3A_1295 : f32 to vector<16xf32>
    %select_n3A_1297 = arith.select %ge3A_1294, %get3A_1292, %broadcast_in_dim3A_1296 : vector<16xi1>, vector<16xf32>
    %add3A_1298 = arith.addf %add3A_1287, %select_n3A_1297 : vector<16xf32>
    %get3A_1299 = arith.constant 6 : i32
    %get3A_1300 = arith.index_cast %get3A_1299 : i32 to index
    %get3A_1301 = arith.constant 192 : index
    %get3A_1302 = tpu.vector_load %arg6[%get3A_1300, %get3A_1301] {strides = array<i32>} : memref<8x512xf32, #tpu.memory_space<vmem>>, vector<1x16xf32>,
    %get3A_1303 = vector.shape_cast %get3A_1302 : vector<1x16xf32> to vector<16xf32>
    %abs3A_1304 = math.absf %get3A_1303 : vector<16xf32>
    %ge3A_1305 = arith.cmpf oge, %abs3A_1304, %get3A_51 : vector<16xf32>
    %jit3A_1306 = arith.constant 0.000000e+00 : f32
    %broadcast_in_dim3A_1307 = vector.broadcast %jit3A_1306 : f32 to vector<16xf32>
    %select_n3A_1308 = arith.select %ge3A_1305, %get3A_1303, %broadcast_in_dim3A_1307 : vector<16xi1>, vector<16xf32>
    %add3A_1309 = arith.addf %add3A_1298, %select_n3A_1308 : vector<16xf32>
    %get3A_1310 = arith.constant 7 : i32
    %get3A_1311 = arith.index_cast %get3A_1310 : i32 to index
    %get3A_1312 = arith.constant 192 : index
    %get3A_1313 = tpu.vector_load %arg6[%get3A_1311, %get3A_1312] {strides = array<i32>} : memref<8x512xf32, #tpu.memory_space<vmem>>, vector<1x16xf32>,
    %get3A_1314 = vector.shape_cast %get3A_1313 : vector<1x16xf32> to vector<16xf32>
    %abs3A_1315 = math.absf %get3A_1314 : vector<16xf32>
    %ge3A_1316 = arith.cmpf oge, %abs3A_1315, %get3A_56 : vector<16xf32>
    %jit3A_1317 = arith.constant 0.000000e+00 : f32
    %broadcast_in_dim3A_1318 = vector.broadcast %jit3A_1317 : f32 to vector<16xf32>
    %select_n3A_1319 = arith.select %ge3A_1316, %get3A_1314, %broadcast_in_dim3A_1318 : vector<16xi1>, vector<16xf32>
    %add3A_1320 = arith.addf %add3A_1309, %select_n3A_1319 : vector<16xf32>
    %swap3A_1321 = arith.constant 192 : index
    %swap3A_1322 = tpu.vector_load %arg9[%swap3A_1321] {strides = array<i32>} : memref<512xf32, #tpu.memory_space<vmem>>, vector<16xf32>,
    %swap3A_1323 = vector.shape_cast %swap3A_1322 : vector<16xf32> to vector<16xf32>
    %swap3A_1324 = vector.shape_cast %add3A_1320 : vector<16xf32> to vector<16xf32>
    tpu.vector_store %arg9[%swap3A_1321], %swap3A_1324 {strides = array<i32>} : memref<512xf32, #tpu.memory_space<vmem>>, vector<16xf32>,
    %get3A_1325 = arith.constant 208 : index
    %get3A_1326 = tpu.vector_load %arg8[%get3A_1325] {strides = array<i32>} : memref<512xf32, #tpu.memory_space<vmem>>, vector<16xf32>,
    %get3A_1327 = vector.shape_cast %get3A_1326 : vector<16xf32> to vector<16xf32>
    %mul3A_1328 = arith.constant 8.000000e-01 : f32
    %mul3A_1329 = vector.broadcast %mul3A_1328 : f32 to vector<16xf32>
    %mul3A_1330 = arith.mulf %get3A_1327, %mul3A_1329 : vector<16xf32>
    %get3A_1331 = arith.constant 0 : i32
    %get3A_1332 = arith.index_cast %get3A_1331 : i32 to index
    %get3A_1333 = arith.constant 208 : index
    %get3A_1334 = tpu.vector_load %arg6[%get3A_1332, %get3A_1333] {strides = array<i32>} : memref<8x512xf32, #tpu.memory_space<vmem>>, vector<1x16xf32>,
    %get3A_1335 = vector.shape_cast %get3A_1334 : vector<1x16xf32> to vector<16xf32>
    %abs3A_1336 = math.absf %get3A_1335 : vector<16xf32>
    %ge3A_1337 = arith.cmpf oge, %abs3A_1336, %get3A_21 : vector<16xf32>
    %jit3A_1338 = arith.constant 0.000000e+00 : f32
    %broadcast_in_dim3A_1339 = vector.broadcast %jit3A_1338 : f32 to vector<16xf32>
    %select_n3A_1340 = arith.select %ge3A_1337, %get3A_1335, %broadcast_in_dim3A_1339 : vector<16xi1>, vector<16xf32>
    %add3A_1341 = arith.addf %mul3A_1330, %select_n3A_1340 : vector<16xf32>
    %get3A_1342 = arith.constant 1 : i32
    %get3A_1343 = arith.index_cast %get3A_1342 : i32 to index
    %get3A_1344 = arith.constant 208 : index
    %get3A_1345 = tpu.vector_load %arg6[%get3A_1343, %get3A_1344] {strides = array<i32>} : memref<8x512xf32, #tpu.memory_space<vmem>>, vector<1x16xf32>,
    %get3A_1346 = vector.shape_cast %get3A_1345 : vector<1x16xf32> to vector<16xf32>
    %abs3A_1347 = math.absf %get3A_1346 : vector<16xf32>
    %ge3A_1348 = arith.cmpf oge, %abs3A_1347, %get3A_26 : vector<16xf32>
    %jit3A_1349 = arith.constant 0.000000e+00 : f32
    %broadcast_in_dim3A_1350 = vector.broadcast %jit3A_1349 : f32 to vector<16xf32>
    %select_n3A_1351 = arith.select %ge3A_1348, %get3A_1346, %broadcast_in_dim3A_1350 : vector<16xi1>, vector<16xf32>
    %add3A_1352 = arith.addf %add3A_1341, %select_n3A_1351 : vector<16xf32>
    %get3A_1353 = arith.constant 2 : i32
    %get3A_1354 = arith.index_cast %get3A_1353 : i32 to index
    %get3A_1355 = arith.constant 208 : index
    %get3A_1356 = tpu.vector_load %arg6[%get3A_1354, %get3A_1355] {strides = array<i32>} : memref<8x512xf32, #tpu.memory_space<vmem>>, vector<1x16xf32>,
    %get3A_1357 = vector.shape_cast %get3A_1356 : vector<1x16xf32> to vector<16xf32>
    %abs3A_1358 = math.absf %get3A_1357 : vector<16xf32>
    %ge3A_1359 = arith.cmpf oge, %abs3A_1358, %get3A_31 : vector<16xf32>
    %jit3A_1360 = arith.constant 0.000000e+00 : f32
    %broadcast_in_dim3A_1361 = vector.broadcast %jit3A_1360 : f32 to vector<16xf32>
    %select_n3A_1362 = arith.select %ge3A_1359, %get3A_1357, %broadcast_in_dim3A_1361 : vector<16xi1>, vector<16xf32>
    %add3A_1363 = arith.addf %add3A_1352, %select_n3A_1362 : vector<16xf32>
    %get3A_1364 = arith.constant 3 : i32
    %get3A_1365 = arith.index_cast %get3A_1364 : i32 to index
    %get3A_1366 = arith.constant 208 : index
    %get3A_1367 = tpu.vector_load %arg6[%get3A_1365, %get3A_1366] {strides = array<i32>} : memref<8x512xf32, #tpu.memory_space<vmem>>, vector<1x16xf32>,
    %get3A_1368 = vector.shape_cast %get3A_1367 : vector<1x16xf32> to vector<16xf32>
    %abs3A_1369 = math.absf %get3A_1368 : vector<16xf32>
    %ge3A_1370 = arith.cmpf oge, %abs3A_1369, %get3A_36 : vector<16xf32>
    %jit3A_1371 = arith.constant 0.000000e+00 : f32
    %broadcast_in_dim3A_1372 = vector.broadcast %jit3A_1371 : f32 to vector<16xf32>
    %select_n3A_1373 = arith.select %ge3A_1370, %get3A_1368, %broadcast_in_dim3A_1372 : vector<16xi1>, vector<16xf32>
    %add3A_1374 = arith.addf %add3A_1363, %select_n3A_1373 : vector<16xf32>
    %get3A_1375 = arith.constant 4 : i32
    %get3A_1376 = arith.index_cast %get3A_1375 : i32 to index
    %get3A_1377 = arith.constant 208 : index
    %get3A_1378 = tpu.vector_load %arg6[%get3A_1376, %get3A_1377] {strides = array<i32>} : memref<8x512xf32, #tpu.memory_space<vmem>>, vector<1x16xf32>,
    %get3A_1379 = vector.shape_cast %get3A_1378 : vector<1x16xf32> to vector<16xf32>
    %abs3A_1380 = math.absf %get3A_1379 : vector<16xf32>
    %ge3A_1381 = arith.cmpf oge, %abs3A_1380, %get3A_41 : vector<16xf32>
    %jit3A_1382 = arith.constant 0.000000e+00 : f32
    %broadcast_in_dim3A_1383 = vector.broadcast %jit3A_1382 : f32 to vector<16xf32>
    %select_n3A_1384 = arith.select %ge3A_1381, %get3A_1379, %broadcast_in_dim3A_1383 : vector<16xi1>, vector<16xf32>
    %add3A_1385 = arith.addf %add3A_1374, %select_n3A_1384 : vector<16xf32>
    %get3A_1386 = arith.constant 5 : i32
    %get3A_1387 = arith.index_cast %get3A_1386 : i32 to index
    %get3A_1388 = arith.constant 208 : index
    %get3A_1389 = tpu.vector_load %arg6[%get3A_1387, %get3A_1388] {strides = array<i32>} : memref<8x512xf32, #tpu.memory_space<vmem>>, vector<1x16xf32>,
    %get3A_1390 = vector.shape_cast %get3A_1389 : vector<1x16xf32> to vector<16xf32>
    %abs3A_1391 = math.absf %get3A_1390 : vector<16xf32>
    %ge3A_1392 = arith.cmpf oge, %abs3A_1391, %get3A_46 : vector<16xf32>
    %jit3A_1393 = arith.constant 0.000000e+00 : f32
    %broadcast_in_dim3A_1394 = vector.broadcast %jit3A_1393 : f32 to vector<16xf32>
    %select_n3A_1395 = arith.select %ge3A_1392, %get3A_1390, %broadcast_in_dim3A_1394 : vector<16xi1>, vector<16xf32>
    %add3A_1396 = arith.addf %add3A_1385, %select_n3A_1395 : vector<16xf32>
    %get3A_1397 = arith.constant 6 : i32
    %get3A_1398 = arith.index_cast %get3A_1397 : i32 to index
    %get3A_1399 = arith.constant 208 : index
    %get3A_1400 = tpu.vector_load %arg6[%get3A_1398, %get3A_1399] {strides = array<i32>} : memref<8x512xf32, #tpu.memory_space<vmem>>, vector<1x16xf32>,
    %get3A_1401 = vector.shape_cast %get3A_1400 : vector<1x16xf32> to vector<16xf32>
    %abs3A_1402 = math.absf %get3A_1401 : vector<16xf32>
    %ge3A_1403 = arith.cmpf oge, %abs3A_1402, %get3A_51 : vector<16xf32>
    %jit3A_1404 = arith.constant 0.000000e+00 : f32
    %broadcast_in_dim3A_1405 = vector.broadcast %jit3A_1404 : f32 to vector<16xf32>
    %select_n3A_1406 = arith.select %ge3A_1403, %get3A_1401, %broadcast_in_dim3A_1405 : vector<16xi1>, vector<16xf32>
    %add3A_1407 = arith.addf %add3A_1396, %select_n3A_1406 : vector<16xf32>
    %get3A_1408 = arith.constant 7 : i32
    %get3A_1409 = arith.index_cast %get3A_1408 : i32 to index
    %get3A_1410 = arith.constant 208 : index
    %get3A_1411 = tpu.vector_load %arg6[%get3A_1409, %get3A_1410] {strides = array<i32>} : memref<8x512xf32, #tpu.memory_space<vmem>>, vector<1x16xf32>,
    %get3A_1412 = vector.shape_cast %get3A_1411 : vector<1x16xf32> to vector<16xf32>
    %abs3A_1413 = math.absf %get3A_1412 : vector<16xf32>
    %ge3A_1414 = arith.cmpf oge, %abs3A_1413, %get3A_56 : vector<16xf32>
    %jit3A_1415 = arith.constant 0.000000e+00 : f32
    %broadcast_in_dim3A_1416 = vector.broadcast %jit3A_1415 : f32 to vector<16xf32>
    %select_n3A_1417 = arith.select %ge3A_1414, %get3A_1412, %broadcast_in_dim3A_1416 : vector<16xi1>, vector<16xf32>
    %add3A_1418 = arith.addf %add3A_1407, %select_n3A_1417 : vector<16xf32>
    %swap3A_1419 = arith.constant 208 : index
    %swap3A_1420 = tpu.vector_load %arg9[%swap3A_1419] {strides = array<i32>} : memref<512xf32, #tpu.memory_space<vmem>>, vector<16xf32>,
    %swap3A_1421 = vector.shape_cast %swap3A_1420 : vector<16xf32> to vector<16xf32>
    %swap3A_1422 = vector.shape_cast %add3A_1418 : vector<16xf32> to vector<16xf32>
    tpu.vector_store %arg9[%swap3A_1419], %swap3A_1422 {strides = array<i32>} : memref<512xf32, #tpu.memory_space<vmem>>, vector<16xf32>,
    %get3A_1423 = arith.constant 224 : index
    %get3A_1424 = tpu.vector_load %arg8[%get3A_1423] {strides = array<i32>} : memref<512xf32, #tpu.memory_space<vmem>>, vector<16xf32>,
    %get3A_1425 = vector.shape_cast %get3A_1424 : vector<16xf32> to vector<16xf32>
    %mul3A_1426 = arith.constant 8.000000e-01 : f32
    %mul3A_1427 = vector.broadcast %mul3A_1426 : f32 to vector<16xf32>
    %mul3A_1428 = arith.mulf %get3A_1425, %mul3A_1427 : vector<16xf32>
    %get3A_1429 = arith.constant 0 : i32
    %get3A_1430 = arith.index_cast %get3A_1429 : i32 to index
    %get3A_1431 = arith.constant 224 : index
    %get3A_1432 = tpu.vector_load %arg6[%get3A_1430, %get3A_1431] {strides = array<i32>} : memref<8x512xf32, #tpu.memory_space<vmem>>, vector<1x16xf32>,
    %get3A_1433 = vector.shape_cast %get3A_1432 : vector<1x16xf32> to vector<16xf32>
    %abs3A_1434 = math.absf %get3A_1433 : vector<16xf32>
    %ge3A_1435 = arith.cmpf oge, %abs3A_1434, %get3A_21 : vector<16xf32>
    %jit3A_1436 = arith.constant 0.000000e+00 : f32
    %broadcast_in_dim3A_1437 = vector.broadcast %jit3A_1436 : f32 to vector<16xf32>
    %select_n3A_1438 = arith.select %ge3A_1435, %get3A_1433, %broadcast_in_dim3A_1437 : vector<16xi1>, vector<16xf32>
    %add3A_1439 = arith.addf %mul3A_1428, %select_n3A_1438 : vector<16xf32>
    %get3A_1440 = arith.constant 1 : i32
    %get3A_1441 = arith.index_cast %get3A_1440 : i32 to index
    %get3A_1442 = arith.constant 224 : index
    %get3A_1443 = tpu.vector_load %arg6[%get3A_1441, %get3A_1442] {strides = array<i32>} : memref<8x512xf32, #tpu.memory_space<vmem>>, vector<1x16xf32>,
    %get3A_1444 = vector.shape_cast %get3A_1443 : vector<1x16xf32> to vector<16xf32>
    %abs3A_1445 = math.absf %get3A_1444 : vector<16xf32>
    %ge3A_1446 = arith.cmpf oge, %abs3A_1445, %get3A_26 : vector<16xf32>
    %jit3A_1447 = arith.constant 0.000000e+00 : f32
    %broadcast_in_dim3A_1448 = vector.broadcast %jit3A_1447 : f32 to vector<16xf32>
    %select_n3A_1449 = arith.select %ge3A_1446, %get3A_1444, %broadcast_in_dim3A_1448 : vector<16xi1>, vector<16xf32>
    %add3A_1450 = arith.addf %add3A_1439, %select_n3A_1449 : vector<16xf32>
    %get3A_1451 = arith.constant 2 : i32
    %get3A_1452 = arith.index_cast %get3A_1451 : i32 to index
    %get3A_1453 = arith.constant 224 : index
    %get3A_1454 = tpu.vector_load %arg6[%get3A_1452, %get3A_1453] {strides = array<i32>} : memref<8x512xf32, #tpu.memory_space<vmem>>, vector<1x16xf32>,
    %get3A_1455 = vector.shape_cast %get3A_1454 : vector<1x16xf32> to vector<16xf32>
    %abs3A_1456 = math.absf %get3A_1455 : vector<16xf32>
    %ge3A_1457 = arith.cmpf oge, %abs3A_1456, %get3A_31 : vector<16xf32>
    %jit3A_1458 = arith.constant 0.000000e+00 : f32
    %broadcast_in_dim3A_1459 = vector.broadcast %jit3A_1458 : f32 to vector<16xf32>
    %select_n3A_1460 = arith.select %ge3A_1457, %get3A_1455, %broadcast_in_dim3A_1459 : vector<16xi1>, vector<16xf32>
    %add3A_1461 = arith.addf %add3A_1450, %select_n3A_1460 : vector<16xf32>
    %get3A_1462 = arith.constant 3 : i32
    %get3A_1463 = arith.index_cast %get3A_1462 : i32 to index
    %get3A_1464 = arith.constant 224 : index
    %get3A_1465 = tpu.vector_load %arg6[%get3A_1463, %get3A_1464] {strides = array<i32>} : memref<8x512xf32, #tpu.memory_space<vmem>>, vector<1x16xf32>,
    %get3A_1466 = vector.shape_cast %get3A_1465 : vector<1x16xf32> to vector<16xf32>
    %abs3A_1467 = math.absf %get3A_1466 : vector<16xf32>
    %ge3A_1468 = arith.cmpf oge, %abs3A_1467, %get3A_36 : vector<16xf32>
    %jit3A_1469 = arith.constant 0.000000e+00 : f32
    %broadcast_in_dim3A_1470 = vector.broadcast %jit3A_1469 : f32 to vector<16xf32>
    %select_n3A_1471 = arith.select %ge3A_1468, %get3A_1466, %broadcast_in_dim3A_1470 : vector<16xi1>, vector<16xf32>
    %add3A_1472 = arith.addf %add3A_1461, %select_n3A_1471 : vector<16xf32>
    %get3A_1473 = arith.constant 4 : i32
    %get3A_1474 = arith.index_cast %get3A_1473 : i32 to index
    %get3A_1475 = arith.constant 224 : index
    %get3A_1476 = tpu.vector_load %arg6[%get3A_1474, %get3A_1475] {strides = array<i32>} : memref<8x512xf32, #tpu.memory_space<vmem>>, vector<1x16xf32>,
    %get3A_1477 = vector.shape_cast %get3A_1476 : vector<1x16xf32> to vector<16xf32>
    %abs3A_1478 = math.absf %get3A_1477 : vector<16xf32>
    %ge3A_1479 = arith.cmpf oge, %abs3A_1478, %get3A_41 : vector<16xf32>
    %jit3A_1480 = arith.constant 0.000000e+00 : f32
    %broadcast_in_dim3A_1481 = vector.broadcast %jit3A_1480 : f32 to vector<16xf32>
    %select_n3A_1482 = arith.select %ge3A_1479, %get3A_1477, %broadcast_in_dim3A_1481 : vector<16xi1>, vector<16xf32>
    %add3A_1483 = arith.addf %add3A_1472, %select_n3A_1482 : vector<16xf32>
    %get3A_1484 = arith.constant 5 : i32
    %get3A_1485 = arith.index_cast %get3A_1484 : i32 to index
    %get3A_1486 = arith.constant 224 : index
    %get3A_1487 = tpu.vector_load %arg6[%get3A_1485, %get3A_1486] {strides = array<i32>} : memref<8x512xf32, #tpu.memory_space<vmem>>, vector<1x16xf32>,
    %get3A_1488 = vector.shape_cast %get3A_1487 : vector<1x16xf32> to vector<16xf32>
    %abs3A_1489 = math.absf %get3A_1488 : vector<16xf32>
    %ge3A_1490 = arith.cmpf oge, %abs3A_1489, %get3A_46 : vector<16xf32>
    %jit3A_1491 = arith.constant 0.000000e+00 : f32
    %broadcast_in_dim3A_1492 = vector.broadcast %jit3A_1491 : f32 to vector<16xf32>
    %select_n3A_1493 = arith.select %ge3A_1490, %get3A_1488, %broadcast_in_dim3A_1492 : vector<16xi1>, vector<16xf32>
    %add3A_1494 = arith.addf %add3A_1483, %select_n3A_1493 : vector<16xf32>
    %get3A_1495 = arith.constant 6 : i32
    %get3A_1496 = arith.index_cast %get3A_1495 : i32 to index
    %get3A_1497 = arith.constant 224 : index
    %get3A_1498 = tpu.vector_load %arg6[%get3A_1496, %get3A_1497] {strides = array<i32>} : memref<8x512xf32, #tpu.memory_space<vmem>>, vector<1x16xf32>,
    %get3A_1499 = vector.shape_cast %get3A_1498 : vector<1x16xf32> to vector<16xf32>
    %abs3A_1500 = math.absf %get3A_1499 : vector<16xf32>
    %ge3A_1501 = arith.cmpf oge, %abs3A_1500, %get3A_51 : vector<16xf32>
    %jit3A_1502 = arith.constant 0.000000e+00 : f32
    %broadcast_in_dim3A_1503 = vector.broadcast %jit3A_1502 : f32 to vector<16xf32>
    %select_n3A_1504 = arith.select %ge3A_1501, %get3A_1499, %broadcast_in_dim3A_1503 : vector<16xi1>, vector<16xf32>
    %add3A_1505 = arith.addf %add3A_1494, %select_n3A_1504 : vector<16xf32>
    %get3A_1506 = arith.constant 7 : i32
    %get3A_1507 = arith.index_cast %get3A_1506 : i32 to index
    %get3A_1508 = arith.constant 224 : index
    %get3A_1509 = tpu.vector_load %arg6[%get3A_1507, %get3A_1508] {strides = array<i32>} : memref<8x512xf32, #tpu.memory_space<vmem>>, vector<1x16xf32>,
    %get3A_1510 = vector.shape_cast %get3A_1509 : vector<1x16xf32> to vector<16xf32>
    %abs3A_1511 = math.absf %get3A_1510 : vector<16xf32>
    %ge3A_1512 = arith.cmpf oge, %abs3A_1511, %get3A_56 : vector<16xf32>
    %jit3A_1513 = arith.constant 0.000000e+00 : f32
    %broadcast_in_dim3A_1514 = vector.broadcast %jit3A_1513 : f32 to vector<16xf32>
    %select_n3A_1515 = arith.select %ge3A_1512, %get3A_1510, %broadcast_in_dim3A_1514 : vector<16xi1>, vector<16xf32>
    %add3A_1516 = arith.addf %add3A_1505, %select_n3A_1515 : vector<16xf32>
    %swap3A_1517 = arith.constant 224 : index
    %swap3A_1518 = tpu.vector_load %arg9[%swap3A_1517] {strides = array<i32>} : memref<512xf32, #tpu.memory_space<vmem>>, vector<16xf32>,
    %swap3A_1519 = vector.shape_cast %swap3A_1518 : vector<16xf32> to vector<16xf32>
    %swap3A_1520 = vector.shape_cast %add3A_1516 : vector<16xf32> to vector<16xf32>
    tpu.vector_store %arg9[%swap3A_1517], %swap3A_1520 {strides = array<i32>} : memref<512xf32, #tpu.memory_space<vmem>>, vector<16xf32>,
    %get3A_1521 = arith.constant 240 : index
    %get3A_1522 = tpu.vector_load %arg8[%get3A_1521] {strides = array<i32>} : memref<512xf32, #tpu.memory_space<vmem>>, vector<16xf32>,
    %get3A_1523 = vector.shape_cast %get3A_1522 : vector<16xf32> to vector<16xf32>
    %mul3A_1524 = arith.constant 8.000000e-01 : f32
    %mul3A_1525 = vector.broadcast %mul3A_1524 : f32 to vector<16xf32>
    %mul3A_1526 = arith.mulf %get3A_1523, %mul3A_1525 : vector<16xf32>
    %get3A_1527 = arith.constant 0 : i32
    %get3A_1528 = arith.index_cast %get3A_1527 : i32 to index
    %get3A_1529 = arith.constant 240 : index
    %get3A_1530 = tpu.vector_load %arg6[%get3A_1528, %get3A_1529] {strides = array<i32>} : memref<8x512xf32, #tpu.memory_space<vmem>>, vector<1x16xf32>,
    %get3A_1531 = vector.shape_cast %get3A_1530 : vector<1x16xf32> to vector<16xf32>
    %abs3A_1532 = math.absf %get3A_1531 : vector<16xf32>
    %ge3A_1533 = arith.cmpf oge, %abs3A_1532, %get3A_21 : vector<16xf32>
    %jit3A_1534 = arith.constant 0.000000e+00 : f32
    %broadcast_in_dim3A_1535 = vector.broadcast %jit3A_1534 : f32 to vector<16xf32>
    %select_n3A_1536 = arith.select %ge3A_1533, %get3A_1531, %broadcast_in_dim3A_1535 : vector<16xi1>, vector<16xf32>
    %add3A_1537 = arith.addf %mul3A_1526, %select_n3A_1536 : vector<16xf32>
    %get3A_1538 = arith.constant 1 : i32
    %get3A_1539 = arith.index_cast %get3A_1538 : i32 to index
    %get3A_1540 = arith.constant 240 : index
    %get3A_1541 = tpu.vector_load %arg6[%get3A_1539, %get3A_1540] {strides = array<i32>} : memref<8x512xf32, #tpu.memory_space<vmem>>, vector<1x16xf32>,
    %get3A_1542 = vector.shape_cast %get3A_1541 : vector<1x16xf32> to vector<16xf32>
    %abs3A_1543 = math.absf %get3A_1542 : vector<16xf32>
    %ge3A_1544 = arith.cmpf oge, %abs3A_1543, %get3A_26 : vector<16xf32>
    %jit3A_1545 = arith.constant 0.000000e+00 : f32
    %broadcast_in_dim3A_1546 = vector.broadcast %jit3A_1545 : f32 to vector<16xf32>
    %select_n3A_1547 = arith.select %ge3A_1544, %get3A_1542, %broadcast_in_dim3A_1546 : vector<16xi1>, vector<16xf32>
    %add3A_1548 = arith.addf %add3A_1537, %select_n3A_1547 : vector<16xf32>
    %get3A_1549 = arith.constant 2 : i32
    %get3A_1550 = arith.index_cast %get3A_1549 : i32 to index
    %get3A_1551 = arith.constant 240 : index
    %get3A_1552 = tpu.vector_load %arg6[%get3A_1550, %get3A_1551] {strides = array<i32>} : memref<8x512xf32, #tpu.memory_space<vmem>>, vector<1x16xf32>,
    %get3A_1553 = vector.shape_cast %get3A_1552 : vector<1x16xf32> to vector<16xf32>
    %abs3A_1554 = math.absf %get3A_1553 : vector<16xf32>
    %ge3A_1555 = arith.cmpf oge, %abs3A_1554, %get3A_31 : vector<16xf32>
    %jit3A_1556 = arith.constant 0.000000e+00 : f32
    %broadcast_in_dim3A_1557 = vector.broadcast %jit3A_1556 : f32 to vector<16xf32>
    %select_n3A_1558 = arith.select %ge3A_1555, %get3A_1553, %broadcast_in_dim3A_1557 : vector<16xi1>, vector<16xf32>
    %add3A_1559 = arith.addf %add3A_1548, %select_n3A_1558 : vector<16xf32>
    %get3A_1560 = arith.constant 3 : i32
    %get3A_1561 = arith.index_cast %get3A_1560 : i32 to index
    %get3A_1562 = arith.constant 240 : index
    %get3A_1563 = tpu.vector_load %arg6[%get3A_1561, %get3A_1562] {strides = array<i32>} : memref<8x512xf32, #tpu.memory_space<vmem>>, vector<1x16xf32>,
    %get3A_1564 = vector.shape_cast %get3A_1563 : vector<1x16xf32> to vector<16xf32>
    %abs3A_1565 = math.absf %get3A_1564 : vector<16xf32>
    %ge3A_1566 = arith.cmpf oge, %abs3A_1565, %get3A_36 : vector<16xf32>
    %jit3A_1567 = arith.constant 0.000000e+00 : f32
    %broadcast_in_dim3A_1568 = vector.broadcast %jit3A_1567 : f32 to vector<16xf32>
    %select_n3A_1569 = arith.select %ge3A_1566, %get3A_1564, %broadcast_in_dim3A_1568 : vector<16xi1>, vector<16xf32>
    %add3A_1570 = arith.addf %add3A_1559, %select_n3A_1569 : vector<16xf32>
    %get3A_1571 = arith.constant 4 : i32
    %get3A_1572 = arith.index_cast %get3A_1571 : i32 to index
    %get3A_1573 = arith.constant 240 : index
    %get3A_1574 = tpu.vector_load %arg6[%get3A_1572, %get3A_1573] {strides = array<i32>} : memref<8x512xf32, #tpu.memory_space<vmem>>, vector<1x16xf32>,
    %get3A_1575 = vector.shape_cast %get3A_1574 : vector<1x16xf32> to vector<16xf32>
    %abs3A_1576 = math.absf %get3A_1575 : vector<16xf32>
    %ge3A_1577 = arith.cmpf oge, %abs3A_1576, %get3A_41 : vector<16xf32>
    %jit3A_1578 = arith.constant 0.000000e+00 : f32
    %broadcast_in_dim3A_1579 = vector.broadcast %jit3A_1578 : f32 to vector<16xf32>
    %select_n3A_1580 = arith.select %ge3A_1577, %get3A_1575, %broadcast_in_dim3A_1579 : vector<16xi1>, vector<16xf32>
    %add3A_1581 = arith.addf %add3A_1570, %select_n3A_1580 : vector<16xf32>
    %get3A_1582 = arith.constant 5 : i32
    %get3A_1583 = arith.index_cast %get3A_1582 : i32 to index
    %get3A_1584 = arith.constant 240 : index
    %get3A_1585 = tpu.vector_load %arg6[%get3A_1583, %get3A_1584] {strides = array<i32>} : memref<8x512xf32, #tpu.memory_space<vmem>>, vector<1x16xf32>,
    %get3A_1586 = vector.shape_cast %get3A_1585 : vector<1x16xf32> to vector<16xf32>
    %abs3A_1587 = math.absf %get3A_1586 : vector<16xf32>
    %ge3A_1588 = arith.cmpf oge, %abs3A_1587, %get3A_46 : vector<16xf32>
    %jit3A_1589 = arith.constant 0.000000e+00 : f32
    %broadcast_in_dim3A_1590 = vector.broadcast %jit3A_1589 : f32 to vector<16xf32>
    %select_n3A_1591 = arith.select %ge3A_1588, %get3A_1586, %broadcast_in_dim3A_1590 : vector<16xi1>, vector<16xf32>
    %add3A_1592 = arith.addf %add3A_1581, %select_n3A_1591 : vector<16xf32>
    %get3A_1593 = arith.constant 6 : i32
    %get3A_1594 = arith.index_cast %get3A_1593 : i32 to index
    %get3A_1595 = arith.constant 240 : index
    %get3A_1596 = tpu.vector_load %arg6[%get3A_1594, %get3A_1595] {strides = array<i32>} : memref<8x512xf32, #tpu.memory_space<vmem>>, vector<1x16xf32>,
    %get3A_1597 = vector.shape_cast %get3A_1596 : vector<1x16xf32> to vector<16xf32>
    %abs3A_1598 = math.absf %get3A_1597 : vector<16xf32>
    %ge3A_1599 = arith.cmpf oge, %abs3A_1598, %get3A_51 : vector<16xf32>
    %jit3A_1600 = arith.constant 0.000000e+00 : f32
    %broadcast_in_dim3A_1601 = vector.broadcast %jit3A_1600 : f32 to vector<16xf32>
    %select_n3A_1602 = arith.select %ge3A_1599, %get3A_1597, %broadcast_in_dim3A_1601 : vector<16xi1>, vector<16xf32>
    %add3A_1603 = arith.addf %add3A_1592, %select_n3A_1602 : vector<16xf32>
    %get3A_1604 = arith.constant 7 : i32
    %get3A_1605 = arith.index_cast %get3A_1604 : i32 to index
    %get3A_1606 = arith.constant 240 : index
    %get3A_1607 = tpu.vector_load %arg6[%get3A_1605, %get3A_1606] {strides = array<i32>} : memref<8x512xf32, #tpu.memory_space<vmem>>, vector<1x16xf32>,
    %get3A_1608 = vector.shape_cast %get3A_1607 : vector<1x16xf32> to vector<16xf32>
    %abs3A_1609 = math.absf %get3A_1608 : vector<16xf32>
    %ge3A_1610 = arith.cmpf oge, %abs3A_1609, %get3A_56 : vector<16xf32>
    %jit3A_1611 = arith.constant 0.000000e+00 : f32
    %broadcast_in_dim3A_1612 = vector.broadcast %jit3A_1611 : f32 to vector<16xf32>
    %select_n3A_1613 = arith.select %ge3A_1610, %get3A_1608, %broadcast_in_dim3A_1612 : vector<16xi1>, vector<16xf32>
    %add3A_1614 = arith.addf %add3A_1603, %select_n3A_1613 : vector<16xf32>
    %swap3A_1615 = arith.constant 240 : index
    %swap3A_1616 = tpu.vector_load %arg9[%swap3A_1615] {strides = array<i32>} : memref<512xf32, #tpu.memory_space<vmem>>, vector<16xf32>,
    %swap3A_1617 = vector.shape_cast %swap3A_1616 : vector<16xf32> to vector<16xf32>
    %swap3A_1618 = vector.shape_cast %add3A_1614 : vector<16xf32> to vector<16xf32>
    tpu.vector_store %arg9[%swap3A_1615], %swap3A_1618 {strides = array<i32>} : memref<512xf32, #tpu.memory_space<vmem>>, vector<16xf32>,
    %get3A_1619 = arith.constant 256 : index
    %get3A_1620 = tpu.vector_load %arg8[%get3A_1619] {strides = array<i32>} : memref<512xf32, #tpu.memory_space<vmem>>, vector<16xf32>,
    %get3A_1621 = vector.shape_cast %get3A_1620 : vector<16xf32> to vector<16xf32>
    %mul3A_1622 = arith.constant 8.000000e-01 : f32
    %mul3A_1623 = vector.broadcast %mul3A_1622 : f32 to vector<16xf32>
    %mul3A_1624 = arith.mulf %get3A_1621, %mul3A_1623 : vector<16xf32>
    %get3A_1625 = arith.constant 0 : i32
    %get3A_1626 = arith.index_cast %get3A_1625 : i32 to index
    %get3A_1627 = arith.constant 256 : index
    %get3A_1628 = tpu.vector_load %arg6[%get3A_1626, %get3A_1627] {strides = array<i32>} : memref<8x512xf32, #tpu.memory_space<vmem>>, vector<1x16xf32>,
    %get3A_1629 = vector.shape_cast %get3A_1628 : vector<1x16xf32> to vector<16xf32>
    %abs3A_1630 = math.absf %get3A_1629 : vector<16xf32>
    %ge3A_1631 = arith.cmpf oge, %abs3A_1630, %get3A_21 : vector<16xf32>
    %jit3A_1632 = arith.constant 0.000000e+00 : f32
    %broadcast_in_dim3A_1633 = vector.broadcast %jit3A_1632 : f32 to vector<16xf32>
    %select_n3A_1634 = arith.select %ge3A_1631, %get3A_1629, %broadcast_in_dim3A_1633 : vector<16xi1>, vector<16xf32>
    %add3A_1635 = arith.addf %mul3A_1624, %select_n3A_1634 : vector<16xf32>
    %get3A_1636 = arith.constant 1 : i32
    %get3A_1637 = arith.index_cast %get3A_1636 : i32 to index
    %get3A_1638 = arith.constant 256 : index
    %get3A_1639 = tpu.vector_load %arg6[%get3A_1637, %get3A_1638] {strides = array<i32>} : memref<8x512xf32, #tpu.memory_space<vmem>>, vector<1x16xf32>,
    %get3A_1640 = vector.shape_cast %get3A_1639 : vector<1x16xf32> to vector<16xf32>
    %abs3A_1641 = math.absf %get3A_1640 : vector<16xf32>
    %ge3A_1642 = arith.cmpf oge, %abs3A_1641, %get3A_26 : vector<16xf32>
    %jit3A_1643 = arith.constant 0.000000e+00 : f32
    %broadcast_in_dim3A_1644 = vector.broadcast %jit3A_1643 : f32 to vector<16xf32>
    %select_n3A_1645 = arith.select %ge3A_1642, %get3A_1640, %broadcast_in_dim3A_1644 : vector<16xi1>, vector<16xf32>
    %add3A_1646 = arith.addf %add3A_1635, %select_n3A_1645 : vector<16xf32>
    %get3A_1647 = arith.constant 2 : i32
    %get3A_1648 = arith.index_cast %get3A_1647 : i32 to index
    %get3A_1649 = arith.constant 256 : index
    %get3A_1650 = tpu.vector_load %arg6[%get3A_1648, %get3A_1649] {strides = array<i32>} : memref<8x512xf32, #tpu.memory_space<vmem>>, vector<1x16xf32>,
    %get3A_1651 = vector.shape_cast %get3A_1650 : vector<1x16xf32> to vector<16xf32>
    %abs3A_1652 = math.absf %get3A_1651 : vector<16xf32>
    %ge3A_1653 = arith.cmpf oge, %abs3A_1652, %get3A_31 : vector<16xf32>
    %jit3A_1654 = arith.constant 0.000000e+00 : f32
    %broadcast_in_dim3A_1655 = vector.broadcast %jit3A_1654 : f32 to vector<16xf32>
    %select_n3A_1656 = arith.select %ge3A_1653, %get3A_1651, %broadcast_in_dim3A_1655 : vector<16xi1>, vector<16xf32>
    %add3A_1657 = arith.addf %add3A_1646, %select_n3A_1656 : vector<16xf32>
    %get3A_1658 = arith.constant 3 : i32
    %get3A_1659 = arith.index_cast %get3A_1658 : i32 to index
    %get3A_1660 = arith.constant 256 : index
    %get3A_1661 = tpu.vector_load %arg6[%get3A_1659, %get3A_1660] {strides = array<i32>} : memref<8x512xf32, #tpu.memory_space<vmem>>, vector<1x16xf32>,
    %get3A_1662 = vector.shape_cast %get3A_1661 : vector<1x16xf32> to vector<16xf32>
    %abs3A_1663 = math.absf %get3A_1662 : vector<16xf32>
    %ge3A_1664 = arith.cmpf oge, %abs3A_1663, %get3A_36 : vector<16xf32>
    %jit3A_1665 = arith.constant 0.000000e+00 : f32
    %broadcast_in_dim3A_1666 = vector.broadcast %jit3A_1665 : f32 to vector<16xf32>
    %select_n3A_1667 = arith.select %ge3A_1664, %get3A_1662, %broadcast_in_dim3A_1666 : vector<16xi1>, vector<16xf32>
    %add3A_1668 = arith.addf %add3A_1657, %select_n3A_1667 : vector<16xf32>
    %get3A_1669 = arith.constant 4 : i32
    %get3A_1670 = arith.index_cast %get3A_1669 : i32 to index
    %get3A_1671 = arith.constant 256 : index
    %get3A_1672 = tpu.vector_load %arg6[%get3A_1670, %get3A_1671] {strides = array<i32>} : memref<8x512xf32, #tpu.memory_space<vmem>>, vector<1x16xf32>,
    %get3A_1673 = vector.shape_cast %get3A_1672 : vector<1x16xf32> to vector<16xf32>
    %abs3A_1674 = math.absf %get3A_1673 : vector<16xf32>
    %ge3A_1675 = arith.cmpf oge, %abs3A_1674, %get3A_41 : vector<16xf32>
    %jit3A_1676 = arith.constant 0.000000e+00 : f32
    %broadcast_in_dim3A_1677 = vector.broadcast %jit3A_1676 : f32 to vector<16xf32>
    %select_n3A_1678 = arith.select %ge3A_1675, %get3A_1673, %broadcast_in_dim3A_1677 : vector<16xi1>, vector<16xf32>
    %add3A_1679 = arith.addf %add3A_1668, %select_n3A_1678 : vector<16xf32>
    %get3A_1680 = arith.constant 5 : i32
    %get3A_1681 = arith.index_cast %get3A_1680 : i32 to index
    %get3A_1682 = arith.constant 256 : index
    %get3A_1683 = tpu.vector_load %arg6[%get3A_1681, %get3A_1682] {strides = array<i32>} : memref<8x512xf32, #tpu.memory_space<vmem>>, vector<1x16xf32>,
    %get3A_1684 = vector.shape_cast %get3A_1683 : vector<1x16xf32> to vector<16xf32>
    %abs3A_1685 = math.absf %get3A_1684 : vector<16xf32>
    %ge3A_1686 = arith.cmpf oge, %abs3A_1685, %get3A_46 : vector<16xf32>
    %jit3A_1687 = arith.constant 0.000000e+00 : f32
    %broadcast_in_dim3A_1688 = vector.broadcast %jit3A_1687 : f32 to vector<16xf32>
    %select_n3A_1689 = arith.select %ge3A_1686, %get3A_1684, %broadcast_in_dim3A_1688 : vector<16xi1>, vector<16xf32>
    %add3A_1690 = arith.addf %add3A_1679, %select_n3A_1689 : vector<16xf32>
    %get3A_1691 = arith.constant 6 : i32
    %get3A_1692 = arith.index_cast %get3A_1691 : i32 to index
    %get3A_1693 = arith.constant 256 : index
    %get3A_1694 = tpu.vector_load %arg6[%get3A_1692, %get3A_1693] {strides = array<i32>} : memref<8x512xf32, #tpu.memory_space<vmem>>, vector<1x16xf32>,
    %get3A_1695 = vector.shape_cast %get3A_1694 : vector<1x16xf32> to vector<16xf32>
    %abs3A_1696 = math.absf %get3A_1695 : vector<16xf32>
    %ge3A_1697 = arith.cmpf oge, %abs3A_1696, %get3A_51 : vector<16xf32>
    %jit3A_1698 = arith.constant 0.000000e+00 : f32
    %broadcast_in_dim3A_1699 = vector.broadcast %jit3A_1698 : f32 to vector<16xf32>
    %select_n3A_1700 = arith.select %ge3A_1697, %get3A_1695, %broadcast_in_dim3A_1699 : vector<16xi1>, vector<16xf32>
    %add3A_1701 = arith.addf %add3A_1690, %select_n3A_1700 : vector<16xf32>
    %get3A_1702 = arith.constant 7 : i32
    %get3A_1703 = arith.index_cast %get3A_1702 : i32 to index
    %get3A_1704 = arith.constant 256 : index
    %get3A_1705 = tpu.vector_load %arg6[%get3A_1703, %get3A_1704] {strides = array<i32>} : memref<8x512xf32, #tpu.memory_space<vmem>>, vector<1x16xf32>,
    %get3A_1706 = vector.shape_cast %get3A_1705 : vector<1x16xf32> to vector<16xf32>
    %abs3A_1707 = math.absf %get3A_1706 : vector<16xf32>
    %ge3A_1708 = arith.cmpf oge, %abs3A_1707, %get3A_56 : vector<16xf32>
    %jit3A_1709 = arith.constant 0.000000e+00 : f32
    %broadcast_in_dim3A_1710 = vector.broadcast %jit3A_1709 : f32 to vector<16xf32>
    %select_n3A_1711 = arith.select %ge3A_1708, %get3A_1706, %broadcast_in_dim3A_1710 : vector<16xi1>, vector<16xf32>
    %add3A_1712 = arith.addf %add3A_1701, %select_n3A_1711 : vector<16xf32>
    %swap3A_1713 = arith.constant 256 : index
    %swap3A_1714 = tpu.vector_load %arg9[%swap3A_1713] {strides = array<i32>} : memref<512xf32, #tpu.memory_space<vmem>>, vector<16xf32>,
    %swap3A_1715 = vector.shape_cast %swap3A_1714 : vector<16xf32> to vector<16xf32>
    %swap3A_1716 = vector.shape_cast %add3A_1712 : vector<16xf32> to vector<16xf32>
    tpu.vector_store %arg9[%swap3A_1713], %swap3A_1716 {strides = array<i32>} : memref<512xf32, #tpu.memory_space<vmem>>, vector<16xf32>,
    %get3A_1717 = arith.constant 272 : index
    %get3A_1718 = tpu.vector_load %arg8[%get3A_1717] {strides = array<i32>} : memref<512xf32, #tpu.memory_space<vmem>>, vector<16xf32>,
    %get3A_1719 = vector.shape_cast %get3A_1718 : vector<16xf32> to vector<16xf32>
    %mul3A_1720 = arith.constant 8.000000e-01 : f32
    %mul3A_1721 = vector.broadcast %mul3A_1720 : f32 to vector<16xf32>
    %mul3A_1722 = arith.mulf %get3A_1719, %mul3A_1721 : vector<16xf32>
    %get3A_1723 = arith.constant 0 : i32
    %get3A_1724 = arith.index_cast %get3A_1723 : i32 to index
    %get3A_1725 = arith.constant 272 : index
    %get3A_1726 = tpu.vector_load %arg6[%get3A_1724, %get3A_1725] {strides = array<i32>} : memref<8x512xf32, #tpu.memory_space<vmem>>, vector<1x16xf32>,
    %get3A_1727 = vector.shape_cast %get3A_1726 : vector<1x16xf32> to vector<16xf32>
    %abs3A_1728 = math.absf %get3A_1727 : vector<16xf32>
    %ge3A_1729 = arith.cmpf oge, %abs3A_1728, %get3A_21 : vector<16xf32>
    %jit3A_1730 = arith.constant 0.000000e+00 : f32
    %broadcast_in_dim3A_1731 = vector.broadcast %jit3A_1730 : f32 to vector<16xf32>
    %select_n3A_1732 = arith.select %ge3A_1729, %get3A_1727, %broadcast_in_dim3A_1731 : vector<16xi1>, vector<16xf32>
    %add3A_1733 = arith.addf %mul3A_1722, %select_n3A_1732 : vector<16xf32>
    %get3A_1734 = arith.constant 1 : i32
    %get3A_1735 = arith.index_cast %get3A_1734 : i32 to index
    %get3A_1736 = arith.constant 272 : index
    %get3A_1737 = tpu.vector_load %arg6[%get3A_1735, %get3A_1736] {strides = array<i32>} : memref<8x512xf32, #tpu.memory_space<vmem>>, vector<1x16xf32>,
    %get3A_1738 = vector.shape_cast %get3A_1737 : vector<1x16xf32> to vector<16xf32>
    %abs3A_1739 = math.absf %get3A_1738 : vector<16xf32>
    %ge3A_1740 = arith.cmpf oge, %abs3A_1739, %get3A_26 : vector<16xf32>
    %jit3A_1741 = arith.constant 0.000000e+00 : f32
    %broadcast_in_dim3A_1742 = vector.broadcast %jit3A_1741 : f32 to vector<16xf32>
    %select_n3A_1743 = arith.select %ge3A_1740, %get3A_1738, %broadcast_in_dim3A_1742 : vector<16xi1>, vector<16xf32>
    %add3A_1744 = arith.addf %add3A_1733, %select_n3A_1743 : vector<16xf32>
    %get3A_1745 = arith.constant 2 : i32
    %get3A_1746 = arith.index_cast %get3A_1745 : i32 to index
    %get3A_1747 = arith.constant 272 : index
    %get3A_1748 = tpu.vector_load %arg6[%get3A_1746, %get3A_1747] {strides = array<i32>} : memref<8x512xf32, #tpu.memory_space<vmem>>, vector<1x16xf32>,
    %get3A_1749 = vector.shape_cast %get3A_1748 : vector<1x16xf32> to vector<16xf32>
    %abs3A_1750 = math.absf %get3A_1749 : vector<16xf32>
    %ge3A_1751 = arith.cmpf oge, %abs3A_1750, %get3A_31 : vector<16xf32>
    %jit3A_1752 = arith.constant 0.000000e+00 : f32
    %broadcast_in_dim3A_1753 = vector.broadcast %jit3A_1752 : f32 to vector<16xf32>
    %select_n3A_1754 = arith.select %ge3A_1751, %get3A_1749, %broadcast_in_dim3A_1753 : vector<16xi1>, vector<16xf32>
    %add3A_1755 = arith.addf %add3A_1744, %select_n3A_1754 : vector<16xf32>
    %get3A_1756 = arith.constant 3 : i32
    %get3A_1757 = arith.index_cast %get3A_1756 : i32 to index
    %get3A_1758 = arith.constant 272 : index
    %get3A_1759 = tpu.vector_load %arg6[%get3A_1757, %get3A_1758] {strides = array<i32>} : memref<8x512xf32, #tpu.memory_space<vmem>>, vector<1x16xf32>,
    %get3A_1760 = vector.shape_cast %get3A_1759 : vector<1x16xf32> to vector<16xf32>
    %abs3A_1761 = math.absf %get3A_1760 : vector<16xf32>
    %ge3A_1762 = arith.cmpf oge, %abs3A_1761, %get3A_36 : vector<16xf32>
    %jit3A_1763 = arith.constant 0.000000e+00 : f32
    %broadcast_in_dim3A_1764 = vector.broadcast %jit3A_1763 : f32 to vector<16xf32>
    %select_n3A_1765 = arith.select %ge3A_1762, %get3A_1760, %broadcast_in_dim3A_1764 : vector<16xi1>, vector<16xf32>
    %add3A_1766 = arith.addf %add3A_1755, %select_n3A_1765 : vector<16xf32>
    %get3A_1767 = arith.constant 4 : i32
    %get3A_1768 = arith.index_cast %get3A_1767 : i32 to index
    %get3A_1769 = arith.constant 272 : index
    %get3A_1770 = tpu.vector_load %arg6[%get3A_1768, %get3A_1769] {strides = array<i32>} : memref<8x512xf32, #tpu.memory_space<vmem>>, vector<1x16xf32>,
    %get3A_1771 = vector.shape_cast %get3A_1770 : vector<1x16xf32> to vector<16xf32>
    %abs3A_1772 = math.absf %get3A_1771 : vector<16xf32>
    %ge3A_1773 = arith.cmpf oge, %abs3A_1772, %get3A_41 : vector<16xf32>
    %jit3A_1774 = arith.constant 0.000000e+00 : f32
    %broadcast_in_dim3A_1775 = vector.broadcast %jit3A_1774 : f32 to vector<16xf32>
    %select_n3A_1776 = arith.select %ge3A_1773, %get3A_1771, %broadcast_in_dim3A_1775 : vector<16xi1>, vector<16xf32>
    %add3A_1777 = arith.addf %add3A_1766, %select_n3A_1776 : vector<16xf32>
    %get3A_1778 = arith.constant 5 : i32
    %get3A_1779 = arith.index_cast %get3A_1778 : i32 to index
    %get3A_1780 = arith.constant 272 : index
    %get3A_1781 = tpu.vector_load %arg6[%get3A_1779, %get3A_1780] {strides = array<i32>} : memref<8x512xf32, #tpu.memory_space<vmem>>, vector<1x16xf32>,
    %get3A_1782 = vector.shape_cast %get3A_1781 : vector<1x16xf32> to vector<16xf32>
    %abs3A_1783 = math.absf %get3A_1782 : vector<16xf32>
    %ge3A_1784 = arith.cmpf oge, %abs3A_1783, %get3A_46 : vector<16xf32>
    %jit3A_1785 = arith.constant 0.000000e+00 : f32
    %broadcast_in_dim3A_1786 = vector.broadcast %jit3A_1785 : f32 to vector<16xf32>
    %select_n3A_1787 = arith.select %ge3A_1784, %get3A_1782, %broadcast_in_dim3A_1786 : vector<16xi1>, vector<16xf32>
    %add3A_1788 = arith.addf %add3A_1777, %select_n3A_1787 : vector<16xf32>
    %get3A_1789 = arith.constant 6 : i32
    %get3A_1790 = arith.index_cast %get3A_1789 : i32 to index
    %get3A_1791 = arith.constant 272 : index
    %get3A_1792 = tpu.vector_load %arg6[%get3A_1790, %get3A_1791] {strides = array<i32>} : memref<8x512xf32, #tpu.memory_space<vmem>>, vector<1x16xf32>,
    %get3A_1793 = vector.shape_cast %get3A_1792 : vector<1x16xf32> to vector<16xf32>
    %abs3A_1794 = math.absf %get3A_1793 : vector<16xf32>
    %ge3A_1795 = arith.cmpf oge, %abs3A_1794, %get3A_51 : vector<16xf32>
    %jit3A_1796 = arith.constant 0.000000e+00 : f32
    %broadcast_in_dim3A_1797 = vector.broadcast %jit3A_1796 : f32 to vector<16xf32>
    %select_n3A_1798 = arith.select %ge3A_1795, %get3A_1793, %broadcast_in_dim3A_1797 : vector<16xi1>, vector<16xf32>
    %add3A_1799 = arith.addf %add3A_1788, %select_n3A_1798 : vector<16xf32>
    %get3A_1800 = arith.constant 7 : i32
    %get3A_1801 = arith.index_cast %get3A_1800 : i32 to index
    %get3A_1802 = arith.constant 272 : index
    %get3A_1803 = tpu.vector_load %arg6[%get3A_1801, %get3A_1802] {strides = array<i32>} : memref<8x512xf32, #tpu.memory_space<vmem>>, vector<1x16xf32>,
    %get3A_1804 = vector.shape_cast %get3A_1803 : vector<1x16xf32> to vector<16xf32>
    %abs3A_1805 = math.absf %get3A_1804 : vector<16xf32>
    %ge3A_1806 = arith.cmpf oge, %abs3A_1805, %get3A_56 : vector<16xf32>
    %jit3A_1807 = arith.constant 0.000000e+00 : f32
    %broadcast_in_dim3A_1808 = vector.broadcast %jit3A_1807 : f32 to vector<16xf32>
    %select_n3A_1809 = arith.select %ge3A_1806, %get3A_1804, %broadcast_in_dim3A_1808 : vector<16xi1>, vector<16xf32>
    %add3A_1810 = arith.addf %add3A_1799, %select_n3A_1809 : vector<16xf32>
    %swap3A_1811 = arith.constant 272 : index
    %swap3A_1812 = tpu.vector_load %arg9[%swap3A_1811] {strides = array<i32>} : memref<512xf32, #tpu.memory_space<vmem>>, vector<16xf32>,
    %swap3A_1813 = vector.shape_cast %swap3A_1812 : vector<16xf32> to vector<16xf32>
    %swap3A_1814 = vector.shape_cast %add3A_1810 : vector<16xf32> to vector<16xf32>
    tpu.vector_store %arg9[%swap3A_1811], %swap3A_1814 {strides = array<i32>} : memref<512xf32, #tpu.memory_space<vmem>>, vector<16xf32>,
    %get3A_1815 = arith.constant 288 : index
    %get3A_1816 = tpu.vector_load %arg8[%get3A_1815] {strides = array<i32>} : memref<512xf32, #tpu.memory_space<vmem>>, vector<16xf32>,
    %get3A_1817 = vector.shape_cast %get3A_1816 : vector<16xf32> to vector<16xf32>
    %mul3A_1818 = arith.constant 8.000000e-01 : f32
    %mul3A_1819 = vector.broadcast %mul3A_1818 : f32 to vector<16xf32>
    %mul3A_1820 = arith.mulf %get3A_1817, %mul3A_1819 : vector<16xf32>
    %get3A_1821 = arith.constant 0 : i32
    %get3A_1822 = arith.index_cast %get3A_1821 : i32 to index
    %get3A_1823 = arith.constant 288 : index
    %get3A_1824 = tpu.vector_load %arg6[%get3A_1822, %get3A_1823] {strides = array<i32>} : memref<8x512xf32, #tpu.memory_space<vmem>>, vector<1x16xf32>,
    %get3A_1825 = vector.shape_cast %get3A_1824 : vector<1x16xf32> to vector<16xf32>
    %abs3A_1826 = math.absf %get3A_1825 : vector<16xf32>
    %ge3A_1827 = arith.cmpf oge, %abs3A_1826, %get3A_21 : vector<16xf32>
    %jit3A_1828 = arith.constant 0.000000e+00 : f32
    %broadcast_in_dim3A_1829 = vector.broadcast %jit3A_1828 : f32 to vector<16xf32>
    %select_n3A_1830 = arith.select %ge3A_1827, %get3A_1825, %broadcast_in_dim3A_1829 : vector<16xi1>, vector<16xf32>
    %add3A_1831 = arith.addf %mul3A_1820, %select_n3A_1830 : vector<16xf32>
    %get3A_1832 = arith.constant 1 : i32
    %get3A_1833 = arith.index_cast %get3A_1832 : i32 to index
    %get3A_1834 = arith.constant 288 : index
    %get3A_1835 = tpu.vector_load %arg6[%get3A_1833, %get3A_1834] {strides = array<i32>} : memref<8x512xf32, #tpu.memory_space<vmem>>, vector<1x16xf32>,
    %get3A_1836 = vector.shape_cast %get3A_1835 : vector<1x16xf32> to vector<16xf32>
    %abs3A_1837 = math.absf %get3A_1836 : vector<16xf32>
    %ge3A_1838 = arith.cmpf oge, %abs3A_1837, %get3A_26 : vector<16xf32>
    %jit3A_1839 = arith.constant 0.000000e+00 : f32
    %broadcast_in_dim3A_1840 = vector.broadcast %jit3A_1839 : f32 to vector<16xf32>
    %select_n3A_1841 = arith.select %ge3A_1838, %get3A_1836, %broadcast_in_dim3A_1840 : vector<16xi1>, vector<16xf32>
    %add3A_1842 = arith.addf %add3A_1831, %select_n3A_1841 : vector<16xf32>
    %get3A_1843 = arith.constant 2 : i32
    %get3A_1844 = arith.index_cast %get3A_1843 : i32 to index
    %get3A_1845 = arith.constant 288 : index
    %get3A_1846 = tpu.vector_load %arg6[%get3A_1844, %get3A_1845] {strides = array<i32>} : memref<8x512xf32, #tpu.memory_space<vmem>>, vector<1x16xf32>,
    %get3A_1847 = vector.shape_cast %get3A_1846 : vector<1x16xf32> to vector<16xf32>
    %abs3A_1848 = math.absf %get3A_1847 : vector<16xf32>
    %ge3A_1849 = arith.cmpf oge, %abs3A_1848, %get3A_31 : vector<16xf32>
    %jit3A_1850 = arith.constant 0.000000e+00 : f32
    %broadcast_in_dim3A_1851 = vector.broadcast %jit3A_1850 : f32 to vector<16xf32>
    %select_n3A_1852 = arith.select %ge3A_1849, %get3A_1847, %broadcast_in_dim3A_1851 : vector<16xi1>, vector<16xf32>
    %add3A_1853 = arith.addf %add3A_1842, %select_n3A_1852 : vector<16xf32>
    %get3A_1854 = arith.constant 3 : i32
    %get3A_1855 = arith.index_cast %get3A_1854 : i32 to index
    %get3A_1856 = arith.constant 288 : index
    %get3A_1857 = tpu.vector_load %arg6[%get3A_1855, %get3A_1856] {strides = array<i32>} : memref<8x512xf32, #tpu.memory_space<vmem>>, vector<1x16xf32>,
    %get3A_1858 = vector.shape_cast %get3A_1857 : vector<1x16xf32> to vector<16xf32>
    %abs3A_1859 = math.absf %get3A_1858 : vector<16xf32>
    %ge3A_1860 = arith.cmpf oge, %abs3A_1859, %get3A_36 : vector<16xf32>
    %jit3A_1861 = arith.constant 0.000000e+00 : f32
    %broadcast_in_dim3A_1862 = vector.broadcast %jit3A_1861 : f32 to vector<16xf32>
    %select_n3A_1863 = arith.select %ge3A_1860, %get3A_1858, %broadcast_in_dim3A_1862 : vector<16xi1>, vector<16xf32>
    %add3A_1864 = arith.addf %add3A_1853, %select_n3A_1863 : vector<16xf32>
    %get3A_1865 = arith.constant 4 : i32
    %get3A_1866 = arith.index_cast %get3A_1865 : i32 to index
    %get3A_1867 = arith.constant 288 : index
    %get3A_1868 = tpu.vector_load %arg6[%get3A_1866, %get3A_1867] {strides = array<i32>} : memref<8x512xf32, #tpu.memory_space<vmem>>, vector<1x16xf32>,
    %get3A_1869 = vector.shape_cast %get3A_1868 : vector<1x16xf32> to vector<16xf32>
    %abs3A_1870 = math.absf %get3A_1869 : vector<16xf32>
    %ge3A_1871 = arith.cmpf oge, %abs3A_1870, %get3A_41 : vector<16xf32>
    %jit3A_1872 = arith.constant 0.000000e+00 : f32
    %broadcast_in_dim3A_1873 = vector.broadcast %jit3A_1872 : f32 to vector<16xf32>
    %select_n3A_1874 = arith.select %ge3A_1871, %get3A_1869, %broadcast_in_dim3A_1873 : vector<16xi1>, vector<16xf32>
    %add3A_1875 = arith.addf %add3A_1864, %select_n3A_1874 : vector<16xf32>
    %get3A_1876 = arith.constant 5 : i32
    %get3A_1877 = arith.index_cast %get3A_1876 : i32 to index
    %get3A_1878 = arith.constant 288 : index
    %get3A_1879 = tpu.vector_load %arg6[%get3A_1877, %get3A_1878] {strides = array<i32>} : memref<8x512xf32, #tpu.memory_space<vmem>>, vector<1x16xf32>,
    %get3A_1880 = vector.shape_cast %get3A_1879 : vector<1x16xf32> to vector<16xf32>
    %abs3A_1881 = math.absf %get3A_1880 : vector<16xf32>
    %ge3A_1882 = arith.cmpf oge, %abs3A_1881, %get3A_46 : vector<16xf32>
    %jit3A_1883 = arith.constant 0.000000e+00 : f32
    %broadcast_in_dim3A_1884 = vector.broadcast %jit3A_1883 : f32 to vector<16xf32>
    %select_n3A_1885 = arith.select %ge3A_1882, %get3A_1880, %broadcast_in_dim3A_1884 : vector<16xi1>, vector<16xf32>
    %add3A_1886 = arith.addf %add3A_1875, %select_n3A_1885 : vector<16xf32>
    %get3A_1887 = arith.constant 6 : i32
    %get3A_1888 = arith.index_cast %get3A_1887 : i32 to index
    %get3A_1889 = arith.constant 288 : index
    %get3A_1890 = tpu.vector_load %arg6[%get3A_1888, %get3A_1889] {strides = array<i32>} : memref<8x512xf32, #tpu.memory_space<vmem>>, vector<1x16xf32>,
    %get3A_1891 = vector.shape_cast %get3A_1890 : vector<1x16xf32> to vector<16xf32>
    %abs3A_1892 = math.absf %get3A_1891 : vector<16xf32>
    %ge3A_1893 = arith.cmpf oge, %abs3A_1892, %get3A_51 : vector<16xf32>
    %jit3A_1894 = arith.constant 0.000000e+00 : f32
    %broadcast_in_dim3A_1895 = vector.broadcast %jit3A_1894 : f32 to vector<16xf32>
    %select_n3A_1896 = arith.select %ge3A_1893, %get3A_1891, %broadcast_in_dim3A_1895 : vector<16xi1>, vector<16xf32>
    %add3A_1897 = arith.addf %add3A_1886, %select_n3A_1896 : vector<16xf32>
    %get3A_1898 = arith.constant 7 : i32
    %get3A_1899 = arith.index_cast %get3A_1898 : i32 to index
    %get3A_1900 = arith.constant 288 : index
    %get3A_1901 = tpu.vector_load %arg6[%get3A_1899, %get3A_1900] {strides = array<i32>} : memref<8x512xf32, #tpu.memory_space<vmem>>, vector<1x16xf32>,
    %get3A_1902 = vector.shape_cast %get3A_1901 : vector<1x16xf32> to vector<16xf32>
    %abs3A_1903 = math.absf %get3A_1902 : vector<16xf32>
    %ge3A_1904 = arith.cmpf oge, %abs3A_1903, %get3A_56 : vector<16xf32>
    %jit3A_1905 = arith.constant 0.000000e+00 : f32
    %broadcast_in_dim3A_1906 = vector.broadcast %jit3A_1905 : f32 to vector<16xf32>
    %select_n3A_1907 = arith.select %ge3A_1904, %get3A_1902, %broadcast_in_dim3A_1906 : vector<16xi1>, vector<16xf32>
    %add3A_1908 = arith.addf %add3A_1897, %select_n3A_1907 : vector<16xf32>
    %swap3A_1909 = arith.constant 288 : index
    %swap3A_1910 = tpu.vector_load %arg9[%swap3A_1909] {strides = array<i32>} : memref<512xf32, #tpu.memory_space<vmem>>, vector<16xf32>,
    %swap3A_1911 = vector.shape_cast %swap3A_1910 : vector<16xf32> to vector<16xf32>
    %swap3A_1912 = vector.shape_cast %add3A_1908 : vector<16xf32> to vector<16xf32>
    tpu.vector_store %arg9[%swap3A_1909], %swap3A_1912 {strides = array<i32>} : memref<512xf32, #tpu.memory_space<vmem>>, vector<16xf32>,
    %get3A_1913 = arith.constant 304 : index
    %get3A_1914 = tpu.vector_load %arg8[%get3A_1913] {strides = array<i32>} : memref<512xf32, #tpu.memory_space<vmem>>, vector<16xf32>,
    %get3A_1915 = vector.shape_cast %get3A_1914 : vector<16xf32> to vector<16xf32>
    %mul3A_1916 = arith.constant 8.000000e-01 : f32
    %mul3A_1917 = vector.broadcast %mul3A_1916 : f32 to vector<16xf32>
    %mul3A_1918 = arith.mulf %get3A_1915, %mul3A_1917 : vector<16xf32>
    %get3A_1919 = arith.constant 0 : i32
    %get3A_1920 = arith.index_cast %get3A_1919 : i32 to index
    %get3A_1921 = arith.constant 304 : index
    %get3A_1922 = tpu.vector_load %arg6[%get3A_1920, %get3A_1921] {strides = array<i32>} : memref<8x512xf32, #tpu.memory_space<vmem>>, vector<1x16xf32>,
    %get3A_1923 = vector.shape_cast %get3A_1922 : vector<1x16xf32> to vector<16xf32>
    %abs3A_1924 = math.absf %get3A_1923 : vector<16xf32>
    %ge3A_1925 = arith.cmpf oge, %abs3A_1924, %get3A_21 : vector<16xf32>
    %jit3A_1926 = arith.constant 0.000000e+00 : f32
    %broadcast_in_dim3A_1927 = vector.broadcast %jit3A_1926 : f32 to vector<16xf32>
    %select_n3A_1928 = arith.select %ge3A_1925, %get3A_1923, %broadcast_in_dim3A_1927 : vector<16xi1>, vector<16xf32>
    %add3A_1929 = arith.addf %mul3A_1918, %select_n3A_1928 : vector<16xf32>
    %get3A_1930 = arith.constant 1 : i32
    %get3A_1931 = arith.index_cast %get3A_1930 : i32 to index
    %get3A_1932 = arith.constant 304 : index
    %get3A_1933 = tpu.vector_load %arg6[%get3A_1931, %get3A_1932] {strides = array<i32>} : memref<8x512xf32, #tpu.memory_space<vmem>>, vector<1x16xf32>,
    %get3A_1934 = vector.shape_cast %get3A_1933 : vector<1x16xf32> to vector<16xf32>
    %abs3A_1935 = math.absf %get3A_1934 : vector<16xf32>
    %ge3A_1936 = arith.cmpf oge, %abs3A_1935, %get3A_26 : vector<16xf32>
    %jit3A_1937 = arith.constant 0.000000e+00 : f32
    %broadcast_in_dim3A_1938 = vector.broadcast %jit3A_1937 : f32 to vector<16xf32>
    %select_n3A_1939 = arith.select %ge3A_1936, %get3A_1934, %broadcast_in_dim3A_1938 : vector<16xi1>, vector<16xf32>
    %add3A_1940 = arith.addf %add3A_1929, %select_n3A_1939 : vector<16xf32>
    %get3A_1941 = arith.constant 2 : i32
    %get3A_1942 = arith.index_cast %get3A_1941 : i32 to index
    %get3A_1943 = arith.constant 304 : index
    %get3A_1944 = tpu.vector_load %arg6[%get3A_1942, %get3A_1943] {strides = array<i32>} : memref<8x512xf32, #tpu.memory_space<vmem>>, vector<1x16xf32>,
    %get3A_1945 = vector.shape_cast %get3A_1944 : vector<1x16xf32> to vector<16xf32>
    %abs3A_1946 = math.absf %get3A_1945 : vector<16xf32>
    %ge3A_1947 = arith.cmpf oge, %abs3A_1946, %get3A_31 : vector<16xf32>
    %jit3A_1948 = arith.constant 0.000000e+00 : f32
    %broadcast_in_dim3A_1949 = vector.broadcast %jit3A_1948 : f32 to vector<16xf32>
    %select_n3A_1950 = arith.select %ge3A_1947, %get3A_1945, %broadcast_in_dim3A_1949 : vector<16xi1>, vector<16xf32>
    %add3A_1951 = arith.addf %add3A_1940, %select_n3A_1950 : vector<16xf32>
    %get3A_1952 = arith.constant 3 : i32
    %get3A_1953 = arith.index_cast %get3A_1952 : i32 to index
    %get3A_1954 = arith.constant 304 : index
    %get3A_1955 = tpu.vector_load %arg6[%get3A_1953, %get3A_1954] {strides = array<i32>} : memref<8x512xf32, #tpu.memory_space<vmem>>, vector<1x16xf32>,
    %get3A_1956 = vector.shape_cast %get3A_1955 : vector<1x16xf32> to vector<16xf32>
    %abs3A_1957 = math.absf %get3A_1956 : vector<16xf32>
    %ge3A_1958 = arith.cmpf oge, %abs3A_1957, %get3A_36 : vector<16xf32>
    %jit3A_1959 = arith.constant 0.000000e+00 : f32
    %broadcast_in_dim3A_1960 = vector.broadcast %jit3A_1959 : f32 to vector<16xf32>
    %select_n3A_1961 = arith.select %ge3A_1958, %get3A_1956, %broadcast_in_dim3A_1960 : vector<16xi1>, vector<16xf32>
    %add3A_1962 = arith.addf %add3A_1951, %select_n3A_1961 : vector<16xf32>
    %get3A_1963 = arith.constant 4 : i32
    %get3A_1964 = arith.index_cast %get3A_1963 : i32 to index
    %get3A_1965 = arith.constant 304 : index
    %get3A_1966 = tpu.vector_load %arg6[%get3A_1964, %get3A_1965] {strides = array<i32>} : memref<8x512xf32, #tpu.memory_space<vmem>>, vector<1x16xf32>,
    %get3A_1967 = vector.shape_cast %get3A_1966 : vector<1x16xf32> to vector<16xf32>
    %abs3A_1968 = math.absf %get3A_1967 : vector<16xf32>
    %ge3A_1969 = arith.cmpf oge, %abs3A_1968, %get3A_41 : vector<16xf32>
    %jit3A_1970 = arith.constant 0.000000e+00 : f32
    %broadcast_in_dim3A_1971 = vector.broadcast %jit3A_1970 : f32 to vector<16xf32>
    %select_n3A_1972 = arith.select %ge3A_1969, %get3A_1967, %broadcast_in_dim3A_1971 : vector<16xi1>, vector<16xf32>
    %add3A_1973 = arith.addf %add3A_1962, %select_n3A_1972 : vector<16xf32>
    %get3A_1974 = arith.constant 5 : i32
    %get3A_1975 = arith.index_cast %get3A_1974 : i32 to index
    %get3A_1976 = arith.constant 304 : index
    %get3A_1977 = tpu.vector_load %arg6[%get3A_1975, %get3A_1976] {strides = array<i32>} : memref<8x512xf32, #tpu.memory_space<vmem>>, vector<1x16xf32>,
    %get3A_1978 = vector.shape_cast %get3A_1977 : vector<1x16xf32> to vector<16xf32>
    %abs3A_1979 = math.absf %get3A_1978 : vector<16xf32>
    %ge3A_1980 = arith.cmpf oge, %abs3A_1979, %get3A_46 : vector<16xf32>
    %jit3A_1981 = arith.constant 0.000000e+00 : f32
    %broadcast_in_dim3A_1982 = vector.broadcast %jit3A_1981 : f32 to vector<16xf32>
    %select_n3A_1983 = arith.select %ge3A_1980, %get3A_1978, %broadcast_in_dim3A_1982 : vector<16xi1>, vector<16xf32>
    %add3A_1984 = arith.addf %add3A_1973, %select_n3A_1983 : vector<16xf32>
    %get3A_1985 = arith.constant 6 : i32
    %get3A_1986 = arith.index_cast %get3A_1985 : i32 to index
    %get3A_1987 = arith.constant 304 : index
    %get3A_1988 = tpu.vector_load %arg6[%get3A_1986, %get3A_1987] {strides = array<i32>} : memref<8x512xf32, #tpu.memory_space<vmem>>, vector<1x16xf32>,
    %get3A_1989 = vector.shape_cast %get3A_1988 : vector<1x16xf32> to vector<16xf32>
    %abs3A_1990 = math.absf %get3A_1989 : vector<16xf32>
    %ge3A_1991 = arith.cmpf oge, %abs3A_1990, %get3A_51 : vector<16xf32>
    %jit3A_1992 = arith.constant 0.000000e+00 : f32
    %broadcast_in_dim3A_1993 = vector.broadcast %jit3A_1992 : f32 to vector<16xf32>
    %select_n3A_1994 = arith.select %ge3A_1991, %get3A_1989, %broadcast_in_dim3A_1993 : vector<16xi1>, vector<16xf32>
    %add3A_1995 = arith.addf %add3A_1984, %select_n3A_1994 : vector<16xf32>
    %get3A_1996 = arith.constant 7 : i32
    %get3A_1997 = arith.index_cast %get3A_1996 : i32 to index
    %get3A_1998 = arith.constant 304 : index
    %get3A_1999 = tpu.vector_load %arg6[%get3A_1997, %get3A_1998] {strides = array<i32>} : memref<8x512xf32, #tpu.memory_space<vmem>>, vector<1x16xf32>,
    %get3A_2000 = vector.shape_cast %get3A_1999 : vector<1x16xf32> to vector<16xf32>
    %abs3A_2001 = math.absf %get3A_2000 : vector<16xf32>
    %ge3A_2002 = arith.cmpf oge, %abs3A_2001, %get3A_56 : vector<16xf32>
    %jit3A_2003 = arith.constant 0.000000e+00 : f32
    %broadcast_in_dim3A_2004 = vector.broadcast %jit3A_2003 : f32 to vector<16xf32>
    %select_n3A_2005 = arith.select %ge3A_2002, %get3A_2000, %broadcast_in_dim3A_2004 : vector<16xi1>, vector<16xf32>
    %add3A_2006 = arith.addf %add3A_1995, %select_n3A_2005 : vector<16xf32>
    %swap3A_2007 = arith.constant 304 : index
    %swap3A_2008 = tpu.vector_load %arg9[%swap3A_2007] {strides = array<i32>} : memref<512xf32, #tpu.memory_space<vmem>>, vector<16xf32>,
    %swap3A_2009 = vector.shape_cast %swap3A_2008 : vector<16xf32> to vector<16xf32>
    %swap3A_2010 = vector.shape_cast %add3A_2006 : vector<16xf32> to vector<16xf32>
    tpu.vector_store %arg9[%swap3A_2007], %swap3A_2010 {strides = array<i32>} : memref<512xf32, #tpu.memory_space<vmem>>, vector<16xf32>,
    %get3A_2011 = arith.constant 320 : index
    %get3A_2012 = tpu.vector_load %arg8[%get3A_2011] {strides = array<i32>} : memref<512xf32, #tpu.memory_space<vmem>>, vector<16xf32>,
    %get3A_2013 = vector.shape_cast %get3A_2012 : vector<16xf32> to vector<16xf32>
    %mul3A_2014 = arith.constant 8.000000e-01 : f32
    %mul3A_2015 = vector.broadcast %mul3A_2014 : f32 to vector<16xf32>
    %mul3A_2016 = arith.mulf %get3A_2013, %mul3A_2015 : vector<16xf32>
    %get3A_2017 = arith.constant 0 : i32
    %get3A_2018 = arith.index_cast %get3A_2017 : i32 to index
    %get3A_2019 = arith.constant 320 : index
    %get3A_2020 = tpu.vector_load %arg6[%get3A_2018, %get3A_2019] {strides = array<i32>} : memref<8x512xf32, #tpu.memory_space<vmem>>, vector<1x16xf32>,
    %get3A_2021 = vector.shape_cast %get3A_2020 : vector<1x16xf32> to vector<16xf32>
    %abs3A_2022 = math.absf %get3A_2021 : vector<16xf32>
    %ge3A_2023 = arith.cmpf oge, %abs3A_2022, %get3A_21 : vector<16xf32>
    %jit3A_2024 = arith.constant 0.000000e+00 : f32
    %broadcast_in_dim3A_2025 = vector.broadcast %jit3A_2024 : f32 to vector<16xf32>
    %select_n3A_2026 = arith.select %ge3A_2023, %get3A_2021, %broadcast_in_dim3A_2025 : vector<16xi1>, vector<16xf32>
    %add3A_2027 = arith.addf %mul3A_2016, %select_n3A_2026 : vector<16xf32>
    %get3A_2028 = arith.constant 1 : i32
    %get3A_2029 = arith.index_cast %get3A_2028 : i32 to index
    %get3A_2030 = arith.constant 320 : index
    %get3A_2031 = tpu.vector_load %arg6[%get3A_2029, %get3A_2030] {strides = array<i32>} : memref<8x512xf32, #tpu.memory_space<vmem>>, vector<1x16xf32>,
    %get3A_2032 = vector.shape_cast %get3A_2031 : vector<1x16xf32> to vector<16xf32>
    %abs3A_2033 = math.absf %get3A_2032 : vector<16xf32>
    %ge3A_2034 = arith.cmpf oge, %abs3A_2033, %get3A_26 : vector<16xf32>
    %jit3A_2035 = arith.constant 0.000000e+00 : f32
    %broadcast_in_dim3A_2036 = vector.broadcast %jit3A_2035 : f32 to vector<16xf32>
    %select_n3A_2037 = arith.select %ge3A_2034, %get3A_2032, %broadcast_in_dim3A_2036 : vector<16xi1>, vector<16xf32>
    %add3A_2038 = arith.addf %add3A_2027, %select_n3A_2037 : vector<16xf32>
    %get3A_2039 = arith.constant 2 : i32
    %get3A_2040 = arith.index_cast %get3A_2039 : i32 to index
    %get3A_2041 = arith.constant 320 : index
    %get3A_2042 = tpu.vector_load %arg6[%get3A_2040, %get3A_2041] {strides = array<i32>} : memref<8x512xf32, #tpu.memory_space<vmem>>, vector<1x16xf32>,
    %get3A_2043 = vector.shape_cast %get3A_2042 : vector<1x16xf32> to vector<16xf32>
    %abs3A_2044 = math.absf %get3A_2043 : vector<16xf32>
    %ge3A_2045 = arith.cmpf oge, %abs3A_2044, %get3A_31 : vector<16xf32>
    %jit3A_2046 = arith.constant 0.000000e+00 : f32
    %broadcast_in_dim3A_2047 = vector.broadcast %jit3A_2046 : f32 to vector<16xf32>
    %select_n3A_2048 = arith.select %ge3A_2045, %get3A_2043, %broadcast_in_dim3A_2047 : vector<16xi1>, vector<16xf32>
    %add3A_2049 = arith.addf %add3A_2038, %select_n3A_2048 : vector<16xf32>
    %get3A_2050 = arith.constant 3 : i32
    %get3A_2051 = arith.index_cast %get3A_2050 : i32 to index
    %get3A_2052 = arith.constant 320 : index
    %get3A_2053 = tpu.vector_load %arg6[%get3A_2051, %get3A_2052] {strides = array<i32>} : memref<8x512xf32, #tpu.memory_space<vmem>>, vector<1x16xf32>,
    %get3A_2054 = vector.shape_cast %get3A_2053 : vector<1x16xf32> to vector<16xf32>
    %abs3A_2055 = math.absf %get3A_2054 : vector<16xf32>
    %ge3A_2056 = arith.cmpf oge, %abs3A_2055, %get3A_36 : vector<16xf32>
    %jit3A_2057 = arith.constant 0.000000e+00 : f32
    %broadcast_in_dim3A_2058 = vector.broadcast %jit3A_2057 : f32 to vector<16xf32>
    %select_n3A_2059 = arith.select %ge3A_2056, %get3A_2054, %broadcast_in_dim3A_2058 : vector<16xi1>, vector<16xf32>
    %add3A_2060 = arith.addf %add3A_2049, %select_n3A_2059 : vector<16xf32>
    %get3A_2061 = arith.constant 4 : i32
    %get3A_2062 = arith.index_cast %get3A_2061 : i32 to index
    %get3A_2063 = arith.constant 320 : index
    %get3A_2064 = tpu.vector_load %arg6[%get3A_2062, %get3A_2063] {strides = array<i32>} : memref<8x512xf32, #tpu.memory_space<vmem>>, vector<1x16xf32>,
    %get3A_2065 = vector.shape_cast %get3A_2064 : vector<1x16xf32> to vector<16xf32>
    %abs3A_2066 = math.absf %get3A_2065 : vector<16xf32>
    %ge3A_2067 = arith.cmpf oge, %abs3A_2066, %get3A_41 : vector<16xf32>
    %jit3A_2068 = arith.constant 0.000000e+00 : f32
    %broadcast_in_dim3A_2069 = vector.broadcast %jit3A_2068 : f32 to vector<16xf32>
    %select_n3A_2070 = arith.select %ge3A_2067, %get3A_2065, %broadcast_in_dim3A_2069 : vector<16xi1>, vector<16xf32>
    %add3A_2071 = arith.addf %add3A_2060, %select_n3A_2070 : vector<16xf32>
    %get3A_2072 = arith.constant 5 : i32
    %get3A_2073 = arith.index_cast %get3A_2072 : i32 to index
    %get3A_2074 = arith.constant 320 : index
    %get3A_2075 = tpu.vector_load %arg6[%get3A_2073, %get3A_2074] {strides = array<i32>} : memref<8x512xf32, #tpu.memory_space<vmem>>, vector<1x16xf32>,
    %get3A_2076 = vector.shape_cast %get3A_2075 : vector<1x16xf32> to vector<16xf32>
    %abs3A_2077 = math.absf %get3A_2076 : vector<16xf32>
    %ge3A_2078 = arith.cmpf oge, %abs3A_2077, %get3A_46 : vector<16xf32>
    %jit3A_2079 = arith.constant 0.000000e+00 : f32
    %broadcast_in_dim3A_2080 = vector.broadcast %jit3A_2079 : f32 to vector<16xf32>
    %select_n3A_2081 = arith.select %ge3A_2078, %get3A_2076, %broadcast_in_dim3A_2080 : vector<16xi1>, vector<16xf32>
    %add3A_2082 = arith.addf %add3A_2071, %select_n3A_2081 : vector<16xf32>
    %get3A_2083 = arith.constant 6 : i32
    %get3A_2084 = arith.index_cast %get3A_2083 : i32 to index
    %get3A_2085 = arith.constant 320 : index
    %get3A_2086 = tpu.vector_load %arg6[%get3A_2084, %get3A_2085] {strides = array<i32>} : memref<8x512xf32, #tpu.memory_space<vmem>>, vector<1x16xf32>,
    %get3A_2087 = vector.shape_cast %get3A_2086 : vector<1x16xf32> to vector<16xf32>
    %abs3A_2088 = math.absf %get3A_2087 : vector<16xf32>
    %ge3A_2089 = arith.cmpf oge, %abs3A_2088, %get3A_51 : vector<16xf32>
    %jit3A_2090 = arith.constant 0.000000e+00 : f32
    %broadcast_in_dim3A_2091 = vector.broadcast %jit3A_2090 : f32 to vector<16xf32>
    %select_n3A_2092 = arith.select %ge3A_2089, %get3A_2087, %broadcast_in_dim3A_2091 : vector<16xi1>, vector<16xf32>
    %add3A_2093 = arith.addf %add3A_2082, %select_n3A_2092 : vector<16xf32>
    %get3A_2094 = arith.constant 7 : i32
    %get3A_2095 = arith.index_cast %get3A_2094 : i32 to index
    %get3A_2096 = arith.constant 320 : index
    %get3A_2097 = tpu.vector_load %arg6[%get3A_2095, %get3A_2096] {strides = array<i32>} : memref<8x512xf32, #tpu.memory_space<vmem>>, vector<1x16xf32>,
    %get3A_2098 = vector.shape_cast %get3A_2097 : vector<1x16xf32> to vector<16xf32>
    %abs3A_2099 = math.absf %get3A_2098 : vector<16xf32>
    %ge3A_2100 = arith.cmpf oge, %abs3A_2099, %get3A_56 : vector<16xf32>
    %jit3A_2101 = arith.constant 0.000000e+00 : f32
    %broadcast_in_dim3A_2102 = vector.broadcast %jit3A_2101 : f32 to vector<16xf32>
    %select_n3A_2103 = arith.select %ge3A_2100, %get3A_2098, %broadcast_in_dim3A_2102 : vector<16xi1>, vector<16xf32>
    %add3A_2104 = arith.addf %add3A_2093, %select_n3A_2103 : vector<16xf32>
    %swap3A_2105 = arith.constant 320 : index
    %swap3A_2106 = tpu.vector_load %arg9[%swap3A_2105] {strides = array<i32>} : memref<512xf32, #tpu.memory_space<vmem>>, vector<16xf32>,
    %swap3A_2107 = vector.shape_cast %swap3A_2106 : vector<16xf32> to vector<16xf32>
    %swap3A_2108 = vector.shape_cast %add3A_2104 : vector<16xf32> to vector<16xf32>
    tpu.vector_store %arg9[%swap3A_2105], %swap3A_2108 {strides = array<i32>} : memref<512xf32, #tpu.memory_space<vmem>>, vector<16xf32>,
    %get3A_2109 = arith.constant 336 : index
    %get3A_2110 = tpu.vector_load %arg8[%get3A_2109] {strides = array<i32>} : memref<512xf32, #tpu.memory_space<vmem>>, vector<16xf32>,
    %get3A_2111 = vector.shape_cast %get3A_2110 : vector<16xf32> to vector<16xf32>
    %mul3A_2112 = arith.constant 8.000000e-01 : f32
    %mul3A_2113 = vector.broadcast %mul3A_2112 : f32 to vector<16xf32>
    %mul3A_2114 = arith.mulf %get3A_2111, %mul3A_2113 : vector<16xf32>
    %get3A_2115 = arith.constant 0 : i32
    %get3A_2116 = arith.index_cast %get3A_2115 : i32 to index
    %get3A_2117 = arith.constant 336 : index
    %get3A_2118 = tpu.vector_load %arg6[%get3A_2116, %get3A_2117] {strides = array<i32>} : memref<8x512xf32, #tpu.memory_space<vmem>>, vector<1x16xf32>,
    %get3A_2119 = vector.shape_cast %get3A_2118 : vector<1x16xf32> to vector<16xf32>
    %abs3A_2120 = math.absf %get3A_2119 : vector<16xf32>
    %ge3A_2121 = arith.cmpf oge, %abs3A_2120, %get3A_21 : vector<16xf32>
    %jit3A_2122 = arith.constant 0.000000e+00 : f32
    %broadcast_in_dim3A_2123 = vector.broadcast %jit3A_2122 : f32 to vector<16xf32>
    %select_n3A_2124 = arith.select %ge3A_2121, %get3A_2119, %broadcast_in_dim3A_2123 : vector<16xi1>, vector<16xf32>
    %add3A_2125 = arith.addf %mul3A_2114, %select_n3A_2124 : vector<16xf32>
    %get3A_2126 = arith.constant 1 : i32
    %get3A_2127 = arith.index_cast %get3A_2126 : i32 to index
    %get3A_2128 = arith.constant 336 : index
    %get3A_2129 = tpu.vector_load %arg6[%get3A_2127, %get3A_2128] {strides = array<i32>} : memref<8x512xf32, #tpu.memory_space<vmem>>, vector<1x16xf32>,
    %get3A_2130 = vector.shape_cast %get3A_2129 : vector<1x16xf32> to vector<16xf32>
    %abs3A_2131 = math.absf %get3A_2130 : vector<16xf32>
    %ge3A_2132 = arith.cmpf oge, %abs3A_2131, %get3A_26 : vector<16xf32>
    %jit3A_2133 = arith.constant 0.000000e+00 : f32
    %broadcast_in_dim3A_2134 = vector.broadcast %jit3A_2133 : f32 to vector<16xf32>
    %select_n3A_2135 = arith.select %ge3A_2132, %get3A_2130, %broadcast_in_dim3A_2134 : vector<16xi1>, vector<16xf32>
    %add3A_2136 = arith.addf %add3A_2125, %select_n3A_2135 : vector<16xf32>
    %get3A_2137 = arith.constant 2 : i32
    %get3A_2138 = arith.index_cast %get3A_2137 : i32 to index
    %get3A_2139 = arith.constant 336 : index
    %get3A_2140 = tpu.vector_load %arg6[%get3A_2138, %get3A_2139] {strides = array<i32>} : memref<8x512xf32, #tpu.memory_space<vmem>>, vector<1x16xf32>,
    %get3A_2141 = vector.shape_cast %get3A_2140 : vector<1x16xf32> to vector<16xf32>
    %abs3A_2142 = math.absf %get3A_2141 : vector<16xf32>
    %ge3A_2143 = arith.cmpf oge, %abs3A_2142, %get3A_31 : vector<16xf32>
    %jit3A_2144 = arith.constant 0.000000e+00 : f32
    %broadcast_in_dim3A_2145 = vector.broadcast %jit3A_2144 : f32 to vector<16xf32>
    %select_n3A_2146 = arith.select %ge3A_2143, %get3A_2141, %broadcast_in_dim3A_2145 : vector<16xi1>, vector<16xf32>
    %add3A_2147 = arith.addf %add3A_2136, %select_n3A_2146 : vector<16xf32>
    %get3A_2148 = arith.constant 3 : i32
    %get3A_2149 = arith.index_cast %get3A_2148 : i32 to index
    %get3A_2150 = arith.constant 336 : index
    %get3A_2151 = tpu.vector_load %arg6[%get3A_2149, %get3A_2150] {strides = array<i32>} : memref<8x512xf32, #tpu.memory_space<vmem>>, vector<1x16xf32>,
    %get3A_2152 = vector.shape_cast %get3A_2151 : vector<1x16xf32> to vector<16xf32>
    %abs3A_2153 = math.absf %get3A_2152 : vector<16xf32>
    %ge3A_2154 = arith.cmpf oge, %abs3A_2153, %get3A_36 : vector<16xf32>
    %jit3A_2155 = arith.constant 0.000000e+00 : f32
    %broadcast_in_dim3A_2156 = vector.broadcast %jit3A_2155 : f32 to vector<16xf32>
    %select_n3A_2157 = arith.select %ge3A_2154, %get3A_2152, %broadcast_in_dim3A_2156 : vector<16xi1>, vector<16xf32>
    %add3A_2158 = arith.addf %add3A_2147, %select_n3A_2157 : vector<16xf32>
    %get3A_2159 = arith.constant 4 : i32
    %get3A_2160 = arith.index_cast %get3A_2159 : i32 to index
    %get3A_2161 = arith.constant 336 : index
    %get3A_2162 = tpu.vector_load %arg6[%get3A_2160, %get3A_2161] {strides = array<i32>} : memref<8x512xf32, #tpu.memory_space<vmem>>, vector<1x16xf32>,
    %get3A_2163 = vector.shape_cast %get3A_2162 : vector<1x16xf32> to vector<16xf32>
    %abs3A_2164 = math.absf %get3A_2163 : vector<16xf32>
    %ge3A_2165 = arith.cmpf oge, %abs3A_2164, %get3A_41 : vector<16xf32>
    %jit3A_2166 = arith.constant 0.000000e+00 : f32
    %broadcast_in_dim3A_2167 = vector.broadcast %jit3A_2166 : f32 to vector<16xf32>
    %select_n3A_2168 = arith.select %ge3A_2165, %get3A_2163, %broadcast_in_dim3A_2167 : vector<16xi1>, vector<16xf32>
    %add3A_2169 = arith.addf %add3A_2158, %select_n3A_2168 : vector<16xf32>
    %get3A_2170 = arith.constant 5 : i32
    %get3A_2171 = arith.index_cast %get3A_2170 : i32 to index
    %get3A_2172 = arith.constant 336 : index
    %get3A_2173 = tpu.vector_load %arg6[%get3A_2171, %get3A_2172] {strides = array<i32>} : memref<8x512xf32, #tpu.memory_space<vmem>>, vector<1x16xf32>,
    %get3A_2174 = vector.shape_cast %get3A_2173 : vector<1x16xf32> to vector<16xf32>
    %abs3A_2175 = math.absf %get3A_2174 : vector<16xf32>
    %ge3A_2176 = arith.cmpf oge, %abs3A_2175, %get3A_46 : vector<16xf32>
    %jit3A_2177 = arith.constant 0.000000e+00 : f32
    %broadcast_in_dim3A_2178 = vector.broadcast %jit3A_2177 : f32 to vector<16xf32>
    %select_n3A_2179 = arith.select %ge3A_2176, %get3A_2174, %broadcast_in_dim3A_2178 : vector<16xi1>, vector<16xf32>
    %add3A_2180 = arith.addf %add3A_2169, %select_n3A_2179 : vector<16xf32>
    %get3A_2181 = arith.constant 6 : i32
    %get3A_2182 = arith.index_cast %get3A_2181 : i32 to index
    %get3A_2183 = arith.constant 336 : index
    %get3A_2184 = tpu.vector_load %arg6[%get3A_2182, %get3A_2183] {strides = array<i32>} : memref<8x512xf32, #tpu.memory_space<vmem>>, vector<1x16xf32>,
    %get3A_2185 = vector.shape_cast %get3A_2184 : vector<1x16xf32> to vector<16xf32>
    %abs3A_2186 = math.absf %get3A_2185 : vector<16xf32>
    %ge3A_2187 = arith.cmpf oge, %abs3A_2186, %get3A_51 : vector<16xf32>
    %jit3A_2188 = arith.constant 0.000000e+00 : f32
    %broadcast_in_dim3A_2189 = vector.broadcast %jit3A_2188 : f32 to vector<16xf32>
    %select_n3A_2190 = arith.select %ge3A_2187, %get3A_2185, %broadcast_in_dim3A_2189 : vector<16xi1>, vector<16xf32>
    %add3A_2191 = arith.addf %add3A_2180, %select_n3A_2190 : vector<16xf32>
    %get3A_2192 = arith.constant 7 : i32
    %get3A_2193 = arith.index_cast %get3A_2192 : i32 to index
    %get3A_2194 = arith.constant 336 : index
    %get3A_2195 = tpu.vector_load %arg6[%get3A_2193, %get3A_2194] {strides = array<i32>} : memref<8x512xf32, #tpu.memory_space<vmem>>, vector<1x16xf32>,
    %get3A_2196 = vector.shape_cast %get3A_2195 : vector<1x16xf32> to vector<16xf32>
    %abs3A_2197 = math.absf %get3A_2196 : vector<16xf32>
    %ge3A_2198 = arith.cmpf oge, %abs3A_2197, %get3A_56 : vector<16xf32>
    %jit3A_2199 = arith.constant 0.000000e+00 : f32
    %broadcast_in_dim3A_2200 = vector.broadcast %jit3A_2199 : f32 to vector<16xf32>
    %select_n3A_2201 = arith.select %ge3A_2198, %get3A_2196, %broadcast_in_dim3A_2200 : vector<16xi1>, vector<16xf32>
    %add3A_2202 = arith.addf %add3A_2191, %select_n3A_2201 : vector<16xf32>
    %swap3A_2203 = arith.constant 336 : index
    %swap3A_2204 = tpu.vector_load %arg9[%swap3A_2203] {strides = array<i32>} : memref<512xf32, #tpu.memory_space<vmem>>, vector<16xf32>,
    %swap3A_2205 = vector.shape_cast %swap3A_2204 : vector<16xf32> to vector<16xf32>
    %swap3A_2206 = vector.shape_cast %add3A_2202 : vector<16xf32> to vector<16xf32>
    tpu.vector_store %arg9[%swap3A_2203], %swap3A_2206 {strides = array<i32>} : memref<512xf32, #tpu.memory_space<vmem>>, vector<16xf32>,
    %get3A_2207 = arith.constant 352 : index
    %get3A_2208 = tpu.vector_load %arg8[%get3A_2207] {strides = array<i32>} : memref<512xf32, #tpu.memory_space<vmem>>, vector<16xf32>,
    %get3A_2209 = vector.shape_cast %get3A_2208 : vector<16xf32> to vector<16xf32>
    %mul3A_2210 = arith.constant 8.000000e-01 : f32
    %mul3A_2211 = vector.broadcast %mul3A_2210 : f32 to vector<16xf32>
    %mul3A_2212 = arith.mulf %get3A_2209, %mul3A_2211 : vector<16xf32>
    %get3A_2213 = arith.constant 0 : i32
    %get3A_2214 = arith.index_cast %get3A_2213 : i32 to index
    %get3A_2215 = arith.constant 352 : index
    %get3A_2216 = tpu.vector_load %arg6[%get3A_2214, %get3A_2215] {strides = array<i32>} : memref<8x512xf32, #tpu.memory_space<vmem>>, vector<1x16xf32>,
    %get3A_2217 = vector.shape_cast %get3A_2216 : vector<1x16xf32> to vector<16xf32>
    %abs3A_2218 = math.absf %get3A_2217 : vector<16xf32>
    %ge3A_2219 = arith.cmpf oge, %abs3A_2218, %get3A_21 : vector<16xf32>
    %jit3A_2220 = arith.constant 0.000000e+00 : f32
    %broadcast_in_dim3A_2221 = vector.broadcast %jit3A_2220 : f32 to vector<16xf32>
    %select_n3A_2222 = arith.select %ge3A_2219, %get3A_2217, %broadcast_in_dim3A_2221 : vector<16xi1>, vector<16xf32>
    %add3A_2223 = arith.addf %mul3A_2212, %select_n3A_2222 : vector<16xf32>
    %get3A_2224 = arith.constant 1 : i32
    %get3A_2225 = arith.index_cast %get3A_2224 : i32 to index
    %get3A_2226 = arith.constant 352 : index
    %get3A_2227 = tpu.vector_load %arg6[%get3A_2225, %get3A_2226] {strides = array<i32>} : memref<8x512xf32, #tpu.memory_space<vmem>>, vector<1x16xf32>,
    %get3A_2228 = vector.shape_cast %get3A_2227 : vector<1x16xf32> to vector<16xf32>
    %abs3A_2229 = math.absf %get3A_2228 : vector<16xf32>
    %ge3A_2230 = arith.cmpf oge, %abs3A_2229, %get3A_26 : vector<16xf32>
    %jit3A_2231 = arith.constant 0.000000e+00 : f32
    %broadcast_in_dim3A_2232 = vector.broadcast %jit3A_2231 : f32 to vector<16xf32>
    %select_n3A_2233 = arith.select %ge3A_2230, %get3A_2228, %broadcast_in_dim3A_2232 : vector<16xi1>, vector<16xf32>
    %add3A_2234 = arith.addf %add3A_2223, %select_n3A_2233 : vector<16xf32>
    %get3A_2235 = arith.constant 2 : i32
    %get3A_2236 = arith.index_cast %get3A_2235 : i32 to index
    %get3A_2237 = arith.constant 352 : index
    %get3A_2238 = tpu.vector_load %arg6[%get3A_2236, %get3A_2237] {strides = array<i32>} : memref<8x512xf32, #tpu.memory_space<vmem>>, vector<1x16xf32>,
    %get3A_2239 = vector.shape_cast %get3A_2238 : vector<1x16xf32> to vector<16xf32>
    %abs3A_2240 = math.absf %get3A_2239 : vector<16xf32>
    %ge3A_2241 = arith.cmpf oge, %abs3A_2240, %get3A_31 : vector<16xf32>
    %jit3A_2242 = arith.constant 0.000000e+00 : f32
    %broadcast_in_dim3A_2243 = vector.broadcast %jit3A_2242 : f32 to vector<16xf32>
    %select_n3A_2244 = arith.select %ge3A_2241, %get3A_2239, %broadcast_in_dim3A_2243 : vector<16xi1>, vector<16xf32>
    %add3A_2245 = arith.addf %add3A_2234, %select_n3A_2244 : vector<16xf32>
    %get3A_2246 = arith.constant 3 : i32
    %get3A_2247 = arith.index_cast %get3A_2246 : i32 to index
    %get3A_2248 = arith.constant 352 : index
    %get3A_2249 = tpu.vector_load %arg6[%get3A_2247, %get3A_2248] {strides = array<i32>} : memref<8x512xf32, #tpu.memory_space<vmem>>, vector<1x16xf32>,
    %get3A_2250 = vector.shape_cast %get3A_2249 : vector<1x16xf32> to vector<16xf32>
    %abs3A_2251 = math.absf %get3A_2250 : vector<16xf32>
    %ge3A_2252 = arith.cmpf oge, %abs3A_2251, %get3A_36 : vector<16xf32>
    %jit3A_2253 = arith.constant 0.000000e+00 : f32
    %broadcast_in_dim3A_2254 = vector.broadcast %jit3A_2253 : f32 to vector<16xf32>
    %select_n3A_2255 = arith.select %ge3A_2252, %get3A_2250, %broadcast_in_dim3A_2254 : vector<16xi1>, vector<16xf32>
    %add3A_2256 = arith.addf %add3A_2245, %select_n3A_2255 : vector<16xf32>
    %get3A_2257 = arith.constant 4 : i32
    %get3A_2258 = arith.index_cast %get3A_2257 : i32 to index
    %get3A_2259 = arith.constant 352 : index
    %get3A_2260 = tpu.vector_load %arg6[%get3A_2258, %get3A_2259] {strides = array<i32>} : memref<8x512xf32, #tpu.memory_space<vmem>>, vector<1x16xf32>,
    %get3A_2261 = vector.shape_cast %get3A_2260 : vector<1x16xf32> to vector<16xf32>
    %abs3A_2262 = math.absf %get3A_2261 : vector<16xf32>
    %ge3A_2263 = arith.cmpf oge, %abs3A_2262, %get3A_41 : vector<16xf32>
    %jit3A_2264 = arith.constant 0.000000e+00 : f32
    %broadcast_in_dim3A_2265 = vector.broadcast %jit3A_2264 : f32 to vector<16xf32>
    %select_n3A_2266 = arith.select %ge3A_2263, %get3A_2261, %broadcast_in_dim3A_2265 : vector<16xi1>, vector<16xf32>
    %add3A_2267 = arith.addf %add3A_2256, %select_n3A_2266 : vector<16xf32>
    %get3A_2268 = arith.constant 5 : i32
    %get3A_2269 = arith.index_cast %get3A_2268 : i32 to index
    %get3A_2270 = arith.constant 352 : index
    %get3A_2271 = tpu.vector_load %arg6[%get3A_2269, %get3A_2270] {strides = array<i32>} : memref<8x512xf32, #tpu.memory_space<vmem>>, vector<1x16xf32>,
    %get3A_2272 = vector.shape_cast %get3A_2271 : vector<1x16xf32> to vector<16xf32>
    %abs3A_2273 = math.absf %get3A_2272 : vector<16xf32>
    %ge3A_2274 = arith.cmpf oge, %abs3A_2273, %get3A_46 : vector<16xf32>
    %jit3A_2275 = arith.constant 0.000000e+00 : f32
    %broadcast_in_dim3A_2276 = vector.broadcast %jit3A_2275 : f32 to vector<16xf32>
    %select_n3A_2277 = arith.select %ge3A_2274, %get3A_2272, %broadcast_in_dim3A_2276 : vector<16xi1>, vector<16xf32>
    %add3A_2278 = arith.addf %add3A_2267, %select_n3A_2277 : vector<16xf32>
    %get3A_2279 = arith.constant 6 : i32
    %get3A_2280 = arith.index_cast %get3A_2279 : i32 to index
    %get3A_2281 = arith.constant 352 : index
    %get3A_2282 = tpu.vector_load %arg6[%get3A_2280, %get3A_2281] {strides = array<i32>} : memref<8x512xf32, #tpu.memory_space<vmem>>, vector<1x16xf32>,
    %get3A_2283 = vector.shape_cast %get3A_2282 : vector<1x16xf32> to vector<16xf32>
    %abs3A_2284 = math.absf %get3A_2283 : vector<16xf32>
    %ge3A_2285 = arith.cmpf oge, %abs3A_2284, %get3A_51 : vector<16xf32>
    %jit3A_2286 = arith.constant 0.000000e+00 : f32
    %broadcast_in_dim3A_2287 = vector.broadcast %jit3A_2286 : f32 to vector<16xf32>
    %select_n3A_2288 = arith.select %ge3A_2285, %get3A_2283, %broadcast_in_dim3A_2287 : vector<16xi1>, vector<16xf32>
    %add3A_2289 = arith.addf %add3A_2278, %select_n3A_2288 : vector<16xf32>
    %get3A_2290 = arith.constant 7 : i32
    %get3A_2291 = arith.index_cast %get3A_2290 : i32 to index
    %get3A_2292 = arith.constant 352 : index
    %get3A_2293 = tpu.vector_load %arg6[%get3A_2291, %get3A_2292] {strides = array<i32>} : memref<8x512xf32, #tpu.memory_space<vmem>>, vector<1x16xf32>,
    %get3A_2294 = vector.shape_cast %get3A_2293 : vector<1x16xf32> to vector<16xf32>
    %abs3A_2295 = math.absf %get3A_2294 : vector<16xf32>
    %ge3A_2296 = arith.cmpf oge, %abs3A_2295, %get3A_56 : vector<16xf32>
    %jit3A_2297 = arith.constant 0.000000e+00 : f32
    %broadcast_in_dim3A_2298 = vector.broadcast %jit3A_2297 : f32 to vector<16xf32>
    %select_n3A_2299 = arith.select %ge3A_2296, %get3A_2294, %broadcast_in_dim3A_2298 : vector<16xi1>, vector<16xf32>
    %add3A_2300 = arith.addf %add3A_2289, %select_n3A_2299 : vector<16xf32>
    %swap3A_2301 = arith.constant 352 : index
    %swap3A_2302 = tpu.vector_load %arg9[%swap3A_2301] {strides = array<i32>} : memref<512xf32, #tpu.memory_space<vmem>>, vector<16xf32>,
    %swap3A_2303 = vector.shape_cast %swap3A_2302 : vector<16xf32> to vector<16xf32>
    %swap3A_2304 = vector.shape_cast %add3A_2300 : vector<16xf32> to vector<16xf32>
    tpu.vector_store %arg9[%swap3A_2301], %swap3A_2304 {strides = array<i32>} : memref<512xf32, #tpu.memory_space<vmem>>, vector<16xf32>,
    %get3A_2305 = arith.constant 368 : index
    %get3A_2306 = tpu.vector_load %arg8[%get3A_2305] {strides = array<i32>} : memref<512xf32, #tpu.memory_space<vmem>>, vector<16xf32>,
    %get3A_2307 = vector.shape_cast %get3A_2306 : vector<16xf32> to vector<16xf32>
    %mul3A_2308 = arith.constant 8.000000e-01 : f32
    %mul3A_2309 = vector.broadcast %mul3A_2308 : f32 to vector<16xf32>
    %mul3A_2310 = arith.mulf %get3A_2307, %mul3A_2309 : vector<16xf32>
    %get3A_2311 = arith.constant 0 : i32
    %get3A_2312 = arith.index_cast %get3A_2311 : i32 to index
    %get3A_2313 = arith.constant 368 : index
    %get3A_2314 = tpu.vector_load %arg6[%get3A_2312, %get3A_2313] {strides = array<i32>} : memref<8x512xf32, #tpu.memory_space<vmem>>, vector<1x16xf32>,
    %get3A_2315 = vector.shape_cast %get3A_2314 : vector<1x16xf32> to vector<16xf32>
    %abs3A_2316 = math.absf %get3A_2315 : vector<16xf32>
    %ge3A_2317 = arith.cmpf oge, %abs3A_2316, %get3A_21 : vector<16xf32>
    %jit3A_2318 = arith.constant 0.000000e+00 : f32
    %broadcast_in_dim3A_2319 = vector.broadcast %jit3A_2318 : f32 to vector<16xf32>
    %select_n3A_2320 = arith.select %ge3A_2317, %get3A_2315, %broadcast_in_dim3A_2319 : vector<16xi1>, vector<16xf32>
    %add3A_2321 = arith.addf %mul3A_2310, %select_n3A_2320 : vector<16xf32>
    %get3A_2322 = arith.constant 1 : i32
    %get3A_2323 = arith.index_cast %get3A_2322 : i32 to index
    %get3A_2324 = arith.constant 368 : index
    %get3A_2325 = tpu.vector_load %arg6[%get3A_2323, %get3A_2324] {strides = array<i32>} : memref<8x512xf32, #tpu.memory_space<vmem>>, vector<1x16xf32>,
    %get3A_2326 = vector.shape_cast %get3A_2325 : vector<1x16xf32> to vector<16xf32>
    %abs3A_2327 = math.absf %get3A_2326 : vector<16xf32>
    %ge3A_2328 = arith.cmpf oge, %abs3A_2327, %get3A_26 : vector<16xf32>
    %jit3A_2329 = arith.constant 0.000000e+00 : f32
    %broadcast_in_dim3A_2330 = vector.broadcast %jit3A_2329 : f32 to vector<16xf32>
    %select_n3A_2331 = arith.select %ge3A_2328, %get3A_2326, %broadcast_in_dim3A_2330 : vector<16xi1>, vector<16xf32>
    %add3A_2332 = arith.addf %add3A_2321, %select_n3A_2331 : vector<16xf32>
    %get3A_2333 = arith.constant 2 : i32
    %get3A_2334 = arith.index_cast %get3A_2333 : i32 to index
    %get3A_2335 = arith.constant 368 : index
    %get3A_2336 = tpu.vector_load %arg6[%get3A_2334, %get3A_2335] {strides = array<i32>} : memref<8x512xf32, #tpu.memory_space<vmem>>, vector<1x16xf32>,
    %get3A_2337 = vector.shape_cast %get3A_2336 : vector<1x16xf32> to vector<16xf32>
    %abs3A_2338 = math.absf %get3A_2337 : vector<16xf32>
    %ge3A_2339 = arith.cmpf oge, %abs3A_2338, %get3A_31 : vector<16xf32>
    %jit3A_2340 = arith.constant 0.000000e+00 : f32
    %broadcast_in_dim3A_2341 = vector.broadcast %jit3A_2340 : f32 to vector<16xf32>
    %select_n3A_2342 = arith.select %ge3A_2339, %get3A_2337, %broadcast_in_dim3A_2341 : vector<16xi1>, vector<16xf32>
    %add3A_2343 = arith.addf %add3A_2332, %select_n3A_2342 : vector<16xf32>
    %get3A_2344 = arith.constant 3 : i32
    %get3A_2345 = arith.index_cast %get3A_2344 : i32 to index
    %get3A_2346 = arith.constant 368 : index
    %get3A_2347 = tpu.vector_load %arg6[%get3A_2345, %get3A_2346] {strides = array<i32>} : memref<8x512xf32, #tpu.memory_space<vmem>>, vector<1x16xf32>,
    %get3A_2348 = vector.shape_cast %get3A_2347 : vector<1x16xf32> to vector<16xf32>
    %abs3A_2349 = math.absf %get3A_2348 : vector<16xf32>
    %ge3A_2350 = arith.cmpf oge, %abs3A_2349, %get3A_36 : vector<16xf32>
    %jit3A_2351 = arith.constant 0.000000e+00 : f32
    %broadcast_in_dim3A_2352 = vector.broadcast %jit3A_2351 : f32 to vector<16xf32>
    %select_n3A_2353 = arith.select %ge3A_2350, %get3A_2348, %broadcast_in_dim3A_2352 : vector<16xi1>, vector<16xf32>
    %add3A_2354 = arith.addf %add3A_2343, %select_n3A_2353 : vector<16xf32>
    %get3A_2355 = arith.constant 4 : i32
    %get3A_2356 = arith.index_cast %get3A_2355 : i32 to index
    %get3A_2357 = arith.constant 368 : index
    %get3A_2358 = tpu.vector_load %arg6[%get3A_2356, %get3A_2357] {strides = array<i32>} : memref<8x512xf32, #tpu.memory_space<vmem>>, vector<1x16xf32>,
    %get3A_2359 = vector.shape_cast %get3A_2358 : vector<1x16xf32> to vector<16xf32>
    %abs3A_2360 = math.absf %get3A_2359 : vector<16xf32>
    %ge3A_2361 = arith.cmpf oge, %abs3A_2360, %get3A_41 : vector<16xf32>
    %jit3A_2362 = arith.constant 0.000000e+00 : f32
    %broadcast_in_dim3A_2363 = vector.broadcast %jit3A_2362 : f32 to vector<16xf32>
    %select_n3A_2364 = arith.select %ge3A_2361, %get3A_2359, %broadcast_in_dim3A_2363 : vector<16xi1>, vector<16xf32>
    %add3A_2365 = arith.addf %add3A_2354, %select_n3A_2364 : vector<16xf32>
    %get3A_2366 = arith.constant 5 : i32
    %get3A_2367 = arith.index_cast %get3A_2366 : i32 to index
    %get3A_2368 = arith.constant 368 : index
    %get3A_2369 = tpu.vector_load %arg6[%get3A_2367, %get3A_2368] {strides = array<i32>} : memref<8x512xf32, #tpu.memory_space<vmem>>, vector<1x16xf32>,
    %get3A_2370 = vector.shape_cast %get3A_2369 : vector<1x16xf32> to vector<16xf32>
    %abs3A_2371 = math.absf %get3A_2370 : vector<16xf32>
    %ge3A_2372 = arith.cmpf oge, %abs3A_2371, %get3A_46 : vector<16xf32>
    %jit3A_2373 = arith.constant 0.000000e+00 : f32
    %broadcast_in_dim3A_2374 = vector.broadcast %jit3A_2373 : f32 to vector<16xf32>
    %select_n3A_2375 = arith.select %ge3A_2372, %get3A_2370, %broadcast_in_dim3A_2374 : vector<16xi1>, vector<16xf32>
    %add3A_2376 = arith.addf %add3A_2365, %select_n3A_2375 : vector<16xf32>
    %get3A_2377 = arith.constant 6 : i32
    %get3A_2378 = arith.index_cast %get3A_2377 : i32 to index
    %get3A_2379 = arith.constant 368 : index
    %get3A_2380 = tpu.vector_load %arg6[%get3A_2378, %get3A_2379] {strides = array<i32>} : memref<8x512xf32, #tpu.memory_space<vmem>>, vector<1x16xf32>,
    %get3A_2381 = vector.shape_cast %get3A_2380 : vector<1x16xf32> to vector<16xf32>
    %abs3A_2382 = math.absf %get3A_2381 : vector<16xf32>
    %ge3A_2383 = arith.cmpf oge, %abs3A_2382, %get3A_51 : vector<16xf32>
    %jit3A_2384 = arith.constant 0.000000e+00 : f32
    %broadcast_in_dim3A_2385 = vector.broadcast %jit3A_2384 : f32 to vector<16xf32>
    %select_n3A_2386 = arith.select %ge3A_2383, %get3A_2381, %broadcast_in_dim3A_2385 : vector<16xi1>, vector<16xf32>
    %add3A_2387 = arith.addf %add3A_2376, %select_n3A_2386 : vector<16xf32>
    %get3A_2388 = arith.constant 7 : i32
    %get3A_2389 = arith.index_cast %get3A_2388 : i32 to index
    %get3A_2390 = arith.constant 368 : index
    %get3A_2391 = tpu.vector_load %arg6[%get3A_2389, %get3A_2390] {strides = array<i32>} : memref<8x512xf32, #tpu.memory_space<vmem>>, vector<1x16xf32>,
    %get3A_2392 = vector.shape_cast %get3A_2391 : vector<1x16xf32> to vector<16xf32>
    %abs3A_2393 = math.absf %get3A_2392 : vector<16xf32>
    %ge3A_2394 = arith.cmpf oge, %abs3A_2393, %get3A_56 : vector<16xf32>
    %jit3A_2395 = arith.constant 0.000000e+00 : f32
    %broadcast_in_dim3A_2396 = vector.broadcast %jit3A_2395 : f32 to vector<16xf32>
    %select_n3A_2397 = arith.select %ge3A_2394, %get3A_2392, %broadcast_in_dim3A_2396 : vector<16xi1>, vector<16xf32>
    %add3A_2398 = arith.addf %add3A_2387, %select_n3A_2397 : vector<16xf32>
    %swap3A_2399 = arith.constant 368 : index
    %swap3A_2400 = tpu.vector_load %arg9[%swap3A_2399] {strides = array<i32>} : memref<512xf32, #tpu.memory_space<vmem>>, vector<16xf32>,
    %swap3A_2401 = vector.shape_cast %swap3A_2400 : vector<16xf32> to vector<16xf32>
    %swap3A_2402 = vector.shape_cast %add3A_2398 : vector<16xf32> to vector<16xf32>
    tpu.vector_store %arg9[%swap3A_2399], %swap3A_2402 {strides = array<i32>} : memref<512xf32, #tpu.memory_space<vmem>>, vector<16xf32>,
    %get3A_2403 = arith.constant 384 : index
    %get3A_2404 = tpu.vector_load %arg8[%get3A_2403] {strides = array<i32>} : memref<512xf32, #tpu.memory_space<vmem>>, vector<16xf32>,
    %get3A_2405 = vector.shape_cast %get3A_2404 : vector<16xf32> to vector<16xf32>
    %mul3A_2406 = arith.constant 8.000000e-01 : f32
    %mul3A_2407 = vector.broadcast %mul3A_2406 : f32 to vector<16xf32>
    %mul3A_2408 = arith.mulf %get3A_2405, %mul3A_2407 : vector<16xf32>
    %get3A_2409 = arith.constant 0 : i32
    %get3A_2410 = arith.index_cast %get3A_2409 : i32 to index
    %get3A_2411 = arith.constant 384 : index
    %get3A_2412 = tpu.vector_load %arg6[%get3A_2410, %get3A_2411] {strides = array<i32>} : memref<8x512xf32, #tpu.memory_space<vmem>>, vector<1x16xf32>,
    %get3A_2413 = vector.shape_cast %get3A_2412 : vector<1x16xf32> to vector<16xf32>
    %abs3A_2414 = math.absf %get3A_2413 : vector<16xf32>
    %ge3A_2415 = arith.cmpf oge, %abs3A_2414, %get3A_21 : vector<16xf32>
    %jit3A_2416 = arith.constant 0.000000e+00 : f32
    %broadcast_in_dim3A_2417 = vector.broadcast %jit3A_2416 : f32 to vector<16xf32>
    %select_n3A_2418 = arith.select %ge3A_2415, %get3A_2413, %broadcast_in_dim3A_2417 : vector<16xi1>, vector<16xf32>
    %add3A_2419 = arith.addf %mul3A_2408, %select_n3A_2418 : vector<16xf32>
    %get3A_2420 = arith.constant 1 : i32
    %get3A_2421 = arith.index_cast %get3A_2420 : i32 to index
    %get3A_2422 = arith.constant 384 : index
    %get3A_2423 = tpu.vector_load %arg6[%get3A_2421, %get3A_2422] {strides = array<i32>} : memref<8x512xf32, #tpu.memory_space<vmem>>, vector<1x16xf32>,
    %get3A_2424 = vector.shape_cast %get3A_2423 : vector<1x16xf32> to vector<16xf32>
    %abs3A_2425 = math.absf %get3A_2424 : vector<16xf32>
    %ge3A_2426 = arith.cmpf oge, %abs3A_2425, %get3A_26 : vector<16xf32>
    %jit3A_2427 = arith.constant 0.000000e+00 : f32
    %broadcast_in_dim3A_2428 = vector.broadcast %jit3A_2427 : f32 to vector<16xf32>
    %select_n3A_2429 = arith.select %ge3A_2426, %get3A_2424, %broadcast_in_dim3A_2428 : vector<16xi1>, vector<16xf32>
    %add3A_2430 = arith.addf %add3A_2419, %select_n3A_2429 : vector<16xf32>
    %get3A_2431 = arith.constant 2 : i32
    %get3A_2432 = arith.index_cast %get3A_2431 : i32 to index
    %get3A_2433 = arith.constant 384 : index
    %get3A_2434 = tpu.vector_load %arg6[%get3A_2432, %get3A_2433] {strides = array<i32>} : memref<8x512xf32, #tpu.memory_space<vmem>>, vector<1x16xf32>,
    %get3A_2435 = vector.shape_cast %get3A_2434 : vector<1x16xf32> to vector<16xf32>
    %abs3A_2436 = math.absf %get3A_2435 : vector<16xf32>
    %ge3A_2437 = arith.cmpf oge, %abs3A_2436, %get3A_31 : vector<16xf32>
    %jit3A_2438 = arith.constant 0.000000e+00 : f32
    %broadcast_in_dim3A_2439 = vector.broadcast %jit3A_2438 : f32 to vector<16xf32>
    %select_n3A_2440 = arith.select %ge3A_2437, %get3A_2435, %broadcast_in_dim3A_2439 : vector<16xi1>, vector<16xf32>
    %add3A_2441 = arith.addf %add3A_2430, %select_n3A_2440 : vector<16xf32>
    %get3A_2442 = arith.constant 3 : i32
    %get3A_2443 = arith.index_cast %get3A_2442 : i32 to index
    %get3A_2444 = arith.constant 384 : index
    %get3A_2445 = tpu.vector_load %arg6[%get3A_2443, %get3A_2444] {strides = array<i32>} : memref<8x512xf32, #tpu.memory_space<vmem>>, vector<1x16xf32>,
    %get3A_2446 = vector.shape_cast %get3A_2445 : vector<1x16xf32> to vector<16xf32>
    %abs3A_2447 = math.absf %get3A_2446 : vector<16xf32>
    %ge3A_2448 = arith.cmpf oge, %abs3A_2447, %get3A_36 : vector<16xf32>
    %jit3A_2449 = arith.constant 0.000000e+00 : f32
    %broadcast_in_dim3A_2450 = vector.broadcast %jit3A_2449 : f32 to vector<16xf32>
    %select_n3A_2451 = arith.select %ge3A_2448, %get3A_2446, %broadcast_in_dim3A_2450 : vector<16xi1>, vector<16xf32>
    %add3A_2452 = arith.addf %add3A_2441, %select_n3A_2451 : vector<16xf32>
    %get3A_2453 = arith.constant 4 : i32
    %get3A_2454 = arith.index_cast %get3A_2453 : i32 to index
    %get3A_2455 = arith.constant 384 : index
    %get3A_2456 = tpu.vector_load %arg6[%get3A_2454, %get3A_2455] {strides = array<i32>} : memref<8x512xf32, #tpu.memory_space<vmem>>, vector<1x16xf32>,
    %get3A_2457 = vector.shape_cast %get3A_2456 : vector<1x16xf32> to vector<16xf32>
    %abs3A_2458 = math.absf %get3A_2457 : vector<16xf32>
    %ge3A_2459 = arith.cmpf oge, %abs3A_2458, %get3A_41 : vector<16xf32>
    %jit3A_2460 = arith.constant 0.000000e+00 : f32
    %broadcast_in_dim3A_2461 = vector.broadcast %jit3A_2460 : f32 to vector<16xf32>
    %select_n3A_2462 = arith.select %ge3A_2459, %get3A_2457, %broadcast_in_dim3A_2461 : vector<16xi1>, vector<16xf32>
    %add3A_2463 = arith.addf %add3A_2452, %select_n3A_2462 : vector<16xf32>
    %get3A_2464 = arith.constant 5 : i32
    %get3A_2465 = arith.index_cast %get3A_2464 : i32 to index
    %get3A_2466 = arith.constant 384 : index
    %get3A_2467 = tpu.vector_load %arg6[%get3A_2465, %get3A_2466] {strides = array<i32>} : memref<8x512xf32, #tpu.memory_space<vmem>>, vector<1x16xf32>,
    %get3A_2468 = vector.shape_cast %get3A_2467 : vector<1x16xf32> to vector<16xf32>
    %abs3A_2469 = math.absf %get3A_2468 : vector<16xf32>
    %ge3A_2470 = arith.cmpf oge, %abs3A_2469, %get3A_46 : vector<16xf32>
    %jit3A_2471 = arith.constant 0.000000e+00 : f32
    %broadcast_in_dim3A_2472 = vector.broadcast %jit3A_2471 : f32 to vector<16xf32>
    %select_n3A_2473 = arith.select %ge3A_2470, %get3A_2468, %broadcast_in_dim3A_2472 : vector<16xi1>, vector<16xf32>
    %add3A_2474 = arith.addf %add3A_2463, %select_n3A_2473 : vector<16xf32>
    %get3A_2475 = arith.constant 6 : i32
    %get3A_2476 = arith.index_cast %get3A_2475 : i32 to index
    %get3A_2477 = arith.constant 384 : index
    %get3A_2478 = tpu.vector_load %arg6[%get3A_2476, %get3A_2477] {strides = array<i32>} : memref<8x512xf32, #tpu.memory_space<vmem>>, vector<1x16xf32>,
    %get3A_2479 = vector.shape_cast %get3A_2478 : vector<1x16xf32> to vector<16xf32>
    %abs3A_2480 = math.absf %get3A_2479 : vector<16xf32>
    %ge3A_2481 = arith.cmpf oge, %abs3A_2480, %get3A_51 : vector<16xf32>
    %jit3A_2482 = arith.constant 0.000000e+00 : f32
    %broadcast_in_dim3A_2483 = vector.broadcast %jit3A_2482 : f32 to vector<16xf32>
    %select_n3A_2484 = arith.select %ge3A_2481, %get3A_2479, %broadcast_in_dim3A_2483 : vector<16xi1>, vector<16xf32>
    %add3A_2485 = arith.addf %add3A_2474, %select_n3A_2484 : vector<16xf32>
    %get3A_2486 = arith.constant 7 : i32
    %get3A_2487 = arith.index_cast %get3A_2486 : i32 to index
    %get3A_2488 = arith.constant 384 : index
    %get3A_2489 = tpu.vector_load %arg6[%get3A_2487, %get3A_2488] {strides = array<i32>} : memref<8x512xf32, #tpu.memory_space<vmem>>, vector<1x16xf32>,
    %get3A_2490 = vector.shape_cast %get3A_2489 : vector<1x16xf32> to vector<16xf32>
    %abs3A_2491 = math.absf %get3A_2490 : vector<16xf32>
    %ge3A_2492 = arith.cmpf oge, %abs3A_2491, %get3A_56 : vector<16xf32>
    %jit3A_2493 = arith.constant 0.000000e+00 : f32
    %broadcast_in_dim3A_2494 = vector.broadcast %jit3A_2493 : f32 to vector<16xf32>
    %select_n3A_2495 = arith.select %ge3A_2492, %get3A_2490, %broadcast_in_dim3A_2494 : vector<16xi1>, vector<16xf32>
    %add3A_2496 = arith.addf %add3A_2485, %select_n3A_2495 : vector<16xf32>
    %swap3A_2497 = arith.constant 384 : index
    %swap3A_2498 = tpu.vector_load %arg9[%swap3A_2497] {strides = array<i32>} : memref<512xf32, #tpu.memory_space<vmem>>, vector<16xf32>,
    %swap3A_2499 = vector.shape_cast %swap3A_2498 : vector<16xf32> to vector<16xf32>
    %swap3A_2500 = vector.shape_cast %add3A_2496 : vector<16xf32> to vector<16xf32>
    tpu.vector_store %arg9[%swap3A_2497], %swap3A_2500 {strides = array<i32>} : memref<512xf32, #tpu.memory_space<vmem>>, vector<16xf32>,
    %get3A_2501 = arith.constant 400 : index
    %get3A_2502 = tpu.vector_load %arg8[%get3A_2501] {strides = array<i32>} : memref<512xf32, #tpu.memory_space<vmem>>, vector<16xf32>,
    %get3A_2503 = vector.shape_cast %get3A_2502 : vector<16xf32> to vector<16xf32>
    %mul3A_2504 = arith.constant 8.000000e-01 : f32
    %mul3A_2505 = vector.broadcast %mul3A_2504 : f32 to vector<16xf32>
    %mul3A_2506 = arith.mulf %get3A_2503, %mul3A_2505 : vector<16xf32>
    %get3A_2507 = arith.constant 0 : i32
    %get3A_2508 = arith.index_cast %get3A_2507 : i32 to index
    %get3A_2509 = arith.constant 400 : index
    %get3A_2510 = tpu.vector_load %arg6[%get3A_2508, %get3A_2509] {strides = array<i32>} : memref<8x512xf32, #tpu.memory_space<vmem>>, vector<1x16xf32>,
    %get3A_2511 = vector.shape_cast %get3A_2510 : vector<1x16xf32> to vector<16xf32>
    %abs3A_2512 = math.absf %get3A_2511 : vector<16xf32>
    %ge3A_2513 = arith.cmpf oge, %abs3A_2512, %get3A_21 : vector<16xf32>
    %jit3A_2514 = arith.constant 0.000000e+00 : f32
    %broadcast_in_dim3A_2515 = vector.broadcast %jit3A_2514 : f32 to vector<16xf32>
    %select_n3A_2516 = arith.select %ge3A_2513, %get3A_2511, %broadcast_in_dim3A_2515 : vector<16xi1>, vector<16xf32>
    %add3A_2517 = arith.addf %mul3A_2506, %select_n3A_2516 : vector<16xf32>
    %get3A_2518 = arith.constant 1 : i32
    %get3A_2519 = arith.index_cast %get3A_2518 : i32 to index
    %get3A_2520 = arith.constant 400 : index
    %get3A_2521 = tpu.vector_load %arg6[%get3A_2519, %get3A_2520] {strides = array<i32>} : memref<8x512xf32, #tpu.memory_space<vmem>>, vector<1x16xf32>,
    %get3A_2522 = vector.shape_cast %get3A_2521 : vector<1x16xf32> to vector<16xf32>
    %abs3A_2523 = math.absf %get3A_2522 : vector<16xf32>
    %ge3A_2524 = arith.cmpf oge, %abs3A_2523, %get3A_26 : vector<16xf32>
    %jit3A_2525 = arith.constant 0.000000e+00 : f32
    %broadcast_in_dim3A_2526 = vector.broadcast %jit3A_2525 : f32 to vector<16xf32>
    %select_n3A_2527 = arith.select %ge3A_2524, %get3A_2522, %broadcast_in_dim3A_2526 : vector<16xi1>, vector<16xf32>
    %add3A_2528 = arith.addf %add3A_2517, %select_n3A_2527 : vector<16xf32>
    %get3A_2529 = arith.constant 2 : i32
    %get3A_2530 = arith.index_cast %get3A_2529 : i32 to index
    %get3A_2531 = arith.constant 400 : index
    %get3A_2532 = tpu.vector_load %arg6[%get3A_2530, %get3A_2531] {strides = array<i32>} : memref<8x512xf32, #tpu.memory_space<vmem>>, vector<1x16xf32>,
    %get3A_2533 = vector.shape_cast %get3A_2532 : vector<1x16xf32> to vector<16xf32>
    %abs3A_2534 = math.absf %get3A_2533 : vector<16xf32>
    %ge3A_2535 = arith.cmpf oge, %abs3A_2534, %get3A_31 : vector<16xf32>
    %jit3A_2536 = arith.constant 0.000000e+00 : f32
    %broadcast_in_dim3A_2537 = vector.broadcast %jit3A_2536 : f32 to vector<16xf32>
    %select_n3A_2538 = arith.select %ge3A_2535, %get3A_2533, %broadcast_in_dim3A_2537 : vector<16xi1>, vector<16xf32>
    %add3A_2539 = arith.addf %add3A_2528, %select_n3A_2538 : vector<16xf32>
    %get3A_2540 = arith.constant 3 : i32
    %get3A_2541 = arith.index_cast %get3A_2540 : i32 to index
    %get3A_2542 = arith.constant 400 : index
    %get3A_2543 = tpu.vector_load %arg6[%get3A_2541, %get3A_2542] {strides = array<i32>} : memref<8x512xf32, #tpu.memory_space<vmem>>, vector<1x16xf32>,
    %get3A_2544 = vector.shape_cast %get3A_2543 : vector<1x16xf32> to vector<16xf32>
    %abs3A_2545 = math.absf %get3A_2544 : vector<16xf32>
    %ge3A_2546 = arith.cmpf oge, %abs3A_2545, %get3A_36 : vector<16xf32>
    %jit3A_2547 = arith.constant 0.000000e+00 : f32
    %broadcast_in_dim3A_2548 = vector.broadcast %jit3A_2547 : f32 to vector<16xf32>
    %select_n3A_2549 = arith.select %ge3A_2546, %get3A_2544, %broadcast_in_dim3A_2548 : vector<16xi1>, vector<16xf32>
    %add3A_2550 = arith.addf %add3A_2539, %select_n3A_2549 : vector<16xf32>
    %get3A_2551 = arith.constant 4 : i32
    %get3A_2552 = arith.index_cast %get3A_2551 : i32 to index
    %get3A_2553 = arith.constant 400 : index
    %get3A_2554 = tpu.vector_load %arg6[%get3A_2552, %get3A_2553] {strides = array<i32>} : memref<8x512xf32, #tpu.memory_space<vmem>>, vector<1x16xf32>,
    %get3A_2555 = vector.shape_cast %get3A_2554 : vector<1x16xf32> to vector<16xf32>
    %abs3A_2556 = math.absf %get3A_2555 : vector<16xf32>
    %ge3A_2557 = arith.cmpf oge, %abs3A_2556, %get3A_41 : vector<16xf32>
    %jit3A_2558 = arith.constant 0.000000e+00 : f32
    %broadcast_in_dim3A_2559 = vector.broadcast %jit3A_2558 : f32 to vector<16xf32>
    %select_n3A_2560 = arith.select %ge3A_2557, %get3A_2555, %broadcast_in_dim3A_2559 : vector<16xi1>, vector<16xf32>
    %add3A_2561 = arith.addf %add3A_2550, %select_n3A_2560 : vector<16xf32>
    %get3A_2562 = arith.constant 5 : i32
    %get3A_2563 = arith.index_cast %get3A_2562 : i32 to index
    %get3A_2564 = arith.constant 400 : index
    %get3A_2565 = tpu.vector_load %arg6[%get3A_2563, %get3A_2564] {strides = array<i32>} : memref<8x512xf32, #tpu.memory_space<vmem>>, vector<1x16xf32>,
    %get3A_2566 = vector.shape_cast %get3A_2565 : vector<1x16xf32> to vector<16xf32>
    %abs3A_2567 = math.absf %get3A_2566 : vector<16xf32>
    %ge3A_2568 = arith.cmpf oge, %abs3A_2567, %get3A_46 : vector<16xf32>
    %jit3A_2569 = arith.constant 0.000000e+00 : f32
    %broadcast_in_dim3A_2570 = vector.broadcast %jit3A_2569 : f32 to vector<16xf32>
    %select_n3A_2571 = arith.select %ge3A_2568, %get3A_2566, %broadcast_in_dim3A_2570 : vector<16xi1>, vector<16xf32>
    %add3A_2572 = arith.addf %add3A_2561, %select_n3A_2571 : vector<16xf32>
    %get3A_2573 = arith.constant 6 : i32
    %get3A_2574 = arith.index_cast %get3A_2573 : i32 to index
    %get3A_2575 = arith.constant 400 : index
    %get3A_2576 = tpu.vector_load %arg6[%get3A_2574, %get3A_2575] {strides = array<i32>} : memref<8x512xf32, #tpu.memory_space<vmem>>, vector<1x16xf32>,
    %get3A_2577 = vector.shape_cast %get3A_2576 : vector<1x16xf32> to vector<16xf32>
    %abs3A_2578 = math.absf %get3A_2577 : vector<16xf32>
    %ge3A_2579 = arith.cmpf oge, %abs3A_2578, %get3A_51 : vector<16xf32>
    %jit3A_2580 = arith.constant 0.000000e+00 : f32
    %broadcast_in_dim3A_2581 = vector.broadcast %jit3A_2580 : f32 to vector<16xf32>
    %select_n3A_2582 = arith.select %ge3A_2579, %get3A_2577, %broadcast_in_dim3A_2581 : vector<16xi1>, vector<16xf32>
    %add3A_2583 = arith.addf %add3A_2572, %select_n3A_2582 : vector<16xf32>
    %get3A_2584 = arith.constant 7 : i32
    %get3A_2585 = arith.index_cast %get3A_2584 : i32 to index
    %get3A_2586 = arith.constant 400 : index
    %get3A_2587 = tpu.vector_load %arg6[%get3A_2585, %get3A_2586] {strides = array<i32>} : memref<8x512xf32, #tpu.memory_space<vmem>>, vector<1x16xf32>,
    %get3A_2588 = vector.shape_cast %get3A_2587 : vector<1x16xf32> to vector<16xf32>
    %abs3A_2589 = math.absf %get3A_2588 : vector<16xf32>
    %ge3A_2590 = arith.cmpf oge, %abs3A_2589, %get3A_56 : vector<16xf32>
    %jit3A_2591 = arith.constant 0.000000e+00 : f32
    %broadcast_in_dim3A_2592 = vector.broadcast %jit3A_2591 : f32 to vector<16xf32>
    %select_n3A_2593 = arith.select %ge3A_2590, %get3A_2588, %broadcast_in_dim3A_2592 : vector<16xi1>, vector<16xf32>
    %add3A_2594 = arith.addf %add3A_2583, %select_n3A_2593 : vector<16xf32>
    %swap3A_2595 = arith.constant 400 : index
    %swap3A_2596 = tpu.vector_load %arg9[%swap3A_2595] {strides = array<i32>} : memref<512xf32, #tpu.memory_space<vmem>>, vector<16xf32>,
    %swap3A_2597 = vector.shape_cast %swap3A_2596 : vector<16xf32> to vector<16xf32>
    %swap3A_2598 = vector.shape_cast %add3A_2594 : vector<16xf32> to vector<16xf32>
    tpu.vector_store %arg9[%swap3A_2595], %swap3A_2598 {strides = array<i32>} : memref<512xf32, #tpu.memory_space<vmem>>, vector<16xf32>,
    %get3A_2599 = arith.constant 416 : index
    %get3A_2600 = tpu.vector_load %arg8[%get3A_2599] {strides = array<i32>} : memref<512xf32, #tpu.memory_space<vmem>>, vector<16xf32>,
    %get3A_2601 = vector.shape_cast %get3A_2600 : vector<16xf32> to vector<16xf32>
    %mul3A_2602 = arith.constant 8.000000e-01 : f32
    %mul3A_2603 = vector.broadcast %mul3A_2602 : f32 to vector<16xf32>
    %mul3A_2604 = arith.mulf %get3A_2601, %mul3A_2603 : vector<16xf32>
    %get3A_2605 = arith.constant 0 : i32
    %get3A_2606 = arith.index_cast %get3A_2605 : i32 to index
    %get3A_2607 = arith.constant 416 : index
    %get3A_2608 = tpu.vector_load %arg6[%get3A_2606, %get3A_2607] {strides = array<i32>} : memref<8x512xf32, #tpu.memory_space<vmem>>, vector<1x16xf32>,
    %get3A_2609 = vector.shape_cast %get3A_2608 : vector<1x16xf32> to vector<16xf32>
    %abs3A_2610 = math.absf %get3A_2609 : vector<16xf32>
    %ge3A_2611 = arith.cmpf oge, %abs3A_2610, %get3A_21 : vector<16xf32>
    %jit3A_2612 = arith.constant 0.000000e+00 : f32
    %broadcast_in_dim3A_2613 = vector.broadcast %jit3A_2612 : f32 to vector<16xf32>
    %select_n3A_2614 = arith.select %ge3A_2611, %get3A_2609, %broadcast_in_dim3A_2613 : vector<16xi1>, vector<16xf32>
    %add3A_2615 = arith.addf %mul3A_2604, %select_n3A_2614 : vector<16xf32>
    %get3A_2616 = arith.constant 1 : i32
    %get3A_2617 = arith.index_cast %get3A_2616 : i32 to index
    %get3A_2618 = arith.constant 416 : index
    %get3A_2619 = tpu.vector_load %arg6[%get3A_2617, %get3A_2618] {strides = array<i32>} : memref<8x512xf32, #tpu.memory_space<vmem>>, vector<1x16xf32>,
    %get3A_2620 = vector.shape_cast %get3A_2619 : vector<1x16xf32> to vector<16xf32>
    %abs3A_2621 = math.absf %get3A_2620 : vector<16xf32>
    %ge3A_2622 = arith.cmpf oge, %abs3A_2621, %get3A_26 : vector<16xf32>
    %jit3A_2623 = arith.constant 0.000000e+00 : f32
    %broadcast_in_dim3A_2624 = vector.broadcast %jit3A_2623 : f32 to vector<16xf32>
    %select_n3A_2625 = arith.select %ge3A_2622, %get3A_2620, %broadcast_in_dim3A_2624 : vector<16xi1>, vector<16xf32>
    %add3A_2626 = arith.addf %add3A_2615, %select_n3A_2625 : vector<16xf32>
    %get3A_2627 = arith.constant 2 : i32
    %get3A_2628 = arith.index_cast %get3A_2627 : i32 to index
    %get3A_2629 = arith.constant 416 : index
    %get3A_2630 = tpu.vector_load %arg6[%get3A_2628, %get3A_2629] {strides = array<i32>} : memref<8x512xf32, #tpu.memory_space<vmem>>, vector<1x16xf32>,
    %get3A_2631 = vector.shape_cast %get3A_2630 : vector<1x16xf32> to vector<16xf32>
    %abs3A_2632 = math.absf %get3A_2631 : vector<16xf32>
    %ge3A_2633 = arith.cmpf oge, %abs3A_2632, %get3A_31 : vector<16xf32>
    %jit3A_2634 = arith.constant 0.000000e+00 : f32
    %broadcast_in_dim3A_2635 = vector.broadcast %jit3A_2634 : f32 to vector<16xf32>
    %select_n3A_2636 = arith.select %ge3A_2633, %get3A_2631, %broadcast_in_dim3A_2635 : vector<16xi1>, vector<16xf32>
    %add3A_2637 = arith.addf %add3A_2626, %select_n3A_2636 : vector<16xf32>
    %get3A_2638 = arith.constant 3 : i32
    %get3A_2639 = arith.index_cast %get3A_2638 : i32 to index
    %get3A_2640 = arith.constant 416 : index
    %get3A_2641 = tpu.vector_load %arg6[%get3A_2639, %get3A_2640] {strides = array<i32>} : memref<8x512xf32, #tpu.memory_space<vmem>>, vector<1x16xf32>,
    %get3A_2642 = vector.shape_cast %get3A_2641 : vector<1x16xf32> to vector<16xf32>
    %abs3A_2643 = math.absf %get3A_2642 : vector<16xf32>
    %ge3A_2644 = arith.cmpf oge, %abs3A_2643, %get3A_36 : vector<16xf32>
    %jit3A_2645 = arith.constant 0.000000e+00 : f32
    %broadcast_in_dim3A_2646 = vector.broadcast %jit3A_2645 : f32 to vector<16xf32>
    %select_n3A_2647 = arith.select %ge3A_2644, %get3A_2642, %broadcast_in_dim3A_2646 : vector<16xi1>, vector<16xf32>
    %add3A_2648 = arith.addf %add3A_2637, %select_n3A_2647 : vector<16xf32>
    %get3A_2649 = arith.constant 4 : i32
    %get3A_2650 = arith.index_cast %get3A_2649 : i32 to index
    %get3A_2651 = arith.constant 416 : index
    %get3A_2652 = tpu.vector_load %arg6[%get3A_2650, %get3A_2651] {strides = array<i32>} : memref<8x512xf32, #tpu.memory_space<vmem>>, vector<1x16xf32>,
    %get3A_2653 = vector.shape_cast %get3A_2652 : vector<1x16xf32> to vector<16xf32>
    %abs3A_2654 = math.absf %get3A_2653 : vector<16xf32>
    %ge3A_2655 = arith.cmpf oge, %abs3A_2654, %get3A_41 : vector<16xf32>
    %jit3A_2656 = arith.constant 0.000000e+00 : f32
    %broadcast_in_dim3A_2657 = vector.broadcast %jit3A_2656 : f32 to vector<16xf32>
    %select_n3A_2658 = arith.select %ge3A_2655, %get3A_2653, %broadcast_in_dim3A_2657 : vector<16xi1>, vector<16xf32>
    %add3A_2659 = arith.addf %add3A_2648, %select_n3A_2658 : vector<16xf32>
    %get3A_2660 = arith.constant 5 : i32
    %get3A_2661 = arith.index_cast %get3A_2660 : i32 to index
    %get3A_2662 = arith.constant 416 : index
    %get3A_2663 = tpu.vector_load %arg6[%get3A_2661, %get3A_2662] {strides = array<i32>} : memref<8x512xf32, #tpu.memory_space<vmem>>, vector<1x16xf32>,
    %get3A_2664 = vector.shape_cast %get3A_2663 : vector<1x16xf32> to vector<16xf32>
    %abs3A_2665 = math.absf %get3A_2664 : vector<16xf32>
    %ge3A_2666 = arith.cmpf oge, %abs3A_2665, %get3A_46 : vector<16xf32>
    %jit3A_2667 = arith.constant 0.000000e+00 : f32
    %broadcast_in_dim3A_2668 = vector.broadcast %jit3A_2667 : f32 to vector<16xf32>
    %select_n3A_2669 = arith.select %ge3A_2666, %get3A_2664, %broadcast_in_dim3A_2668 : vector<16xi1>, vector<16xf32>
    %add3A_2670 = arith.addf %add3A_2659, %select_n3A_2669 : vector<16xf32>
    %get3A_2671 = arith.constant 6 : i32
    %get3A_2672 = arith.index_cast %get3A_2671 : i32 to index
    %get3A_2673 = arith.constant 416 : index
    %get3A_2674 = tpu.vector_load %arg6[%get3A_2672, %get3A_2673] {strides = array<i32>} : memref<8x512xf32, #tpu.memory_space<vmem>>, vector<1x16xf32>,
    %get3A_2675 = vector.shape_cast %get3A_2674 : vector<1x16xf32> to vector<16xf32>
    %abs3A_2676 = math.absf %get3A_2675 : vector<16xf32>
    %ge3A_2677 = arith.cmpf oge, %abs3A_2676, %get3A_51 : vector<16xf32>
    %jit3A_2678 = arith.constant 0.000000e+00 : f32
    %broadcast_in_dim3A_2679 = vector.broadcast %jit3A_2678 : f32 to vector<16xf32>
    %select_n3A_2680 = arith.select %ge3A_2677, %get3A_2675, %broadcast_in_dim3A_2679 : vector<16xi1>, vector<16xf32>
    %add3A_2681 = arith.addf %add3A_2670, %select_n3A_2680 : vector<16xf32>
    %get3A_2682 = arith.constant 7 : i32
    %get3A_2683 = arith.index_cast %get3A_2682 : i32 to index
    %get3A_2684 = arith.constant 416 : index
    %get3A_2685 = tpu.vector_load %arg6[%get3A_2683, %get3A_2684] {strides = array<i32>} : memref<8x512xf32, #tpu.memory_space<vmem>>, vector<1x16xf32>,
    %get3A_2686 = vector.shape_cast %get3A_2685 : vector<1x16xf32> to vector<16xf32>
    %abs3A_2687 = math.absf %get3A_2686 : vector<16xf32>
    %ge3A_2688 = arith.cmpf oge, %abs3A_2687, %get3A_56 : vector<16xf32>
    %jit3A_2689 = arith.constant 0.000000e+00 : f32
    %broadcast_in_dim3A_2690 = vector.broadcast %jit3A_2689 : f32 to vector<16xf32>
    %select_n3A_2691 = arith.select %ge3A_2688, %get3A_2686, %broadcast_in_dim3A_2690 : vector<16xi1>, vector<16xf32>
    %add3A_2692 = arith.addf %add3A_2681, %select_n3A_2691 : vector<16xf32>
    %swap3A_2693 = arith.constant 416 : index
    %swap3A_2694 = tpu.vector_load %arg9[%swap3A_2693] {strides = array<i32>} : memref<512xf32, #tpu.memory_space<vmem>>, vector<16xf32>,
    %swap3A_2695 = vector.shape_cast %swap3A_2694 : vector<16xf32> to vector<16xf32>
    %swap3A_2696 = vector.shape_cast %add3A_2692 : vector<16xf32> to vector<16xf32>
    tpu.vector_store %arg9[%swap3A_2693], %swap3A_2696 {strides = array<i32>} : memref<512xf32, #tpu.memory_space<vmem>>, vector<16xf32>,
    %get3A_2697 = arith.constant 432 : index
    %get3A_2698 = tpu.vector_load %arg8[%get3A_2697] {strides = array<i32>} : memref<512xf32, #tpu.memory_space<vmem>>, vector<16xf32>,
    %get3A_2699 = vector.shape_cast %get3A_2698 : vector<16xf32> to vector<16xf32>
    %mul3A_2700 = arith.constant 8.000000e-01 : f32
    %mul3A_2701 = vector.broadcast %mul3A_2700 : f32 to vector<16xf32>
    %mul3A_2702 = arith.mulf %get3A_2699, %mul3A_2701 : vector<16xf32>
    %get3A_2703 = arith.constant 0 : i32
    %get3A_2704 = arith.index_cast %get3A_2703 : i32 to index
    %get3A_2705 = arith.constant 432 : index
    %get3A_2706 = tpu.vector_load %arg6[%get3A_2704, %get3A_2705] {strides = array<i32>} : memref<8x512xf32, #tpu.memory_space<vmem>>, vector<1x16xf32>,
    %get3A_2707 = vector.shape_cast %get3A_2706 : vector<1x16xf32> to vector<16xf32>
    %abs3A_2708 = math.absf %get3A_2707 : vector<16xf32>
    %ge3A_2709 = arith.cmpf oge, %abs3A_2708, %get3A_21 : vector<16xf32>
    %jit3A_2710 = arith.constant 0.000000e+00 : f32
    %broadcast_in_dim3A_2711 = vector.broadcast %jit3A_2710 : f32 to vector<16xf32>
    %select_n3A_2712 = arith.select %ge3A_2709, %get3A_2707, %broadcast_in_dim3A_2711 : vector<16xi1>, vector<16xf32>
    %add3A_2713 = arith.addf %mul3A_2702, %select_n3A_2712 : vector<16xf32>
    %get3A_2714 = arith.constant 1 : i32
    %get3A_2715 = arith.index_cast %get3A_2714 : i32 to index
    %get3A_2716 = arith.constant 432 : index
    %get3A_2717 = tpu.vector_load %arg6[%get3A_2715, %get3A_2716] {strides = array<i32>} : memref<8x512xf32, #tpu.memory_space<vmem>>, vector<1x16xf32>,
    %get3A_2718 = vector.shape_cast %get3A_2717 : vector<1x16xf32> to vector<16xf32>
    %abs3A_2719 = math.absf %get3A_2718 : vector<16xf32>
    %ge3A_2720 = arith.cmpf oge, %abs3A_2719, %get3A_26 : vector<16xf32>
    %jit3A_2721 = arith.constant 0.000000e+00 : f32
    %broadcast_in_dim3A_2722 = vector.broadcast %jit3A_2721 : f32 to vector<16xf32>
    %select_n3A_2723 = arith.select %ge3A_2720, %get3A_2718, %broadcast_in_dim3A_2722 : vector<16xi1>, vector<16xf32>
    %add3A_2724 = arith.addf %add3A_2713, %select_n3A_2723 : vector<16xf32>
    %get3A_2725 = arith.constant 2 : i32
    %get3A_2726 = arith.index_cast %get3A_2725 : i32 to index
    %get3A_2727 = arith.constant 432 : index
    %get3A_2728 = tpu.vector_load %arg6[%get3A_2726, %get3A_2727] {strides = array<i32>} : memref<8x512xf32, #tpu.memory_space<vmem>>, vector<1x16xf32>,
    %get3A_2729 = vector.shape_cast %get3A_2728 : vector<1x16xf32> to vector<16xf32>
    %abs3A_2730 = math.absf %get3A_2729 : vector<16xf32>
    %ge3A_2731 = arith.cmpf oge, %abs3A_2730, %get3A_31 : vector<16xf32>
    %jit3A_2732 = arith.constant 0.000000e+00 : f32
    %broadcast_in_dim3A_2733 = vector.broadcast %jit3A_2732 : f32 to vector<16xf32>
    %select_n3A_2734 = arith.select %ge3A_2731, %get3A_2729, %broadcast_in_dim3A_2733 : vector<16xi1>, vector<16xf32>
    %add3A_2735 = arith.addf %add3A_2724, %select_n3A_2734 : vector<16xf32>
    %get3A_2736 = arith.constant 3 : i32
    %get3A_2737 = arith.index_cast %get3A_2736 : i32 to index
    %get3A_2738 = arith.constant 432 : index
    %get3A_2739 = tpu.vector_load %arg6[%get3A_2737, %get3A_2738] {strides = array<i32>} : memref<8x512xf32, #tpu.memory_space<vmem>>, vector<1x16xf32>,
    %get3A_2740 = vector.shape_cast %get3A_2739 : vector<1x16xf32> to vector<16xf32>
    %abs3A_2741 = math.absf %get3A_2740 : vector<16xf32>
    %ge3A_2742 = arith.cmpf oge, %abs3A_2741, %get3A_36 : vector<16xf32>
    %jit3A_2743 = arith.constant 0.000000e+00 : f32
    %broadcast_in_dim3A_2744 = vector.broadcast %jit3A_2743 : f32 to vector<16xf32>
    %select_n3A_2745 = arith.select %ge3A_2742, %get3A_2740, %broadcast_in_dim3A_2744 : vector<16xi1>, vector<16xf32>
    %add3A_2746 = arith.addf %add3A_2735, %select_n3A_2745 : vector<16xf32>
    %get3A_2747 = arith.constant 4 : i32
    %get3A_2748 = arith.index_cast %get3A_2747 : i32 to index
    %get3A_2749 = arith.constant 432 : index
    %get3A_2750 = tpu.vector_load %arg6[%get3A_2748, %get3A_2749] {strides = array<i32>} : memref<8x512xf32, #tpu.memory_space<vmem>>, vector<1x16xf32>,
    %get3A_2751 = vector.shape_cast %get3A_2750 : vector<1x16xf32> to vector<16xf32>
    %abs3A_2752 = math.absf %get3A_2751 : vector<16xf32>
    %ge3A_2753 = arith.cmpf oge, %abs3A_2752, %get3A_41 : vector<16xf32>
    %jit3A_2754 = arith.constant 0.000000e+00 : f32
    %broadcast_in_dim3A_2755 = vector.broadcast %jit3A_2754 : f32 to vector<16xf32>
    %select_n3A_2756 = arith.select %ge3A_2753, %get3A_2751, %broadcast_in_dim3A_2755 : vector<16xi1>, vector<16xf32>
    %add3A_2757 = arith.addf %add3A_2746, %select_n3A_2756 : vector<16xf32>
    %get3A_2758 = arith.constant 5 : i32
    %get3A_2759 = arith.index_cast %get3A_2758 : i32 to index
    %get3A_2760 = arith.constant 432 : index
    %get3A_2761 = tpu.vector_load %arg6[%get3A_2759, %get3A_2760] {strides = array<i32>} : memref<8x512xf32, #tpu.memory_space<vmem>>, vector<1x16xf32>,
    %get3A_2762 = vector.shape_cast %get3A_2761 : vector<1x16xf32> to vector<16xf32>
    %abs3A_2763 = math.absf %get3A_2762 : vector<16xf32>
    %ge3A_2764 = arith.cmpf oge, %abs3A_2763, %get3A_46 : vector<16xf32>
    %jit3A_2765 = arith.constant 0.000000e+00 : f32
    %broadcast_in_dim3A_2766 = vector.broadcast %jit3A_2765 : f32 to vector<16xf32>
    %select_n3A_2767 = arith.select %ge3A_2764, %get3A_2762, %broadcast_in_dim3A_2766 : vector<16xi1>, vector<16xf32>
    %add3A_2768 = arith.addf %add3A_2757, %select_n3A_2767 : vector<16xf32>
    %get3A_2769 = arith.constant 6 : i32
    %get3A_2770 = arith.index_cast %get3A_2769 : i32 to index
    %get3A_2771 = arith.constant 432 : index
    %get3A_2772 = tpu.vector_load %arg6[%get3A_2770, %get3A_2771] {strides = array<i32>} : memref<8x512xf32, #tpu.memory_space<vmem>>, vector<1x16xf32>,
    %get3A_2773 = vector.shape_cast %get3A_2772 : vector<1x16xf32> to vector<16xf32>
    %abs3A_2774 = math.absf %get3A_2773 : vector<16xf32>
    %ge3A_2775 = arith.cmpf oge, %abs3A_2774, %get3A_51 : vector<16xf32>
    %jit3A_2776 = arith.constant 0.000000e+00 : f32
    %broadcast_in_dim3A_2777 = vector.broadcast %jit3A_2776 : f32 to vector<16xf32>
    %select_n3A_2778 = arith.select %ge3A_2775, %get3A_2773, %broadcast_in_dim3A_2777 : vector<16xi1>, vector<16xf32>
    %add3A_2779 = arith.addf %add3A_2768, %select_n3A_2778 : vector<16xf32>
    %get3A_2780 = arith.constant 7 : i32
    %get3A_2781 = arith.index_cast %get3A_2780 : i32 to index
    %get3A_2782 = arith.constant 432 : index
    %get3A_2783 = tpu.vector_load %arg6[%get3A_2781, %get3A_2782] {strides = array<i32>} : memref<8x512xf32, #tpu.memory_space<vmem>>, vector<1x16xf32>,
    %get3A_2784 = vector.shape_cast %get3A_2783 : vector<1x16xf32> to vector<16xf32>
    %abs3A_2785 = math.absf %get3A_2784 : vector<16xf32>
    %ge3A_2786 = arith.cmpf oge, %abs3A_2785, %get3A_56 : vector<16xf32>
    %jit3A_2787 = arith.constant 0.000000e+00 : f32
    %broadcast_in_dim3A_2788 = vector.broadcast %jit3A_2787 : f32 to vector<16xf32>
    %select_n3A_2789 = arith.select %ge3A_2786, %get3A_2784, %broadcast_in_dim3A_2788 : vector<16xi1>, vector<16xf32>
    %add3A_2790 = arith.addf %add3A_2779, %select_n3A_2789 : vector<16xf32>
    %swap3A_2791 = arith.constant 432 : index
    %swap3A_2792 = tpu.vector_load %arg9[%swap3A_2791] {strides = array<i32>} : memref<512xf32, #tpu.memory_space<vmem>>, vector<16xf32>,
    %swap3A_2793 = vector.shape_cast %swap3A_2792 : vector<16xf32> to vector<16xf32>
    %swap3A_2794 = vector.shape_cast %add3A_2790 : vector<16xf32> to vector<16xf32>
    tpu.vector_store %arg9[%swap3A_2791], %swap3A_2794 {strides = array<i32>} : memref<512xf32, #tpu.memory_space<vmem>>, vector<16xf32>,
    %get3A_2795 = arith.constant 448 : index
    %get3A_2796 = tpu.vector_load %arg8[%get3A_2795] {strides = array<i32>} : memref<512xf32, #tpu.memory_space<vmem>>, vector<16xf32>,
    %get3A_2797 = vector.shape_cast %get3A_2796 : vector<16xf32> to vector<16xf32>
    %mul3A_2798 = arith.constant 8.000000e-01 : f32
    %mul3A_2799 = vector.broadcast %mul3A_2798 : f32 to vector<16xf32>
    %mul3A_2800 = arith.mulf %get3A_2797, %mul3A_2799 : vector<16xf32>
    %get3A_2801 = arith.constant 0 : i32
    %get3A_2802 = arith.index_cast %get3A_2801 : i32 to index
    %get3A_2803 = arith.constant 448 : index
    %get3A_2804 = tpu.vector_load %arg6[%get3A_2802, %get3A_2803] {strides = array<i32>} : memref<8x512xf32, #tpu.memory_space<vmem>>, vector<1x16xf32>,
    %get3A_2805 = vector.shape_cast %get3A_2804 : vector<1x16xf32> to vector<16xf32>
    %abs3A_2806 = math.absf %get3A_2805 : vector<16xf32>
    %ge3A_2807 = arith.cmpf oge, %abs3A_2806, %get3A_21 : vector<16xf32>
    %jit3A_2808 = arith.constant 0.000000e+00 : f32
    %broadcast_in_dim3A_2809 = vector.broadcast %jit3A_2808 : f32 to vector<16xf32>
    %select_n3A_2810 = arith.select %ge3A_2807, %get3A_2805, %broadcast_in_dim3A_2809 : vector<16xi1>, vector<16xf32>
    %add3A_2811 = arith.addf %mul3A_2800, %select_n3A_2810 : vector<16xf32>
    %get3A_2812 = arith.constant 1 : i32
    %get3A_2813 = arith.index_cast %get3A_2812 : i32 to index
    %get3A_2814 = arith.constant 448 : index
    %get3A_2815 = tpu.vector_load %arg6[%get3A_2813, %get3A_2814] {strides = array<i32>} : memref<8x512xf32, #tpu.memory_space<vmem>>, vector<1x16xf32>,
    %get3A_2816 = vector.shape_cast %get3A_2815 : vector<1x16xf32> to vector<16xf32>
    %abs3A_2817 = math.absf %get3A_2816 : vector<16xf32>
    %ge3A_2818 = arith.cmpf oge, %abs3A_2817, %get3A_26 : vector<16xf32>
    %jit3A_2819 = arith.constant 0.000000e+00 : f32
    %broadcast_in_dim3A_2820 = vector.broadcast %jit3A_2819 : f32 to vector<16xf32>
    %select_n3A_2821 = arith.select %ge3A_2818, %get3A_2816, %broadcast_in_dim3A_2820 : vector<16xi1>, vector<16xf32>
    %add3A_2822 = arith.addf %add3A_2811, %select_n3A_2821 : vector<16xf32>
    %get3A_2823 = arith.constant 2 : i32
    %get3A_2824 = arith.index_cast %get3A_2823 : i32 to index
    %get3A_2825 = arith.constant 448 : index
    %get3A_2826 = tpu.vector_load %arg6[%get3A_2824, %get3A_2825] {strides = array<i32>} : memref<8x512xf32, #tpu.memory_space<vmem>>, vector<1x16xf32>,
    %get3A_2827 = vector.shape_cast %get3A_2826 : vector<1x16xf32> to vector<16xf32>
    %abs3A_2828 = math.absf %get3A_2827 : vector<16xf32>
    %ge3A_2829 = arith.cmpf oge, %abs3A_2828, %get3A_31 : vector<16xf32>
    %jit3A_2830 = arith.constant 0.000000e+00 : f32
    %broadcast_in_dim3A_2831 = vector.broadcast %jit3A_2830 : f32 to vector<16xf32>
    %select_n3A_2832 = arith.select %ge3A_2829, %get3A_2827, %broadcast_in_dim3A_2831 : vector<16xi1>, vector<16xf32>
    %add3A_2833 = arith.addf %add3A_2822, %select_n3A_2832 : vector<16xf32>
    %get3A_2834 = arith.constant 3 : i32
    %get3A_2835 = arith.index_cast %get3A_2834 : i32 to index
    %get3A_2836 = arith.constant 448 : index
    %get3A_2837 = tpu.vector_load %arg6[%get3A_2835, %get3A_2836] {strides = array<i32>} : memref<8x512xf32, #tpu.memory_space<vmem>>, vector<1x16xf32>,
    %get3A_2838 = vector.shape_cast %get3A_2837 : vector<1x16xf32> to vector<16xf32>
    %abs3A_2839 = math.absf %get3A_2838 : vector<16xf32>
    %ge3A_2840 = arith.cmpf oge, %abs3A_2839, %get3A_36 : vector<16xf32>
    %jit3A_2841 = arith.constant 0.000000e+00 : f32
    %broadcast_in_dim3A_2842 = vector.broadcast %jit3A_2841 : f32 to vector<16xf32>
    %select_n3A_2843 = arith.select %ge3A_2840, %get3A_2838, %broadcast_in_dim3A_2842 : vector<16xi1>, vector<16xf32>
    %add3A_2844 = arith.addf %add3A_2833, %select_n3A_2843 : vector<16xf32>
    %get3A_2845 = arith.constant 4 : i32
    %get3A_2846 = arith.index_cast %get3A_2845 : i32 to index
    %get3A_2847 = arith.constant 448 : index
    %get3A_2848 = tpu.vector_load %arg6[%get3A_2846, %get3A_2847] {strides = array<i32>} : memref<8x512xf32, #tpu.memory_space<vmem>>, vector<1x16xf32>,
    %get3A_2849 = vector.shape_cast %get3A_2848 : vector<1x16xf32> to vector<16xf32>
    %abs3A_2850 = math.absf %get3A_2849 : vector<16xf32>
    %ge3A_2851 = arith.cmpf oge, %abs3A_2850, %get3A_41 : vector<16xf32>
    %jit3A_2852 = arith.constant 0.000000e+00 : f32
    %broadcast_in_dim3A_2853 = vector.broadcast %jit3A_2852 : f32 to vector<16xf32>
    %select_n3A_2854 = arith.select %ge3A_2851, %get3A_2849, %broadcast_in_dim3A_2853 : vector<16xi1>, vector<16xf32>
    %add3A_2855 = arith.addf %add3A_2844, %select_n3A_2854 : vector<16xf32>
    %get3A_2856 = arith.constant 5 : i32
    %get3A_2857 = arith.index_cast %get3A_2856 : i32 to index
    %get3A_2858 = arith.constant 448 : index
    %get3A_2859 = tpu.vector_load %arg6[%get3A_2857, %get3A_2858] {strides = array<i32>} : memref<8x512xf32, #tpu.memory_space<vmem>>, vector<1x16xf32>,
    %get3A_2860 = vector.shape_cast %get3A_2859 : vector<1x16xf32> to vector<16xf32>
    %abs3A_2861 = math.absf %get3A_2860 : vector<16xf32>
    %ge3A_2862 = arith.cmpf oge, %abs3A_2861, %get3A_46 : vector<16xf32>
    %jit3A_2863 = arith.constant 0.000000e+00 : f32
    %broadcast_in_dim3A_2864 = vector.broadcast %jit3A_2863 : f32 to vector<16xf32>
    %select_n3A_2865 = arith.select %ge3A_2862, %get3A_2860, %broadcast_in_dim3A_2864 : vector<16xi1>, vector<16xf32>
    %add3A_2866 = arith.addf %add3A_2855, %select_n3A_2865 : vector<16xf32>
    %get3A_2867 = arith.constant 6 : i32
    %get3A_2868 = arith.index_cast %get3A_2867 : i32 to index
    %get3A_2869 = arith.constant 448 : index
    %get3A_2870 = tpu.vector_load %arg6[%get3A_2868, %get3A_2869] {strides = array<i32>} : memref<8x512xf32, #tpu.memory_space<vmem>>, vector<1x16xf32>,
    %get3A_2871 = vector.shape_cast %get3A_2870 : vector<1x16xf32> to vector<16xf32>
    %abs3A_2872 = math.absf %get3A_2871 : vector<16xf32>
    %ge3A_2873 = arith.cmpf oge, %abs3A_2872, %get3A_51 : vector<16xf32>
    %jit3A_2874 = arith.constant 0.000000e+00 : f32
    %broadcast_in_dim3A_2875 = vector.broadcast %jit3A_2874 : f32 to vector<16xf32>
    %select_n3A_2876 = arith.select %ge3A_2873, %get3A_2871, %broadcast_in_dim3A_2875 : vector<16xi1>, vector<16xf32>
    %add3A_2877 = arith.addf %add3A_2866, %select_n3A_2876 : vector<16xf32>
    %get3A_2878 = arith.constant 7 : i32
    %get3A_2879 = arith.index_cast %get3A_2878 : i32 to index
    %get3A_2880 = arith.constant 448 : index
    %get3A_2881 = tpu.vector_load %arg6[%get3A_2879, %get3A_2880] {strides = array<i32>} : memref<8x512xf32, #tpu.memory_space<vmem>>, vector<1x16xf32>,
    %get3A_2882 = vector.shape_cast %get3A_2881 : vector<1x16xf32> to vector<16xf32>
    %abs3A_2883 = math.absf %get3A_2882 : vector<16xf32>
    %ge3A_2884 = arith.cmpf oge, %abs3A_2883, %get3A_56 : vector<16xf32>
    %jit3A_2885 = arith.constant 0.000000e+00 : f32
    %broadcast_in_dim3A_2886 = vector.broadcast %jit3A_2885 : f32 to vector<16xf32>
    %select_n3A_2887 = arith.select %ge3A_2884, %get3A_2882, %broadcast_in_dim3A_2886 : vector<16xi1>, vector<16xf32>
    %add3A_2888 = arith.addf %add3A_2877, %select_n3A_2887 : vector<16xf32>
    %swap3A_2889 = arith.constant 448 : index
    %swap3A_2890 = tpu.vector_load %arg9[%swap3A_2889] {strides = array<i32>} : memref<512xf32, #tpu.memory_space<vmem>>, vector<16xf32>,
    %swap3A_2891 = vector.shape_cast %swap3A_2890 : vector<16xf32> to vector<16xf32>
    %swap3A_2892 = vector.shape_cast %add3A_2888 : vector<16xf32> to vector<16xf32>
    tpu.vector_store %arg9[%swap3A_2889], %swap3A_2892 {strides = array<i32>} : memref<512xf32, #tpu.memory_space<vmem>>, vector<16xf32>,
    %get3A_2893 = arith.constant 464 : index
    %get3A_2894 = tpu.vector_load %arg8[%get3A_2893] {strides = array<i32>} : memref<512xf32, #tpu.memory_space<vmem>>, vector<16xf32>,
    %get3A_2895 = vector.shape_cast %get3A_2894 : vector<16xf32> to vector<16xf32>
    %mul3A_2896 = arith.constant 8.000000e-01 : f32
    %mul3A_2897 = vector.broadcast %mul3A_2896 : f32 to vector<16xf32>
    %mul3A_2898 = arith.mulf %get3A_2895, %mul3A_2897 : vector<16xf32>
    %get3A_2899 = arith.constant 0 : i32
    %get3A_2900 = arith.index_cast %get3A_2899 : i32 to index
    %get3A_2901 = arith.constant 464 : index
    %get3A_2902 = tpu.vector_load %arg6[%get3A_2900, %get3A_2901] {strides = array<i32>} : memref<8x512xf32, #tpu.memory_space<vmem>>, vector<1x16xf32>,
    %get3A_2903 = vector.shape_cast %get3A_2902 : vector<1x16xf32> to vector<16xf32>
    %abs3A_2904 = math.absf %get3A_2903 : vector<16xf32>
    %ge3A_2905 = arith.cmpf oge, %abs3A_2904, %get3A_21 : vector<16xf32>
    %jit3A_2906 = arith.constant 0.000000e+00 : f32
    %broadcast_in_dim3A_2907 = vector.broadcast %jit3A_2906 : f32 to vector<16xf32>
    %select_n3A_2908 = arith.select %ge3A_2905, %get3A_2903, %broadcast_in_dim3A_2907 : vector<16xi1>, vector<16xf32>
    %add3A_2909 = arith.addf %mul3A_2898, %select_n3A_2908 : vector<16xf32>
    %get3A_2910 = arith.constant 1 : i32
    %get3A_2911 = arith.index_cast %get3A_2910 : i32 to index
    %get3A_2912 = arith.constant 464 : index
    %get3A_2913 = tpu.vector_load %arg6[%get3A_2911, %get3A_2912] {strides = array<i32>} : memref<8x512xf32, #tpu.memory_space<vmem>>, vector<1x16xf32>,
    %get3A_2914 = vector.shape_cast %get3A_2913 : vector<1x16xf32> to vector<16xf32>
    %abs3A_2915 = math.absf %get3A_2914 : vector<16xf32>
    %ge3A_2916 = arith.cmpf oge, %abs3A_2915, %get3A_26 : vector<16xf32>
    %jit3A_2917 = arith.constant 0.000000e+00 : f32
    %broadcast_in_dim3A_2918 = vector.broadcast %jit3A_2917 : f32 to vector<16xf32>
    %select_n3A_2919 = arith.select %ge3A_2916, %get3A_2914, %broadcast_in_dim3A_2918 : vector<16xi1>, vector<16xf32>
    %add3A_2920 = arith.addf %add3A_2909, %select_n3A_2919 : vector<16xf32>
    %get3A_2921 = arith.constant 2 : i32
    %get3A_2922 = arith.index_cast %get3A_2921 : i32 to index
    %get3A_2923 = arith.constant 464 : index
    %get3A_2924 = tpu.vector_load %arg6[%get3A_2922, %get3A_2923] {strides = array<i32>} : memref<8x512xf32, #tpu.memory_space<vmem>>, vector<1x16xf32>,
    %get3A_2925 = vector.shape_cast %get3A_2924 : vector<1x16xf32> to vector<16xf32>
    %abs3A_2926 = math.absf %get3A_2925 : vector<16xf32>
    %ge3A_2927 = arith.cmpf oge, %abs3A_2926, %get3A_31 : vector<16xf32>
    %jit3A_2928 = arith.constant 0.000000e+00 : f32
    %broadcast_in_dim3A_2929 = vector.broadcast %jit3A_2928 : f32 to vector<16xf32>
    %select_n3A_2930 = arith.select %ge3A_2927, %get3A_2925, %broadcast_in_dim3A_2929 : vector<16xi1>, vector<16xf32>
    %add3A_2931 = arith.addf %add3A_2920, %select_n3A_2930 : vector<16xf32>
    %get3A_2932 = arith.constant 3 : i32
    %get3A_2933 = arith.index_cast %get3A_2932 : i32 to index
    %get3A_2934 = arith.constant 464 : index
    %get3A_2935 = tpu.vector_load %arg6[%get3A_2933, %get3A_2934] {strides = array<i32>} : memref<8x512xf32, #tpu.memory_space<vmem>>, vector<1x16xf32>,
    %get3A_2936 = vector.shape_cast %get3A_2935 : vector<1x16xf32> to vector<16xf32>
    %abs3A_2937 = math.absf %get3A_2936 : vector<16xf32>
    %ge3A_2938 = arith.cmpf oge, %abs3A_2937, %get3A_36 : vector<16xf32>
    %jit3A_2939 = arith.constant 0.000000e+00 : f32
    %broadcast_in_dim3A_2940 = vector.broadcast %jit3A_2939 : f32 to vector<16xf32>
    %select_n3A_2941 = arith.select %ge3A_2938, %get3A_2936, %broadcast_in_dim3A_2940 : vector<16xi1>, vector<16xf32>
    %add3A_2942 = arith.addf %add3A_2931, %select_n3A_2941 : vector<16xf32>
    %get3A_2943 = arith.constant 4 : i32
    %get3A_2944 = arith.index_cast %get3A_2943 : i32 to index
    %get3A_2945 = arith.constant 464 : index
    %get3A_2946 = tpu.vector_load %arg6[%get3A_2944, %get3A_2945] {strides = array<i32>} : memref<8x512xf32, #tpu.memory_space<vmem>>, vector<1x16xf32>,
    %get3A_2947 = vector.shape_cast %get3A_2946 : vector<1x16xf32> to vector<16xf32>
    %abs3A_2948 = math.absf %get3A_2947 : vector<16xf32>
    %ge3A_2949 = arith.cmpf oge, %abs3A_2948, %get3A_41 : vector<16xf32>
    %jit3A_2950 = arith.constant 0.000000e+00 : f32
    %broadcast_in_dim3A_2951 = vector.broadcast %jit3A_2950 : f32 to vector<16xf32>
    %select_n3A_2952 = arith.select %ge3A_2949, %get3A_2947, %broadcast_in_dim3A_2951 : vector<16xi1>, vector<16xf32>
    %add3A_2953 = arith.addf %add3A_2942, %select_n3A_2952 : vector<16xf32>
    %get3A_2954 = arith.constant 5 : i32
    %get3A_2955 = arith.index_cast %get3A_2954 : i32 to index
    %get3A_2956 = arith.constant 464 : index
    %get3A_2957 = tpu.vector_load %arg6[%get3A_2955, %get3A_2956] {strides = array<i32>} : memref<8x512xf32, #tpu.memory_space<vmem>>, vector<1x16xf32>,
    %get3A_2958 = vector.shape_cast %get3A_2957 : vector<1x16xf32> to vector<16xf32>
    %abs3A_2959 = math.absf %get3A_2958 : vector<16xf32>
    %ge3A_2960 = arith.cmpf oge, %abs3A_2959, %get3A_46 : vector<16xf32>
    %jit3A_2961 = arith.constant 0.000000e+00 : f32
    %broadcast_in_dim3A_2962 = vector.broadcast %jit3A_2961 : f32 to vector<16xf32>
    %select_n3A_2963 = arith.select %ge3A_2960, %get3A_2958, %broadcast_in_dim3A_2962 : vector<16xi1>, vector<16xf32>
    %add3A_2964 = arith.addf %add3A_2953, %select_n3A_2963 : vector<16xf32>
    %get3A_2965 = arith.constant 6 : i32
    %get3A_2966 = arith.index_cast %get3A_2965 : i32 to index
    %get3A_2967 = arith.constant 464 : index
    %get3A_2968 = tpu.vector_load %arg6[%get3A_2966, %get3A_2967] {strides = array<i32>} : memref<8x512xf32, #tpu.memory_space<vmem>>, vector<1x16xf32>,
    %get3A_2969 = vector.shape_cast %get3A_2968 : vector<1x16xf32> to vector<16xf32>
    %abs3A_2970 = math.absf %get3A_2969 : vector<16xf32>
    %ge3A_2971 = arith.cmpf oge, %abs3A_2970, %get3A_51 : vector<16xf32>
    %jit3A_2972 = arith.constant 0.000000e+00 : f32
    %broadcast_in_dim3A_2973 = vector.broadcast %jit3A_2972 : f32 to vector<16xf32>
    %select_n3A_2974 = arith.select %ge3A_2971, %get3A_2969, %broadcast_in_dim3A_2973 : vector<16xi1>, vector<16xf32>
    %add3A_2975 = arith.addf %add3A_2964, %select_n3A_2974 : vector<16xf32>
    %get3A_2976 = arith.constant 7 : i32
    %get3A_2977 = arith.index_cast %get3A_2976 : i32 to index
    %get3A_2978 = arith.constant 464 : index
    %get3A_2979 = tpu.vector_load %arg6[%get3A_2977, %get3A_2978] {strides = array<i32>} : memref<8x512xf32, #tpu.memory_space<vmem>>, vector<1x16xf32>,
    %get3A_2980 = vector.shape_cast %get3A_2979 : vector<1x16xf32> to vector<16xf32>
    %abs3A_2981 = math.absf %get3A_2980 : vector<16xf32>
    %ge3A_2982 = arith.cmpf oge, %abs3A_2981, %get3A_56 : vector<16xf32>
    %jit3A_2983 = arith.constant 0.000000e+00 : f32
    %broadcast_in_dim3A_2984 = vector.broadcast %jit3A_2983 : f32 to vector<16xf32>
    %select_n3A_2985 = arith.select %ge3A_2982, %get3A_2980, %broadcast_in_dim3A_2984 : vector<16xi1>, vector<16xf32>
    %add3A_2986 = arith.addf %add3A_2975, %select_n3A_2985 : vector<16xf32>
    %swap3A_2987 = arith.constant 464 : index
    %swap3A_2988 = tpu.vector_load %arg9[%swap3A_2987] {strides = array<i32>} : memref<512xf32, #tpu.memory_space<vmem>>, vector<16xf32>,
    %swap3A_2989 = vector.shape_cast %swap3A_2988 : vector<16xf32> to vector<16xf32>
    %swap3A_2990 = vector.shape_cast %add3A_2986 : vector<16xf32> to vector<16xf32>
    tpu.vector_store %arg9[%swap3A_2987], %swap3A_2990 {strides = array<i32>} : memref<512xf32, #tpu.memory_space<vmem>>, vector<16xf32>,
    %get3A_2991 = arith.constant 480 : index
    %get3A_2992 = tpu.vector_load %arg8[%get3A_2991] {strides = array<i32>} : memref<512xf32, #tpu.memory_space<vmem>>, vector<16xf32>,
    %get3A_2993 = vector.shape_cast %get3A_2992 : vector<16xf32> to vector<16xf32>
    %mul3A_2994 = arith.constant 8.000000e-01 : f32
    %mul3A_2995 = vector.broadcast %mul3A_2994 : f32 to vector<16xf32>
    %mul3A_2996 = arith.mulf %get3A_2993, %mul3A_2995 : vector<16xf32>
    %get3A_2997 = arith.constant 0 : i32
    %get3A_2998 = arith.index_cast %get3A_2997 : i32 to index
    %get3A_2999 = arith.constant 480 : index
    %get3A_3000 = tpu.vector_load %arg6[%get3A_2998, %get3A_2999] {strides = array<i32>} : memref<8x512xf32, #tpu.memory_space<vmem>>, vector<1x16xf32>,
    %get3A_3001 = vector.shape_cast %get3A_3000 : vector<1x16xf32> to vector<16xf32>
    %abs3A_3002 = math.absf %get3A_3001 : vector<16xf32>
    %ge3A_3003 = arith.cmpf oge, %abs3A_3002, %get3A_21 : vector<16xf32>
    %jit3A_3004 = arith.constant 0.000000e+00 : f32
    %broadcast_in_dim3A_3005 = vector.broadcast %jit3A_3004 : f32 to vector<16xf32>
    %select_n3A_3006 = arith.select %ge3A_3003, %get3A_3001, %broadcast_in_dim3A_3005 : vector<16xi1>, vector<16xf32>
    %add3A_3007 = arith.addf %mul3A_2996, %select_n3A_3006 : vector<16xf32>
    %get3A_3008 = arith.constant 1 : i32
    %get3A_3009 = arith.index_cast %get3A_3008 : i32 to index
    %get3A_3010 = arith.constant 480 : index
    %get3A_3011 = tpu.vector_load %arg6[%get3A_3009, %get3A_3010] {strides = array<i32>} : memref<8x512xf32, #tpu.memory_space<vmem>>, vector<1x16xf32>,
    %get3A_3012 = vector.shape_cast %get3A_3011 : vector<1x16xf32> to vector<16xf32>
    %abs3A_3013 = math.absf %get3A_3012 : vector<16xf32>
    %ge3A_3014 = arith.cmpf oge, %abs3A_3013, %get3A_26 : vector<16xf32>
    %jit3A_3015 = arith.constant 0.000000e+00 : f32
    %broadcast_in_dim3A_3016 = vector.broadcast %jit3A_3015 : f32 to vector<16xf32>
    %select_n3A_3017 = arith.select %ge3A_3014, %get3A_3012, %broadcast_in_dim3A_3016 : vector<16xi1>, vector<16xf32>
    %add3A_3018 = arith.addf %add3A_3007, %select_n3A_3017 : vector<16xf32>
    %get3A_3019 = arith.constant 2 : i32
    %get3A_3020 = arith.index_cast %get3A_3019 : i32 to index
    %get3A_3021 = arith.constant 480 : index
    %get3A_3022 = tpu.vector_load %arg6[%get3A_3020, %get3A_3021] {strides = array<i32>} : memref<8x512xf32, #tpu.memory_space<vmem>>, vector<1x16xf32>,
    %get3A_3023 = vector.shape_cast %get3A_3022 : vector<1x16xf32> to vector<16xf32>
    %abs3A_3024 = math.absf %get3A_3023 : vector<16xf32>
    %ge3A_3025 = arith.cmpf oge, %abs3A_3024, %get3A_31 : vector<16xf32>
    %jit3A_3026 = arith.constant 0.000000e+00 : f32
    %broadcast_in_dim3A_3027 = vector.broadcast %jit3A_3026 : f32 to vector<16xf32>
    %select_n3A_3028 = arith.select %ge3A_3025, %get3A_3023, %broadcast_in_dim3A_3027 : vector<16xi1>, vector<16xf32>
    %add3A_3029 = arith.addf %add3A_3018, %select_n3A_3028 : vector<16xf32>
    %get3A_3030 = arith.constant 3 : i32
    %get3A_3031 = arith.index_cast %get3A_3030 : i32 to index
    %get3A_3032 = arith.constant 480 : index
    %get3A_3033 = tpu.vector_load %arg6[%get3A_3031, %get3A_3032] {strides = array<i32>} : memref<8x512xf32, #tpu.memory_space<vmem>>, vector<1x16xf32>,
    %get3A_3034 = vector.shape_cast %get3A_3033 : vector<1x16xf32> to vector<16xf32>
    %abs3A_3035 = math.absf %get3A_3034 : vector<16xf32>
    %ge3A_3036 = arith.cmpf oge, %abs3A_3035, %get3A_36 : vector<16xf32>
    %jit3A_3037 = arith.constant 0.000000e+00 : f32
    %broadcast_in_dim3A_3038 = vector.broadcast %jit3A_3037 : f32 to vector<16xf32>
    %select_n3A_3039 = arith.select %ge3A_3036, %get3A_3034, %broadcast_in_dim3A_3038 : vector<16xi1>, vector<16xf32>
    %add3A_3040 = arith.addf %add3A_3029, %select_n3A_3039 : vector<16xf32>
    %get3A_3041 = arith.constant 4 : i32
    %get3A_3042 = arith.index_cast %get3A_3041 : i32 to index
    %get3A_3043 = arith.constant 480 : index
    %get3A_3044 = tpu.vector_load %arg6[%get3A_3042, %get3A_3043] {strides = array<i32>} : memref<8x512xf32, #tpu.memory_space<vmem>>, vector<1x16xf32>,
    %get3A_3045 = vector.shape_cast %get3A_3044 : vector<1x16xf32> to vector<16xf32>
    %abs3A_3046 = math.absf %get3A_3045 : vector<16xf32>
    %ge3A_3047 = arith.cmpf oge, %abs3A_3046, %get3A_41 : vector<16xf32>
    %jit3A_3048 = arith.constant 0.000000e+00 : f32
    %broadcast_in_dim3A_3049 = vector.broadcast %jit3A_3048 : f32 to vector<16xf32>
    %select_n3A_3050 = arith.select %ge3A_3047, %get3A_3045, %broadcast_in_dim3A_3049 : vector<16xi1>, vector<16xf32>
    %add3A_3051 = arith.addf %add3A_3040, %select_n3A_3050 : vector<16xf32>
    %get3A_3052 = arith.constant 5 : i32
    %get3A_3053 = arith.index_cast %get3A_3052 : i32 to index
    %get3A_3054 = arith.constant 480 : index
    %get3A_3055 = tpu.vector_load %arg6[%get3A_3053, %get3A_3054] {strides = array<i32>} : memref<8x512xf32, #tpu.memory_space<vmem>>, vector<1x16xf32>,
    %get3A_3056 = vector.shape_cast %get3A_3055 : vector<1x16xf32> to vector<16xf32>
    %abs3A_3057 = math.absf %get3A_3056 : vector<16xf32>
    %ge3A_3058 = arith.cmpf oge, %abs3A_3057, %get3A_46 : vector<16xf32>
    %jit3A_3059 = arith.constant 0.000000e+00 : f32
    %broadcast_in_dim3A_3060 = vector.broadcast %jit3A_3059 : f32 to vector<16xf32>
    %select_n3A_3061 = arith.select %ge3A_3058, %get3A_3056, %broadcast_in_dim3A_3060 : vector<16xi1>, vector<16xf32>
    %add3A_3062 = arith.addf %add3A_3051, %select_n3A_3061 : vector<16xf32>
    %get3A_3063 = arith.constant 6 : i32
    %get3A_3064 = arith.index_cast %get3A_3063 : i32 to index
    %get3A_3065 = arith.constant 480 : index
    %get3A_3066 = tpu.vector_load %arg6[%get3A_3064, %get3A_3065] {strides = array<i32>} : memref<8x512xf32, #tpu.memory_space<vmem>>, vector<1x16xf32>,
    %get3A_3067 = vector.shape_cast %get3A_3066 : vector<1x16xf32> to vector<16xf32>
    %abs3A_3068 = math.absf %get3A_3067 : vector<16xf32>
    %ge3A_3069 = arith.cmpf oge, %abs3A_3068, %get3A_51 : vector<16xf32>
    %jit3A_3070 = arith.constant 0.000000e+00 : f32
    %broadcast_in_dim3A_3071 = vector.broadcast %jit3A_3070 : f32 to vector<16xf32>
    %select_n3A_3072 = arith.select %ge3A_3069, %get3A_3067, %broadcast_in_dim3A_3071 : vector<16xi1>, vector<16xf32>
    %add3A_3073 = arith.addf %add3A_3062, %select_n3A_3072 : vector<16xf32>
    %get3A_3074 = arith.constant 7 : i32
    %get3A_3075 = arith.index_cast %get3A_3074 : i32 to index
    %get3A_3076 = arith.constant 480 : index
    %get3A_3077 = tpu.vector_load %arg6[%get3A_3075, %get3A_3076] {strides = array<i32>} : memref<8x512xf32, #tpu.memory_space<vmem>>, vector<1x16xf32>,
    %get3A_3078 = vector.shape_cast %get3A_3077 : vector<1x16xf32> to vector<16xf32>
    %abs3A_3079 = math.absf %get3A_3078 : vector<16xf32>
    %ge3A_3080 = arith.cmpf oge, %abs3A_3079, %get3A_56 : vector<16xf32>
    %jit3A_3081 = arith.constant 0.000000e+00 : f32
    %broadcast_in_dim3A_3082 = vector.broadcast %jit3A_3081 : f32 to vector<16xf32>
    %select_n3A_3083 = arith.select %ge3A_3080, %get3A_3078, %broadcast_in_dim3A_3082 : vector<16xi1>, vector<16xf32>
    %add3A_3084 = arith.addf %add3A_3073, %select_n3A_3083 : vector<16xf32>
    %swap3A_3085 = arith.constant 480 : index
    %swap3A_3086 = tpu.vector_load %arg9[%swap3A_3085] {strides = array<i32>} : memref<512xf32, #tpu.memory_space<vmem>>, vector<16xf32>,
    %swap3A_3087 = vector.shape_cast %swap3A_3086 : vector<16xf32> to vector<16xf32>
    %swap3A_3088 = vector.shape_cast %add3A_3084 : vector<16xf32> to vector<16xf32>
    tpu.vector_store %arg9[%swap3A_3085], %swap3A_3088 {strides = array<i32>} : memref<512xf32, #tpu.memory_space<vmem>>, vector<16xf32>,
    %get3A_3089 = arith.constant 496 : index
    %get3A_3090 = tpu.vector_load %arg8[%get3A_3089] {strides = array<i32>} : memref<512xf32, #tpu.memory_space<vmem>>, vector<16xf32>,
    %get3A_3091 = vector.shape_cast %get3A_3090 : vector<16xf32> to vector<16xf32>
    %mul3A_3092 = arith.constant 8.000000e-01 : f32
    %mul3A_3093 = vector.broadcast %mul3A_3092 : f32 to vector<16xf32>
    %mul3A_3094 = arith.mulf %get3A_3091, %mul3A_3093 : vector<16xf32>
    %get3A_3095 = arith.constant 0 : i32
    %get3A_3096 = arith.index_cast %get3A_3095 : i32 to index
    %get3A_3097 = arith.constant 496 : index
    %get3A_3098 = tpu.vector_load %arg6[%get3A_3096, %get3A_3097] {strides = array<i32>} : memref<8x512xf32, #tpu.memory_space<vmem>>, vector<1x16xf32>,
    %get3A_3099 = vector.shape_cast %get3A_3098 : vector<1x16xf32> to vector<16xf32>
    %abs3A_3100 = math.absf %get3A_3099 : vector<16xf32>
    %ge3A_3101 = arith.cmpf oge, %abs3A_3100, %get3A_21 : vector<16xf32>
    %jit3A_3102 = arith.constant 0.000000e+00 : f32
    %broadcast_in_dim3A_3103 = vector.broadcast %jit3A_3102 : f32 to vector<16xf32>
    %select_n3A_3104 = arith.select %ge3A_3101, %get3A_3099, %broadcast_in_dim3A_3103 : vector<16xi1>, vector<16xf32>
    %add3A_3105 = arith.addf %mul3A_3094, %select_n3A_3104 : vector<16xf32>
    %get3A_3106 = arith.constant 1 : i32
    %get3A_3107 = arith.index_cast %get3A_3106 : i32 to index
    %get3A_3108 = arith.constant 496 : index
    %get3A_3109 = tpu.vector_load %arg6[%get3A_3107, %get3A_3108] {strides = array<i32>} : memref<8x512xf32, #tpu.memory_space<vmem>>, vector<1x16xf32>,
    %get3A_3110 = vector.shape_cast %get3A_3109 : vector<1x16xf32> to vector<16xf32>
    %abs3A_3111 = math.absf %get3A_3110 : vector<16xf32>
    %ge3A_3112 = arith.cmpf oge, %abs3A_3111, %get3A_26 : vector<16xf32>
    %jit3A_3113 = arith.constant 0.000000e+00 : f32
    %broadcast_in_dim3A_3114 = vector.broadcast %jit3A_3113 : f32 to vector<16xf32>
    %select_n3A_3115 = arith.select %ge3A_3112, %get3A_3110, %broadcast_in_dim3A_3114 : vector<16xi1>, vector<16xf32>
    %add3A_3116 = arith.addf %add3A_3105, %select_n3A_3115 : vector<16xf32>
    %get3A_3117 = arith.constant 2 : i32
    %get3A_3118 = arith.index_cast %get3A_3117 : i32 to index
    %get3A_3119 = arith.constant 496 : index
    %get3A_3120 = tpu.vector_load %arg6[%get3A_3118, %get3A_3119] {strides = array<i32>} : memref<8x512xf32, #tpu.memory_space<vmem>>, vector<1x16xf32>,
    %get3A_3121 = vector.shape_cast %get3A_3120 : vector<1x16xf32> to vector<16xf32>
    %abs3A_3122 = math.absf %get3A_3121 : vector<16xf32>
    %ge3A_3123 = arith.cmpf oge, %abs3A_3122, %get3A_31 : vector<16xf32>
    %jit3A_3124 = arith.constant 0.000000e+00 : f32
    %broadcast_in_dim3A_3125 = vector.broadcast %jit3A_3124 : f32 to vector<16xf32>
    %select_n3A_3126 = arith.select %ge3A_3123, %get3A_3121, %broadcast_in_dim3A_3125 : vector<16xi1>, vector<16xf32>
    %add3A_3127 = arith.addf %add3A_3116, %select_n3A_3126 : vector<16xf32>
    %get3A_3128 = arith.constant 3 : i32
    %get3A_3129 = arith.index_cast %get3A_3128 : i32 to index
    %get3A_3130 = arith.constant 496 : index
    %get3A_3131 = tpu.vector_load %arg6[%get3A_3129, %get3A_3130] {strides = array<i32>} : memref<8x512xf32, #tpu.memory_space<vmem>>, vector<1x16xf32>,
    %get3A_3132 = vector.shape_cast %get3A_3131 : vector<1x16xf32> to vector<16xf32>
    %abs3A_3133 = math.absf %get3A_3132 : vector<16xf32>
    %ge3A_3134 = arith.cmpf oge, %abs3A_3133, %get3A_36 : vector<16xf32>
    %jit3A_3135 = arith.constant 0.000000e+00 : f32
    %broadcast_in_dim3A_3136 = vector.broadcast %jit3A_3135 : f32 to vector<16xf32>
    %select_n3A_3137 = arith.select %ge3A_3134, %get3A_3132, %broadcast_in_dim3A_3136 : vector<16xi1>, vector<16xf32>
    %add3A_3138 = arith.addf %add3A_3127, %select_n3A_3137 : vector<16xf32>
    %get3A_3139 = arith.constant 4 : i32
    %get3A_3140 = arith.index_cast %get3A_3139 : i32 to index
    %get3A_3141 = arith.constant 496 : index
    %get3A_3142 = tpu.vector_load %arg6[%get3A_3140, %get3A_3141] {strides = array<i32>} : memref<8x512xf32, #tpu.memory_space<vmem>>, vector<1x16xf32>,
    %get3A_3143 = vector.shape_cast %get3A_3142 : vector<1x16xf32> to vector<16xf32>
    %abs3A_3144 = math.absf %get3A_3143 : vector<16xf32>
    %ge3A_3145 = arith.cmpf oge, %abs3A_3144, %get3A_41 : vector<16xf32>
    %jit3A_3146 = arith.constant 0.000000e+00 : f32
    %broadcast_in_dim3A_3147 = vector.broadcast %jit3A_3146 : f32 to vector<16xf32>
    %select_n3A_3148 = arith.select %ge3A_3145, %get3A_3143, %broadcast_in_dim3A_3147 : vector<16xi1>, vector<16xf32>
    %add3A_3149 = arith.addf %add3A_3138, %select_n3A_3148 : vector<16xf32>
    %get3A_3150 = arith.constant 5 : i32
    %get3A_3151 = arith.index_cast %get3A_3150 : i32 to index
    %get3A_3152 = arith.constant 496 : index
    %get3A_3153 = tpu.vector_load %arg6[%get3A_3151, %get3A_3152] {strides = array<i32>} : memref<8x512xf32, #tpu.memory_space<vmem>>, vector<1x16xf32>,
    %get3A_3154 = vector.shape_cast %get3A_3153 : vector<1x16xf32> to vector<16xf32>
    %abs3A_3155 = math.absf %get3A_3154 : vector<16xf32>
    %ge3A_3156 = arith.cmpf oge, %abs3A_3155, %get3A_46 : vector<16xf32>
    %jit3A_3157 = arith.constant 0.000000e+00 : f32
    %broadcast_in_dim3A_3158 = vector.broadcast %jit3A_3157 : f32 to vector<16xf32>
    %select_n3A_3159 = arith.select %ge3A_3156, %get3A_3154, %broadcast_in_dim3A_3158 : vector<16xi1>, vector<16xf32>
    %add3A_3160 = arith.addf %add3A_3149, %select_n3A_3159 : vector<16xf32>
    %get3A_3161 = arith.constant 6 : i32
    %get3A_3162 = arith.index_cast %get3A_3161 : i32 to index
    %get3A_3163 = arith.constant 496 : index
    %get3A_3164 = tpu.vector_load %arg6[%get3A_3162, %get3A_3163] {strides = array<i32>} : memref<8x512xf32, #tpu.memory_space<vmem>>, vector<1x16xf32>,
    %get3A_3165 = vector.shape_cast %get3A_3164 : vector<1x16xf32> to vector<16xf32>
    %abs3A_3166 = math.absf %get3A_3165 : vector<16xf32>
    %ge3A_3167 = arith.cmpf oge, %abs3A_3166, %get3A_51 : vector<16xf32>
    %jit3A_3168 = arith.constant 0.000000e+00 : f32
    %broadcast_in_dim3A_3169 = vector.broadcast %jit3A_3168 : f32 to vector<16xf32>
    %select_n3A_3170 = arith.select %ge3A_3167, %get3A_3165, %broadcast_in_dim3A_3169 : vector<16xi1>, vector<16xf32>
    %add3A_3171 = arith.addf %add3A_3160, %select_n3A_3170 : vector<16xf32>
    %get3A_3172 = arith.constant 7 : i32
    %get3A_3173 = arith.index_cast %get3A_3172 : i32 to index
    %get3A_3174 = arith.constant 496 : index
    %get3A_3175 = tpu.vector_load %arg6[%get3A_3173, %get3A_3174] {strides = array<i32>} : memref<8x512xf32, #tpu.memory_space<vmem>>, vector<1x16xf32>,
    %get3A_3176 = vector.shape_cast %get3A_3175 : vector<1x16xf32> to vector<16xf32>
    %abs3A_3177 = math.absf %get3A_3176 : vector<16xf32>
    %ge3A_3178 = arith.cmpf oge, %abs3A_3177, %get3A_56 : vector<16xf32>
    %jit3A_3179 = arith.constant 0.000000e+00 : f32
    %broadcast_in_dim3A_3180 = vector.broadcast %jit3A_3179 : f32 to vector<16xf32>
    %select_n3A_3181 = arith.select %ge3A_3178, %get3A_3176, %broadcast_in_dim3A_3180 : vector<16xi1>, vector<16xf32>
    %add3A_3182 = arith.addf %add3A_3171, %select_n3A_3181 : vector<16xf32>
    %swap3A_3183 = arith.constant 496 : index
    %swap3A_3184 = tpu.vector_load %arg9[%swap3A_3183] {strides = array<i32>} : memref<512xf32, #tpu.memory_space<vmem>>, vector<16xf32>,
    %swap3A_3185 = vector.shape_cast %swap3A_3184 : vector<16xf32> to vector<16xf32>
    %swap3A_3186 = vector.shape_cast %add3A_3182 : vector<16xf32> to vector<16xf32>
    tpu.vector_store %arg9[%swap3A_3183], %swap3A_3186 {strides = array<i32>} : memref<512xf32, #tpu.memory_space<vmem>>, vector<16xf32>,
    "tpu.region"() ({
      %run_scoped3A_3187 = tpu.sem_alloc : memref<!tpu.dma_semaphore, #tpu.memory_space<semaphore_mem>>
      %dma_start3A = tpu.memref_slice %arg5[%mul3A_2] : memref<16384xf32, #tpu.memory_space<hbm>> -> memref<512xf32, #tpu.memory_space<hbm>>
      %dma_start3A_3188 = tpu.memref_slice %arg5[%mul3A_2] : memref<16384xf32, #tpu.memory_space<hbm>> -> memref<512xf32, #tpu.memory_space<hbm>>
      tpu.enqueue_dma source(%arg9 : memref<512xf32, #tpu.memory_space<vmem>>) target(%dma_start3A_3188 : memref<512xf32, #tpu.memory_space<hbm>>) target_semaphore(%run_scoped3A_3187 : memref<!tpu.dma_semaphore, #tpu.memory_space<semaphore_mem>>)
      %dma_wait3A = tpu.memref_slice %arg5[%mul3A_2] : memref<16384xf32, #tpu.memory_space<hbm>> -> memref<512xf32, #tpu.memory_space<hbm>>
      %dma_wait3A_3189 = tpu.memref_slice %arg5[%mul3A_2] : memref<16384xf32, #tpu.memory_space<hbm>> -> memref<512xf32, #tpu.memory_space<hbm>>
      tpu.wait_dma2 semaphore(%run_scoped3A_3187 : memref<!tpu.dma_semaphore, #tpu.memory_space<semaphore_mem>>) src(%arg9 : memref<512xf32, #tpu.memory_space<vmem>>) dst(%dma_wait3A_3189 : memref<512xf32, #tpu.memory_space<hbm>>)
      tpu.yield
    }) : () -> ()
    return
  }
}

module attributes {stable_mosaic.version = 14 : i64} {
  func.func @_dw_body(%arg0: i32, %arg1: i32, %arg2: memref<1x1x1024xf32, #tpu.memory_space<vmem>>, %arg3: memref<1x1024x2048xf32, #tpu.memory_space<vmem>>, %arg4: memref<1x1x1x2048xf32, #tpu.memory_space<vmem>>, %arg5: memref<1x1x1x2048xf32, #tpu.memory_space<vmem>>, %arg6: memref<1x1x2048xf32, #tpu.memory_space<vmem>>, %arg7: memref<1x1x1x2048xf32, #tpu.memory_space<vmem>>) attributes {dimension_semantics = [#tpu.dimension_semantics<arbitrary>, #tpu.dimension_semantics<arbitrary>], iteration_bounds = array<i64: 8, 8>, scalar_prefetch = 0 : i64, scratch_operands = 0 : i64, tpu.core_type = #tpu.core_type<tc>, window_params = [{transform_indices = @transform_0, window_bounds = array<i64: 1, 1, 1024>}, {transform_indices = @transform_1, window_bounds = array<i64: 1, 1024, 2048>}, {transform_indices = @transform_2, window_bounds = array<i64: 1, 1, 1, 2048>}, {transform_indices = @transform_3, window_bounds = array<i64: 1, 1, 1, 2048>}, {transform_indices = @transform_4, window_bounds = array<i64: 1, 1, 2048>}, {transform_indices = @transform_5, window_bounds = array<i64: 1, 1, 1, 2048>}]} {
    %get3A = arith.constant 0 : index
    %get3A_0 = arith.constant 0 : index
    %get3A_1 = arith.constant 0 : index
    %get3A_2 = vector.load %arg2[%get3A, %get3A_0, %get3A_1] : memref<1x1x1024xf32, #tpu.memory_space<vmem>>, vector<1x1x1024xf32>
    %get3A_3 = vector.shape_cast %get3A_2 : vector<1x1x1024xf32> to vector<1x1024xf32>
    %get3A_4 = arith.constant 0 : index
    %get3A_5 = arith.constant 0 : index
    %get3A_6 = arith.constant 0 : index
    %get3A_7 = vector.load %arg3[%get3A_4, %get3A_5, %get3A_6] : memref<1x1024x2048xf32, #tpu.memory_space<vmem>>, vector<1x1024x2048xf32>
    %get3A_8 = vector.shape_cast %get3A_7 : vector<1x1024x2048xf32> to vector<1024x2048xf32>
    %dot_general3A = arith.constant dense<0.000000e+00> : vector<1x2048xf32>
    %dot_general3A_9 = tpu.matmul %get3A_3, %get3A_8, %dot_general3A {dimension_numbers = #tpu.dot_dimension_numbers<[1], [0], [0], [1], [0, 0, 1, 1], [], []>, transpose_lhs_hint = false} : vector<1x1024xf32>, vector<1024x2048xf32>, vector<1x2048xf32> -> vector<1x2048xf32>
    %get3A_10 = arith.constant 0 : index
    %get3A_11 = arith.constant 0 : index
    %get3A_12 = arith.constant 0 : index
    %get3A_13 = arith.constant 0 : index
    %get3A_14 = vector.load %arg4[%get3A_10, %get3A_11, %get3A_12, %get3A_13] : memref<1x1x1x2048xf32, #tpu.memory_space<vmem>>, vector<1x1x1x2048xf32>
    %get3A_15 = vector.shape_cast %get3A_14 : vector<1x1x1x2048xf32> to vector<1x2048xf32>
    %add3A = arith.addf %dot_general3A_9, %get3A_15 : vector<1x2048xf32>
    %jit3A = arith.constant -1.000000e+02 : f32
    %jit3A_16 = arith.constant 1.000000e+02 : f32
    %max3A = vector.broadcast %jit3A : f32 to vector<1x2048xf32>
    %max3A_17 = arith.maximumf %max3A, %add3A : vector<1x2048xf32>
    %min3A = vector.broadcast %jit3A_16 : f32 to vector<1x2048xf32>
    %min3A_18 = arith.minimumf %min3A, %max3A_17 : vector<1x2048xf32>
    %get3A_19 = arith.constant 0 : index
    %get3A_20 = arith.constant 0 : index
    %get3A_21 = arith.constant 0 : index
    %get3A_22 = arith.constant 0 : index
    %get3A_23 = vector.load %arg5[%get3A_19, %get3A_20, %get3A_21, %get3A_22] : memref<1x1x1x2048xf32, #tpu.memory_space<vmem>>, vector<1x1x1x2048xf32>
    %get3A_24 = vector.shape_cast %get3A_23 : vector<1x1x1x2048xf32> to vector<1x2048xf32>
    %get3A_25 = arith.constant 0 : index
    %get3A_26 = arith.constant 0 : index
    %get3A_27 = arith.constant 0 : index
    %get3A_28 = vector.load %arg6[%get3A_25, %get3A_26, %get3A_27] : memref<1x1x2048xf32, #tpu.memory_space<vmem>>, vector<1x1x2048xf32>
    %get3A_29 = vector.shape_cast %get3A_28 : vector<1x1x2048xf32> to vector<1x2048xf32>
    %mul3A = arith.mulf %get3A_24, %get3A_29 : vector<1x2048xf32>
    %neg3A = arith.constant 0.000000e+00 : f32
    %neg3A_30 = vector.broadcast %neg3A : f32 to vector<1x2048xf32>
    %neg3A_31 = arith.subf %neg3A_30, %mul3A : vector<1x2048xf32>
    %exp3A = math.exp %neg3A_31 : vector<1x2048xf32>
    %add3A_32 = arith.constant 1.000000e+00 : f32
    %add3A_33 = vector.broadcast %add3A_32 : f32 to vector<1x2048xf32>
    %add3A_34 = arith.addf %add3A_33, %exp3A : vector<1x2048xf32>
    %div3A = arith.constant 1.000000e+00 : f32
    %div3A_35 = vector.broadcast %div3A : f32 to vector<1x2048xf32>
    %div3A_36 = arith.divf %div3A_35, %add3A_34 : vector<1x2048xf32>
    %mul3A_37 = arith.mulf %div3A_36, %min3A_18 : vector<1x2048xf32>
    %jit3A_38 = arith.constant -1.000000e+03 : f32
    %jit3A_39 = arith.constant 1.000000e+03 : f32
    %max3A_40 = vector.broadcast %jit3A_38 : f32 to vector<1x2048xf32>
    %max3A_41 = arith.maximumf %max3A_40, %mul3A_37 : vector<1x2048xf32>
    %min3A_42 = vector.broadcast %jit3A_39 : f32 to vector<1x2048xf32>
    %min3A_43 = arith.minimumf %min3A_42, %max3A_41 : vector<1x2048xf32>
    %swap3A = arith.constant 0 : index
    %swap3A_44 = arith.constant 0 : index
    %swap3A_45 = arith.constant 0 : index
    %swap3A_46 = arith.constant 0 : index
    %swap3A_47 = vector.load %arg7[%swap3A, %swap3A_44, %swap3A_45, %swap3A_46] : memref<1x1x1x2048xf32, #tpu.memory_space<vmem>>, vector<1x1x1x2048xf32>
    %swap3A_48 = vector.shape_cast %swap3A_47 : vector<1x1x1x2048xf32> to vector<1x2048xf32>
    %swap3A_49 = vector.shape_cast %min3A_43 : vector<1x2048xf32> to vector<1x1x1x2048xf32>
    tpu.vector_store %arg7[%swap3A, %swap3A_44, %swap3A_45, %swap3A_46], %swap3A_49 {strides = array<i32>} : memref<1x1x1x2048xf32, #tpu.memory_space<vmem>>, vector<1x1x1x2048xf32>,
    return
  }
  func.func @transform_0(%arg0: i32, %arg1: i32) -> (i32, i32, i32) {
    %c0_i32 = arith.constant 0 : i32
    %c0_i32_0 = arith.constant 0 : i32
    %c0_i32_1 = arith.constant 0 : i32
    return %arg0, %c0_i32, %c0_i32_0 : i32, i32, i32
  }
  func.func @transform_1(%arg0: i32, %arg1: i32) -> (i32, i32, i32) {
    %c0_i32 = arith.constant 0 : i32
    %c0_i32_0 = arith.constant 0 : i32
    return %arg0, %c0_i32, %arg1 : i32, i32, i32
  }
  func.func @transform_2(%arg0: i32, %arg1: i32) -> (i32, i32, i32, i32) {
    %c0_i32 = arith.constant 0 : i32
    %c0_i32_0 = arith.constant 0 : i32
    %c0_i32_1 = arith.constant 0 : i32
    return %arg0, %arg1, %c0_i32, %c0_i32_0 : i32, i32, i32, i32
  }
  func.func @transform_3(%arg0: i32, %arg1: i32) -> (i32, i32, i32, i32) {
    %c0_i32 = arith.constant 0 : i32
    %c0_i32_0 = arith.constant 0 : i32
    %c0_i32_1 = arith.constant 0 : i32
    return %arg0, %arg1, %c0_i32, %c0_i32_0 : i32, i32, i32, i32
  }
  func.func @transform_4(%arg0: i32, %arg1: i32) -> (i32, i32, i32) {
    %c0_i32 = arith.constant 0 : i32
    %c0_i32_0 = arith.constant 0 : i32
    %c0_i32_1 = arith.constant 0 : i32
    return %arg1, %c0_i32, %c0_i32_0 : i32, i32, i32
  }
  func.func @transform_5(%arg0: i32, %arg1: i32) -> (i32, i32, i32, i32) {
    %c0_i32 = arith.constant 0 : i32
    %c0_i32_0 = arith.constant 0 : i32
    %c0_i32_1 = arith.constant 0 : i32
    return %arg0, %arg1, %c0_i32, %c0_i32_0 : i32, i32, i32, i32
  }
}

module attributes {stable_mosaic.version = 14 : i64} {
  func.func @_h2_body(%arg0: i32, %arg1: i32, %arg2: memref<1x1x2048xf32, #tpu.memory_space<vmem>>, %arg3: memref<1x2048x1024xf32, #tpu.memory_space<vmem>>, %arg4: memref<1x1x1024xf32, #tpu.memory_space<vmem>>, %arg5: memref<1x1024x1024xf32, #tpu.memory_space<vmem>>, %arg6: memref<1x1x1024xf32, #tpu.memory_space<vmem>>, %arg7: memref<1x1x1024xf32, #tpu.memory_space<vmem>>) attributes {dimension_semantics = [#tpu.dimension_semantics<arbitrary>, #tpu.dimension_semantics<arbitrary>], iteration_bounds = array<i64: 8, 8>, scalar_prefetch = 0 : i64, scratch_operands = 0 : i64, tpu.core_type = #tpu.core_type<tc>, window_params = [{transform_indices = @transform_0, window_bounds = array<i64: 1, 1, 2048>}, {transform_indices = @transform_1, window_bounds = array<i64: 1, 2048, 1024>}, {transform_indices = @transform_2, window_bounds = array<i64: 1, 1, 1024>}, {transform_indices = @transform_3, window_bounds = array<i64: 1, 1024, 1024>}, {transform_indices = @transform_4, window_bounds = array<i64: 1, 1, 1024>}, {transform_indices = @transform_5, window_bounds = array<i64: 1, 1, 1024>}]} {
    %eq3A = arith.constant 0 : i32
    %eq3A_0 = arith.cmpi eq, %arg1, %eq3A : i32
    %convert_element_type3A = arith.extui %eq3A_0 : i1 to i32
    %cond3A = arith.constant 0 : i32
    %cond3A_1 = arith.cmpi ne, %convert_element_type3A, %cond3A : i32
    scf.if %cond3A_1 {
      %get3A_27 = arith.constant 0 : index
      %get3A_28 = arith.constant 0 : index
      %get3A_29 = arith.constant 0 : index
      %get3A_30 = vector.load %arg4[%get3A_27, %get3A_28, %get3A_29] : memref<1x1x1024xf32, #tpu.memory_space<vmem>>, vector<1x1x1024xf32>
      %get3A_31 = vector.shape_cast %get3A_30 : vector<1x1x1024xf32> to vector<1x1024xf32>
      %swap3A_32 = arith.constant 0 : index
      %swap3A_33 = arith.constant 0 : index
      %swap3A_34 = arith.constant 0 : index
      %swap3A_35 = vector.load %arg7[%swap3A_32, %swap3A_33, %swap3A_34] : memref<1x1x1024xf32, #tpu.memory_space<vmem>>, vector<1x1x1024xf32>
      %swap3A_36 = vector.shape_cast %swap3A_35 : vector<1x1x1024xf32> to vector<1x1024xf32>
      %swap3A_37 = vector.shape_cast %get3A_31 : vector<1x1024xf32> to vector<1x1x1024xf32>
      tpu.vector_store %arg7[%swap3A_32, %swap3A_33, %swap3A_34], %swap3A_37 {strides = array<i32>} : memref<1x1x1024xf32, #tpu.memory_space<vmem>>, vector<1x1x1024xf32>,
    } else {
    }
    %get3A = arith.constant 0 : index
    %get3A_2 = arith.constant 0 : index
    %get3A_3 = arith.constant 0 : index
    %get3A_4 = vector.load %arg7[%get3A, %get3A_2, %get3A_3] : memref<1x1x1024xf32, #tpu.memory_space<vmem>>, vector<1x1x1024xf32>
    %get3A_5 = vector.shape_cast %get3A_4 : vector<1x1x1024xf32> to vector<1x1024xf32>
    %get3A_6 = arith.constant 0 : index
    %get3A_7 = arith.constant 0 : index
    %get3A_8 = arith.constant 0 : index
    %get3A_9 = vector.load %arg2[%get3A_6, %get3A_7, %get3A_8] : memref<1x1x2048xf32, #tpu.memory_space<vmem>>, vector<1x1x2048xf32>
    %get3A_10 = vector.shape_cast %get3A_9 : vector<1x1x2048xf32> to vector<1x2048xf32>
    %get3A_11 = arith.constant 0 : index
    %get3A_12 = arith.constant 0 : index
    %get3A_13 = arith.constant 0 : index
    %get3A_14 = vector.load %arg3[%get3A_11, %get3A_12, %get3A_13] : memref<1x2048x1024xf32, #tpu.memory_space<vmem>>, vector<1x2048x1024xf32>
    %get3A_15 = vector.shape_cast %get3A_14 : vector<1x2048x1024xf32> to vector<2048x1024xf32>
    %dot_general3A = arith.constant dense<0.000000e+00> : vector<1x1024xf32>
    %dot_general3A_16 = tpu.matmul %get3A_10, %get3A_15, %dot_general3A {dimension_numbers = #tpu.dot_dimension_numbers<[1], [0], [0], [1], [0, 0, 1, 1], [], []>, transpose_lhs_hint = false} : vector<1x2048xf32>, vector<2048x1024xf32>, vector<1x1024xf32> -> vector<1x1024xf32>
    %add3A = arith.addf %get3A_5, %dot_general3A_16 : vector<1x1024xf32>
    %swap3A = arith.constant 0 : index
    %swap3A_17 = arith.constant 0 : index
    %swap3A_18 = arith.constant 0 : index
    %swap3A_19 = vector.load %arg7[%swap3A, %swap3A_17, %swap3A_18] : memref<1x1x1024xf32, #tpu.memory_space<vmem>>, vector<1x1x1024xf32>
    %swap3A_20 = vector.shape_cast %swap3A_19 : vector<1x1x1024xf32> to vector<1x1024xf32>
    %swap3A_21 = vector.shape_cast %add3A : vector<1x1024xf32> to vector<1x1x1024xf32>
    tpu.vector_store %arg7[%swap3A, %swap3A_17, %swap3A_18], %swap3A_21 {strides = array<i32>} : memref<1x1x1024xf32, #tpu.memory_space<vmem>>, vector<1x1x1024xf32>,
    %eq3A_22 = arith.constant 7 : i32
    %eq3A_23 = arith.cmpi eq, %arg1, %eq3A_22 : i32
    %convert_element_type3A_24 = arith.extui %eq3A_23 : i1 to i32
    %cond3A_25 = arith.constant 0 : i32
    %cond3A_26 = arith.cmpi ne, %convert_element_type3A_24, %cond3A_25 : i32
    scf.if %cond3A_26 {
      %get3A_27 = arith.constant 0 : index
      %get3A_28 = arith.constant 0 : index
      %get3A_29 = arith.constant 0 : index
      %get3A_30 = vector.load %arg7[%get3A_27, %get3A_28, %get3A_29] : memref<1x1x1024xf32, #tpu.memory_space<vmem>>, vector<1x1x1024xf32>
      %get3A_31 = vector.shape_cast %get3A_30 : vector<1x1x1024xf32> to vector<1x1024xf32>
      %max3A = arith.constant 0.000000e+00 : f32
      %max3A_32 = vector.broadcast %max3A : f32 to vector<1x1024xf32>
      %max3A_33 = arith.maximumf %get3A_31, %max3A_32 : vector<1x1024xf32>
      %get3A_34 = arith.constant 0 : index
      %get3A_35 = arith.constant 0 : index
      %get3A_36 = arith.constant 0 : index
      %get3A_37 = vector.load %arg5[%get3A_34, %get3A_35, %get3A_36] : memref<1x1024x1024xf32, #tpu.memory_space<vmem>>, vector<1x1024x1024xf32>
      %get3A_38 = vector.shape_cast %get3A_37 : vector<1x1024x1024xf32> to vector<1024x1024xf32>
      %dot_general3A_39 = arith.constant dense<0.000000e+00> : vector<1x1024xf32>
      %dot_general3A_40 = tpu.matmul %max3A_33, %get3A_38, %dot_general3A_39 {dimension_numbers = #tpu.dot_dimension_numbers<[1], [0], [0], [1], [0, 0, 1, 1], [], []>, transpose_lhs_hint = false} : vector<1x1024xf32>, vector<1024x1024xf32>, vector<1x1024xf32> -> vector<1x1024xf32>
      %get3A_41 = arith.constant 0 : index
      %get3A_42 = arith.constant 0 : index
      %get3A_43 = arith.constant 0 : index
      %get3A_44 = vector.load %arg6[%get3A_41, %get3A_42, %get3A_43] : memref<1x1x1024xf32, #tpu.memory_space<vmem>>, vector<1x1x1024xf32>
      %get3A_45 = vector.shape_cast %get3A_44 : vector<1x1x1024xf32> to vector<1x1024xf32>
      %add3A_46 = arith.addf %dot_general3A_40, %get3A_45 : vector<1x1024xf32>
      %max3A_47 = arith.constant 0.000000e+00 : f32
      %max3A_48 = vector.broadcast %max3A_47 : f32 to vector<1x1024xf32>
      %max3A_49 = arith.maximumf %add3A_46, %max3A_48 : vector<1x1024xf32>
      %swap3A_50 = arith.constant 0 : index
      %swap3A_51 = arith.constant 0 : index
      %swap3A_52 = arith.constant 0 : index
      %swap3A_53 = vector.load %arg7[%swap3A_50, %swap3A_51, %swap3A_52] : memref<1x1x1024xf32, #tpu.memory_space<vmem>>, vector<1x1x1024xf32>
      %swap3A_54 = vector.shape_cast %swap3A_53 : vector<1x1x1024xf32> to vector<1x1024xf32>
      %swap3A_55 = vector.shape_cast %max3A_49 : vector<1x1024xf32> to vector<1x1x1024xf32>
      tpu.vector_store %arg7[%swap3A_50, %swap3A_51, %swap3A_52], %swap3A_55 {strides = array<i32>} : memref<1x1x1024xf32, #tpu.memory_space<vmem>>, vector<1x1x1024xf32>,
    } else {
    }
    return
  }
  func.func @transform_0(%arg0: i32, %arg1: i32) -> (i32, i32, i32) {
    %c0_i32 = arith.constant 0 : i32
    %c0_i32_0 = arith.constant 0 : i32
    %c0_i32_1 = arith.constant 0 : i32
    return %arg1, %c0_i32, %c0_i32_0 : i32, i32, i32
  }
  func.func @transform_1(%arg0: i32, %arg1: i32) -> (i32, i32, i32) {
    %c0_i32 = arith.constant 0 : i32
    %c0_i32_0 = arith.constant 0 : i32
    return %arg0, %arg1, %c0_i32 : i32, i32, i32
  }
  func.func @transform_2(%arg0: i32, %arg1: i32) -> (i32, i32, i32) {
    %c0_i32 = arith.constant 0 : i32
    %c0_i32_0 = arith.constant 0 : i32
    %c0_i32_1 = arith.constant 0 : i32
    return %arg0, %c0_i32, %c0_i32_0 : i32, i32, i32
  }
  func.func @transform_3(%arg0: i32, %arg1: i32) -> (i32, i32, i32) {
    %c0_i32 = arith.constant 0 : i32
    %c0_i32_0 = arith.constant 0 : i32
    %c0_i32_1 = arith.constant 0 : i32
    return %arg0, %c0_i32, %c0_i32_0 : i32, i32, i32
  }
  func.func @transform_4(%arg0: i32, %arg1: i32) -> (i32, i32, i32) {
    %c0_i32 = arith.constant 0 : i32
    %c0_i32_0 = arith.constant 0 : i32
    %c0_i32_1 = arith.constant 0 : i32
    return %arg0, %c0_i32, %c0_i32_0 : i32, i32, i32
  }
  func.func @transform_5(%arg0: i32, %arg1: i32) -> (i32, i32, i32) {
    %c0_i32 = arith.constant 0 : i32
    %c0_i32_0 = arith.constant 0 : i32
    %c0_i32_1 = arith.constant 0 : i32
    return %arg0, %c0_i32, %c0_i32_0 : i32, i32, i32
  }
}

</mosaic_0001>

<sc_bundles>
// kernel: kernel.5.cloned.1.call-start
scs
__scs_entry_jumppad:
0x0: {  	(pc) =	sbr.rel $0x88, $3  }
0x1: {  	(tag) =	ssettag $0x0;
	lr =	simm.s32 $0x1  }
0x2: {  	[smem:$0x3F99] =	sst lr;
	_ =	strace $0xD0000000  }
0x3: {  	_ = 	snop  }
0x4: {  	_ = 	snop  }
0x5: {  	_ = 	snop  }
0x6: {  	_ = 	snop  }
0x7: {  	_ = 	snop  }
__scs_overlays_trampoline_lowered:
0x8: {  	[smem:$0x3FA8] =	sst s0  }
0x9: {  	[smem:$0x3FA9] =	sst s1  }
0xa: {  	[smem:$0x3FAA] =	sst s2  }
0xb: {  	[smem:$0x3FAB] =	sst s3  }
0xc: {  	[smem:$0x3FAC] =	sst s4  }
0xd: {  	[smem:$0x3FAD] =	sst s5  }
0xe: {  	[smem:$0x3FAE] =	sst s6  }
0xf: {  	[smem:$0x3FAF] =	sst s7  }
0x10: {  	[smem:$0x3FB0] =	sst s8  }
0x11: {  	[smem:$0x3FB1] =	sst s9;
	s0 =	simm.s32 @!p0 $0x0  }
0x12: {  	s1 =	sld [smem:$0x3F97];
	s0 =	simm.s32 @p0 $0x1  }
0x13: {  	[smem:$0x3FB2] =	sst s0;
	s0 =	simm.s32 @!p1 $0x0  }
0x14: {  	s2 =	sld [smem:$0x3F96];
	s0 =	simm.s32 @p1 $0x1  }
0x15: {  	[smem:$0x3FB3] =	sst s0;
	s0 =	simm.s32 @!p2 $0x0  }
0x16: {  	s3 =	sld [smem:$0x3FDB];
	s0 =	simm.s32 @p2 $0x1  }
0x17: {  	s4 =	simm.s32 $0x1BF5;
	[smem:$0x3FB5] =	sst s0  }
0x18: {  	s0 =	sld [smem:$0x3F98];
	_ =	swait.ge [sflag:s4], $0x0  }
0x19: {  	s7 =	sld [smem:$0x3F99]  }
0x1a: {  	s8 =	sadd.s32 $0xFFFFE003, lr  }
0x1b: {  	s9 =	sadd.s32 $0xFFFFFEF7, lr;
	s5 =	simm.s32 $0xFFFFFFFF;
	p2 =	slt.u32 s8, $0xFFFFF086  }
0x1c: {  	p1 =	slt.u32 s9, $0xF7A;
	s5 =	simm.s32 @!p2 $0x0  }
0x1d: {  	s5 =	simm.s32 @p1 $0x1;
	p0 =	seq.s32 s7, s2  }
0x1e: {  	s7 =	smul.u32 @!p0 $0xF7A, s2;
	p2 =	seq.s32 @!p0 s5, $0x0  }
0x1f: {  	s9 =	smul.u32 $0xF7A, s1;
	s8 =	simm.s32 @!p0 $0x1BF5;
	p2 =	por !p2, p0  }
0x20: {  	[sflag:s8] =	ssyncset.s32 @!p0 $0xFFFFF086;
	s6 =	sadd.s32 @!p0 s3, s7;
	s7 =	simm.s32 @!p0 $0x108  }
0x21: {  	s3 =	sadd.s32 s3, s9;
	s6 =	sadd.s32 @!p0 $0x88, s6;
	s7 =	simm.s32 @p2 $0x1082  }
0x22: {  	[simem:s7], [sflag:s8] =	dma.local @!p0 [hbm:s6], $0xF7A  }
0x23: {  	s9 =	sor.u32 $0xD0000000, s2;
	s6 =	simm.s32 $0x108;
	_ =	swait.ge @!p0 [sflag:s8], $0x0  }
0x24: {  	s3 =	sadd.s32 $0x88, s3;
	s6 =	simm.s32 @!p1 $0x1082;
	[sflag:s4] =	ssyncset.s32 $0xFFFFF086  }
0x25: {  	[simem:s6], [sflag:s4] =	dma.local [hbm:s3], $0xF7A  }
0x26: {  	[smem:$0x3F99] =	sst s1;
	(tag) =	ssettag s2;
	_ =	strace s9  }
0x27: {  	s1 =	sld [smem:$0x3FA9]  }
0x28: {  	s2 =	sld [smem:$0x3FAA]  }
0x29: {  	s4 =	sld [smem:$0x3FAC]  }
0x2a: {  	p0 =	seq.s32 s5, $0x0;
	s5 =	sld [smem:$0x3FAD]  }
0x2b: {  	s6 =	sld [smem:$0x3FAE]  }
0x2c: {  	s7 =	sld [smem:$0x3FAF]  }
0x2d: {  	s3 =	simm.s32 $0x108;
	s8 =	sld [smem:$0x3FB0]  }
0x2e: {  	s3 =	simm.s32 @!p0 $0x1082;
	s9 =	sld [smem:$0x3FB1]  }
0x2f: {  	lr =	sadd.s32 s0, s3;
	s0 =	sld [smem:$0x3FA8]  }
0x30: {  	s3 =	sld [smem:$0x3FAB]  }
0x31: {  	[smem:$0x3FB4] =	sst s10  }
0x32: {  	s10 =	sld [smem:$0x3FB2];
	_ =	sdelay $0x3  }
0x33: {  	p0 =	seq.s32 s10, $0x1;
	s10 =	sld [smem:$0x3FB4];
	_ =	sdelay $0x3  }
0x34: {  	[smem:$0x3FB4] =	sst s10  }
0x35: {  	s10 =	sld [smem:$0x3FB3];
	_ =	sdelay $0x3  }
0x36: {  	p1 =	seq.s32 s10, $0x1;
	s10 =	sld [smem:$0x3FB4];
	_ =	sdelay $0x3  }
0x37: {  	[smem:$0x3FB4] =	sst s10  }
0x38: {  	s10 =	sld [smem:$0x3FB5]  }
0x39: {  	_ = 	snop;
	(pc) =	sbr.ind lr, $3  }
0x3a: {  	_ = 	snop  }
0x3b: {  	_ = 	snop  }
0x3c: {  	p2 =	seq.s32 s10, $0x1;
	s10 =	sld [smem:$0x3FB4]  }
0x3d: {  	_ =	shalt  }
0x3e: {  	_ =	shalt  }
0x3f: {  	_ =	shalt  }
0x40: {  	_ =	shalt  }
0x41: {  	_ =	shalt  }
0x42: {  	_ =	shalt  }
0x43: {  	_ =	shalt  }
0x44: {  	_ =	shalt  }
0x45: {  	_ =	shalt  }
0x46: {  	_ =	shalt  }
0x47: {  	_ =	shalt  }
0x48: {  	_ =	shalt  }
0x49: {  	_ =	shalt  }
0x4a: {  	_ =	shalt  }
0x4b: {  	_ =	shalt  }
0x4c: {  	_ =	shalt  }
0x4d: {  	_ =	shalt  }
0x4e: {  	_ =	shalt  }
0x4f: {  	_ =	shalt  }
0x50: {  	_ =	shalt  }
0x51: {  	_ =	shalt  }
0x52: {  	_ =	shalt  }
0x53: {  	_ =	shalt  }
0x54: {  	_ =	shalt  }
0x55: {  	_ =	shalt  }
0x56: {  	_ =	shalt  }
0x57: {  	_ =	shalt  }
0x58: {  	_ =	shalt  }
0x59: {  	_ =	shalt  }
0x5a: {  	_ =	shalt  }
0x5b: {  	_ =	shalt  }
0x5c: {  	_ =	shalt  }
0x5d: {  	_ =	shalt  }
0x5e: {  	_ =	shalt  }
0x5f: {  	_ =	shalt  }
0x60: {  	_ =	shalt  }
0x61: {  	_ =	shalt  }
0x62: {  	_ =	shalt  }
0x63: {  	_ =	shalt  }
0x64: {  	_ =	shalt  }
0x65: {  	_ =	shalt  }
0x66: {  	_ =	shalt  }
0x67: {  	_ =	shalt  }
0x68: {  	_ =	shalt  }
0x69: {  	_ =	shalt  }
0x6a: {  	_ =	shalt  }
0x6b: {  	_ =	shalt  }
0x6c: {  	_ =	shalt  }
0x6d: {  	_ =	shalt  }
0x6e: {  	_ =	shalt  }
0x6f: {  	_ =	shalt  }
0x70: {  	_ =	shalt  }
0x71: {  	_ =	shalt  }
0x72: {  	_ =	shalt  }
0x73: {  	_ =	shalt  }
0x74: {  	_ =	shalt  }
0x75: {  	_ =	shalt  }
0x76: {  	_ =	shalt  }
0x77: {  	_ =	shalt  }
0x78: {  	_ =	shalt  }
0x79: {  	_ =	shalt  }
0x7a: {  	_ =	shalt  }
0x7b: {  	_ =	shalt  }
0x7c: {  	_ =	shalt  }
0x7d: {  	_ =	shalt  }
0x7e: {  	_ =	shalt  }
0x7f: {  	_ =	shalt  }
0x80: {  	_ =	shalt  }
0x81: {  	_ =	shalt  }
0x82: {  	_ =	shalt  }
0x83: {  	_ =	shalt  }
0x84: {  	_ =	shalt  }
0x85: {  	_ =	shalt  }
0x86: {  	_ =	shalt  }
0x87: {  	_ =	shalt  }
.Lfunc_end0:
.L_simem_size_0:
called_computation_lowered:
.L_overlay_start_0:
0x88: {  	s2 =	sld [smem:$0x3FD9]  }
0x89: {  	s3 =	sld [smem:$0x3FFE];
	_ =	sdelay $0x1  }
0x8a: {  	s1 =	srdreg.scid  }
0x8b: {  	s0 =	sand.u32 $0x1, s1  }
0x8c: {  	s17 =	sshll.u32 s0, $0xA;
	s2 =	sadd.s32 s3, s2  }
0x8d: {  	s2 =	sadd.s32 s2, s17  }
0x8e: {  	[smem:$0x3FC0] =	sst s2  }
0x8f: {  	_ = 	snop  }
0x90: {  	s2 =	sld [smem:$0x3FC9]  }
0x91: {  	s18 =	sld [smem:$0x3FD0];
	(tm) =	ssettm $0x1  }
0x92: {  	s4 =	sld [smem:$0x3FFB];
	_ =	sdelay $0x3  }
0x93: {  	_ =	strace s4  }
0x94: {  	s4 =	sld [smem:$0x3FFC];
	_ =	sdelay $0x3  }
0x95: {  	_ =	strace s4  }
0x96: {  	s4 =	sld [smem:$0x3FFD];
	_ =	sdelay $0x3  }
0x97: {  	_ =	strace s4  }
0x98: {  	_ =	strace $0x8FFFFFFF  }
0x99: {  	s19 =	sld [smem:$0x3FDB];
	_ =	sdelay $0x1  }
0x9a: {  	s5 =	simm.s32 $_scs_section_size  }
0x9b: {  	s6 =	simm.s32 $_size__tile_overlayer_lowered;
	s7 =	simm.s32 $_tile_overlayer_lowered  }
0x9c: {  	s22 =	simm.s32 $0x1BFF;
	s21 =	sshll.u32 s7, $0x1;
	s4 =	sadd.s32 s5, s19  }
0x9d: {  	s8 =	simm.s32 $0x0;
	s20 =	sshll.u32 s6, $0x1;
	s6 =	sadd.s32 s21, s4  }
0x9e: {  	[timem:s8], [sflag:s22] =	dma.local [hbm:s6], s20  }
0x9f: {  	_ =	swait.ge [sflag:s22], s20  }
0xa0: {  	s5 =	ssub.s32 $0x0, s20;
	[sflag:s22] =	ssyncset.done $0x0  }
0xa1: {  	[sflag:s22] =	ssyncadd.s32 s5;
	_ =	sdelay $0x1  }
0xa2: {  	s23 =	simm.s32 $0x1B8B  }
0xa3: {  	_ =	swait.ge [sflag:s23], $0x1  }
0xa4: {  	[sflag:s23] =	ssyncset.done $0x0  }
0xa5: {  	s25 =	simm.s32 $0x1B8E;
	s24 =	sld [smem:$0x3FFE];
	[sflag:s23] =	ssyncadd.s32 $0xFFFFFFFF  }
0xa6: {  	s26 =	simm.s32 $execute0_lowered;
	[smem:$0x3FD2] =	sst s25  }
0xa7: {  	s6 =	sshll.u32 s26, $0x1;
	_ =	strace $0x80000046;
	[dreg:$0x1] =	wrdreg $0xFFFFFFFF  }
0xa8: {  	s28 =	simm.s32 $_size_execute0_lowered;
	s4 =	sadd.s32 s4, s6;
	[dreg:$0x0] =	wrdreg $0x0  }
0xa9: {  	s6 =	sshll.u32 s28, $0x1;
	[dreg:$0x2] =	wrdreg s4  }
0xaa: {  	[dreg:$0x3] =	wrdreg s6  }
0xab: {  	[dreg:$0x4] =	wrdreg $0xC0  }
0xac: {  	_ =	task [dreg:s8], $0x5FFFF  }
0xad: {  	[dreg:$0x1] =	wrdreg $0xFFFFFFFF  }
0xae: {  	[dreg:$0x0] =	wrdreg $0x60  }
0xaf: {  	[dreg:$0x2] =	wrdreg s24  }
0xb0: {  	[dreg:$0x3] =	wrdreg s2  }
0xb1: {  	[dreg:$0x4] =	wrdreg s18  }
0xb2: {  	[dreg:$0x5] =	wrdreg $0x9  }
0xb3: {  	_ =	task.clear_ibuf [dreg:s8], $0x6FFFF;
	_ =	strace $0x90000046  }
0xb4: {  	s29 =	simm.s32 $0x9;
	_ =	strace $0x80000048  }
0xb5: {  	_ =	swait.ge [sflag:s29], $0x1  }
0xb6: {  	[sflag:s29] =	ssyncadd.s32 $0xFFFFFFFF  }
0xb7: {  	_ =	strace $0x90000048  }
0xb8: {  	_ =	sfence  }
0xb9: {  	s30 =	sld [smem:$0x0];
	_ =	sdelay $0x2  }
0xba: {  	s31 =	sshll.u32 s1, $0xD;
	s1 =	sshrl.u32 s1, $0x2  }
0xbb: {  	s3 =	sand.u32 $0x4000, s31;
	s1 =	sadd.s32 s1, s30  }
0xbc: {  	s0 =	sor.u32 s3, s0;
	s1 =	sshll.u32 s1, $0x11  }
0xbd: {  	s0 =	sor.u32 s1, s0  }
0xbe: {  	s0 =	sadd.s32 $0x8F2B, s0  }
0xbf: {  	[sflag:s0] =	ssyncadd.remote.s32 $0x1  }
0xc0: {  	_ =	sfence.sel $0xFFFF  }
0xc1: {  	[dreg:$0x0] =	wrdreg $0xFFFFFFFF;
	(pc) =	sbr.abs _section_cstart, $3  }
0xc2: {  	[dreg:$0x1] =	wrdreg $0xFFFFFFFF  }
0xc3: {  	_ =	task.clear_ibuf [dreg:s8], $0x2FFFF;
	_ =	strace $0x9FFFFFFF  }
0xc4: {  	(tm) =	ssettm $0x7FFFFFFF  }
0xc5: {  	_ =	shalt  }
tec
execute0_lowered:
.L_overlay_start_1:
0x0: {  	(tag) =	ssettag $0x1  }
0x1: {  	s3 =	rddreg [dreg:$0x0]  }
0x2: {  	s5 =	rddreg [dreg:$0x1]  }
0x3: {  	s6 =	rddreg [dreg:$0x2];
	s2 =	srdreg.scid  }
0x4: {  	s0 =	rddreg [dreg:$0x3];
	s4 =	sand.u32 $0x1, s2;
	s2 =	simm.s32 $0x0  }
0x5: {  	s24 =	simm.s32 $0x400;
	[smem:$0x7FF] =	sst s2  }
0x6: {  	s25 =	simm.s32 $0x800;
	_ =	strace $0x80000047;
	[dreg:$0xb] =	wrdreg s24  }
0x7: {  	s26 =	simm.s32 $0xC00;
	[dreg:$0xc] =	wrdreg s25  }
0x8: {  	s28 =	simm.s32 $0x80;
	[dreg:$0xd] =	wrdreg s26  }
0x9: {  	s30 =	simm.s32 $0x480;
	[dreg:$0xe] =	wrdreg s28  }
0xa: {  	s10 =	simm.s32 $0x500;
	[dreg:$0x10] =	wrdreg s30  }
0xb: {  	s11 =	simm.s32 $0x900;
	[dreg:$0x15] =	wrdreg s10  }
0xc: {  	s12 =	simm.s32 $0xD00;
	[dreg:$0x16] =	wrdreg s11  }
0xd: {  	s13 =	simm.s32 $0x180;
	[dreg:$0x17] =	wrdreg s12  }
0xe: {  	s14 =	simm.s32 $0x580;
	[dreg:$0x18] =	wrdreg s13  }
0xf: {  	s1 =	stileid.u32;
	s15 =	simm.s32 $0x980;
	[dreg:$0x19] =	wrdreg s14  }
0x10: {  	s16 =	simm.s32 $0xD80;
	s17 =	simm.s32 $0x200;
	[dreg:$0x1a] =	wrdreg s15  }
0x11: {  	s7 =	sshll.u32 s1, $0xA;
	s8 =	sshll.u32 s4, $0x9;
	[dreg:$0x1b] =	wrdreg s16  }
0x12: {  	s7 =	sor.u32 s8, s7;
	s8 =	simm.s32 $0x100;
	[dreg:$0x1c] =	wrdreg s17  }
0x13: {  	s24 =	simm.s32 $0xA80;
	[dreg:$0x14] =	wrdreg s8  }
0x14: {  	s25 =	simm.s32 $0xE80;
	[smem:$0x7F5] =	sst s24  }
0x15: {  	s26 =	simm.s32 $0x300;
	[smem:$0x7F6] =	sst s25  }
0x16: {  	s28 =	simm.s32 $0x700;
	[smem:$0x7F7] =	sst s26  }
0x17: {  	s11 =	simm.s32 $0xF00;
	[smem:$0x7F8] =	sst s28  }
0x18: {  	s30 =	simm.s32 $0x380;
	[smem:$0x7FA] =	sst s11  }
0x19: {  	s12 =	simm.s32 $0xB80;
	[smem:$0x7FB] =	sst s30  }
0x1a: {  	s9 =	sadd.s32 s7, s3;
	s3 =	sadd.s32 $0x4600, s3;
	[smem:$0x7FD] =	sst s12  }
0x1b: {  	s7 =	sshrl.u32 s7, $0x3;
	[dreg:$0x4] =	wrdreg s3;
	s18 =	sadd.s32 $0x600, s9  }
0x1c: {  	s19 =	sadd.s32 s5, s7;
	[dreg:$0x7] =	wrdreg s18  }
0x1d: {  	s20 =	sadd.s32 s6, s7;
	[dreg:$0x5] =	wrdreg s19  }
0x1e: {  	s4 =	ssub.s32 $0x2, s4;
	s21 =	sadd.s32 $0x680, s9;
	[dreg:$0x6] =	wrdreg s20  }
0x1f: {  	s13 =	simm.s32 $0x1000;
	s22 =	sadd.s32 $0x700, s9;
	[dreg:$0x8] =	wrdreg s21  }
0x20: {  	s14 =	simm.s32 $0x1400;
	s23 =	sadd.s32 $0x780, s9;
	[dreg:$0x9] =	wrdreg s22  }
0x21: {  	s15 =	simm.s32 $0x1600;
	s6 =	simm.s32 $0x880;
	[dreg:$0xa] =	wrdreg s23  }
0x22: {  	s3 =	sadd.s32 $0x610, s9;
	s7 =	simm.s32 $0xC80;
	[dreg:$0x12] =	wrdreg s6  }
0x23: {  	s11 =	simm.s32 $0x1;
	s29 =	sadd.s32 $0x80, s3;
	[dreg:$0x13] =	wrdreg s7  }
0x24: {  	s12 =	simm.s32 $0xF80;
	s31 =	sadd.s32 $0x100, s3;
	[dreg:$0xf] =	wrdreg s29  }
0x25: {  	s5 =	sadd.s32 $0x630, s9;
	s18 =	simm.s32 $0x600;
	[dreg:$0x11] =	wrdreg s31  }
0x26: {  	s8 =	sadd.s32 $0x660, s9;
	s19 =	simm.s32 $0xA00;
	[dreg:$0x1d] =	wrdreg s18  }
0x27: {  	s20 =	simm.s32 $0xE00;
	s21 =	simm.s32 $0x280;
	[dreg:$0x1e] =	wrdreg s19  }
0x28: {  	s22 =	simm.s32 $0x680;
	s23 =	sshrl.u32 s4, $0x1;
	[dreg:$0x1f] =	wrdreg s20  }
0x29: {  	s6 =	sadd.s32 $0x640, s9;
	s7 =	sadd.s32 $0x650, s9;
	[smem:$0x7F3] =	sst s21  }
0x2a: {  	[smem:$0x7F4] =	sst s22;
	s10 =	ssub.s32 s4, s23;
	s29 =	simm.s32 $0xB00  }
0x2b: {  	s4 =	sadd.s32 $0x620, s9;
	s31 =	simm.s32 $0x780;
	[smem:$0x7F9] =	sst s29  }
0x2c: {  	s9 =	sadd.s32 $0x670, s9;
	s10 =	smax.u32 s10, $0x1;
	[smem:$0x7FC] =	sst s31  }
.LBB2_1:
0x2d: {  	s16 =	rddreg [dreg:$0x7]  }
0x2e: {  	s17 =	rddreg [dreg:$0x8]  }
0x2f: {  	s18 =	rddreg [dreg:$0xb]  }
0x30: {  	s29 =	rddreg [dreg:$0x9]  }
0x31: {  	[tilespmem:s2], [sflag:$0x1] =	stream.linear.gather [hbm4b:s16+s2], $0x80, $0x38;
	[tilespmem:$0x1800] =	vst v63  }
0x32: {  	s30 =	rddreg [dreg:$0xc]  }
0x33: {  	[tilespmem:s18], [sflag:$0x1] =	stream.linear.gather [hbm4b:s17+s2], $0x80, $0x38;
	[tilespmem:$0x1800] =	vst v63  }
0x34: {  	s31 =	rddreg [dreg:$0xa]  }
0x35: {  	[tilespmem:s30], [sflag:$0x1] =	stream.linear.gather [hbm4b:s29+s2], $0x80, $0x38;
	[tilespmem:$0x1800] =	vst v63  }
0x36: {  	s19 =	rddreg [dreg:$0xd]  }
0x37: {  	[tilespmem:s19], [sflag:$0x1] =	stream.linear.gather [hbm4b:s31+s2], $0x80, $0x38;
	[tilespmem:$0x1800] =	vst v63  }
0x38: {  	_ =	swait.ge [sflag:s11], $0x200  }
0x39: {  	s17 =	rddreg [dreg:$0xe]  }
0x3a: {  	[sflag:s11] =	ssyncset.done $0x0;
	s18 =	rddreg [dreg:$0xf]  }
0x3b: {  	s19 =	rddreg [dreg:$0x10];
	[sflag:s11] =	ssyncadd.s32 $0xFFFFFE00  }
0x3c: {  	[tilespmem:s17], [sflag:$0x1] =	stream.linear.gather [hbm4b:s3+s2], $0x80, $0x38;
	[tilespmem:$0x1800] =	vst v63  }
0x3d: {  	s20 =	rddreg [dreg:$0x11]  }
0x3e: {  	[tilespmem:s19], [sflag:$0x1] =	stream.linear.gather [hbm4b:s18+s2], $0x80, $0x38;
	[tilespmem:$0x1800] =	vst v63  }
0x3f: {  	s21 =	rddreg [dreg:$0x12]  }
0x40: {  	[tilespmem:s21], [sflag:$0x1] =	stream.linear.gather [hbm4b:s20+s2], $0x80, $0x38;
	[tilespmem:$0x1800] =	vst v63  }
0x41: {  	s23 =	sadd.s32 $0x180, s3;
	s22 =	rddreg [dreg:$0x13]  }
0x42: {  	[tilespmem:s22], [sflag:$0x1] =	stream.linear.gather [hbm4b:s23+s2], $0x80, $0x38;
	[tilespmem:$0x1800] =	vst v63  }
0x43: {  	_ =	swait.ge [sflag:s11], $0x200  }
0x44: {  	[sflag:s11] =	ssyncset.done $0x0  }
0x45: {  	s24 =	rddreg [dreg:$0x14];
	[sflag:s11] =	ssyncadd.s32 $0xFFFFFE00  }
0x46: {  	[tilespmem:s24], [sflag:$0x1] =	stream.linear.gather [hbm4b:s4+s2], $0x80, $0x38;
	[tilespmem:$0x1800] =	vst v63  }
0x47: {  	s26 =	sadd.s32 $0x80, s4;
	s25 =	rddreg [dreg:$0x15]  }
0x48: {  	[tilespmem:s25], [sflag:$0x1] =	stream.linear.gather [hbm4b:s26+s2], $0x80, $0x38;
	[tilespmem:$0x1800] =	vst v63  }
0x49: {  	s29 =	sadd.s32 $0x100, s4;
	s28 =	rddreg [dreg:$0x16]  }
0x4a: {  	[tilespmem:s28], [sflag:$0x1] =	stream.linear.gather [hbm4b:s29+s2], $0x80, $0x38;
	[tilespmem:$0x1800] =	vst v63  }
0x4b: {  	s31 =	sadd.s32 $0x180, s4;
	s30 =	rddreg [dreg:$0x17]  }
0x4c: {  	[tilespmem:s30], [sflag:$0x1] =	stream.linear.gather [hbm4b:s31+s2], $0x80, $0x38;
	[tilespmem:$0x1800] =	vst v63  }
0x4d: {  	_ =	swait.ge [sflag:s11], $0x200  }
0x4e: {  	[sflag:s11] =	ssyncset.done $0x0  }
0x4f: {  	s18 =	rddreg [dreg:$0x18];
	[sflag:s11] =	ssyncadd.s32 $0xFFFFFE00  }
0x50: {  	[tilespmem:s18], [sflag:$0x1] =	stream.linear.gather [hbm4b:s5+s2], $0x80, $0x38;
	[tilespmem:$0x1800] =	vst v63  }
0x51: {  	s20 =	sadd.s32 $0x80, s5;
	s19 =	rddreg [dreg:$0x19]  }
0x52: {  	[tilespmem:s19], [sflag:$0x1] =	stream.linear.gather [hbm4b:s20+s2], $0x80, $0x38;
	[tilespmem:$0x1800] =	vst v63  }
0x53: {  	s22 =	sadd.s32 $0x100, s5;
	s21 =	rddreg [dreg:$0x1a]  }
0x54: {  	[tilespmem:s21], [sflag:$0x1] =	stream.linear.gather [hbm4b:s22+s2], $0x80, $0x38;
	[tilespmem:$0x1800] =	vst v63  }
0x55: {  	s24 =	sadd.s32 $0x180, s5;
	s23 =	rddreg [dreg:$0x1b]  }
0x56: {  	[tilespmem:s23], [sflag:$0x1] =	stream.linear.gather [hbm4b:s24+s2], $0x80, $0x38;
	[tilespmem:$0x1800] =	vst v63  }
0x57: {  	_ =	swait.ge [sflag:s11], $0x200  }
0x58: {  	[sflag:s11] =	ssyncset.done $0x0  }
0x59: {  	s25 =	rddreg [dreg:$0x1c];
	[sflag:s11] =	ssyncadd.s32 $0xFFFFFE00  }
0x5a: {  	[tilespmem:s25], [sflag:$0x1] =	stream.linear.gather [hbm4b:s6+s2], $0x80, $0x38;
	[tilespmem:$0x1800] =	vst v63  }
0x5b: {  	s28 =	sadd.s32 $0x80, s6;
	s26 =	rddreg [dreg:$0x1d]  }
0x5c: {  	[tilespmem:s26], [sflag:$0x1] =	stream.linear.gather [hbm4b:s28+s2], $0x80, $0x38;
	[tilespmem:$0x1800] =	vst v63  }
0x5d: {  	s30 =	sadd.s32 $0x100, s6;
	s29 =	rddreg [dreg:$0x1e]  }
0x5e: {  	[tilespmem:s29], [sflag:$0x1] =	stream.linear.gather [hbm4b:s30+s2], $0x80, $0x38;
	[tilespmem:$0x1800] =	vst v63  }
0x5f: {  	s19 =	sadd.s32 $0x180, s6;
	s31 =	rddreg [dreg:$0x1f]  }
0x60: {  	[tilespmem:s31], [sflag:$0x1] =	stream.linear.gather [hbm4b:s19+s2], $0x80, $0x38;
	[tilespmem:$0x1800] =	vst v63  }
0x61: {  	_ =	swait.ge [sflag:s11], $0x200  }
0x62: {  	s20 =	sld [smem:$0x7F3]  }
0x63: {  	[sflag:s11] =	ssyncset.done $0x0  }
0x64: {  	s21 =	sld [smem:$0x7F4];
	[sflag:s11] =	ssyncadd.s32 $0xFFFFFE00  }
0x65: {  	[tilespmem:s20], [sflag:$0x1] =	stream.linear.gather [hbm4b:s7+s2], $0x80, $0x38;
	[tilespmem:$0x1800] =	vst v63  }
0x66: {  	s22 =	sadd.s32 $0x80, s7;
	s23 =	sld [smem:$0x7F5]  }
0x67: {  	[tilespmem:s21], [sflag:$0x1] =	stream.linear.gather [hbm4b:s22+s2], $0x80, $0x38;
	[tilespmem:$0x1800] =	vst v63  }
0x68: {  	s24 =	sadd.s32 $0x100, s7;
	s25 =	sld [smem:$0x7F6]  }
0x69: {  	[tilespmem:s23], [sflag:$0x1] =	stream.linear.gather [hbm4b:s24+s2], $0x80, $0x38;
	[tilespmem:$0x1800] =	vst v63  }
0x6a: {  	s26 =	sadd.s32 $0x180, s7  }
0x6b: {  	[tilespmem:s25], [sflag:$0x1] =	stream.linear.gather [hbm4b:s26+s2], $0x80, $0x38;
	[tilespmem:$0x1800] =	vst v63  }
0x6c: {  	_ =	swait.ge [sflag:s11], $0x200  }
0x6d: {  	s28 =	sld [smem:$0x7F7]  }
0x6e: {  	[sflag:s11] =	ssyncset.done $0x0  }
0x6f: {  	s29 =	sld [smem:$0x7F8];
	[sflag:s11] =	ssyncadd.s32 $0xFFFFFE00  }
0x70: {  	[tilespmem:s28], [sflag:$0x1] =	stream.linear.gather [hbm4b:s8+s2], $0x80, $0x38;
	[tilespmem:$0x1800] =	vst v63  }
0x71: {  	s30 =	sadd.s32 $0x80, s8;
	s31 =	sld [smem:$0x7F9]  }
0x72: {  	[tilespmem:s29], [sflag:$0x1] =	stream.linear.gather [hbm4b:s30+s2], $0x80, $0x38;
	[tilespmem:$0x1800] =	vst v63  }
0x73: {  	s19 =	sadd.s32 $0x100, s8;
	s20 =	sld [smem:$0x7FA]  }
0x74: {  	[tilespmem:s31], [sflag:$0x1] =	stream.linear.gather [hbm4b:s19+s2], $0x80, $0x38;
	[tilespmem:$0x1800] =	vst v63  }
0x75: {  	s21 =	sadd.s32 $0x180, s8  }
0x76: {  	[tilespmem:s20], [sflag:$0x1] =	stream.linear.gather [hbm4b:s21+s2], $0x80, $0x38;
	[tilespmem:$0x1800] =	vst v63  }
0x77: {  	_ =	swait.ge [sflag:s11], $0x200  }
0x78: {  	s22 =	sld [smem:$0x7FB]  }
0x79: {  	[sflag:s11] =	ssyncset.done $0x0  }
0x7a: {  	s23 =	sld [smem:$0x7FC];
	[sflag:s11] =	ssyncadd.s32 $0xFFFFFE00  }
0x7b: {  	[tilespmem:s22], [sflag:$0x1] =	stream.linear.gather [hbm4b:s9+s2], $0x80, $0x38;
	[tilespmem:$0x1800] =	vst v63  }
0x7c: {  	s24 =	sadd.s32 $0x80, s9;
	s25 =	sld [smem:$0x7FD]  }
0x7d: {  	[tilespmem:s23], [sflag:$0x1] =	stream.linear.gather [hbm4b:s24+s2], $0x80, $0x38;
	[tilespmem:$0x1800] =	vst v63  }
0x7e: {  	s26 =	sadd.s32 $0x100, s9  }
0x7f: {  	[tilespmem:s25], [sflag:$0x1] =	stream.linear.gather [hbm4b:s26+s2], $0x80, $0x38;
	[tilespmem:$0x1800] =	vst v63  }
0x80: {  	s28 =	sadd.s32 $0x180, s9  }
0x81: {  	[tilespmem:s12], [sflag:$0x1] =	stream.linear.gather [hbm4b:s28+s2], $0x80, $0x38;
	[tilespmem:$0x1800] =	vst v63  }
0x82: {  	_ =	swait.ge [sflag:s11], $0x200  }
0x83: {  	[sflag:s11] =	ssyncset.done $0x0  }
0x84: {  	s29 =	rddreg [dreg:$0x4];
	[sflag:s11] =	ssyncadd.s32 $0xFFFFFE00  }
0x85: {  	[tilespmem:s13], [sflag:$0x1] =	stream.linear.gather [hbm4b:s29+s2], $0x400, $0x38;
	[tilespmem:$0x1800] =	vst v63  }
0x86: {  	_ =	swait.ge [sflag:s11], $0x400  }
0x87: {  	[sflag:s11] =	ssyncset.done $0x0  }
0x88: {  	s30 =	rddreg [dreg:$0x5];
	[sflag:s11] =	ssyncadd.s32 $0xFFFFFC00  }
0x89: {  	[tilespmem:s14], [sflag:$0x1] =	stream.linear.gather [hbm4b:s30+s2], $0x200, $0x38;
	[tilespmem:$0x1800] =	vst v63  }
0x8a: {  	_ =	swait.ge [sflag:s11], $0x200  }
0x8b: {  	[sflag:s11] =	ssyncset.done $0x0  }
0x8c: {  	[sflag:s11] =	ssyncadd.s32 $0xFFFFFE00  }
0x8d: {  	v7 =	vld [tilespmem:$0x1000]  }
0x8e: {  	v6 =	vld [tilespmem:$0x1080]  }
0x8f: {  	v5 =	vld [tilespmem:$0x1100]  }
0x90: {  	v0 =	vld [tilespmem:$0x0]  }
0x91: {  	v1 =	vld [tilespmem:$0x1400]  }
0x92: {  	v2 =	vld [tilespmem:$0x80]  }
0x93: {  	v8 =	vld [tilespmem:$0x100]  }
0x94: {  	v32 =	vld [tilespmem:$0x180]  }
0x95: {  	v33 =	vld [tilespmem:$0x200]  }
0x96: {  	v34 =	vld [tilespmem:$0x280]  }
0x97: {  	v13 =	vld [tilespmem:$0x10]  }
0x98: {  	v14 =	vld [tilespmem:$0x90]  }
0x99: {  	v38 =	vld [tilespmem:$0x300]  }
0x9a: {  	v16 =	vld [tilespmem:$0x110]  }
0x9b: {  	v40 =	vld [tilespmem:$0x190]  }
0x9c: {  	v41 =	vld [tilespmem:$0x380]  }
0x9d: {  	v43 =	vld [tilespmem:$0x210]  }
0x9e: {  	v45 =	vld [tilespmem:$0x290]  }
0x9f: {  	v48 =	vld [tilespmem:$0x20]  }
0xa0: {  	v52 =	vld [tilespmem:$0xA0]  }
0xa1: {  	v53 =	vld [tilespmem:$0x310]  }
0xa2: {  	v56 =	vld [tilespmem:$0x120]  }
0xa3: {  	v59 =	vld [tilespmem:$0x1A0]  }
0xa4: {  	v60 =	vld [tilespmem:$0x390]  }
0xa5: {  	v63 =	vld [tilespmem:$0x220];
	v9 =	vand.u32 $0x7FFFFFFF, v0;
	v10 =	vmul.f32 $8.000000110e-01, v1;
	v11 =	vand.u32 $0x7FFFFFFF, v2  }
0xa6: {  	v22 =	vld [tilespmem:$0x2A0];
	v12 =	vand.u32 $0x7FFFFFFF, v8;
	v35 =	vand.u32 $0x7FFFFFFF, v32;
	v37 =	vand.u32 $0x7FFFFFFF, v33  }
0xa7: {  	v29 =	vld [tilespmem:$0x320];
	v15 =	vand.u32 $0x7FFFFFFF, v34;
	v39 =	vand.u32 $0x7FFFFFFF, v13;
	v42 =	vand.u32 $0x7FFFFFFF, v14  }
0xa8: {  	v4 =	vld [tilespmem:$0x1180];
	v17 =	vand.u32 $0x7FFFFFFF, v38;
	v44 =	vand.u32 $0x7FFFFFFF, v16;
	v47 =	vand.u32 $0x7FFFFFFF, v40  }
0xa9: {  	v3 =	vld [tilespmem:$0x1200];
	v49 =	vand.u32 $0x7FFFFFFF, v41;
	v51 =	vand.u32 $0x7FFFFFFF, v43;
	v55 =	vand.u32 $0x7FFFFFFF, v45  }
0xaa: {  	v57 =	vand.u32 $0x7FFFFFFF, v48;
	v62 =	vand.u32 $0x7FFFFFFF, v52;
	v18 =	vand.u32 $0x7FFFFFFF, v53  }
0xab: {  	v28 =	vld [tilespmem:$0xB0];
	v21 =	vand.u32 $0x7FFFFFFF, v56;
	v23 =	vand.u32 $0x7FFFFFFF, v59;
	v25 =	vand.u32 $0x7FFFFFFF, v60  }
0xac: {  	v27 =	vand.u32 $0x7FFFFFFF, v63;
	v31 =	vand.u32 $0x7FFFFFFF, v22;
	v19 =	vand.u32 $0x7FFFFFFF, v29  }
0xad: {  	vm0 =	vge.f32 v9, v7;
	vm13 =	vge.f32 v11, v6;
	vm14 =	vge.f32 v12, v5  }
0xae: {  	v36 =	vld [tilespmem:$0x1410];
	vm15 =	vge.f32 v35, v4;
	vm4 =	vge.f32 v37, v3;
	vm6 =	vge.f32 v39, v7  }
0xaf: {  	v24 =	vld [tilespmem:$0x30];
	vm7 =	vge.f32 v42, v6;
	vm9 =	vge.f32 v44, v5;
	vm10 =	vge.f32 v47, v4  }
0xb0: {  	v1 =	vld [tilespmem:$0x1280];
	vm12 =	vge.f32 v51, v3;
	v37 =	vand.u32 $0x7FFFFFFF, v28;
	v0 =	vnsel vm0, $0x0, v0  }
0xb1: {  	v35 =	vld [tilespmem:$0x3A0];
	v2 =	vnsel vm13, $0x0, v2;
	v8 =	vnsel vm14, $0x0, v8;
	v9 =	vnsel vm15, $0x0, v32  }
0xb2: {  	v11 =	vnsel vm4, $0x0, v33;
	v13 =	vnsel vm6, $0x0, v13;
	v14 =	vnsel vm7, $0x0, v14;
	v32 =	vld [tilespmem:$0x130]  }
0xb3: {  	v46 =	vnsel vm9, $0x0, v16;
	v54 =	vnsel vm12, $0x0, v43;
	vm14 =	vge.f32 v57, v7;
	v43 =	vld [tilespmem:$0x40]  }
0xb4: {  	vm15 =	vge.f32 v62, v6;
	vm6 =	vge.f32 v23, v4;
	v62 =	vld [tilespmem:$0x50];
	v10 =	vadd.f32 v0, v10  }
0xb5: {  	v33 =	vand.u32 $0x7FFFFFFF, v24;
	v0 =	vld [tilespmem:$0x1300];
	v61 =	vnsel vm14, $0x0, v48;
	v16 =	vnsel vm15, $0x0, v52  }
0xb6: {  	v48 =	vld [tilespmem:$0x330];
	v2 =	vadd.f32 v2, v10;
	vm5 =	vge.f32 v15, v1;
	vm13 =	vge.f32 v55, v1  }
0xb7: {  	vm9 =	vge.f32 v31, v1;
	v10 =	vnsel vm5, $0x0, v34;
	v58 =	vnsel vm13, $0x0, v45  }
0xb8: {  	vm5 =	vge.f32 v21, v5;
	v44 =	vand.u32 $0x7FFFFFFF, v35;
	v2 =	vadd.f32 v8, v2  }
0xb9: {  	v47 =	vld [tilespmem:$0xC0];
	v8 =	vmul.f32 $8.000000110e-01, v36;
	v39 =	vand.u32 $0x7FFFFFFF, v32;
	v52 =	vand.u32 $0x7FFFFFFF, v43  }
0xba: {  	v31 =	vand.u32 $0x7FFFFFFF, v62;
	vm8 =	vge.f32 v17, v0;
	vm4 =	vge.f32 v18, v0  }
0xbb: {  	v34 =	vld [tilespmem:$0x1B0];
	vm12 =	vge.f32 v19, v0;
	vm13 =	vge.f32 v39, v5;
	v20 =	vand.u32 $0x7FFFFFFF, v48  }
0xbc: {  	v57 =	vld [tilespmem:$0x240];
	v9 =	vadd.f32 v9, v2;
	v8 =	vadd.f32 v13, v8;
	v12 =	vnsel vm8, $0x0, v38  }
0xbd: {  	v2 =	vld [tilespmem:$0x1380];
	v15 =	vnsel vm4, $0x0, v53;
	v13 =	vnsel vm5, $0x0, v56;
	vm8 =	vge.f32 v27, v3  }
0xbe: {  	v38 =	vld [tilespmem:$0x230];
	v56 =	vand.u32 $0x7FFFFFFF, v47;
	v30 =	vnsel vm8, $0x0, v63;
	vm8 =	vge.f32 v20, v0  }
0xbf: {  	v27 =	vld [tilespmem:$0x340];
	v9 =	vadd.f32 v11, v9;
	v8 =	vadd.f32 v14, v8;
	v11 =	vnsel vm10, $0x0, v40  }
0xc0: {  	v50 =	vld [tilespmem:$0x1420];
	v14 =	vnsel vm9, $0x0, v22;
	vm10 =	vge.f32 v33, v7;
	v42 =	vand.u32 $0x7FFFFFFF, v34  }
0xc1: {  	v36 =	vnsel vm10, $0x0, v24;
	vm14 =	vge.f32 v42, v4;
	v9 =	vadd.f32 v10, v9  }
0xc2: {  	v40 =	vld [tilespmem:$0x2B0];
	v8 =	vadd.f32 v46, v8;
	vm11 =	vge.f32 v49, v2;
	vm7 =	vge.f32 v25, v2  }
0xc3: {  	v33 =	vld [tilespmem:$0x3C0];
	vm15 =	vge.f32 v44, v2;
	v46 =	vand.u32 $0x7FFFFFFF, v38;
	v25 =	vand.u32 $0x7FFFFFFF, v57  }
0xc4: {  	v21 =	vand.u32 $0x7FFFFFFF, v27;
	v9 =	vadd.f32 v12, v9;
	v10 =	vnsel vm11, $0x0, v41  }
0xc5: {  	v11 =	vadd.f32 v11, v8;
	v12 =	vmul.f32 $8.000000110e-01, v50;
	vm11 =	vge.f32 v37, v6  }
0xc6: {  	v53 =	vld [tilespmem:$0x1C0];
	v41 =	vnsel vm13, $0x0, v32;
	vm4 =	vge.f32 v46, v3;
	v17 =	vnsel vm11, $0x0, v28  }
0xc7: {  	v51 =	vld [tilespmem:$0x140];
	v49 =	vnsel vm4, $0x0, v38;
	v50 =	vand.u32 $0x7FFFFFFF, v40;
	vm4 =	vge.f32 v21, v0  }
0xc8: {  	v26 =	vld [tilespmem:$0x1430];
	v42 =	vand.u32 $0x7FFFFFFF, v33;
	v8 =	vadd.f32 v10, v9;
	v9 =	vadd.f32 v54, v11  }
0xc9: {  	v46 =	vld [tilespmem:$0x350];
	v12 =	vadd.f32 v61, v12;
	v10 =	vnsel vm6, $0x0, v59;
	v11 =	vnsel vm7, $0x0, v60  }
0xca: {  	v32 =	vld [tilespmem:$0x1D0];
	vm5 =	vge.f32 v50, v1;
	vm6 =	vge.f32 v52, v7;
	vm7 =	vge.f32 v56, v6  }
0xcb: {  	v54 =	vld [tilespmem:$0x3B0];
	v61 =	vand.u32 $0x7FFFFFFF, v53;
	v55 =	vnsel vm6, $0x0, v43;
	v18 =	vnsel vm7, $0x0, v47  }
0xcc: {  	v52 =	vld [tilespmem:$0x3D0];
	v9 =	vadd.f32 v58, v9;
	v12 =	vadd.f32 v16, v12;
	v58 =	vand.u32 $0x7FFFFFFF, v51  }
0xcd: {  	vm10 =	vge.f32 v61, v4;
	vm7 =	vge.f32 v42, v2;
	vm9 =	vge.f32 v58, v5  }
0xce: {  	v59 =	vld [tilespmem:$0x2C0];
	v22 =	vand.u32 $0x7FFFFFFF, v46;
	v9 =	vadd.f32 v15, v9;
	v12 =	vadd.f32 v13, v12  }
0xcf: {  	v13 =	vmul.f32 $8.000000110e-01, v26;
	v15 =	vnsel vm5, $0x0, v40;
	v40 =	vand.u32 $0x7FFFFFFF, v32  }
0xd0: {  	v45 =	vld [tilespmem:$0x1440];
	v60 =	vnsel vm9, $0x0, v51;
	v63 =	vand.u32 $0x7FFFFFFF, v54;
	vm6 =	vge.f32 v40, v4  }
0xd1: {  	v51 =	vld [tilespmem:$0x1E0];
	v61 =	vand.u32 $0x7FFFFFFF, v52;
	v10 =	vadd.f32 v10, v12;
	v9 =	vadd.f32 v11, v9  }
0xd2: {  	v26 =	vld [tilespmem:$0xD0];
	v13 =	vadd.f32 v36, v13;
	v12 =	vnsel vm12, $0x0, v29;
	v11 =	vnsel vm14, $0x0, v34  }
0xd3: {  	vm11 =	vge.f32 v63, v2;
	vm12 =	vge.f32 v25, v3;
	v29 =	vand.u32 $0x7FFFFFFF, v59;
	v36 =	vld [tilespmem:$0x250]  }
0xd4: {  	vm14 =	vge.f32 v31, v7;
	v25 =	vld [tilespmem:$0x360];
	v28 =	vnsel vm12, $0x0, v57;
	vm13 =	vge.f32 v29, v1  }
0xd5: {  	v31 =	vld [tilespmem:$0x3E0];
	v34 =	vnsel vm14, $0x0, v62;
	vm12 =	vge.f32 v22, v0;
	v10 =	vadd.f32 v30, v10  }
0xd6: {  	v13 =	vadd.f32 v17, v13;
	v30 =	vld [tilespmem:$0x150];
	v16 =	vnsel vm13, $0x0, v59;
	v59 =	vand.u32 $0x7FFFFFFF, v51  }
0xd7: {  	v10 =	vadd.f32 v14, v10;
	v14 =	vnsel vm15, $0x0, v35;
	v35 =	vand.u32 $0x7FFFFFFF, v26  }
0xd8: {  	vm14 =	vge.f32 v59, v4;
	vm15 =	vge.f32 v35, v6;
	v44 =	vand.u32 $0x7FFFFFFF, v36  }
0xd9: {  	v38 =	vld [tilespmem:$0x2D0];
	v23 =	vand.u32 $0x7FFFFFFF, v25;
	v10 =	vadd.f32 v12, v10;
	v12 =	vadd.f32 v41, v13  }
0xda: {  	v40 =	vand.u32 $0x7FFFFFFF, v31;
	v13 =	vmul.f32 $8.000000110e-01, v45;
	v19 =	vnsel vm15, $0x0, v26  }
0xdb: {  	v41 =	vld [tilespmem:$0x60];
	vm15 =	vge.f32 v61, v2;
	v37 =	vand.u32 $0x7FFFFFFF, v30;
	v11 =	vadd.f32 v11, v12  }
0xdc: {  	v45 =	vld [tilespmem:$0xE0];
	v10 =	vadd.f32 v14, v10;
	v13 =	vadd.f32 v55, v13;
	v12 =	vnsel vm8, $0x0, v48  }
0xdd: {  	v24 =	vld [tilespmem:$0x1450];
	v14 =	vnsel vm10, $0x0, v53;
	vm5 =	vge.f32 v37, v5;
	vm8 =	vge.f32 v44, v3  }
0xde: {  	v48 =	vand.u32 $0x7FFFFFFF, v38;
	v55 =	vld [tilespmem:$0x260];
	v39 =	vnsel vm5, $0x0, v30;
	v11 =	vadd.f32 v49, v11  }
0xdf: {  	v47 =	vnsel vm8, $0x0, v36;
	vm9 =	vge.f32 v48, v1;
	v30 =	vld [tilespmem:$0x1F0];
	vm8 =	vge.f32 v23, v0  }
0xe0: {  	v13 =	vadd.f32 v18, v13;
	v49 =	vld [tilespmem:$0x160];
	v50 =	vand.u32 $0x7FFFFFFF, v41;
	v11 =	vadd.f32 v15, v11  }
0xe1: {  	v15 =	vnsel vm11, $0x0, v54;
	vm10 =	vge.f32 v50, v7;
	v54 =	vand.u32 $0x7FFFFFFF, v45  }
0xe2: {  	v43 =	vld [tilespmem:$0x1460];
	v17 =	vnsel vm9, $0x0, v38;
	v53 =	vnsel vm10, $0x0, v41;
	vm11 =	vge.f32 v54, v6  }
0xe3: {  	v57 =	vld [tilespmem:$0x2E0];
	v63 =	vand.u32 $0x7FFFFFFF, v55;
	v11 =	vadd.f32 v12, v11;
	v12 =	vadd.f32 v60, v13  }
0xe4: {  	v44 =	vld [tilespmem:$0x370];
	v13 =	vmul.f32 $8.000000110e-01, v24;
	v20 =	vnsel vm11, $0x0, v45;
	v38 =	vand.u32 $0x7FFFFFFF, v30  }
0xe5: {  	v50 =	vld [tilespmem:$0x3F0];
	vm11 =	vge.f32 v40, v2;
	v56 =	vand.u32 $0x7FFFFFFF, v49;
	v12 =	vadd.f32 v14, v12  }
0xe6: {  	v60 =	vld [tilespmem:$0x70];
	vm10 =	vge.f32 v38, v4;
	v11 =	vadd.f32 v15, v11;
	v13 =	vadd.f32 v34, v13  }
0xe7: {  	v24 =	vld [tilespmem:$0xF0];
	v14 =	vnsel vm4, $0x0, v27;
	v15 =	vnsel vm6, $0x0, v32;
	vm13 =	vge.f32 v56, v5  }
0xe8: {  	vm4 =	vge.f32 v63, v3;
	v27 =	vand.u32 $0x7FFFFFFF, v57;
	v34 =	vld [tilespmem:$0x270];
	v58 =	vnsel vm13, $0x0, v49  }
0xe9: {  	v36 =	vld [tilespmem:$0x2F0];
	vm5 =	vge.f32 v27, v1;
	v12 =	vadd.f32 v28, v12;
	v13 =	vadd.f32 v19, v13  }
0xea: {  	v26 =	vnsel vm4, $0x0, v55;
	v49 =	vld [tilespmem:$0x580];
	v59 =	vand.u32 $0x7FFFFFFF, v50;
	v18 =	vnsel vm5, $0x0, v57  }
0xeb: {  	v55 =	vld [tilespmem:$0x680];
	v29 =	vand.u32 $0x7FFFFFFF, v60;
	v12 =	vadd.f32 v16, v12;
	v13 =	vadd.f32 v39, v13  }
0xec: {  	v28 =	vld [tilespmem:$0x170];
	v16 =	vnsel vm7, $0x0, v33;
	vm6 =	vge.f32 v29, v7;
	v33 =	vand.u32 $0x7FFFFFFF, v24  }
0xed: {  	v32 =	vnsel vm6, $0x0, v60;
	vm7 =	vge.f32 v33, v6;
	v42 =	vand.u32 $0x7FFFFFFF, v34  }
0xee: {  	v12 =	vadd.f32 v14, v12;
	v13 =	vadd.f32 v15, v13;
	v14 =	vmul.f32 $8.000000110e-01, v43  }
0xef: {  	v15 =	vnsel vm12, $0x0, v46;
	v21 =	vnsel vm7, $0x0, v24;
	vm12 =	vge.f32 v42, v3  }
0xf0: {  	v39 =	vld [tilespmem:$0x400];
	v46 =	vand.u32 $0x7FFFFFFF, v36;
	v24 =	vand.u32 $0x7FFFFFFF, v44;
	v57 =	vand.u32 $0x7FFFFFFF, v49  }
0xf1: {  	v62 =	vld [tilespmem:$0x1470];
	vm7 =	vge.f32 v59, v2;
	v27 =	vand.u32 $0x7FFFFFFF, v55;
	v35 =	vand.u32 $0x7FFFFFFF, v28  }
0xf2: {  	v43 =	vld [tilespmem:$0x480];
	v45 =	vnsel vm12, $0x0, v34;
	vm13 =	vge.f32 v46, v1;
	vm4 =	vge.f32 v24, v0  }
0xf3: {  	vm6 =	vge.f32 v57, v4;
	v34 =	vld [tilespmem:$0x610];
	v12 =	vadd.f32 v16, v12;
	v13 =	vadd.f32 v47, v13  }
0xf4: {  	v14 =	vadd.f32 v53, v14;
	v16 =	vnsel vm14, $0x0, v51;
	vm9 =	vge.f32 v35, v5;
	v47 =	vld [tilespmem:$0x500]  }
0xf5: {  	v19 =	vnsel vm13, $0x0, v36;
	v53 =	vld [tilespmem:$0x600];
	v37 =	vnsel vm9, $0x0, v28;
	v48 =	vand.u32 $0x7FFFFFFF, v39  }
0xf6: {  	v36 =	vld [tilespmem:$0x690];
	vm9 =	vge.f32 v27, v1;
	v13 =	vadd.f32 v17, v13;
	v14 =	vadd.f32 v20, v14  }
0xf7: {  	v17 =	vnsel vm15, $0x0, v52;
	vm14 =	vge.f32 v48, v7;
	v20 =	vnsel vm9, $0x0, v55  }
0xf8: {  	v63 =	vld [tilespmem:$0x700];
	v51 =	vnsel vm14, $0x0, v39;
	v52 =	vand.u32 $0x7FFFFFFF, v43;
	v13 =	vadd.f32 v15, v13  }
0xf9: {  	v28 =	vld [tilespmem:$0x510];
	v14 =	vadd.f32 v58, v14;
	v15 =	vmul.f32 $8.000000110e-01, v62;
	vm15 =	vge.f32 v52, v6  }
0xfa: {  	v42 =	vand.u32 $0x7FFFFFFF, v34;
	v22 =	vnsel vm15, $0x0, v43;
	v54 =	vand.u32 $0x7FFFFFFF, v47  }
0xfb: {  	v39 =	vld [tilespmem:$0x420];
	v61 =	vand.u32 $0x7FFFFFFF, v53;
	v46 =	vand.u32 $0x7FFFFFFF, v36;
	v14 =	vadd.f32 v16, v14  }
0xfc: {  	v58 =	vld [tilespmem:$0x410];
	v13 =	vadd.f32 v17, v13;
	v15 =	vadd.f32 v32, v15;
	v16 =	vnsel vm8, $0x0, v25  }
0xfd: {  	v62 =	vld [tilespmem:$0x490];
	v17 =	vnsel vm10, $0x0, v30;
	vm5 =	vge.f32 v54, v5;
	vm8 =	vge.f32 v61, v3  }
0xfe: {  	v25 =	vand.u32 $0x7FFFFFFF, v63;
	v35 =	vand.u32 $0x7FFFFFFF, v28;
	v56 =	vnsel vm5, $0x0, v47  }
0xff: {  	v43 =	vld [tilespmem:$0x4A0];
	vm12 =	vge.f32 v25, v0;
	vm13 =	vge.f32 v35, v5;
	vm5 =	vge.f32 v46, v1  }
0x100: {  	v30 =	vld [tilespmem:$0x590];
	v14 =	vadd.f32 v26, v14;
	v15 =	vadd.f32 v21, v15;
	v26 =	vnsel vm8, $0x0, v53  }
0x101: {  	v41 =	vld [tilespmem:$0x1480];
	v48 =	vand.u32 $0x7FFFFFFF, v39;
	v21 =	vnsel vm5, $0x0, v36;
	v29 =	vand.u32 $0x7FFFFFFF, v58  }
0x102: {  	v47 =	vld [tilespmem:$0x520];
	v33 =	vand.u32 $0x7FFFFFFF, v62;
	v14 =	vadd.f32 v18, v14;
	v15 =	vadd.f32 v37, v15  }
0x103: {  	v53 =	vld [tilespmem:$0x620];
	v18 =	vnsel vm11, $0x0, v31;
	vm10 =	vge.f32 v29, v7;
	vm11 =	vge.f32 v33, v6  }
0x104: {  	v37 =	vnsel vm13, $0x0, v28;
	v52 =	vand.u32 $0x7FFFFFFF, v43;
	v32 =	vnsel vm10, $0x0, v58  }
0x105: {  	v31 =	vld [tilespmem:$0x780];
	v23 =	vnsel vm11, $0x0, v62;
	v38 =	vand.u32 $0x7FFFFFFF, v30;
	v14 =	vadd.f32 v16, v14  }
0x106: {  	v60 =	vld [tilespmem:$0x1490];
	v15 =	vadd.f32 v17, v15;
	v16 =	vmul.f32 $8.000000110e-01, v41;
	v17 =	vnsel vm4, $0x0, v44  }
0x107: {  	v58 =	vld [tilespmem:$0x430];
	vm14 =	vge.f32 v38, v4;
	vm4 =	vge.f32 v42, v3;
	v54 =	vand.u32 $0x7FFFFFFF, v47  }
0x108: {  	v38 =	vld [tilespmem:$0x630];
	vm9 =	vge.f32 v54, v5;
	v61 =	vand.u32 $0x7FFFFFFF, v53;
	v14 =	vadd.f32 v18, v14  }
0x109: {  	v15 =	vadd.f32 v45, v15;
	v16 =	vadd.f32 v51, v16;
	v18 =	vnsel vm6, $0x0, v49;
	v49 =	vld [tilespmem:$0x5A0]  }
0x10a: {  	v45 =	vnsel vm4, $0x0, v34;
	vm6 =	vge.f32 v48, v7;
	v34 =	vld [tilespmem:$0x5B0];
	v40 =	vand.u32 $0x7FFFFFFF, v31  }
0x10b: {  	v48 =	vld [tilespmem:$0x730];
	v51 =	vnsel vm6, $0x0, v39;
	v15 =	vadd.f32 v19, v15;
	v16 =	vadd.f32 v22, v16  }
0x10c: {  	v19 =	vnsel vm7, $0x0, v50;
	vm15 =	vge.f32 v40, v2;
	vm7 =	vge.f32 v52, v6  }
0x10d: {  	v55 =	vld [tilespmem:$0x6A0];
	v33 =	vand.u32 $0x7FFFFFFF, v58;
	v24 =	vnsel vm7, $0x0, v43;
	v46 =	vand.u32 $0x7FFFFFFF, v38  }
0x10e: {  	v50 =	vld [tilespmem:$0x790];
	v15 =	vadd.f32 v17, v15;
	v16 =	vadd.f32 v56, v16;
	v17 =	vmul.f32 $8.000000110e-01, v60  }
0x10f: {  	v62 =	vld [tilespmem:$0x4B0];
	v56 =	vnsel vm9, $0x0, v47;
	v57 =	vand.u32 $0x7FFFFFFF, v49;
	v42 =	vand.u32 $0x7FFFFFFF, v34  }
0x110: {  	v44 =	vld [tilespmem:$0x710];
	v28 =	vand.u32 $0x7FFFFFFF, v48;
	v16 =	vadd.f32 v18, v16;
	v15 =	vadd.f32 v19, v15  }
0x111: {  	v43 =	vld [tilespmem:$0x440];
	v17 =	vadd.f32 v32, v17;
	v18 =	vnsel vm12, $0x0, v63;
	v19 =	vnsel vm14, $0x0, v30  }
0x112: {  	vm10 =	vge.f32 v57, v4;
	vm12 =	vge.f32 v61, v3;
	v63 =	vld [tilespmem:$0x720];
	vm14 =	vge.f32 v33, v7  }
0x113: {  	v32 =	vld [tilespmem:$0x530];
	vm6 =	vge.f32 v42, v4;
	v59 =	vand.u32 $0x7FFFFFFF, v50;
	v30 =	vnsel vm12, $0x0, v53  }
0x114: {  	v57 =	vld [tilespmem:$0x640];
	v36 =	vnsel vm14, $0x0, v58;
	vm12 =	vge.f32 v28, v0;
	v16 =	vadd.f32 v26, v16  }
0x115: {  	v41 =	vld [tilespmem:$0x14A0];
	v17 =	vadd.f32 v23, v17;
	v26 =	vand.u32 $0x7FFFFFFF, v44;
	vm11 =	vge.f32 v59, v2  }
0x116: {  	v52 =	vand.u32 $0x7FFFFFFF, v43;
	vm8 =	vge.f32 v26, v0;
	v16 =	vadd.f32 v20, v16  }
0x117: {  	v35 =	vld [tilespmem:$0x7A0];
	v17 =	vadd.f32 v37, v17;
	v20 =	vnsel vm15, $0x0, v31;
	v31 =	vand.u32 $0x7FFFFFFF, v55  }
0x118: {  	v53 =	vld [tilespmem:$0x5C0];
	v37 =	vand.u32 $0x7FFFFFFF, v62;
	vm13 =	vge.f32 v31, v1;
	v27 =	vand.u32 $0x7FFFFFFF, v63  }
0x119: {  	vm15 =	vge.f32 v37, v6;
	v39 =	vand.u32 $0x7FFFFFFF, v32;
	v33 =	vand.u32 $0x7FFFFFFF, v57  }
0x11a: {  	v59 =	vld [tilespmem:$0x6C0];
	v16 =	vadd.f32 v18, v16;
	v17 =	vadd.f32 v19, v17;
	v18 =	vmul.f32 $8.000000110e-01, v41  }
0x11b: {  	v19 =	vnsel vm8, $0x0, v44;
	v22 =	vnsel vm13, $0x0, v55;
	v25 =	vnsel vm15, $0x0, v62  }
0x11c: {  	v40 =	vld [tilespmem:$0x6B0];
	vm4 =	vge.f32 v27, v0;
	vm5 =	vge.f32 v39, v5;
	v44 =	vand.u32 $0x7FFFFFFF, v35  }
0x11d: {  	v60 =	vld [tilespmem:$0x14B0];
	vm8 =	vge.f32 v46, v3;
	v61 =	vand.u32 $0x7FFFFFFF, v53;
	v41 =	vnsel vm5, $0x0, v32  }
0x11e: {  	v62 =	vld [tilespmem:$0x450];
	vm7 =	vge.f32 v44, v2;
	vm14 =	vge.f32 v61, v4;
	v16 =	vadd.f32 v20, v16  }
0x11f: {  	v47 =	vld [tilespmem:$0x4C0];
	v37 =	vand.u32 $0x7FFFFFFF, v59;
	v17 =	vadd.f32 v45, v17;
	v18 =	vadd.f32 v51, v18  }
0x120: {  	v44 =	vld [tilespmem:$0x650];
	v20 =	vnsel vm10, $0x0, v49;
	v49 =	vnsel vm8, $0x0, v38;
	vm10 =	vge.f32 v52, v7  }
0x121: {  	v51 =	vld [tilespmem:$0x540];
	vm5 =	vge.f32 v37, v1;
	v55 =	vnsel vm10, $0x0, v43;
	v17 =	vadd.f32 v21, v17  }
0x122: {  	v46 =	vld [tilespmem:$0x6D0];
	v18 =	vadd.f32 v24, v18;
	v21 =	vnsel vm11, $0x0, v50;
	v50 =	vand.u32 $0x7FFFFFFF, v40  }
0x123: {  	v24 =	vnsel vm5, $0x0, v59;
	vm9 =	vge.f32 v50, v1;
	v39 =	vand.u32 $0x7FFFFFFF, v62  }
0x124: {  	v54 =	vld [tilespmem:$0x7B0];
	v17 =	vadd.f32 v19, v17;
	v18 =	vadd.f32 v56, v18;
	v19 =	vmul.f32 $8.000000110e-01, v60  }
0x125: {  	v23 =	vnsel vm9, $0x0, v40;
	v56 =	vand.u32 $0x7FFFFFFF, v47;
	v52 =	vand.u32 $0x7FFFFFFF, v44  }
0x126: {  	vm11 =	vge.f32 v56, v6;
	v58 =	vand.u32 $0x7FFFFFFF, v51;
	v18 =	vadd.f32 v20, v18  }
0x127: {  	v45 =	vld [tilespmem:$0x14C0];
	v56 =	vand.u32 $0x7FFFFFFF, v46;
	v17 =	vadd.f32 v21, v17;
	v19 =	vadd.f32 v36, v19  }
0x128: {  	v38 =	vld [tilespmem:$0x550];
	v20 =	vnsel vm4, $0x0, v63;
	v21 =	vnsel vm6, $0x0, v34;
	v26 =	vnsel vm11, $0x0, v47  }
0x129: {  	vm13 =	vge.f32 v58, v5;
	v63 =	vand.u32 $0x7FFFFFFF, v54;
	v34 =	vld [tilespmem:$0x4D0];
	vm4 =	vge.f32 v33, v3  }
0x12a: {  	v40 =	vld [tilespmem:$0x5D0];
	vm6 =	vge.f32 v39, v7;
	v18 =	vadd.f32 v30, v18;
	v19 =	vadd.f32 v25, v19  }
0x12b: {  	v33 =	vld [tilespmem:$0x6E0];
	v60 =	vnsel vm13, $0x0, v51;
	vm15 =	vge.f32 v63, v2;
	v36 =	vnsel vm4, $0x0, v57  }
0x12c: {  	vm13 =	vge.f32 v56, v1;
	v63 =	vld [tilespmem:$0x660];
	v18 =	vadd.f32 v22, v18;
	v19 =	vadd.f32 v41, v19  }
0x12d: {  	v42 =	vnsel vm6, $0x0, v62;
	v25 =	vnsel vm13, $0x0, v46;
	v22 =	vnsel vm7, $0x0, v35  }
0x12e: {  	v43 =	vand.u32 $0x7FFFFFFF, v34;
	v18 =	vadd.f32 v20, v18;
	v19 =	vadd.f32 v21, v19  }
0x12f: {  	v35 =	vld [tilespmem:$0x740];
	v20 =	vmul.f32 $8.000000110e-01, v45;
	v21 =	vnsel vm12, $0x0, v48;
	vm7 =	vge.f32 v43, v6  }
0x130: {  	v41 =	vld [tilespmem:$0x7C0];
	v45 =	vand.u32 $0x7FFFFFFF, v38;
	v48 =	vand.u32 $0x7FFFFFFF, v40;
	vm12 =	vge.f32 v52, v3  }
0x131: {  	v32 =	vld [tilespmem:$0x14D0];
	v39 =	vand.u32 $0x7FFFFFFF, v63;
	v43 =	vand.u32 $0x7FFFFFFF, v33;
	v27 =	vnsel vm7, $0x0, v34  }
0x132: {  	v57 =	vld [tilespmem:$0x560];
	vm9 =	vge.f32 v45, v5;
	vm10 =	vge.f32 v48, v4;
	v18 =	vadd.f32 v22, v18  }
0x133: {  	v19 =	vadd.f32 v49, v19;
	v20 =	vadd.f32 v55, v20;
	v22 =	vnsel vm14, $0x0, v53;
	v49 =	vld [tilespmem:$0x460]  }
0x134: {  	v47 =	vnsel vm9, $0x0, v38;
	v53 =	vld [tilespmem:$0x4E0];
	v55 =	vnsel vm12, $0x0, v44;
	vm9 =	vge.f32 v43, v1  }
0x135: {  	v29 =	vand.u32 $0x7FFFFFFF, v35;
	v50 =	vand.u32 $0x7FFFFFFF, v41;
	v20 =	vadd.f32 v26, v20  }
0x136: {  	v19 =	vadd.f32 v23, v19;
	v23 =	vnsel vm15, $0x0, v54;
	vm8 =	vge.f32 v29, v0  }
0x137: {  	v59 =	vld [tilespmem:$0x5E0];
	vm11 =	vge.f32 v50, v2;
	v26 =	vnsel vm9, $0x0, v33;
	v20 =	vadd.f32 v60, v20  }
0x138: {  	v52 =	vld [tilespmem:$0x6F0];
	v19 =	vadd.f32 v21, v19;
	v21 =	vmul.f32 $8.000000110e-01, v32;
	v32 =	vand.u32 $0x7FFFFFFF, v57  }
0x139: {  	v54 =	vld [tilespmem:$0x750];
	v58 =	vand.u32 $0x7FFFFFFF, v49;
	v62 =	vand.u32 $0x7FFFFFFF, v53;
	v20 =	vadd.f32 v22, v20  }
0x13a: {  	vm5 =	vge.f32 v32, v5;
	v19 =	vadd.f32 v23, v19;
	v21 =	vadd.f32 v42, v21  }
0x13b: {  	v50 =	vld [tilespmem:$0x670];
	v22 =	vnsel vm8, $0x0, v35;
	v23 =	vnsel vm10, $0x0, v40;
	vm14 =	vge.f32 v58, v7  }
0x13c: {  	v60 =	vld [tilespmem:$0x7D0];
	vm15 =	vge.f32 v62, v6;
	v34 =	vnsel vm5, $0x0, v57;
	v35 =	vand.u32 $0x7FFFFFFF, v59  }
0x13d: {  	v51 =	vld [tilespmem:$0x14E0];
	vm8 =	vge.f32 v39, v3;
	v62 =	vand.u32 $0x7FFFFFFF, v52;
	v61 =	vnsel vm14, $0x0, v49  }
0x13e: {  	v40 =	vld [tilespmem:$0x4F0];
	v30 =	vand.u32 $0x7FFFFFFF, v54;
	v28 =	vnsel vm15, $0x0, v53;
	vm6 =	vge.f32 v35, v4  }
0x13f: {  	v46 =	vld [tilespmem:$0x5F0];
	v42 =	vnsel vm8, $0x0, v63;
	v20 =	vadd.f32 v36, v20;
	v21 =	vadd.f32 v27, v21  }
0x140: {  	v44 =	vld [tilespmem:$0x570];
	v58 =	vand.u32 $0x7FFFFFFF, v50;
	vm5 =	vge.f32 v62, v1;
	vm4 =	vge.f32 v30, v0  }
0x141: {  	v36 =	vld [tilespmem:$0x470];
	v37 =	vand.u32 $0x7FFFFFFF, v60;
	v20 =	vadd.f32 v24, v20;
	v21 =	vadd.f32 v47, v21  }
0x142: {  	v38 =	vld [tilespmem:$0x14F0];
	v27 =	vnsel vm5, $0x0, v52;
	v24 =	vnsel vm11, $0x0, v41;
	vm7 =	vge.f32 v37, v2  }
0x143: {  	v63 =	vld [tilespmem:$0x900];
	v49 =	vand.u32 $0x7FFFFFFF, v40;
	v20 =	vadd.f32 v22, v20;
	v21 =	vadd.f32 v23, v21  }
0x144: {  	v41 =	vld [tilespmem:$0x760];
	v22 =	vmul.f32 $8.000000110e-01, v51;
	v23 =	vnsel vm4, $0x0, v54;
	vm11 =	vge.f32 v49, v6  }
0x145: {  	v47 =	vld [tilespmem:$0x7E0];
	v51 =	vand.u32 $0x7FFFFFFF, v44;
	v54 =	vand.u32 $0x7FFFFFFF, v46;
	vm4 =	vge.f32 v58, v3  }
0x146: {  	v49 =	vld [tilespmem:$0x890];
	v45 =	vand.u32 $0x7FFFFFFF, v36;
	v29 =	vnsel vm11, $0x0, v40;
	vm13 =	vge.f32 v51, v5  }
0x147: {  	vm14 =	vge.f32 v54, v4;
	v20 =	vadd.f32 v24, v20;
	v21 =	vadd.f32 v55, v21;
	v55 =	vld [tilespmem:$0x800]  }
0x148: {  	v22 =	vadd.f32 v61, v22;
	v24 =	vnsel vm6, $0x0, v59;
	vm10 =	vge.f32 v45, v7;
	v59 =	vld [tilespmem:$0x880]  }
0x149: {  	v53 =	vnsel vm13, $0x0, v44;
	v61 =	vnsel vm4, $0x0, v50;
	v45 =	vld [tilespmem:$0x810];
	v48 =	vnsel vm10, $0x0, v36  }
0x14a: {  	v50 =	vld [tilespmem:$0xB00];
	v31 =	vand.u32 $0x7FFFFFFF, v41;
	v56 =	vand.u32 $0x7FFFFFFF, v47;
	v22 =	vadd.f32 v28, v22  }
0x14b: {  	v37 =	vld [tilespmem:$0x7F0];
	v21 =	vadd.f32 v25, v21;
	v25 =	vnsel vm7, $0x0, v60;
	vm12 =	vge.f32 v31, v0  }
0x14c: {  	v36 =	vld [tilespmem:$0x980];
	vm15 =	vge.f32 v56, v2;
	v58 =	vand.u32 $0x7FFFFFFF, v49;
	v22 =	vadd.f32 v34, v22  }
0x14d: {  	v40 =	vld [tilespmem:$0xA00];
	v21 =	vadd.f32 v23, v21;
	v23 =	vmul.f32 $8.000000110e-01, v38;
	v35 =	vand.u32 $0x7FFFFFFF, v55  }
0x14e: {  	v60 =	vld [tilespmem:$0x770];
	v39 =	vand.u32 $0x7FFFFFFF, v59;
	v54 =	vand.u32 $0x7FFFFFFF, v45;
	v22 =	vadd.f32 v24, v22  }
0x14f: {  	v33 =	vand.u32 $0x7FFFFFFF, v50;
	v21 =	vadd.f32 v25, v21;
	v23 =	vadd.f32 v48, v23  }
0x150: {  	v24 =	vnsel vm12, $0x0, v41;
	v25 =	vnsel vm14, $0x0, v46;
	vm6 =	vge.f32 v35, v7  }
0x151: {  	vm7 =	vge.f32 v39, v6;
	v41 =	vand.u32 $0x7FFFFFFF, v63;
	v44 =	vand.u32 $0x7FFFFFFF, v36  }
0x152: {  	v57 =	vld [tilespmem:$0x1500];
	v46 =	vand.u32 $0x7FFFFFFF, v37;
	v48 =	vand.u32 $0x7FFFFFFF, v40;
	vm14 =	vge.f32 v54, v7  }
0x153: {  	vm4 =	vge.f32 v33, v0;
	v38 =	vnsel vm6, $0x0, v55;
	v32 =	vand.u32 $0x7FFFFFFF, v60;
	v55 =	vld [tilespmem:$0x990]  }
0x154: {  	v30 =	vnsel vm7, $0x0, v59;
	vm9 =	vge.f32 v41, v5;
	v59 =	vld [tilespmem:$0xA10];
	v22 =	vadd.f32 v42, v22  }
0x155: {  	vm10 =	vge.f32 v44, v4;
	vm11 =	vge.f32 v46, v2;
	v41 =	vld [tilespmem:$0xB10];
	v23 =	vadd.f32 v29, v23  }
0x156: {  	vm12 =	vge.f32 v48, v3;
	v46 =	vld [tilespmem:$0x9A0];
	vm8 =	vge.f32 v32, v0;
	v22 =	vadd.f32 v26, v22  }
0x157: {  	v42 =	vld [tilespmem:$0xA80];
	v23 =	vadd.f32 v53, v23;
	v26 =	vnsel vm15, $0x0, v47;
	vm15 =	vge.f32 v58, v6  }
0x158: {  	v43 =	vnsel vm9, $0x0, v63;
	v51 =	vnsel vm12, $0x0, v40;
	v40 =	vld [tilespmem:$0x8A0];
	v31 =	vnsel vm15, $0x0, v49  }
0x159: {  	v22 =	vadd.f32 v24, v22;
	v23 =	vadd.f32 v25, v23;
	v24 =	vmul.f32 $8.000000110e-01, v57  }
0x15a: {  	v25 =	vnsel vm8, $0x0, v60;
	v57 =	vnsel vm14, $0x0, v45;
	v63 =	vand.u32 $0x7FFFFFFF, v55  }
0x15b: {  	v53 =	vld [tilespmem:$0x910];
	v39 =	vand.u32 $0x7FFFFFFF, v59;
	v34 =	vand.u32 $0x7FFFFFFF, v41;
	v54 =	vand.u32 $0x7FFFFFFF, v46  }
0x15c: {  	v52 =	vand.u32 $0x7FFFFFFF, v42;
	vm6 =	vge.f32 v63, v4;
	vm8 =	vge.f32 v39, v3  }
0x15d: {  	v56 =	vld [tilespmem:$0xB80];
	v49 =	vand.u32 $0x7FFFFFFF, v40;
	vm12 =	vge.f32 v34, v0;
	vm14 =	vge.f32 v54, v4  }
0x15e: {  	v47 =	vld [tilespmem:$0x1510];
	v22 =	vadd.f32 v26, v22;
	v23 =	vadd.f32 v61, v23;
	vm13 =	vge.f32 v52, v1  }
0x15f: {  	v24 =	vadd.f32 v38, v24;
	v26 =	vnsel vm10, $0x0, v36;
	v61 =	vld [tilespmem:$0xA90];
	v28 =	vnsel vm13, $0x0, v42  }
0x160: {  	v36 =	vld [tilespmem:$0x820];
	v60 =	vand.u32 $0x7FFFFFFF, v53;
	v42 =	vnsel vm8, $0x0, v59;
	v23 =	vadd.f32 v27, v23  }
0x161: {  	v24 =	vadd.f32 v30, v24;
	v27 =	vnsel vm11, $0x0, v37;
	vm5 =	vge.f32 v60, v5  }
0x162: {  	v59 =	vld [tilespmem:$0x8B0];
	v37 =	vand.u32 $0x7FFFFFFF, v56;
	vm11 =	vge.f32 v49, v6;
	v62 =	vnsel vm5, $0x0, v53  }
0x163: {  	v60 =	vld [tilespmem:$0xB20];
	vm7 =	vge.f32 v37, v2;
	v23 =	vadd.f32 v25, v23;
	v24 =	vadd.f32 v43, v24  }
0x164: {  	v44 =	vld [tilespmem:$0x920];
	v32 =	vnsel vm11, $0x0, v40;
	v25 =	vmul.f32 $8.000000110e-01, v47;
	v43 =	vand.u32 $0x7FFFFFFF, v61  }
0x165: {  	v37 =	vld [tilespmem:$0x9B0];
	v45 =	vand.u32 $0x7FFFFFFF, v36;
	v24 =	vadd.f32 v26, v24;
	v23 =	vadd.f32 v27, v23  }
0x166: {  	v52 =	vld [tilespmem:$0xAA0];
	v25 =	vadd.f32 v57, v25;
	v26 =	vnsel vm4, $0x0, v50;
	v27 =	vnsel vm6, $0x0, v55  }
0x167: {  	v47 =	vld [tilespmem:$0xB90];
	vm9 =	vge.f32 v43, v1;
	vm10 =	vge.f32 v45, v7;
	v40 =	vand.u32 $0x7FFFFFFF, v59  }
0x168: {  	v50 =	vld [tilespmem:$0xA20];
	v29 =	vnsel vm9, $0x0, v61;
	v48 =	vnsel vm10, $0x0, v36;
	v35 =	vand.u32 $0x7FFFFFFF, v60  }
0x169: {  	v55 =	vld [tilespmem:$0x830];
	v24 =	vadd.f32 v51, v24;
	v25 =	vadd.f32 v31, v25;
	v51 =	vand.u32 $0x7FFFFFFF, v44  }
0x16a: {  	vm8 =	vge.f32 v35, v0;
	v45 =	vand.u32 $0x7FFFFFFF, v37;
	vm13 =	vge.f32 v51, v5  }
0x16b: {  	v38 =	vld [tilespmem:$0x1520];
	vm10 =	vge.f32 v45, v4;
	v24 =	vadd.f32 v28, v24;
	v25 =	vadd.f32 v62, v25  }
0x16c: {  	v28 =	vnsel vm7, $0x0, v56;
	v53 =	vnsel vm13, $0x0, v44;
	v56 =	vand.u32 $0x7FFFFFFF, v47  }
0x16d: {  	v63 =	vld [tilespmem:$0x930];
	v62 =	vand.u32 $0x7FFFFFFF, v52;
	vm7 =	vge.f32 v40, v6;
	vm15 =	vge.f32 v56, v2  }
0x16e: {  	v51 =	vld [tilespmem:$0xB30];
	v58 =	vand.u32 $0x7FFFFFFF, v50;
	vm5 =	vge.f32 v62, v1;
	v36 =	vand.u32 $0x7FFFFFFF, v55  }
0x16f: {  	v57 =	vld [tilespmem:$0x1530];
	v33 =	vnsel vm7, $0x0, v59;
	v24 =	vadd.f32 v26, v24;
	v25 =	vadd.f32 v27, v25  }
0x170: {  	v56 =	vld [tilespmem:$0x9C0];
	v26 =	vmul.f32 $8.000000110e-01, v38;
	v27 =	vnsel vm12, $0x0, v41;
	vm4 =	vge.f32 v58, v3  }
0x171: {  	v30 =	vnsel vm5, $0x0, v52;
	vm6 =	vge.f32 v36, v7;
	v38 =	vld [tilespmem:$0xBA0];
	v61 =	vnsel vm4, $0x0, v50  }
0x172: {  	v41 =	vld [tilespmem:$0xA30];
	v39 =	vnsel vm6, $0x0, v55;
	v24 =	vadd.f32 v28, v24;
	v25 =	vadd.f32 v42, v25  }
0x173: {  	v43 =	vld [tilespmem:$0xAB0];
	v26 =	vadd.f32 v48, v26;
	v42 =	vand.u32 $0x7FFFFFFF, v63;
	v36 =	vand.u32 $0x7FFFFFFF, v51  }
0x174: {  	v50 =	vld [tilespmem:$0x8C0];
	v28 =	vnsel vm14, $0x0, v46;
	vm9 =	vge.f32 v42, v5;
	vm4 =	vge.f32 v36, v0  }
0x175: {  	v46 =	vld [tilespmem:$0x840];
	v25 =	vadd.f32 v29, v25;
	v26 =	vadd.f32 v32, v26;
	v29 =	vnsel vm15, $0x0, v47  }
0x176: {  	v44 =	vnsel vm9, $0x0, v63;
	v40 =	vand.u32 $0x7FFFFFFF, v56;
	v47 =	vand.u32 $0x7FFFFFFF, v38  }
0x177: {  	v49 =	vand.u32 $0x7FFFFFFF, v41;
	vm6 =	vge.f32 v40, v4;
	v25 =	vadd.f32 v27, v25  }
0x178: {  	v26 =	vadd.f32 v53, v26;
	v27 =	vmul.f32 $8.000000110e-01, v57;
	vm11 =	vge.f32 v47, v2  }
0x179: {  	v54 =	vld [tilespmem:$0x940];
	vm12 =	vge.f32 v49, v3;
	v53 =	vand.u32 $0x7FFFFFFF, v43;
	v59 =	vand.u32 $0x7FFFFFFF, v50  }
0x17a: {  	v57 =	vld [tilespmem:$0xBB0];
	v52 =	vnsel vm12, $0x0, v41;
	vm13 =	vge.f32 v53, v1;
	v55 =	vand.u32 $0x7FFFFFFF, v46  }
0x17b: {  	v45 =	vld [tilespmem:$0x8D0];
	vm15 =	vge.f32 v59, v6;
	v26 =	vadd.f32 v28, v26;
	v25 =	vadd.f32 v29, v25  }
0x17c: {  	v41 =	vld [tilespmem:$0x850];
	v27 =	vadd.f32 v39, v27;
	v28 =	vnsel vm8, $0x0, v60;
	v29 =	vnsel vm10, $0x0, v37  }
0x17d: {  	v31 =	vnsel vm13, $0x0, v43;
	vm14 =	vge.f32 v55, v7;
	v60 =	vld [tilespmem:$0xA40];
	v34 =	vnsel vm15, $0x0, v50  }
0x17e: {  	v62 =	vld [tilespmem:$0xAC0];
	v26 =	vadd.f32 v61, v26;
	v27 =	vadd.f32 v33, v27;
	v61 =	vand.u32 $0x7FFFFFFF, v54  }
0x17f: {  	v48 =	vld [tilespmem:$0x1540];
	v58 =	vnsel vm14, $0x0, v46;
	vm5 =	vge.f32 v61, v5;
	v42 =	vand.u32 $0x7FFFFFFF, v57  }
0x180: {  	v46 =	vld [tilespmem:$0xB40];
	v26 =	vadd.f32 v30, v26;
	v27 =	vadd.f32 v44, v27;
	v30 =	vnsel vm11, $0x0, v38  }
0x181: {  	v63 =	vnsel vm5, $0x0, v54;
	vm7 =	vge.f32 v42, v2;
	v50 =	vand.u32 $0x7FFFFFFF, v41  }
0x182: {  	v54 =	vand.u32 $0x7FFFFFFF, v45;
	v44 =	vand.u32 $0x7FFFFFFF, v60;
	vm10 =	vge.f32 v50, v7  }
0x183: {  	v49 =	vld [tilespmem:$0x950];
	vm11 =	vge.f32 v54, v6;
	v26 =	vadd.f32 v28, v26;
	v27 =	vadd.f32 v29, v27  }
0x184: {  	v40 =	vld [tilespmem:$0x8E0];
	v28 =	vmul.f32 $8.000000110e-01, v48;
	v29 =	vnsel vm4, $0x0, v51;
	vm8 =	vge.f32 v44, v3  }
0x185: {  	v48 =	vand.u32 $0x7FFFFFFF, v62;
	v51 =	vld [tilespmem:$0x9D0];
	v53 =	vnsel vm10, $0x0, v41;
	v37 =	vand.u32 $0x7FFFFFFF, v46  }
0x186: {  	v35 =	vnsel vm11, $0x0, v45;
	v41 =	vld [tilespmem:$0xB50];
	v47 =	vnsel vm8, $0x0, v60;
	vm9 =	vge.f32 v48, v1  }
0x187: {  	v43 =	vld [tilespmem:$0x1550];
	vm12 =	vge.f32 v37, v0;
	v26 =	vadd.f32 v30, v26;
	v27 =	vadd.f32 v52, v27  }
0x188: {  	v55 =	vld [tilespmem:$0xA50];
	v28 =	vadd.f32 v58, v28;
	v30 =	vnsel vm6, $0x0, v56;
	v56 =	vand.u32 $0x7FFFFFFF, v49  }
0x189: {  	v60 =	vld [tilespmem:$0x860];
	v32 =	vnsel vm9, $0x0, v62;
	vm13 =	vge.f32 v56, v5;
	v27 =	vadd.f32 v31, v27  }
0x18a: {  	v52 =	vld [tilespmem:$0xBC0];
	v28 =	vadd.f32 v34, v28;
	v31 =	vnsel vm7, $0x0, v57;
	v58 =	vnsel vm13, $0x0, v49  }
0x18b: {  	v49 =	vand.u32 $0x7FFFFFFF, v40;
	v59 =	vand.u32 $0x7FFFFFFF, v51;
	v38 =	vand.u32 $0x7FFFFFFF, v41  }
0x18c: {  	v44 =	vld [tilespmem:$0x960];
	vm7 =	vge.f32 v49, v6;
	v27 =	vadd.f32 v29, v27;
	v28 =	vadd.f32 v63, v28  }
0x18d: {  	v57 =	vld [tilespmem:$0xAD0];
	v29 =	vmul.f32 $8.000000110e-01, v43;
	vm14 =	vge.f32 v59, v4;
	v63 =	vand.u32 $0x7FFFFFFF, v55  }
0x18e: {  	v45 =	vand.u32 $0x7FFFFFFF, v60;
	v36 =	vnsel vm7, $0x0, v40;
	vm8 =	vge.f32 v38, v0  }
0x18f: {  	v50 =	vld [tilespmem:$0xA60];
	v61 =	vand.u32 $0x7FFFFFFF, v52;
	vm4 =	vge.f32 v63, v3;
	v28 =	vadd.f32 v30, v28  }
0x190: {  	v62 =	vld [tilespmem:$0x1560];
	vm6 =	vge.f32 v45, v7;
	v27 =	vadd.f32 v31, v27;
	v29 =	vadd.f32 v53, v29  }
0x191: {  	v30 =	vnsel vm12, $0x0, v46;
	v31 =	vnsel vm14, $0x0, v51;
	vm15 =	vge.f32 v61, v2;
	v46 =	vld [tilespmem:$0x9E0]  }
0x192: {  	v48 =	vnsel vm6, $0x0, v60;
	v51 =	vand.u32 $0x7FFFFFFF, v44;
	v60 =	vld [tilespmem:$0xB60];
	v43 =	vand.u32 $0x7FFFFFFF, v57  }
0x193: {  	v59 =	vld [tilespmem:$0x8F0];
	vm9 =	vge.f32 v51, v5;
	v28 =	vadd.f32 v47, v28;
	v29 =	vadd.f32 v35, v29  }
0x194: {  	v42 =	vnsel vm4, $0x0, v55;
	vm5 =	vge.f32 v43, v1;
	v47 =	vld [tilespmem:$0xBD0];
	v53 =	vnsel vm9, $0x0, v44  }
0x195: {  	v43 =	vld [tilespmem:$0x9F0];
	v33 =	vnsel vm5, $0x0, v57;
	v28 =	vadd.f32 v32, v28;
	v29 =	vadd.f32 v58, v29  }
0x196: {  	v63 =	vld [tilespmem:$0x970];
	v32 =	vnsel vm15, $0x0, v52;
	v58 =	vand.u32 $0x7FFFFFFF, v50;
	v54 =	vand.u32 $0x7FFFFFFF, v46  }
0x197: {  	v55 =	vld [tilespmem:$0x870];
	vm12 =	vge.f32 v58, v3;
	v39 =	vand.u32 $0x7FFFFFFF, v60;
	v28 =	vadd.f32 v30, v28  }
0x198: {  	v52 =	vld [tilespmem:$0xAE0];
	v29 =	vadd.f32 v31, v29;
	v30 =	vmul.f32 $8.000000110e-01, v62;
	v31 =	vnsel vm8, $0x0, v41  }
0x199: {  	vm10 =	vge.f32 v54, v4;
	v61 =	vnsel vm12, $0x0, v50;
	vm4 =	vge.f32 v39, v0  }
0x19a: {  	v56 =	vand.u32 $0x7FFFFFFF, v47;
	v51 =	vand.u32 $0x7FFFFFFF, v43;
	v28 =	vadd.f32 v32, v28  }
0x19b: {  	v29 =	vadd.f32 v42, v29;
	v30 =	vadd.f32 v48, v30;
	v32 =	vnsel vm10, $0x0, v46  }
0x19c: {  	v49 =	vld [tilespmem:$0xAF0];
	vm11 =	vge.f32 v56, v2;
	v42 =	vand.u32 $0x7FFFFFFF, v55;
	v46 =	vand.u32 $0x7FFFFFFF, v59  }
0x19d: {  	v44 =	vld [tilespmem:$0xBE0];
	v48 =	vand.u32 $0x7FFFFFFF, v63;
	vm6 =	vge.f32 v51, v4;
	v62 =	vand.u32 $0x7FFFFFFF, v52  }
0x19e: {  	v57 =	vld [tilespmem:$0x1570];
	vm14 =	vge.f32 v42, v7;
	vm15 =	vge.f32 v46, v6;
	vm5 =	vge.f32 v48, v5  }
0x19f: {  	v29 =	vadd.f32 v33, v29;
	v30 =	vadd.f32 v36, v30;
	v33 =	vnsel vm11, $0x0, v47  }
0x1a0: {  	v56 =	vld [tilespmem:$0xC80];
	vm13 =	vge.f32 v62, v1;
	v45 =	vnsel vm14, $0x0, v55;
	v37 =	vnsel vm15, $0x0, v59  }
0x1a1: {  	v47 =	vld [tilespmem:$0xA70];
	v50 =	vnsel vm5, $0x0, v63;
	v59 =	vand.u32 $0x7FFFFFFF, v49;
	v34 =	vnsel vm13, $0x0, v52  }
0x1a2: {  	vm9 =	vge.f32 v59, v1;
	v29 =	vadd.f32 v31, v29;
	v30 =	vadd.f32 v53, v30  }
0x1a3: {  	v52 =	vld [tilespmem:$0xC00];
	v31 =	vmul.f32 $8.000000110e-01, v57;
	v53 =	vand.u32 $0x7FFFFFFF, v44;
	v35 =	vnsel vm9, $0x0, v49  }
0x1a4: {  	v57 =	vld [tilespmem:$0xB70];
	vm7 =	vge.f32 v53, v2;
	v30 =	vadd.f32 v32, v30;
	v29 =	vadd.f32 v33, v29  }
0x1a5: {  	v62 =	vld [tilespmem:$0xD80];
	v31 =	vadd.f32 v45, v31;
	v32 =	vnsel vm4, $0x0, v60;
	v45 =	vand.u32 $0x7FFFFFFF, v56  }
0x1a6: {  	v63 =	vld [tilespmem:$0xBF0];
	v33 =	vnsel vm6, $0x0, v43;
	v55 =	vand.u32 $0x7FFFFFFF, v47;
	vm11 =	vge.f32 v45, v6  }
0x1a7: {  	v60 =	vld [tilespmem:$0xD00];
	v30 =	vadd.f32 v61, v30;
	v31 =	vadd.f32 v37, v31;
	vm8 =	vge.f32 v55, v3  }
0x1a8: {  	v54 =	vld [tilespmem:$0x1580];
	v61 =	vand.u32 $0x7FFFFFFF, v52;
	v38 =	vnsel vm11, $0x0, v56;
	v58 =	vnsel vm8, $0x0, v47  }
0x1a9: {  	v46 =	vld [tilespmem:$0xE00];
	vm10 =	vge.f32 v61, v7;
	v40 =	vand.u32 $0x7FFFFFFF, v57;
	v30 =	vadd.f32 v34, v30  }
0x1aa: {  	v51 =	vld [tilespmem:$0xC10];
	v31 =	vadd.f32 v50, v31;
	v34 =	vnsel vm7, $0x0, v44;
	v44 =	vnsel vm10, $0x0, v52  }
0x1ab: {  	v56 =	vld [tilespmem:$0xF00];
	vm12 =	vge.f32 v40, v0;
	v50 =	vand.u32 $0x7FFFFFFF, v62;
	v52 =	vand.u32 $0x7FFFFFFF, v63  }
0x1ac: {  	v48 =	vld [tilespmem:$0xE80];
	v47 =	vand.u32 $0x7FFFFFFF, v60;
	vm14 =	vge.f32 v50, v4;
	vm15 =	vge.f32 v52, v2  }
0x1ad: {  	v55 =	vld [tilespmem:$0xC90];
	v30 =	vadd.f32 v32, v30;
	v31 =	vadd.f32 v33, v31;
	v32 =	vmul.f32 $8.000000110e-01, v54  }
0x1ae: {  	v59 =	vld [tilespmem:$0xD10];
	v33 =	vnsel vm12, $0x0, v57;
	vm13 =	vge.f32 v47, v5;
	v54 =	vand.u32 $0x7FFFFFFF, v46  }
0x1af: {  	v49 =	vnsel vm13, $0x0, v60;
	vm4 =	vge.f32 v54, v3;
	v60 =	vand.u32 $0x7FFFFFFF, v51  }
0x1b0: {  	v53 =	vld [tilespmem:$0x1590];
	v41 =	vand.u32 $0x7FFFFFFF, v56;
	v30 =	vadd.f32 v34, v30;
	v31 =	vadd.f32 v58, v31  }
0x1b1: {  	v50 =	vld [tilespmem:$0xC20];
	v32 =	vadd.f32 v44, v32;
	v34 =	vnsel vm14, $0x0, v62;
	v57 =	vnsel vm4, $0x0, v46  }
0x1b2: {  	v45 =	vld [tilespmem:$0xE10];
	v58 =	vand.u32 $0x7FFFFFFF, v48;
	vm6 =	vge.f32 v60, v7;
	v44 =	vand.u32 $0x7FFFFFFF, v55  }
0x1b3: {  	v61 =	vld [tilespmem:$0xD90];
	vm8 =	vge.f32 v41, v0;
	v46 =	vand.u32 $0x7FFFFFFF, v59;
	vm5 =	vge.f32 v58, v1  }
0x1b4: {  	v62 =	vld [tilespmem:$0xF80];
	vm7 =	vge.f32 v44, v6;
	vm9 =	vge.f32 v46, v5;
	v31 =	vadd.f32 v35, v31  }
0x1b5: {  	v60 =	vld [tilespmem:$0xDA0];
	v32 =	vadd.f32 v38, v32;
	v35 =	vnsel vm15, $0x0, v63;
	v36 =	vnsel vm5, $0x0, v48  }
0x1b6: {  	v63 =	vnsel vm6, $0x0, v51;
	v48 =	vnsel vm9, $0x0, v59;
	v59 =	vand.u32 $0x7FFFFFFF, v50  }
0x1b7: {  	v54 =	vld [tilespmem:$0xCA0];
	v39 =	vnsel vm7, $0x0, v55;
	vm14 =	vge.f32 v59, v7;
	v31 =	vadd.f32 v33, v31  }
0x1b8: {  	v58 =	vld [tilespmem:$0xD20];
	v32 =	vadd.f32 v49, v32;
	v33 =	vmul.f32 $8.000000110e-01, v53;
	v49 =	vand.u32 $0x7FFFFFFF, v61  }
0x1b9: {  	v55 =	vld [tilespmem:$0xF10];
	v53 =	vand.u32 $0x7FFFFFFF, v45;
	v51 =	vand.u32 $0x7FFFFFFF, v62;
	vm10 =	vge.f32 v49, v4  }
0x1ba: {  	v47 =	vld [tilespmem:$0xE90];
	vm12 =	vge.f32 v53, v3;
	v49 =	vand.u32 $0x7FFFFFFF, v60;
	v32 =	vadd.f32 v34, v32  }
0x1bb: {  	v31 =	vadd.f32 v35, v31;
	v33 =	vadd.f32 v63, v33;
	v34 =	vnsel vm8, $0x0, v56  }
0x1bc: {  	v35 =	vnsel vm10, $0x0, v61;
	vm11 =	vge.f32 v51, v2;
	v56 =	vnsel vm12, $0x0, v45  }
0x1bd: {  	v61 =	vld [tilespmem:$0xF90];
	v63 =	vand.u32 $0x7FFFFFFF, v54;
	v46 =	vand.u32 $0x7FFFFFFF, v58;
	vm6 =	vge.f32 v49, v4  }
0x1be: {  	v45 =	vld [tilespmem:$0xE20];
	v42 =	vand.u32 $0x7FFFFFFF, v55;
	vm15 =	vge.f32 v63, v6;
	vm5 =	vge.f32 v46, v5  }
0x1bf: {  	v52 =	vld [tilespmem:$0x15A0];
	v32 =	vadd.f32 v57, v32;
	v33 =	vadd.f32 v39, v33;
	v57 =	vand.u32 $0x7FFFFFFF, v47  }
0x1c0: {  	v40 =	vnsel vm15, $0x0, v54;
	vm4 =	vge.f32 v42, v0;
	vm13 =	vge.f32 v57, v1  }
0x1c1: {  	v54 =	vld [tilespmem:$0xCB0];
	v32 =	vadd.f32 v36, v32;
	v33 =	vadd.f32 v48, v33;
	v36 =	vnsel vm11, $0x0, v62  }
0x1c2: {  	v37 =	vnsel vm13, $0x0, v47;
	v62 =	vnsel vm14, $0x0, v50;
	v47 =	vld [tilespmem:$0xEA0];
	v48 =	vnsel vm5, $0x0, v58  }
0x1c3: {  	v50 =	vld [tilespmem:$0xC30];
	v51 =	vand.u32 $0x7FFFFFFF, v61;
	v53 =	vand.u32 $0x7FFFFFFF, v45;
	v32 =	vadd.f32 v34, v32  }
0x1c4: {  	v58 =	vld [tilespmem:$0xD30];
	v33 =	vadd.f32 v35, v33;
	v34 =	vmul.f32 $8.000000110e-01, v52;
	v35 =	vnsel vm4, $0x0, v55  }
0x1c5: {  	vm7 =	vge.f32 v51, v2;
	vm8 =	vge.f32 v53, v3;
	v32 =	vadd.f32 v36, v32  }
0x1c6: {  	v52 =	vld [tilespmem:$0x15B0];
	v63 =	vand.u32 $0x7FFFFFFF, v54;
	v33 =	vadd.f32 v56, v33;
	v34 =	vadd.f32 v62, v34  }
0x1c7: {  	v55 =	vld [tilespmem:$0xF20];
	v36 =	vnsel vm6, $0x0, v60;
	v56 =	vnsel vm8, $0x0, v45;
	vm11 =	vge.f32 v63, v6  }
0x1c8: {  	v60 =	vld [tilespmem:$0xDB0];
	v57 =	vand.u32 $0x7FFFFFFF, v47;
	v59 =	vand.u32 $0x7FFFFFFF, v50;
	v41 =	vnsel vm11, $0x0, v54  }
0x1c9: {  	v45 =	vld [tilespmem:$0xE30];
	v46 =	vand.u32 $0x7FFFFFFF, v58;
	v33 =	vadd.f32 v37, v33;
	v34 =	vadd.f32 v40, v34  }
0x1ca: {  	v37 =	vnsel vm7, $0x0, v61;
	vm9 =	vge.f32 v57, v1;
	vm10 =	vge.f32 v59, v7  }
0x1cb: {  	v54 =	vld [tilespmem:$0xCC0];
	vm13 =	vge.f32 v46, v5;
	v38 =	vnsel vm9, $0x0, v47;
	v62 =	vnsel vm10, $0x0, v50  }
0x1cc: {  	v61 =	vld [tilespmem:$0xFA0];
	v43 =	vand.u32 $0x7FFFFFFF, v55;
	v33 =	vadd.f32 v35, v33;
	v34 =	vadd.f32 v48, v34  }
0x1cd: {  	v47 =	vld [tilespmem:$0xEB0];
	v35 =	vmul.f32 $8.000000110e-01, v52;
	vm12 =	vge.f32 v43, v0;
	v48 =	vnsel vm13, $0x0, v58  }
0x1ce: {  	v50 =	vld [tilespmem:$0xC40];
	v49 =	vand.u32 $0x7FFFFFFF, v60;
	v53 =	vand.u32 $0x7FFFFFFF, v45;
	v34 =	vadd.f32 v36, v34  }
0x1cf: {  	v33 =	vadd.f32 v37, v33;
	v35 =	vadd.f32 v62, v35;
	v36 =	vnsel vm12, $0x0, v55  }
0x1d0: {  	v58 =	vld [tilespmem:$0xD40];
	vm14 =	vge.f32 v49, v4;
	vm4 =	vge.f32 v53, v3;
	v63 =	vand.u32 $0x7FFFFFFF, v54  }
0x1d1: {  	v52 =	vld [tilespmem:$0x15C0];
	v51 =	vand.u32 $0x7FFFFFFF, v61;
	v37 =	vnsel vm14, $0x0, v60;
	vm7 =	vge.f32 v63, v6  }
0x1d2: {  	v55 =	vld [tilespmem:$0xF30];
	v34 =	vadd.f32 v56, v34;
	v35 =	vadd.f32 v41, v35;
	vm15 =	vge.f32 v51, v2  }
0x1d3: {  	v53 =	vld [tilespmem:$0xF40];
	v56 =	vnsel vm4, $0x0, v45;
	v57 =	vand.u32 $0x7FFFFFFF, v47;
	v59 =	vand.u32 $0x7FFFFFFF, v50  }
0x1d4: {  	v60 =	vld [tilespmem:$0xDC0];
	v42 =	vnsel vm7, $0x0, v54;
	vm5 =	vge.f32 v57, v1;
	vm6 =	vge.f32 v59, v7  }
0x1d5: {  	v49 =	vand.u32 $0x7FFFFFFF, v58;
	v57 =	vld [tilespmem:$0xC50];
	v34 =	vadd.f32 v38, v34;
	v35 =	vadd.f32 v48, v35  }
0x1d6: {  	v38 =	vnsel vm15, $0x0, v61;
	v39 =	vnsel vm5, $0x0, v47;
	v61 =	vld [tilespmem:$0xFB0];
	vm9 =	vge.f32 v49, v5  }
0x1d7: {  	v62 =	vnsel vm6, $0x0, v50;
	v48 =	vld [tilespmem:$0xE40];
	v44 =	vand.u32 $0x7FFFFFFF, v55;
	v51 =	vnsel vm9, $0x0, v58  }
0x1d8: {  	v50 =	vld [tilespmem:$0xEC0];
	v34 =	vadd.f32 v36, v34;
	v35 =	vadd.f32 v37, v35;
	vm8 =	vge.f32 v44, v0  }
0x1d9: {  	v36 =	vmul.f32 $8.000000110e-01, v52;
	v52 =	vand.u32 $0x7FFFFFFF, v60;
	v37 =	vnsel vm8, $0x0, v55  }
0x1da: {  	vm10 =	vge.f32 v52, v4;
	v34 =	vadd.f32 v38, v34;
	v35 =	vadd.f32 v56, v35  }
0x1db: {  	v63 =	vld [tilespmem:$0xD50];
	v36 =	vadd.f32 v62, v36;
	v38 =	vnsel vm10, $0x0, v60;
	v62 =	vand.u32 $0x7FFFFFFF, v53  }
0x1dc: {  	v45 =	vld [tilespmem:$0xDD0];
	v46 =	vand.u32 $0x7FFFFFFF, v57;
	v54 =	vand.u32 $0x7FFFFFFF, v61;
	v56 =	vand.u32 $0x7FFFFFFF, v48  }
0x1dd: {  	v55 =	vld [tilespmem:$0xFC0];
	v60 =	vand.u32 $0x7FFFFFFF, v50;
	vm14 =	vge.f32 v62, v0;
	vm4 =	vge.f32 v46, v7  }
0x1de: {  	v58 =	vld [tilespmem:$0x15D0];
	v35 =	vadd.f32 v39, v35;
	v36 =	vadd.f32 v42, v36;
	vm11 =	vge.f32 v54, v2  }
0x1df: {  	v52 =	vld [tilespmem:$0xED0];
	vm12 =	vge.f32 v56, v3;
	vm13 =	vge.f32 v60, v1;
	v43 =	vnsel vm14, $0x0, v53  }
0x1e0: {  	v47 =	vld [tilespmem:$0xE50];
	v53 =	vnsel vm4, $0x0, v57;
	v56 =	vand.u32 $0x7FFFFFFF, v63;
	v39 =	vnsel vm11, $0x0, v61  }
0x1e1: {  	v49 =	vld [tilespmem:$0xCE0];
	v59 =	vnsel vm12, $0x0, v48;
	v42 =	vnsel vm13, $0x0, v50;
	vm6 =	vge.f32 v56, v5  }
0x1e2: {  	v61 =	vld [tilespmem:$0xCD0];
	v35 =	vadd.f32 v37, v35;
	v36 =	vadd.f32 v51, v36;
	v50 =	vand.u32 $0x7FFFFFFF, v55  }
0x1e3: {  	v57 =	vld [tilespmem:$0xFD0];
	v51 =	vmul.f32 $8.000000110e-01, v58;
	v58 =	vand.u32 $0x7FFFFFFF, v45;
	v40 =	vnsel vm6, $0x0, v63  }
0x1e4: {  	v48 =	vld [tilespmem:$0xC60];
	v60 =	vand.u32 $0x7FFFFFFF, v52;
	vm15 =	vge.f32 v50, v2;
	vm7 =	vge.f32 v58, v4  }
0x1e5: {  	[tilespmem:$0x1600] =	vst v8;
	v56 =	vld [tilespmem:$0x15E0];
	vm9 =	vge.f32 v60, v1;
	v36 =	vadd.f32 v38, v36;
	v35 =	vadd.f32 v39, v35  }
0x1e6: {  	[tilespmem:$0x1620] =	vst v10;
	v63 =	vld [tilespmem:$0xDE0];
	v37 =	vadd.f32 v53, v51;
	v8 =	vnsel vm7, $0x0, v45;
	v10 =	vnsel vm9, $0x0, v52  }
0x1e7: {  	v39 =	vadd.f32 v59, v36;
	v36 =	vnsel vm15, $0x0, v55;
	v54 =	vand.u32 $0x7FFFFFFF, v61;
	v55 =	vld [tilespmem:$0xF50]  }
0x1e8: {  	v51 =	vand.u32 $0x7FFFFFFF, v57;
	v59 =	vand.u32 $0x7FFFFFFF, v47;
	vm5 =	vge.f32 v54, v6  }
0x1e9: {  	[tilespmem:$0x1640] =	vst v12;
	vm11 =	vge.f32 v51, v2;
	v52 =	vand.u32 $0x7FFFFFFF, v48;
	v41 =	vnsel vm5, $0x0, v61;
	v61 =	vld [tilespmem:$0xD60]  }
0x1ea: {  	[tilespmem:$0x1650] =	vst v13;
	v53 =	vld [tilespmem:$0xEE0];
	v13 =	vmul.f32 $8.000000110e-01, v56;
	vm8 =	vge.f32 v59, v3;
	v12 =	vnsel vm11, $0x0, v57  }
0x1eb: {  	[tilespmem:$0x1610] =	vst v9;
	vm12 =	vge.f32 v52, v7;
	v54 =	vand.u32 $0x7FFFFFFF, v49;
	v58 =	vand.u32 $0x7FFFFFFF, v63;
	v59 =	vld [tilespmem:$0xC70]  }
0x1ec: {  	[tilespmem:$0x1630] =	vst v11;
	v39 =	vadd.f32 v42, v39;
	v9 =	vnsel vm8, $0x0, v47;
	v42 =	vld [tilespmem:$0xE60];
	v62 =	vand.u32 $0x7FFFFFFF, v55  }
0x1ed: {  	[tilespmem:$0x1660] =	vst v14;
	v48 =	vnsel vm12, $0x0, v48;
	vm13 =	vge.f32 v54, v6;
	v54 =	vld [tilespmem:$0xDF0];
	vm10 =	vge.f32 v62, v0  }
0x1ee: {  	[tilespmem:$0x1670] =	vst v15;
	vm15 =	vge.f32 v58, v4;
	v11 =	vnsel vm10, $0x0, v55;
	v55 =	vld [tilespmem:$0xF60];
	v57 =	vand.u32 $0x7FFFFFFF, v61  }
0x1ef: {  	[tilespmem:$0x1680] =	vst v16;
	v14 =	vnsel vm13, $0x0, v49;
	v16 =	vnsel vm15, $0x0, v63;
	v63 =	vld [tilespmem:$0xCF0];
	vm14 =	vge.f32 v57, v5  }
0x1f0: {  	[tilespmem:$0x16B0] =	vst v19;
	v13 =	vadd.f32 v48, v13;
	v19 =	vadd.f32 v43, v39;
	v15 =	vnsel vm14, $0x0, v61;
	v61 =	vld [tilespmem:$0x15F0]  }
0x1f1: {  	v62 =	vand.u32 $0x7FFFFFFF, v53;
	v52 =	vand.u32 $0x7FFFFFFF, v59;
	v60 =	vand.u32 $0x7FFFFFFF, v42  }
0x1f2: {  	[tilespmem:$0x1690] =	vst v17;
	vm5 =	vge.f32 v62, v1;
	vm7 =	vge.f32 v52, v7;
	v43 =	vand.u32 $0x7FFFFFFF, v54  }
0x1f3: {  	[tilespmem:$0x16A0] =	vst v18;
	v51 =	vld [tilespmem:$0xD70];
	vm4 =	vge.f32 v60, v3;
	v18 =	vnsel vm5, $0x0, v53;
	v50 =	vand.u32 $0x7FFFFFFF, v55  }
0x1f4: {  	[tilespmem:$0x16C0] =	vst v20;
	v53 =	vadd.f32 v41, v37;
	v56 =	vnsel vm7, $0x0, v59;
	vm6 =	vge.f32 v50, v0  }
0x1f5: {  	[tilespmem:$0x16D0] =	vst v21;
	v57 =	vand.u32 $0x7FFFFFFF, v63;
	v39 =	vnsel vm6, $0x0, v55;
	v55 =	vmul.f32 $8.000000110e-01, v61  }
0x1f6: {  	[tilespmem:$0x16E0] =	vst v22;
	v46 =	vld [tilespmem:$0xF70];
	v59 =	vadd.f32 v14, v13;
	vm10 =	vge.f32 v43, v4;
	v17 =	vnsel vm4, $0x0, v42  }
0x1f7: {  	[tilespmem:$0x16F0] =	vst v23;
	v60 =	vld [tilespmem:$0xE70];
	vm8 =	vge.f32 v57, v6;
	v47 =	vnsel vm10, $0x0, v54;
	v61 =	vadd.f32 v56, v55  }
0x1f8: {  	[tilespmem:$0x1700] =	vst v24;
	v58 =	vadd.f32 v40, v53;
	v62 =	vnsel vm8, $0x0, v63;
	v63 =	vand.u32 $0x7FFFFFFF, v51  }
0x1f9: {  	[tilespmem:$0x1710] =	vst v25;
	v37 =	vadd.f32 v15, v59;
	v40 =	vld [tilespmem:$0xEF0];
	vm9 =	vge.f32 v63, v5;
	v41 =	vadd.f32 v62, v61  }
0x1fa: {  	[tilespmem:$0x1720] =	vst v26;
	v59 =	vadd.f32 v36, v19;
	v24 =	vadd.f32 v8, v58;
	v42 =	vnsel vm9, $0x0, v51  }
0x1fb: {  	[tilespmem:$0x1730] =	vst v27;
	v45 =	vadd.f32 v16, v37;
	v51 =	vld [tilespmem:$0xFE0];
	v58 =	vand.u32 $0x7FFFFFFF, v46;
	v8 =	vadd.f32 v42, v41  }
0x1fc: {  	[tilespmem:$0x1740] =	vst v28;
	v48 =	vand.u32 $0x7FFFFFFF, v60;
	vm13 =	vge.f32 v58, v0;
	v44 =	vadd.f32 v9, v24  }
0x1fd: {  	[tilespmem:$0x1750] =	vst v29;
	v54 =	vld [tilespmem:$0xFF0];
	vm11 =	vge.f32 v48, v3;
	v50 =	vadd.f32 v17, v45;
	v8 =	vadd.f32 v47, v8  }
0x1fe: {  	[tilespmem:$0x1760] =	vst v30;
	v6 =	vnsel vm13, $0x0, v46;
	v52 =	vnsel vm11, $0x0, v60;
	v53 =	vand.u32 $0x7FFFFFFF, v40  }
0x1ff: {  	[tilespmem:$0x1770] =	vst v31;
	v49 =	vadd.f32 v10, v44;
	vm12 =	vge.f32 v53, v1;
	v57 =	vadd.f32 v52, v8  }
0x200: {  	[tilespmem:$0x1780] =	vst v32;
	v56 =	vadd.f32 v18, v50;
	v7 =	vnsel vm12, $0x0, v40;
	v60 =	vand.u32 $0x7FFFFFFF, v51  }
0x201: {  	[tilespmem:$0x1790] =	vst v33;
	v55 =	vadd.f32 v11, v49;
	vm14 =	vge.f32 v60, v2;
	v4 =	vadd.f32 v7, v57  }
0x202: {  	[tilespmem:$0x17A0] =	vst v34;
	v3 =	vadd.f32 v39, v56;
	v61 =	vand.u32 $0x7FFFFFFF, v54;
	v5 =	vnsel vm14, $0x0, v51  }
0x203: {  	[tilespmem:$0x17B0] =	vst v35;
	vm15 =	vge.f32 v61, v2;
	v1 =	vadd.f32 v12, v55;
	v4 =	vadd.f32 v6, v4  }
0x204: {  	[tilespmem:$0x17C0] =	vst v59;
	v62 =	vadd.f32 v5, v3;
	v2 =	vnsel vm15, $0x0, v54  }
0x205: {  	[tilespmem:$0x17D0] =	vst v1;
	v63 =	vadd.f32 v2, v4  }
0x206: {  	p0 =	sne.s32 s10, $0x1;
	[tilespmem:$0x17E0] =	vst v62  }
.Ltmp0:
0x207: {  	s31 =	rddreg [dreg:$0x6];
	[tilespmem:$0x17F0] =	vst v63;
	(pc) =	sbr.rel @p0 .LBB2_1-.Ltmp0, $4  }
0x208: {  	[hbm4b:s31+s2] =	stream.linear.scatter [tilespmem:s15], [sflag:$0x1], $0x200, $0x38;
	[tilespmem:$0x1800] =	vst v63  }
0x209: {  	_ =	swait.ge [sflag:s11], $0x200  }
0x20a: {  	[sflag:s11] =	ssyncset.done $0x0  }
0x20b: {  	s10 =	sadd.s32 $0xFFFFFFFF, s10;
	[sflag:s11] =	ssyncadd.s32 $0xFFFFFE00  }
0x20c: {  	_ =	sfence.sel $0x180000  }
0x20d: {  	[bflag:$0x0] =	sbarrier.arrive $0xFFFF  }
0x20e: {  	p0 =	sne.s32 s1, $0x0;
	_ =	strace $0x90000047  }
0x20f: {  	s0 =	sadd.s32 @!p0 $0x100000, s0;
	[bflag:$0x2] =	sbarrier.arrive $0xFFFF  }
0x210: {  	[sflag:s0] =	ssyncadd.tile.s32 @!p0 $0x1;
	_ =	shalt  }
.Lfunc_end2:
_tile_overlayer_lowered:
.L_overlay_start_2:
0x211: {  	(tag) =	ssettag $0x2  }
0x212: {  	s0 =	rddreg [dreg:$0x0];
	s2 =	stileid.u32  }
0x213: {  	s1 =	rddreg [dreg:$0x1];
	p0 =	sne.s32 s2, $0x0  }
0x214: {  	s3 =	rddreg [dreg:$0x2];
	[bflag:$0x3] =	sbarrier.arrive $0xFFFF;
	s2 =	simm.s32 @!p0 $0x1C01  }
0x215: {  	[timem:s3], [sflag:s2] =	dma.local @!p0 [hbm:s0], s1  }
0x216: {  	s0 =	simm.s32 @!p0 $0x1  }
0x217: {  	_ =	swait.ge @!p0 [sflag:s0], s1  }
0x218: {  	s1 =	ssub.s32 @!p0 $0x0, s1;
	[sflag:s0] =	ssyncset.done @!p0 $0x0  }
0x219: {  	[sflag:s0] =	ssyncadd.s32 @!p0 s1  }
0x21a: {  	[bflag:$0x3] =	sbarrier.arrive $0xFFFF  }
0x21b: {  	_ =	shalt  }

</sc_bundles>
